<compile_context>
chip_gen: v7x
topology: tpu7x:2x2x1
jax: 0.10.2.dev20260603
libtpu: 0.0.44.dev20260713+nightly
codegen_flags: <defaults>
</compile_context>

<pallas_src>
import functools

import jax
import jax.numpy as jnp
from jax import lax
from jax.experimental import pallas as pl
from jax.experimental.pallas import tpu as pltpu
from jax.experimental.pallas import tpu_sc as plsc

NC, NS, LANES = 2, 16, 16
NW = NC * NS
CHUNK = 128
ACHUNK = 64
NBUF = 4
KC = 80


def _sc_mesh():
    return plsc.VectorSubcoreMesh(core_axis_name="c", subcore_axis_name="s")


def _dedup_body(n_nodes, n_edges, ep, src_hbm, dst_hbm, packed_hbm, deg_hbm,
                table_hbm, src_v, dst_v, key_v, pk_v, eid_v, w_v, dsteff_v,
                ones_v, zdeg_v, deg_sh, sem):
    cid = lax.axis_index("c")
    sid = lax.axis_index("s")
    nchunks_t = ep // CHUNK // NS
    rows_t = 640
    nn = n_nodes * n_nodes

    @pl.when(cid == 0)
    def _zero():
        def zd(g, _):
            zdeg_v[pl.ds(g * LANES, LANES)] = jnp.zeros((LANES,), jnp.float32)
            return _
        lax.fori_loop(0, rows_t // LANES, zd, 0)
        for u in range(CHUNK // LANES):
            ones_v[pl.ds(u * LANES, LANES)] = jnp.ones((LANES,), jnp.float32)
        pltpu.sync_copy(zdeg_v, deg_sh.at[pl.ds(sid * rows_t, rows_t)])

    plsc.subcore_barrier()

    @pl.when(cid == 0)
    def _phase1():
        base_c = sid * nchunks_t
        pltpu.sync_copy(src_hbm.at[pl.ds(base_c, nchunks_t)], src_v)
        pltpu.sync_copy(dst_hbm.at[pl.ds(base_c, nchunks_t)], dst_v)

        def chunk1(j, _):
            ebase = (base_c + j) * CHUNK
            for u in range(CHUNK // LANES):
                s16 = src_v[j, pl.ds(u * LANES, LANES)]
                d16 = dst_v[j, pl.ds(u * LANES, LANES)]
                e16 = ebase + u * LANES + lax.iota(jnp.int32, LANES)
                real = e16 < n_edges
                key = jnp.where(real, s16 * n_nodes + d16, nn + (e16 - n_edges))
                key_v[j, pl.ds(u * LANES, LANES)] = key
                eid_v[j, pl.ds(u * LANES, LANES)] = e16
            pltpu.async_copy(eid_v.at[j], table_hbm.at[key_v.at[j]], sem)
            return _
        lax.fori_loop(0, nchunks_t, chunk1, 0)

        def drain1(j, _):
            pltpu.make_async_copy(eid_v.at[j], table_hbm.at[key_v.at[j]],
                                  sem).wait()
            return _
        lax.fori_loop(0, nchunks_t, drain1, 0)

    plsc.subcore_barrier()

    @pl.when(cid == 0)
    def _phase2():
        base_c = sid * nchunks_t

        def fire2(j, _):
            pltpu.async_copy(table_hbm.at[key_v.at[j]], w_v.at[j], sem)
            return _
        lax.fori_loop(0, nchunks_t, fire2, 0)

        def drain2(j, _):
            pltpu.make_async_copy(table_hbm.at[key_v.at[j]], w_v.at[j],
                                  sem).wait()
            return _
        lax.fori_loop(0, nchunks_t, drain2, 0)

        def chunk2(j, _):
            ebase = (base_c + j) * CHUNK
            for u in range(CHUNK // LANES):
                s16 = src_v[j, pl.ds(u * LANES, LANES)]
                d16 = dst_v[j, pl.ds(u * LANES, LANES)]
                w16 = w_v[j, pl.ds(u * LANES, LANES)]
                e16 = ebase + u * LANES + lax.iota(jnp.int32, LANES)
                keep = (w16 == e16) & (e16 < n_edges)
                de16 = jnp.where(keep, d16, n_nodes)
                dsteff_v[j, pl.ds(u * LANES, LANES)] = de16
                pk_v[j, pl.ds(u * LANES, LANES)] = s16 * 16384 + de16
            pltpu.async_copy(ones_v, deg_sh.at[dsteff_v.at[j]], sem, add=True)
            return _
        lax.fori_loop(0, nchunks_t, chunk2, 0)

        def drain3(j, _):
            pltpu.make_async_copy(ones_v, deg_sh.at[dsteff_v.at[j]],
                                  sem).wait()
            return _
        lax.fori_loop(0, nchunks_t, drain3, 0)
        pltpu.sync_copy(pk_v, packed_hbm.at[pl.ds(base_c, nchunks_t)])

    plsc.subcore_barrier()

    @pl.when(cid == 0)
    def _wdeg():
        pltpu.sync_copy(deg_sh.at[pl.ds(sid * rows_t, rows_t)],
                        deg_hbm.at[pl.ds(sid * rows_t, rows_t)])


def _make_dedup(n_nodes, n_edges, ep):
    nchunks = ep // CHUNK
    nchunks_t = nchunks // NS
    tbl = n_nodes * n_nodes + (ep - n_edges)
    return pl.kernel(
        functools.partial(_dedup_body, n_nodes, n_edges, ep),
        out_type=(
            jax.ShapeDtypeStruct((nchunks, CHUNK), jnp.int32),
            jax.ShapeDtypeStruct((640 * NS,), jnp.float32),
        ),
        mesh=_sc_mesh(),
        scratch_types=[
            pltpu.HBM((tbl,), jnp.int32),
            pltpu.VMEM((nchunks_t, CHUNK), jnp.int32),
            pltpu.VMEM((nchunks_t, CHUNK), jnp.int32),
            pltpu.VMEM((nchunks_t, CHUNK), jnp.int32),
            pltpu.VMEM((nchunks_t, CHUNK), jnp.int32),
            pltpu.VMEM((nchunks_t, CHUNK), jnp.int32),
            pltpu.VMEM((nchunks_t, CHUNK), jnp.int32),
            pltpu.VMEM((nchunks_t, CHUNK), jnp.int32),
            pltpu.VMEM((CHUNK,), jnp.float32),
            pltpu.VMEM((640,), jnp.float32),
            pltpu.VMEM_SHARED((640 * NS,), jnp.float32),
            pltpu.SemaphoreType.DMA,
        ],
    )


def _agg_body(n_nodes, d, ep, h_hbm, pk_hbm, part_hbm,
              pk_v, i0, i1, i2, i3, o0, o1, o2, o3, r0, r1, r2, r3,
              acc_sh, s0, s1, s2, s3):
    rows = (r0, r1, r2, r3)
    srcb = (i0, i1, i2, i3)
    dstb = (o0, o1, o2, o3)
    gsems = (s0, s1, s2, s3)
    zrow_v = r0
    cid = lax.axis_index("c")
    sid = lax.axis_index("s")
    rows_t = 640

    def zb(r, _):
        for u in range(d // LANES):
            zrow_v[r, pl.ds(u * LANES, LANES)] = jnp.zeros((LANES,),
                                                           jnp.float32)
        return _
    lax.fori_loop(0, ACHUNK, zb, 0)

    for k in range(rows_t // ACHUNK):
        pltpu.sync_copy(
            zrow_v, acc_sh.at[pl.ds(sid * rows_t + k * ACHUNK, ACHUNK)])

    plsc.subcore_barrier()

    pltpu.sync_copy(
        pk_hbm.at[pl.ds((cid * NS + sid) * (KC // 2), KC // 2)], pk_v)

    def unpack(jj, b):
        r, half = jj // 2, (jj % 2) * ACHUNK
        for u in range(ACHUNK // LANES):
            p16 = pk_v[r, pl.ds(half + u * LANES, LANES)]
            srcb[b][pl.ds(u * LANES, LANES)] = lax.shift_right_logical(
                p16, 14)
            dstb[b][pl.ds(u * LANES, LANES)] = p16 & 16383
        pltpu.async_copy(h_hbm.at[srcb[b]], rows[b], gsems[b])

    for b in range(NBUF):
        unpack(b, b)

    def chunk(j, _):
        for b in range(NBUF):
            jj = j * NBUF + b
            pltpu.make_async_copy(h_hbm.at[srcb[b]], rows[b],
                                  gsems[b]).wait()
            pltpu.sync_copy(rows[b], acc_sh.at[dstb[b]], add=True)
            unpack(jj + NBUF, b)
        return _
    lax.fori_loop(0, KC // NBUF - 1, chunk, 0)
    for b in range(NBUF):
        pltpu.make_async_copy(h_hbm.at[srcb[b]], rows[b],
                              gsems[b]).wait()
        pltpu.sync_copy(rows[b], acc_sh.at[dstb[b]], add=True)

    plsc.subcore_barrier()
    pltpu.sync_copy(acc_sh.at[pl.ds(sid * rows_t, rows_t)],
                    part_hbm.at[cid].at[pl.ds(sid * rows_t, rows_t)])


def _make_agg(n_nodes, d, ep):
    acc_rows = 640 * NS
    return pl.kernel(
        functools.partial(_agg_body, n_nodes, d, ep),
        out_type=jax.ShapeDtypeStruct((NC, acc_rows, d), jnp.float32),
        mesh=_sc_mesh(),
        scratch_types=[
            pltpu.VMEM((KC // 2, CHUNK), jnp.int32),
        ] + [pltpu.VMEM((ACHUNK,), jnp.int32)] * (2 * NBUF) + [
            pltpu.VMEM((ACHUNK, d), jnp.float32)] * NBUF + [
            pltpu.VMEM_SHARED((acc_rows, d), jnp.float32),
        ] + [pltpu.SemaphoreType.DMA] * NBUF,
    )


def _h0_body(x_ref, u_ref, b_ref, o_ref):
    o_ref[...] = jnp.dot(x_ref[...], u_ref[...],
                         preferred_element_type=jnp.float32) + b_ref[...]


def _layer_body(p_ref, u_ref, deg_ref, o_ref):
    agg = p_ref[0] + p_ref[1]
    z = lax.dot_general(agg, u_ref[...], (((1,), (1,)), ((), ())),
                        preferred_element_type=jnp.float32)
    o_ref[...] = jnp.maximum(z, 0.0) / deg_ref[...]


def _h0_call(x, u0, b0, blk):
    n, d = x.shape
    return pl.pallas_call(
        _h0_body,
        grid=(n // blk,),
        in_specs=[
            pl.BlockSpec((blk, d), lambda i: (i, 0)),
            pl.BlockSpec((d, d), lambda i: (0, 0)),
            pl.BlockSpec((1, d), lambda i: (0, 0)),
        ],
        out_specs=pl.BlockSpec((blk, d), lambda i: (i, 0)),
        out_shape=jax.ShapeDtypeStruct((n, d), jnp.float32),
    )(x, u0, b0.reshape(1, d))


def _layer_call(part, u, deg2d, n, blk):
    d = part.shape[2]
    return pl.pallas_call(
        _layer_body,
        grid=(n // blk,),
        in_specs=[
            pl.BlockSpec((NC, blk, d), lambda i: (0, i, 0)),
            pl.BlockSpec((d, d), lambda i: (0, 0)),
            pl.BlockSpec((blk, 1), lambda i: (i, 0)),
        ],
        out_specs=pl.BlockSpec((blk, d), lambda i: (i, 0)),
        out_shape=jax.ShapeDtypeStruct((n, d), jnp.float32),
    )(part, u, deg2d)


def kernel(x, edge_index, U0, b0, U1, U2):
    n, d = x.shape
    e = edge_index.shape[1]
    ep = ((e + CHUNK * NW - 1) // (CHUNK * NW)) * (CHUNK * NW)
    nchunks = ep // CHUNK

    src = jnp.pad(edge_index[0], (0, ep - e)).reshape(nchunks, CHUNK)
    dst = jnp.pad(edge_index[1], (0, ep - e)).reshape(nchunks, CHUNK)

    packed, deg = _make_dedup(n, e, ep)(src, dst)

    h = _h0_call(x, U0, b0, 1000)
    agg_fn = _make_agg(n, d, ep)
    deg2d = deg.reshape(-1, 1)
    for u in (U1, U2):
        part = agg_fn(h, packed)
        h = _layer_call(part, u, deg2d, n, 1000)
    return h

# --- scband reference (transcript-rebuilt; emitter-appended) ---
"""Pipeline reference for scband-vanilla-cgn-438086664818 (READ-ONLY COPY).

The authoritative reference and input builder live on the scoring server;
editing this copy changes nothing except your own understanding.
"""

import jax, jax.numpy as jnp
import numpy as np

N = 10000
E = 160000
D = 128
N_LAYERS = 2


def setup_inputs(seed: int = 0) -> dict:
    key = jax.random.key(seed)
    k1, k2, k3, k4, k5, k6, k7 = jax.random.split(key, 7)
    x = jax.random.normal(k1, (N, D), dtype=jnp.float32)
    src = jax.random.randint(k2, (E,), 0, N, dtype=jnp.int32)
    # guarantee every node has in-degree >= 1 (avoids 0/0 like a well-formed graph)
    # and guarantees max index == N-1 so build_adj_mat infers n_nodes == N
    dst = jnp.concatenate([jnp.arange(N, dtype=jnp.int32),
                           jax.random.randint(k3, (E - N,), 0, N, dtype=jnp.int32)])
    edge_index = jnp.stack([src, dst], axis=0)
    # U0: kaiming_normal_ with fan_in = input_dim
    U0 = jax.random.normal(k4, (D, D), dtype=jnp.float32) * np.sqrt(2.0 / D)
    b0 = jax.random.normal(k5, (D,), dtype=jnp.float32)
    U1 = jax.random.normal(k6, (D, D), dtype=jnp.float32)
    U2 = jax.random.normal(k7, (D, D), dtype=jnp.float32)
    return {"x": x, "edge_index": edge_index, "U0": U0, "b0": b0, "U1": U1, "U2": U2}


def _build_adj_mat(edge_index, n_nodes):
    adj = jnp.zeros((n_nodes, n_nodes), dtype=jnp.float32)
    # scatter-overwrite: duplicates collapse to 1, matching torch semantics
    adj = adj.at[edge_index[0], edge_index[1]].set(1.0)
    return adj


def reference(x, edge_index, U0, b0, U1, U2):
    adj = _build_adj_mat(edge_index, x.shape[0])
    h = x @ U0 + b0
    for U in (U1, U2):
        # vectorized form of the per-node loop:
        # new_x[i] = relu(U @ sum_{j: adj[j,i]>0} h[j] / deg_i), deg_i = adj[:, i].sum()
        deg = jnp.sum(adj, axis=0)          # [N] in-degree
        agg = adj.T @ h                      # [N, D] masked neighbor sum
        h = jax.nn.relu((agg @ U.T) / deg[:, None])
    return h

if __name__ == "__main__":
    import jax
    _d = setup_inputs()
    print(jax.jit(kernel)(*tuple(_d.values())))

</pallas_src>

<mosaic_0001>
#map = affine_map<(d0, d1) -> (0, 0)>
#map1 = affine_map<(d0, d1) -> (0)>
module attributes {stable_mosaic.version = 14 : i64} {
  func.func @_dedup_body(%arg0: i32, %arg1: i32, %arg2: memref<1280x128xi32, #tpu.memory_space<hbm>>, %arg3: memref<1280x128xi32, #tpu.memory_space<hbm>>, %arg4: memref<1280x128xi32, #tpu.memory_space<hbm>>, %arg5: memref<10240xf32, #tpu.memory_space<hbm>>, %arg6: memref<100003840xi32, #tpu.memory_space<hbm>>, %arg7: memref<80x128xi32, #tpu.memory_space<vmem>>, %arg8: memref<80x128xi32, #tpu.memory_space<vmem>>, %arg9: memref<80x128xi32, #tpu.memory_space<vmem>>, %arg10: memref<80x128xi32, #tpu.memory_space<vmem>>, %arg11: memref<80x128xi32, #tpu.memory_space<vmem>>, %arg12: memref<80x128xi32, #tpu.memory_space<vmem>>, %arg13: memref<80x128xi32, #tpu.memory_space<vmem>>, %arg14: memref<128xf32, #tpu.memory_space<vmem>>, %arg15: memref<640xf32, #tpu.memory_space<vmem>>, %arg16: memref<10240xf32, #tpu.memory_space<vmem_shared>>, %arg17: memref<!tpu.dma_semaphore, #tpu.memory_space<semaphore_mem>>) attributes {dimension_semantics = [#tpu.dimension_semantics<core_parallel>, #tpu.dimension_semantics<subcore_parallel>], iteration_bounds = array<i64: 2, 16>, scalar_prefetch = 0 : i64, scratch_operands = 12 : i64, tpu.core_type = #tpu.core_type<sc_vector_subcore>, window_params = [{transform_indices = #map}, {transform_indices = #map}, {transform_indices = #map}, {transform_indices = #map1}]} {
    %eq3A = arith.constant 0 : i32
    %eq3A_0 = arith.cmpi eq, %arg0, %eq3A : i32
    %convert_element_type3A = arith.extui %eq3A_0 : i1 to i32
    %cond3A = arith.constant 0 : i32
    %cond3A_1 = arith.cmpi ne, %convert_element_type3A, %cond3A : i32
    scf.if %cond3A_1 {
      %scan3A = arith.constant 0 : i32
      %scan3A_19 = arith.constant 0 : i32
      %scan3A_20 = arith.constant 40 : i32
      %scan3A_21 = arith.addi %scan3A_19, %scan3A_20 : i32
      %scan3A_22 = arith.constant 1 : i32
      scf.for %scan3A_71 = %scan3A_19 to %scan3A_21 step %scan3A_22  : i32 {
        %broadcast_in_dim3A_72 = arith.constant 0.000000e+00 : f32
        %broadcast_in_dim3A_73 = vector.broadcast %broadcast_in_dim3A_72 : f32 to vector<16xf32>
        %mul3A_74 = arith.constant 16 : i32
        %mul3A_75 = arith.muli %scan3A_71, %mul3A_74 : i32
        %swap3A_76 = arith.index_cast %mul3A_75 : i32 to index
        %swap3A_77 = tpu.vector_load %arg15[%swap3A_76] {strides = array<i32>} : memref<640xf32, #tpu.memory_space<vmem>>, vector<16xf32>,
        %swap3A_78 = vector.shape_cast %swap3A_77 : vector<16xf32> to vector<16xf32>
        %swap3A_79 = vector.shape_cast %broadcast_in_dim3A_73 : vector<16xf32> to vector<16xf32>
        tpu.vector_store %arg15[%swap3A_76], %swap3A_79 {strides = array<i32>} : memref<640xf32, #tpu.memory_space<vmem>>, vector<16xf32>,
      }
      %scan3A_23 = arith.constant 40 : i32
      %broadcast_in_dim3A = arith.constant 1.000000e+00 : f32
      %broadcast_in_dim3A_24 = vector.broadcast %broadcast_in_dim3A : f32 to vector<16xf32>
      %swap3A = arith.constant 0 : index
      %swap3A_25 = tpu.vector_load %arg14[%swap3A] {strides = array<i32>} : memref<128xf32, #tpu.memory_space<vmem>>, vector<16xf32>,
      %swap3A_26 = vector.shape_cast %swap3A_25 : vector<16xf32> to vector<16xf32>
      %swap3A_27 = vector.shape_cast %broadcast_in_dim3A_24 : vector<16xf32> to vector<16xf32>
      tpu.vector_store %arg14[%swap3A], %swap3A_27 {strides = array<i32>} : memref<128xf32, #tpu.memory_space<vmem>>, vector<16xf32>,
      %broadcast_in_dim3A_28 = arith.constant 1.000000e+00 : f32
      %broadcast_in_dim3A_29 = vector.broadcast %broadcast_in_dim3A_28 : f32 to vector<16xf32>
      %swap3A_30 = arith.constant 16 : index
      %swap3A_31 = tpu.vector_load %arg14[%swap3A_30] {strides = array<i32>} : memref<128xf32, #tpu.memory_space<vmem>>, vector<16xf32>,
      %swap3A_32 = vector.shape_cast %swap3A_31 : vector<16xf32> to vector<16xf32>
      %swap3A_33 = vector.shape_cast %broadcast_in_dim3A_29 : vector<16xf32> to vector<16xf32>
      tpu.vector_store %arg14[%swap3A_30], %swap3A_33 {strides = array<i32>} : memref<128xf32, #tpu.memory_space<vmem>>, vector<16xf32>,
      %broadcast_in_dim3A_34 = arith.constant 1.000000e+00 : f32
      %broadcast_in_dim3A_35 = vector.broadcast %broadcast_in_dim3A_34 : f32 to vector<16xf32>
      %swap3A_36 = arith.constant 32 : index
      %swap3A_37 = tpu.vector_load %arg14[%swap3A_36] {strides = array<i32>} : memref<128xf32, #tpu.memory_space<vmem>>, vector<16xf32>,
      %swap3A_38 = vector.shape_cast %swap3A_37 : vector<16xf32> to vector<16xf32>
      %swap3A_39 = vector.shape_cast %broadcast_in_dim3A_35 : vector<16xf32> to vector<16xf32>
      tpu.vector_store %arg14[%swap3A_36], %swap3A_39 {strides = array<i32>} : memref<128xf32, #tpu.memory_space<vmem>>, vector<16xf32>,
      %broadcast_in_dim3A_40 = arith.constant 1.000000e+00 : f32
      %broadcast_in_dim3A_41 = vector.broadcast %broadcast_in_dim3A_40 : f32 to vector<16xf32>
      %swap3A_42 = arith.constant 48 : index
      %swap3A_43 = tpu.vector_load %arg14[%swap3A_42] {strides = array<i32>} : memref<128xf32, #tpu.memory_space<vmem>>, vector<16xf32>,
      %swap3A_44 = vector.shape_cast %swap3A_43 : vector<16xf32> to vector<16xf32>
      %swap3A_45 = vector.shape_cast %broadcast_in_dim3A_41 : vector<16xf32> to vector<16xf32>
      tpu.vector_store %arg14[%swap3A_42], %swap3A_45 {strides = array<i32>} : memref<128xf32, #tpu.memory_space<vmem>>, vector<16xf32>,
      %broadcast_in_dim3A_46 = arith.constant 1.000000e+00 : f32
      %broadcast_in_dim3A_47 = vector.broadcast %broadcast_in_dim3A_46 : f32 to vector<16xf32>
      %swap3A_48 = arith.constant 64 : index
      %swap3A_49 = tpu.vector_load %arg14[%swap3A_48] {strides = array<i32>} : memref<128xf32, #tpu.memory_space<vmem>>, vector<16xf32>,
      %swap3A_50 = vector.shape_cast %swap3A_49 : vector<16xf32> to vector<16xf32>
      %swap3A_51 = vector.shape_cast %broadcast_in_dim3A_47 : vector<16xf32> to vector<16xf32>
      tpu.vector_store %arg14[%swap3A_48], %swap3A_51 {strides = array<i32>} : memref<128xf32, #tpu.memory_space<vmem>>, vector<16xf32>,
      %broadcast_in_dim3A_52 = arith.constant 1.000000e+00 : f32
      %broadcast_in_dim3A_53 = vector.broadcast %broadcast_in_dim3A_52 : f32 to vector<16xf32>
      %swap3A_54 = arith.constant 80 : index
      %swap3A_55 = tpu.vector_load %arg14[%swap3A_54] {strides = array<i32>} : memref<128xf32, #tpu.memory_space<vmem>>, vector<16xf32>,
      %swap3A_56 = vector.shape_cast %swap3A_55 : vector<16xf32> to vector<16xf32>
      %swap3A_57 = vector.shape_cast %broadcast_in_dim3A_53 : vector<16xf32> to vector<16xf32>
      tpu.vector_store %arg14[%swap3A_54], %swap3A_57 {strides = array<i32>} : memref<128xf32, #tpu.memory_space<vmem>>, vector<16xf32>,
      %broadcast_in_dim3A_58 = arith.constant 1.000000e+00 : f32
      %broadcast_in_dim3A_59 = vector.broadcast %broadcast_in_dim3A_58 : f32 to vector<16xf32>
      %swap3A_60 = arith.constant 96 : index
      %swap3A_61 = tpu.vector_load %arg14[%swap3A_60] {strides = array<i32>} : memref<128xf32, #tpu.memory_space<vmem>>, vector<16xf32>,
      %swap3A_62 = vector.shape_cast %swap3A_61 : vector<16xf32> to vector<16xf32>
      %swap3A_63 = vector.shape_cast %broadcast_in_dim3A_59 : vector<16xf32> to vector<16xf32>
      tpu.vector_store %arg14[%swap3A_60], %swap3A_63 {strides = array<i32>} : memref<128xf32, #tpu.memory_space<vmem>>, vector<16xf32>,
      %broadcast_in_dim3A_64 = arith.constant 1.000000e+00 : f32
      %broadcast_in_dim3A_65 = vector.broadcast %broadcast_in_dim3A_64 : f32 to vector<16xf32>
      %swap3A_66 = arith.constant 112 : index
      %swap3A_67 = tpu.vector_load %arg14[%swap3A_66] {strides = array<i32>} : memref<128xf32, #tpu.memory_space<vmem>>, vector<16xf32>,
      %swap3A_68 = vector.shape_cast %swap3A_67 : vector<16xf32> to vector<16xf32>
      %swap3A_69 = vector.shape_cast %broadcast_in_dim3A_65 : vector<16xf32> to vector<16xf32>
      tpu.vector_store %arg14[%swap3A_66], %swap3A_69 {strides = array<i32>} : memref<128xf32, #tpu.memory_space<vmem>>, vector<16xf32>,
      %mul3A = arith.constant 640 : i32
      %mul3A_70 = arith.muli %arg1, %mul3A : i32
      "tpu.region"() ({
        %run_scoped3A = tpu.sem_alloc : memref<!tpu.dma_semaphore, #tpu.memory_space<semaphore_mem>>
        %dma_start3A = tpu.memref_slice %arg16[%mul3A_70] : memref<10240xf32, #tpu.memory_space<vmem_shared>> -> memref<640xf32, #tpu.memory_space<vmem_shared>>
        %dma_start3A_71 = tpu.memref_slice %arg16[%mul3A_70] : memref<10240xf32, #tpu.memory_space<vmem_shared>> -> memref<640xf32, #tpu.memory_space<vmem_shared>>
        tpu.enqueue_dma source(%arg15 : memref<640xf32, #tpu.memory_space<vmem>>) target(%dma_start3A_71 : memref<640xf32, #tpu.memory_space<vmem_shared>>) target_semaphore(%run_scoped3A : memref<!tpu.dma_semaphore, #tpu.memory_space<semaphore_mem>>)
        %dma_wait3A = tpu.memref_slice %arg16[%mul3A_70] : memref<10240xf32, #tpu.memory_space<vmem_shared>> -> memref<640xf32, #tpu.memory_space<vmem_shared>>
        %dma_wait3A_72 = tpu.memref_slice %arg16[%mul3A_70] : memref<10240xf32, #tpu.memory_space<vmem_shared>> -> memref<640xf32, #tpu.memory_space<vmem_shared>>
        tpu.wait_dma2 semaphore(%run_scoped3A : memref<!tpu.dma_semaphore, #tpu.memory_space<semaphore_mem>>) src(%arg15 : memref<640xf32, #tpu.memory_space<vmem>>) dst(%dma_wait3A_72 : memref<640xf32, #tpu.memory_space<vmem_shared>>)
        tpu.yield
      }) : () -> ()
    } else {
    }
    %barrier3A = arith.constant 0 : index
    tpu.barrier barrier_id(%barrier3A)
    %eq3A_2 = arith.constant 0 : i32
    %eq3A_3 = arith.cmpi eq, %arg0, %eq3A_2 : i32
    %convert_element_type3A_4 = arith.extui %eq3A_3 : i1 to i32
    %cond3A_5 = arith.constant 0 : i32
    %cond3A_6 = arith.cmpi ne, %convert_element_type3A_4, %cond3A_5 : i32
    scf.if %cond3A_6 {
      %mul3A = arith.constant 80 : i32
      %mul3A_19 = arith.muli %arg1, %mul3A : i32
      "tpu.region"() ({
        %run_scoped3A = tpu.sem_alloc : memref<!tpu.dma_semaphore, #tpu.memory_space<semaphore_mem>>
        %dma_start3A = arith.constant 0 : i32
        %dma_start3A_31 = tpu.memref_slice %arg2[%mul3A_19, %dma_start3A] : memref<1280x128xi32, #tpu.memory_space<hbm>> -> memref<80x128xi32, #tpu.memory_space<hbm>>
        %dma_start3A_32 = arith.constant 0 : i32
        %dma_start3A_33 = tpu.memref_slice %arg2[%mul3A_19, %dma_start3A_32] : memref<1280x128xi32, #tpu.memory_space<hbm>> -> memref<80x128xi32, #tpu.memory_space<hbm>>
        tpu.enqueue_dma source(%dma_start3A_33 : memref<80x128xi32, #tpu.memory_space<hbm>>) target(%arg7 : memref<80x128xi32, #tpu.memory_space<vmem>>) target_semaphore(%run_scoped3A : memref<!tpu.dma_semaphore, #tpu.memory_space<semaphore_mem>>)
        %dma_wait3A = arith.constant 0 : i32
        %dma_wait3A_34 = tpu.memref_slice %arg2[%mul3A_19, %dma_wait3A] : memref<1280x128xi32, #tpu.memory_space<hbm>> -> memref<80x128xi32, #tpu.memory_space<hbm>>
        %dma_wait3A_35 = arith.constant 0 : i32
        %dma_wait3A_36 = tpu.memref_slice %arg2[%mul3A_19, %dma_wait3A_35] : memref<1280x128xi32, #tpu.memory_space<hbm>> -> memref<80x128xi32, #tpu.memory_space<hbm>>
        tpu.wait_dma2 semaphore(%run_scoped3A : memref<!tpu.dma_semaphore, #tpu.memory_space<semaphore_mem>>) src(%dma_wait3A_36 : memref<80x128xi32, #tpu.memory_space<hbm>>) dst(%arg7 : memref<80x128xi32, #tpu.memory_space<vmem>>)
        tpu.yield
      }) : () -> ()
      "tpu.region"() ({
        %run_scoped3A = tpu.sem_alloc : memref<!tpu.dma_semaphore, #tpu.memory_space<semaphore_mem>>
        %dma_start3A = arith.constant 0 : i32
        %dma_start3A_31 = tpu.memref_slice %arg3[%mul3A_19, %dma_start3A] : memref<1280x128xi32, #tpu.memory_space<hbm>> -> memref<80x128xi32, #tpu.memory_space<hbm>>
        %dma_start3A_32 = arith.constant 0 : i32
        %dma_start3A_33 = tpu.memref_slice %arg3[%mul3A_19, %dma_start3A_32] : memref<1280x128xi32, #tpu.memory_space<hbm>> -> memref<80x128xi32, #tpu.memory_space<hbm>>
        tpu.enqueue_dma source(%dma_start3A_33 : memref<80x128xi32, #tpu.memory_space<hbm>>) target(%arg8 : memref<80x128xi32, #tpu.memory_space<vmem>>) target_semaphore(%run_scoped3A : memref<!tpu.dma_semaphore, #tpu.memory_space<semaphore_mem>>)
        %dma_wait3A = arith.constant 0 : i32
        %dma_wait3A_34 = tpu.memref_slice %arg3[%mul3A_19, %dma_wait3A] : memref<1280x128xi32, #tpu.memory_space<hbm>> -> memref<80x128xi32, #tpu.memory_space<hbm>>
        %dma_wait3A_35 = arith.constant 0 : i32
        %dma_wait3A_36 = tpu.memref_slice %arg3[%mul3A_19, %dma_wait3A_35] : memref<1280x128xi32, #tpu.memory_space<hbm>> -> memref<80x128xi32, #tpu.memory_space<hbm>>
        tpu.wait_dma2 semaphore(%run_scoped3A : memref<!tpu.dma_semaphore, #tpu.memory_space<semaphore_mem>>) src(%dma_wait3A_36 : memref<80x128xi32, #tpu.memory_space<hbm>>) dst(%arg8 : memref<80x128xi32, #tpu.memory_space<vmem>>)
        tpu.yield
      }) : () -> ()
      %scan3A = arith.constant 0 : i32
      %scan3A_20 = arith.constant 0 : i32
      %scan3A_21 = arith.constant 80 : i32
      %scan3A_22 = arith.addi %scan3A_20, %scan3A_21 : i32
      %scan3A_23 = arith.constant 1 : i32
      scf.for %scan3A_31 = %scan3A_20 to %scan3A_22 step %scan3A_23  : i32 {
        %add3A = arith.addi %mul3A_19, %scan3A_31 : i32
        %mul3A_32 = arith.constant 128 : i32
        %mul3A_33 = arith.muli %add3A, %mul3A_32 : i32
        %get3A = arith.index_cast %scan3A_31 : i32 to index
        %get3A_34 = arith.constant 0 : index
        %get3A_35 = tpu.vector_load %arg7[%get3A, %get3A_34] {strides = array<i32>} : memref<80x128xi32, #tpu.memory_space<vmem>>, vector<1x16xi32>,
        %get3A_36 = vector.shape_cast %get3A_35 : vector<1x16xi32> to vector<16xi32>
        %get3A_37 = arith.index_cast %scan3A_31 : i32 to index
        %get3A_38 = arith.constant 0 : index
        %get3A_39 = tpu.vector_load %arg8[%get3A_37, %get3A_38] {strides = array<i32>} : memref<80x128xi32, #tpu.memory_space<vmem>>, vector<1x16xi32>,
        %get3A_40 = vector.shape_cast %get3A_39 : vector<1x16xi32> to vector<16xi32>
        %add3A_41 = arith.constant 0 : i32
        %add3A_42 = arith.addi %mul3A_33, %add3A_41 : i32
        %iota3A = tpu.iota {dimensions = array<i32: 0>} : vector<16xi32>
        %add3A_43 = vector.broadcast %add3A_42 : i32 to vector<16xi32>
        %add3A_44 = arith.addi %add3A_43, %iota3A : vector<16xi32>
        %lt3A = arith.constant 160000 : i32
        %lt3A_45 = vector.broadcast %lt3A : i32 to vector<16xi32>
        %lt3A_46 = arith.cmpi slt, %add3A_44, %lt3A_45 : vector<16xi32>
        %mul3A_47 = arith.constant 10000 : i32
        %mul3A_48 = vector.broadcast %mul3A_47 : i32 to vector<16xi32>
        %mul3A_49 = arith.muli %get3A_36, %mul3A_48 : vector<16xi32>
        %add3A_50 = arith.addi %mul3A_49, %get3A_40 : vector<16xi32>
        %sub3A = arith.constant 160000 : i32
        %sub3A_51 = vector.broadcast %sub3A : i32 to vector<16xi32>
        %sub3A_52 = arith.subi %add3A_44, %sub3A_51 : vector<16xi32>
        %add3A_53 = arith.constant 100000000 : i32
        %add3A_54 = vector.broadcast %add3A_53 : i32 to vector<16xi32>
        %add3A_55 = arith.addi %add3A_54, %sub3A_52 : vector<16xi32>
        %select_n3A = arith.select %lt3A_46, %add3A_50, %add3A_55 : vector<16xi1>, vector<16xi32>
        %swap3A = arith.index_cast %scan3A_31 : i32 to index
        %swap3A_56 = arith.constant 0 : index
        %swap3A_57 = tpu.vector_load %arg9[%swap3A, %swap3A_56] {strides = array<i32>} : memref<80x128xi32, #tpu.memory_space<vmem>>, vector<1x16xi32>,
        %swap3A_58 = vector.shape_cast %swap3A_57 : vector<1x16xi32> to vector<16xi32>
        %swap3A_59 = vector.shape_cast %select_n3A : vector<16xi32> to vector<1x16xi32>
        tpu.vector_store %arg9[%swap3A, %swap3A_56], %swap3A_59 {strides = array<i32>} : memref<80x128xi32, #tpu.memory_space<vmem>>, vector<1x16xi32>,
        %swap3A_60 = arith.index_cast %scan3A_31 : i32 to index
        %swap3A_61 = arith.constant 0 : index
        %swap3A_62 = tpu.vector_load %arg11[%swap3A_60, %swap3A_61] {strides = array<i32>} : memref<80x128xi32, #tpu.memory_space<vmem>>, vector<1x16xi32>,
        %swap3A_63 = vector.shape_cast %swap3A_62 : vector<1x16xi32> to vector<16xi32>
        %swap3A_64 = vector.shape_cast %add3A_44 : vector<16xi32> to vector<1x16xi32>
        tpu.vector_store %arg11[%swap3A_60, %swap3A_61], %swap3A_64 {strides = array<i32>} : memref<80x128xi32, #tpu.memory_space<vmem>>, vector<1x16xi32>,
        %get3A_65 = arith.index_cast %scan3A_31 : i32 to index
        %get3A_66 = arith.constant 16 : index
        %get3A_67 = tpu.vector_load %arg7[%get3A_65, %get3A_66] {strides = array<i32>} : memref<80x128xi32, #tpu.memory_space<vmem>>, vector<1x16xi32>,
        %get3A_68 = vector.shape_cast %get3A_67 : vector<1x16xi32> to vector<16xi32>
        %get3A_69 = arith.index_cast %scan3A_31 : i32 to index
        %get3A_70 = arith.constant 16 : index
        %get3A_71 = tpu.vector_load %arg8[%get3A_69, %get3A_70] {strides = array<i32>} : memref<80x128xi32, #tpu.memory_space<vmem>>, vector<1x16xi32>,
        %get3A_72 = vector.shape_cast %get3A_71 : vector<1x16xi32> to vector<16xi32>
        %add3A_73 = arith.constant 16 : i32
        %add3A_74 = arith.addi %mul3A_33, %add3A_73 : i32
        %iota3A_75 = tpu.iota {dimensions = array<i32: 0>} : vector<16xi32>
        %add3A_76 = vector.broadcast %add3A_74 : i32 to vector<16xi32>
        %add3A_77 = arith.addi %add3A_76, %iota3A_75 : vector<16xi32>
        %lt3A_78 = arith.constant 160000 : i32
        %lt3A_79 = vector.broadcast %lt3A_78 : i32 to vector<16xi32>
        %lt3A_80 = arith.cmpi slt, %add3A_77, %lt3A_79 : vector<16xi32>
        %mul3A_81 = arith.constant 10000 : i32
        %mul3A_82 = vector.broadcast %mul3A_81 : i32 to vector<16xi32>
        %mul3A_83 = arith.muli %get3A_68, %mul3A_82 : vector<16xi32>
        %add3A_84 = arith.addi %mul3A_83, %get3A_72 : vector<16xi32>
        %sub3A_85 = arith.constant 160000 : i32
        %sub3A_86 = vector.broadcast %sub3A_85 : i32 to vector<16xi32>
        %sub3A_87 = arith.subi %add3A_77, %sub3A_86 : vector<16xi32>
        %add3A_88 = arith.constant 100000000 : i32
        %add3A_89 = vector.broadcast %add3A_88 : i32 to vector<16xi32>
        %add3A_90 = arith.addi %add3A_89, %sub3A_87 : vector<16xi32>
        %select_n3A_91 = arith.select %lt3A_80, %add3A_84, %add3A_90 : vector<16xi1>, vector<16xi32>
        %swap3A_92 = arith.index_cast %scan3A_31 : i32 to index
        %swap3A_93 = arith.constant 16 : index
        %swap3A_94 = tpu.vector_load %arg9[%swap3A_92, %swap3A_93] {strides = array<i32>} : memref<80x128xi32, #tpu.memory_space<vmem>>, vector<1x16xi32>,
        %swap3A_95 = vector.shape_cast %swap3A_94 : vector<1x16xi32> to vector<16xi32>
        %swap3A_96 = vector.shape_cast %select_n3A_91 : vector<16xi32> to vector<1x16xi32>
        tpu.vector_store %arg9[%swap3A_92, %swap3A_93], %swap3A_96 {strides = array<i32>} : memref<80x128xi32, #tpu.memory_space<vmem>>, vector<1x16xi32>,
        %swap3A_97 = arith.index_cast %scan3A_31 : i32 to index
        %swap3A_98 = arith.constant 16 : index
        %swap3A_99 = tpu.vector_load %arg11[%swap3A_97, %swap3A_98] {strides = array<i32>} : memref<80x128xi32, #tpu.memory_space<vmem>>, vector<1x16xi32>,
        %swap3A_100 = vector.shape_cast %swap3A_99 : vector<1x16xi32> to vector<16xi32>
        %swap3A_101 = vector.shape_cast %add3A_77 : vector<16xi32> to vector<1x16xi32>
        tpu.vector_store %arg11[%swap3A_97, %swap3A_98], %swap3A_101 {strides = array<i32>} : memref<80x128xi32, #tpu.memory_space<vmem>>, vector<1x16xi32>,
        %get3A_102 = arith.index_cast %scan3A_31 : i32 to index
        %get3A_103 = arith.constant 32 : index
        %get3A_104 = tpu.vector_load %arg7[%get3A_102, %get3A_103] {strides = array<i32>} : memref<80x128xi32, #tpu.memory_space<vmem>>, vector<1x16xi32>,
        %get3A_105 = vector.shape_cast %get3A_104 : vector<1x16xi32> to vector<16xi32>
        %get3A_106 = arith.index_cast %scan3A_31 : i32 to index
        %get3A_107 = arith.constant 32 : index
        %get3A_108 = tpu.vector_load %arg8[%get3A_106, %get3A_107] {strides = array<i32>} : memref<80x128xi32, #tpu.memory_space<vmem>>, vector<1x16xi32>,
        %get3A_109 = vector.shape_cast %get3A_108 : vector<1x16xi32> to vector<16xi32>
        %add3A_110 = arith.constant 32 : i32
        %add3A_111 = arith.addi %mul3A_33, %add3A_110 : i32
        %iota3A_112 = tpu.iota {dimensions = array<i32: 0>} : vector<16xi32>
        %add3A_113 = vector.broadcast %add3A_111 : i32 to vector<16xi32>
        %add3A_114 = arith.addi %add3A_113, %iota3A_112 : vector<16xi32>
        %lt3A_115 = arith.constant 160000 : i32
        %lt3A_116 = vector.broadcast %lt3A_115 : i32 to vector<16xi32>
        %lt3A_117 = arith.cmpi slt, %add3A_114, %lt3A_116 : vector<16xi32>
        %mul3A_118 = arith.constant 10000 : i32
        %mul3A_119 = vector.broadcast %mul3A_118 : i32 to vector<16xi32>
        %mul3A_120 = arith.muli %get3A_105, %mul3A_119 : vector<16xi32>
        %add3A_121 = arith.addi %mul3A_120, %get3A_109 : vector<16xi32>
        %sub3A_122 = arith.constant 160000 : i32
        %sub3A_123 = vector.broadcast %sub3A_122 : i32 to vector<16xi32>
        %sub3A_124 = arith.subi %add3A_114, %sub3A_123 : vector<16xi32>
        %add3A_125 = arith.constant 100000000 : i32
        %add3A_126 = vector.broadcast %add3A_125 : i32 to vector<16xi32>
        %add3A_127 = arith.addi %add3A_126, %sub3A_124 : vector<16xi32>
        %select_n3A_128 = arith.select %lt3A_117, %add3A_121, %add3A_127 : vector<16xi1>, vector<16xi32>
        %swap3A_129 = arith.index_cast %scan3A_31 : i32 to index
        %swap3A_130 = arith.constant 32 : index
        %swap3A_131 = tpu.vector_load %arg9[%swap3A_129, %swap3A_130] {strides = array<i32>} : memref<80x128xi32, #tpu.memory_space<vmem>>, vector<1x16xi32>,
        %swap3A_132 = vector.shape_cast %swap3A_131 : vector<1x16xi32> to vector<16xi32>
        %swap3A_133 = vector.shape_cast %select_n3A_128 : vector<16xi32> to vector<1x16xi32>
        tpu.vector_store %arg9[%swap3A_129, %swap3A_130], %swap3A_133 {strides = array<i32>} : memref<80x128xi32, #tpu.memory_space<vmem>>, vector<1x16xi32>,
        %swap3A_134 = arith.index_cast %scan3A_31 : i32 to index
        %swap3A_135 = arith.constant 32 : index
        %swap3A_136 = tpu.vector_load %arg11[%swap3A_134, %swap3A_135] {strides = array<i32>} : memref<80x128xi32, #tpu.memory_space<vmem>>, vector<1x16xi32>,
        %swap3A_137 = vector.shape_cast %swap3A_136 : vector<1x16xi32> to vector<16xi32>
        %swap3A_138 = vector.shape_cast %add3A_114 : vector<16xi32> to vector<1x16xi32>
        tpu.vector_store %arg11[%swap3A_134, %swap3A_135], %swap3A_138 {strides = array<i32>} : memref<80x128xi32, #tpu.memory_space<vmem>>, vector<1x16xi32>,
        %get3A_139 = arith.index_cast %scan3A_31 : i32 to index
        %get3A_140 = arith.constant 48 : index
        %get3A_141 = tpu.vector_load %arg7[%get3A_139, %get3A_140] {strides = array<i32>} : memref<80x128xi32, #tpu.memory_space<vmem>>, vector<1x16xi32>,
        %get3A_142 = vector.shape_cast %get3A_141 : vector<1x16xi32> to vector<16xi32>
        %get3A_143 = arith.index_cast %scan3A_31 : i32 to index
        %get3A_144 = arith.constant 48 : index
        %get3A_145 = tpu.vector_load %arg8[%get3A_143, %get3A_144] {strides = array<i32>} : memref<80x128xi32, #tpu.memory_space<vmem>>, vector<1x16xi32>,
        %get3A_146 = vector.shape_cast %get3A_145 : vector<1x16xi32> to vector<16xi32>
        %add3A_147 = arith.constant 48 : i32
        %add3A_148 = arith.addi %mul3A_33, %add3A_147 : i32
        %iota3A_149 = tpu.iota {dimensions = array<i32: 0>} : vector<16xi32>
        %add3A_150 = vector.broadcast %add3A_148 : i32 to vector<16xi32>
        %add3A_151 = arith.addi %add3A_150, %iota3A_149 : vector<16xi32>
        %lt3A_152 = arith.constant 160000 : i32
        %lt3A_153 = vector.broadcast %lt3A_152 : i32 to vector<16xi32>
        %lt3A_154 = arith.cmpi slt, %add3A_151, %lt3A_153 : vector<16xi32>
        %mul3A_155 = arith.constant 10000 : i32
        %mul3A_156 = vector.broadcast %mul3A_155 : i32 to vector<16xi32>
        %mul3A_157 = arith.muli %get3A_142, %mul3A_156 : vector<16xi32>
        %add3A_158 = arith.addi %mul3A_157, %get3A_146 : vector<16xi32>
        %sub3A_159 = arith.constant 160000 : i32
        %sub3A_160 = vector.broadcast %sub3A_159 : i32 to vector<16xi32>
        %sub3A_161 = arith.subi %add3A_151, %sub3A_160 : vector<16xi32>
        %add3A_162 = arith.constant 100000000 : i32
        %add3A_163 = vector.broadcast %add3A_162 : i32 to vector<16xi32>
        %add3A_164 = arith.addi %add3A_163, %sub3A_161 : vector<16xi32>
        %select_n3A_165 = arith.select %lt3A_154, %add3A_158, %add3A_164 : vector<16xi1>, vector<16xi32>
        %swap3A_166 = arith.index_cast %scan3A_31 : i32 to index
        %swap3A_167 = arith.constant 48 : index
        %swap3A_168 = tpu.vector_load %arg9[%swap3A_166, %swap3A_167] {strides = array<i32>} : memref<80x128xi32, #tpu.memory_space<vmem>>, vector<1x16xi32>,
        %swap3A_169 = vector.shape_cast %swap3A_168 : vector<1x16xi32> to vector<16xi32>
        %swap3A_170 = vector.shape_cast %select_n3A_165 : vector<16xi32> to vector<1x16xi32>
        tpu.vector_store %arg9[%swap3A_166, %swap3A_167], %swap3A_170 {strides = array<i32>} : memref<80x128xi32, #tpu.memory_space<vmem>>, vector<1x16xi32>,
        %swap3A_171 = arith.index_cast %scan3A_31 : i32 to index
        %swap3A_172 = arith.constant 48 : index
        %swap3A_173 = tpu.vector_load %arg11[%swap3A_171, %swap3A_172] {strides = array<i32>} : memref<80x128xi32, #tpu.memory_space<vmem>>, vector<1x16xi32>,
        %swap3A_174 = vector.shape_cast %swap3A_173 : vector<1x16xi32> to vector<16xi32>
        %swap3A_175 = vector.shape_cast %add3A_151 : vector<16xi32> to vector<1x16xi32>
        tpu.vector_store %arg11[%swap3A_171, %swap3A_172], %swap3A_175 {strides = array<i32>} : memref<80x128xi32, #tpu.memory_space<vmem>>, vector<1x16xi32>,
        %get3A_176 = arith.index_cast %scan3A_31 : i32 to index
        %get3A_177 = arith.constant 64 : index
        %get3A_178 = tpu.vector_load %arg7[%get3A_176, %get3A_177] {strides = array<i32>} : memref<80x128xi32, #tpu.memory_space<vmem>>, vector<1x16xi32>,
        %get3A_179 = vector.shape_cast %get3A_178 : vector<1x16xi32> to vector<16xi32>
        %get3A_180 = arith.index_cast %scan3A_31 : i32 to index
        %get3A_181 = arith.constant 64 : index
        %get3A_182 = tpu.vector_load %arg8[%get3A_180, %get3A_181] {strides = array<i32>} : memref<80x128xi32, #tpu.memory_space<vmem>>, vector<1x16xi32>,
        %get3A_183 = vector.shape_cast %get3A_182 : vector<1x16xi32> to vector<16xi32>
        %add3A_184 = arith.constant 64 : i32
        %add3A_185 = arith.addi %mul3A_33, %add3A_184 : i32
        %iota3A_186 = tpu.iota {dimensions = array<i32: 0>} : vector<16xi32>
        %add3A_187 = vector.broadcast %add3A_185 : i32 to vector<16xi32>
        %add3A_188 = arith.addi %add3A_187, %iota3A_186 : vector<16xi32>
        %lt3A_189 = arith.constant 160000 : i32
        %lt3A_190 = vector.broadcast %lt3A_189 : i32 to vector<16xi32>
        %lt3A_191 = arith.cmpi slt, %add3A_188, %lt3A_190 : vector<16xi32>
        %mul3A_192 = arith.constant 10000 : i32
        %mul3A_193 = vector.broadcast %mul3A_192 : i32 to vector<16xi32>
        %mul3A_194 = arith.muli %get3A_179, %mul3A_193 : vector<16xi32>
        %add3A_195 = arith.addi %mul3A_194, %get3A_183 : vector<16xi32>
        %sub3A_196 = arith.constant 160000 : i32
        %sub3A_197 = vector.broadcast %sub3A_196 : i32 to vector<16xi32>
        %sub3A_198 = arith.subi %add3A_188, %sub3A_197 : vector<16xi32>
        %add3A_199 = arith.constant 100000000 : i32
        %add3A_200 = vector.broadcast %add3A_199 : i32 to vector<16xi32>
        %add3A_201 = arith.addi %add3A_200, %sub3A_198 : vector<16xi32>
        %select_n3A_202 = arith.select %lt3A_191, %add3A_195, %add3A_201 : vector<16xi1>, vector<16xi32>
        %swap3A_203 = arith.index_cast %scan3A_31 : i32 to index
        %swap3A_204 = arith.constant 64 : index
        %swap3A_205 = tpu.vector_load %arg9[%swap3A_203, %swap3A_204] {strides = array<i32>} : memref<80x128xi32, #tpu.memory_space<vmem>>, vector<1x16xi32>,
        %swap3A_206 = vector.shape_cast %swap3A_205 : vector<1x16xi32> to vector<16xi32>
        %swap3A_207 = vector.shape_cast %select_n3A_202 : vector<16xi32> to vector<1x16xi32>
        tpu.vector_store %arg9[%swap3A_203, %swap3A_204], %swap3A_207 {strides = array<i32>} : memref<80x128xi32, #tpu.memory_space<vmem>>, vector<1x16xi32>,
        %swap3A_208 = arith.index_cast %scan3A_31 : i32 to index
        %swap3A_209 = arith.constant 64 : index
        %swap3A_210 = tpu.vector_load %arg11[%swap3A_208, %swap3A_209] {strides = array<i32>} : memref<80x128xi32, #tpu.memory_space<vmem>>, vector<1x16xi32>,
        %swap3A_211 = vector.shape_cast %swap3A_210 : vector<1x16xi32> to vector<16xi32>
        %swap3A_212 = vector.shape_cast %add3A_188 : vector<16xi32> to vector<1x16xi32>
        tpu.vector_store %arg11[%swap3A_208, %swap3A_209], %swap3A_212 {strides = array<i32>} : memref<80x128xi32, #tpu.memory_space<vmem>>, vector<1x16xi32>,
        %get3A_213 = arith.index_cast %scan3A_31 : i32 to index
        %get3A_214 = arith.constant 80 : index
        %get3A_215 = tpu.vector_load %arg7[%get3A_213, %get3A_214] {strides = array<i32>} : memref<80x128xi32, #tpu.memory_space<vmem>>, vector<1x16xi32>,
        %get3A_216 = vector.shape_cast %get3A_215 : vector<1x16xi32> to vector<16xi32>
        %get3A_217 = arith.index_cast %scan3A_31 : i32 to index
        %get3A_218 = arith.constant 80 : index
        %get3A_219 = tpu.vector_load %arg8[%get3A_217, %get3A_218] {strides = array<i32>} : memref<80x128xi32, #tpu.memory_space<vmem>>, vector<1x16xi32>,
        %get3A_220 = vector.shape_cast %get3A_219 : vector<1x16xi32> to vector<16xi32>
        %add3A_221 = arith.constant 80 : i32
        %add3A_222 = arith.addi %mul3A_33, %add3A_221 : i32
        %iota3A_223 = tpu.iota {dimensions = array<i32: 0>} : vector<16xi32>
        %add3A_224 = vector.broadcast %add3A_222 : i32 to vector<16xi32>
        %add3A_225 = arith.addi %add3A_224, %iota3A_223 : vector<16xi32>
        %lt3A_226 = arith.constant 160000 : i32
        %lt3A_227 = vector.broadcast %lt3A_226 : i32 to vector<16xi32>
        %lt3A_228 = arith.cmpi slt, %add3A_225, %lt3A_227 : vector<16xi32>
        %mul3A_229 = arith.constant 10000 : i32
        %mul3A_230 = vector.broadcast %mul3A_229 : i32 to vector<16xi32>
        %mul3A_231 = arith.muli %get3A_216, %mul3A_230 : vector<16xi32>
        %add3A_232 = arith.addi %mul3A_231, %get3A_220 : vector<16xi32>
        %sub3A_233 = arith.constant 160000 : i32
        %sub3A_234 = vector.broadcast %sub3A_233 : i32 to vector<16xi32>
        %sub3A_235 = arith.subi %add3A_225, %sub3A_234 : vector<16xi32>
        %add3A_236 = arith.constant 100000000 : i32
        %add3A_237 = vector.broadcast %add3A_236 : i32 to vector<16xi32>
        %add3A_238 = arith.addi %add3A_237, %sub3A_235 : vector<16xi32>
        %select_n3A_239 = arith.select %lt3A_228, %add3A_232, %add3A_238 : vector<16xi1>, vector<16xi32>
        %swap3A_240 = arith.index_cast %scan3A_31 : i32 to index
        %swap3A_241 = arith.constant 80 : index
        %swap3A_242 = tpu.vector_load %arg9[%swap3A_240, %swap3A_241] {strides = array<i32>} : memref<80x128xi32, #tpu.memory_space<vmem>>, vector<1x16xi32>,
        %swap3A_243 = vector.shape_cast %swap3A_242 : vector<1x16xi32> to vector<16xi32>
        %swap3A_244 = vector.shape_cast %select_n3A_239 : vector<16xi32> to vector<1x16xi32>
        tpu.vector_store %arg9[%swap3A_240, %swap3A_241], %swap3A_244 {strides = array<i32>} : memref<80x128xi32, #tpu.memory_space<vmem>>, vector<1x16xi32>,
        %swap3A_245 = arith.index_cast %scan3A_31 : i32 to index
        %swap3A_246 = arith.constant 80 : index
        %swap3A_247 = tpu.vector_load %arg11[%swap3A_245, %swap3A_246] {strides = array<i32>} : memref<80x128xi32, #tpu.memory_space<vmem>>, vector<1x16xi32>,
        %swap3A_248 = vector.shape_cast %swap3A_247 : vector<1x16xi32> to vector<16xi32>
        %swap3A_249 = vector.shape_cast %add3A_225 : vector<16xi32> to vector<1x16xi32>
        tpu.vector_store %arg11[%swap3A_245, %swap3A_246], %swap3A_249 {strides = array<i32>} : memref<80x128xi32, #tpu.memory_space<vmem>>, vector<1x16xi32>,
        %get3A_250 = arith.index_cast %scan3A_31 : i32 to index
        %get3A_251 = arith.constant 96 : index
        %get3A_252 = tpu.vector_load %arg7[%get3A_250, %get3A_251] {strides = array<i32>} : memref<80x128xi32, #tpu.memory_space<vmem>>, vector<1x16xi32>,
        %get3A_253 = vector.shape_cast %get3A_252 : vector<1x16xi32> to vector<16xi32>
        %get3A_254 = arith.index_cast %scan3A_31 : i32 to index
        %get3A_255 = arith.constant 96 : index
        %get3A_256 = tpu.vector_load %arg8[%get3A_254, %get3A_255] {strides = array<i32>} : memref<80x128xi32, #tpu.memory_space<vmem>>, vector<1x16xi32>,
        %get3A_257 = vector.shape_cast %get3A_256 : vector<1x16xi32> to vector<16xi32>
        %add3A_258 = arith.constant 96 : i32
        %add3A_259 = arith.addi %mul3A_33, %add3A_258 : i32
        %iota3A_260 = tpu.iota {dimensions = array<i32: 0>} : vector<16xi32>
        %add3A_261 = vector.broadcast %add3A_259 : i32 to vector<16xi32>
        %add3A_262 = arith.addi %add3A_261, %iota3A_260 : vector<16xi32>
        %lt3A_263 = arith.constant 160000 : i32
        %lt3A_264 = vector.broadcast %lt3A_263 : i32 to vector<16xi32>
        %lt3A_265 = arith.cmpi slt, %add3A_262, %lt3A_264 : vector<16xi32>
        %mul3A_266 = arith.constant 10000 : i32
        %mul3A_267 = vector.broadcast %mul3A_266 : i32 to vector<16xi32>
        %mul3A_268 = arith.muli %get3A_253, %mul3A_267 : vector<16xi32>
        %add3A_269 = arith.addi %mul3A_268, %get3A_257 : vector<16xi32>
        %sub3A_270 = arith.constant 160000 : i32
        %sub3A_271 = vector.broadcast %sub3A_270 : i32 to vector<16xi32>
        %sub3A_272 = arith.subi %add3A_262, %sub3A_271 : vector<16xi32>
        %add3A_273 = arith.constant 100000000 : i32
        %add3A_274 = vector.broadcast %add3A_273 : i32 to vector<16xi32>
        %add3A_275 = arith.addi %add3A_274, %sub3A_272 : vector<16xi32>
        %select_n3A_276 = arith.select %lt3A_265, %add3A_269, %add3A_275 : vector<16xi1>, vector<16xi32>
        %swap3A_277 = arith.index_cast %scan3A_31 : i32 to index
        %swap3A_278 = arith.constant 96 : index
        %swap3A_279 = tpu.vector_load %arg9[%swap3A_277, %swap3A_278] {strides = array<i32>} : memref<80x128xi32, #tpu.memory_space<vmem>>, vector<1x16xi32>,
        %swap3A_280 = vector.shape_cast %swap3A_279 : vector<1x16xi32> to vector<16xi32>
        %swap3A_281 = vector.shape_cast %select_n3A_276 : vector<16xi32> to vector<1x16xi32>
        tpu.vector_store %arg9[%swap3A_277, %swap3A_278], %swap3A_281 {strides = array<i32>} : memref<80x128xi32, #tpu.memory_space<vmem>>, vector<1x16xi32>,
        %swap3A_282 = arith.index_cast %scan3A_31 : i32 to index
        %swap3A_283 = arith.constant 96 : index
        %swap3A_284 = tpu.vector_load %arg11[%swap3A_282, %swap3A_283] {strides = array<i32>} : memref<80x128xi32, #tpu.memory_space<vmem>>, vector<1x16xi32>,
        %swap3A_285 = vector.shape_cast %swap3A_284 : vector<1x16xi32> to vector<16xi32>
        %swap3A_286 = vector.shape_cast %add3A_262 : vector<16xi32> to vector<1x16xi32>
        tpu.vector_store %arg11[%swap3A_282, %swap3A_283], %swap3A_286 {strides = array<i32>} : memref<80x128xi32, #tpu.memory_space<vmem>>, vector<1x16xi32>,
        %get3A_287 = arith.index_cast %scan3A_31 : i32 to index
        %get3A_288 = arith.constant 112 : index
        %get3A_289 = tpu.vector_load %arg7[%get3A_287, %get3A_288] {strides = array<i32>} : memref<80x128xi32, #tpu.memory_space<vmem>>, vector<1x16xi32>,
        %get3A_290 = vector.shape_cast %get3A_289 : vector<1x16xi32> to vector<16xi32>
        %get3A_291 = arith.index_cast %scan3A_31 : i32 to index
        %get3A_292 = arith.constant 112 : index
        %get3A_293 = tpu.vector_load %arg8[%get3A_291, %get3A_292] {strides = array<i32>} : memref<80x128xi32, #tpu.memory_space<vmem>>, vector<1x16xi32>,
        %get3A_294 = vector.shape_cast %get3A_293 : vector<1x16xi32> to vector<16xi32>
        %add3A_295 = arith.constant 112 : i32
        %add3A_296 = arith.addi %mul3A_33, %add3A_295 : i32
        %iota3A_297 = tpu.iota {dimensions = array<i32: 0>} : vector<16xi32>
        %add3A_298 = vector.broadcast %add3A_296 : i32 to vector<16xi32>
        %add3A_299 = arith.addi %add3A_298, %iota3A_297 : vector<16xi32>
        %lt3A_300 = arith.constant 160000 : i32
        %lt3A_301 = vector.broadcast %lt3A_300 : i32 to vector<16xi32>
        %lt3A_302 = arith.cmpi slt, %add3A_299, %lt3A_301 : vector<16xi32>
        %mul3A_303 = arith.constant 10000 : i32
        %mul3A_304 = vector.broadcast %mul3A_303 : i32 to vector<16xi32>
        %mul3A_305 = arith.muli %get3A_290, %mul3A_304 : vector<16xi32>
        %add3A_306 = arith.addi %mul3A_305, %get3A_294 : vector<16xi32>
        %sub3A_307 = arith.constant 160000 : i32
        %sub3A_308 = vector.broadcast %sub3A_307 : i32 to vector<16xi32>
        %sub3A_309 = arith.subi %add3A_299, %sub3A_308 : vector<16xi32>
        %add3A_310 = arith.constant 100000000 : i32
        %add3A_311 = vector.broadcast %add3A_310 : i32 to vector<16xi32>
        %add3A_312 = arith.addi %add3A_311, %sub3A_309 : vector<16xi32>
        %select_n3A_313 = arith.select %lt3A_302, %add3A_306, %add3A_312 : vector<16xi1>, vector<16xi32>
        %swap3A_314 = arith.index_cast %scan3A_31 : i32 to index
        %swap3A_315 = arith.constant 112 : index
        %swap3A_316 = tpu.vector_load %arg9[%swap3A_314, %swap3A_315] {strides = array<i32>} : memref<80x128xi32, #tpu.memory_space<vmem>>, vector<1x16xi32>,
        %swap3A_317 = vector.shape_cast %swap3A_316 : vector<1x16xi32> to vector<16xi32>
        %swap3A_318 = vector.shape_cast %select_n3A_313 : vector<16xi32> to vector<1x16xi32>
        tpu.vector_store %arg9[%swap3A_314, %swap3A_315], %swap3A_318 {strides = array<i32>} : memref<80x128xi32, #tpu.memory_space<vmem>>, vector<1x16xi32>,
        %swap3A_319 = arith.index_cast %scan3A_31 : i32 to index
        %swap3A_320 = arith.constant 112 : index
        %swap3A_321 = tpu.vector_load %arg11[%swap3A_319, %swap3A_320] {strides = array<i32>} : memref<80x128xi32, #tpu.memory_space<vmem>>, vector<1x16xi32>,
        %swap3A_322 = vector.shape_cast %swap3A_321 : vector<1x16xi32> to vector<16xi32>
        %swap3A_323 = vector.shape_cast %add3A_299 : vector<16xi32> to vector<1x16xi32>
        tpu.vector_store %arg11[%swap3A_319, %swap3A_320], %swap3A_323 {strides = array<i32>} : memref<80x128xi32, #tpu.memory_space<vmem>>, vector<1x16xi32>,
        %dma_start3A = arith.constant 0 : i32
        %dma_start3A_324 = tpu.memref_slice %arg11[%scan3A_31, %dma_start3A] : memref<80x128xi32, #tpu.memory_space<vmem>> -> memref<1x128xi32, #tpu.memory_space<vmem>>
        %dma_start3A_325 = tpu.memref_squeeze %dma_start3A_324 : memref<1x128xi32, #tpu.memory_space<vmem>> -> memref<128xi32, #tpu.memory_space<vmem>>
        %dma_start3A_326 = arith.constant 0 : i32
        %dma_start3A_327 = tpu.memref_slice %arg9[%scan3A_31, %dma_start3A_326] : memref<80x128xi32, #tpu.memory_space<vmem>> -> memref<1x128xi32, #tpu.memory_space<vmem>>
        %dma_start3A_328 = tpu.memref_squeeze %dma_start3A_327 : memref<1x128xi32, #tpu.memory_space<vmem>> -> memref<128xi32, #tpu.memory_space<vmem>>
        %dma_start3A_329 = arith.constant 0 : i32
        %dma_start3A_330 = tpu.memref_slice %arg6[%dma_start3A_329] : memref<100003840xi32, #tpu.memory_space<hbm>> -> memref<100003840xi32, #tpu.memory_space<hbm>>
        tpu.enqueue_indirect_dma source(%dma_start3A_325 : memref<128xi32, #tpu.memory_space<vmem>>) target(%dma_start3A_330 : memref<100003840xi32, #tpu.memory_space<hbm>>) offsets(%dma_start3A_328 : memref<128xi32, #tpu.memory_space<vmem>>) semaphore(%arg17 : memref<!tpu.dma_semaphore, #tpu.memory_space<semaphore_mem>>)
      }
      %scan3A_24 = arith.constant 80 : i32
      %scan3A_25 = arith.constant 0 : i32
      %scan3A_26 = arith.constant 0 : i32
      %scan3A_27 = arith.constant 80 : i32
      %scan3A_28 = arith.addi %scan3A_26, %scan3A_27 : i32
      %scan3A_29 = arith.constant 1 : i32
      scf.for %scan3A_31 = %scan3A_26 to %scan3A_28 step %scan3A_29  : i32 {
        %dma_wait3A = arith.constant 0 : i32
        %dma_wait3A_32 = tpu.memref_slice %arg11[%scan3A_31, %dma_wait3A] : memref<80x128xi32, #tpu.memory_space<vmem>> -> memref<1x128xi32, #tpu.memory_space<vmem>>
        %dma_wait3A_33 = tpu.memref_squeeze %dma_wait3A_32 : memref<1x128xi32, #tpu.memory_space<vmem>> -> memref<128xi32, #tpu.memory_space<vmem>>
        %dma_wait3A_34 = arith.constant 0 : i32
        %dma_wait3A_35 = tpu.memref_slice %arg9[%scan3A_31, %dma_wait3A_34] : memref<80x128xi32, #tpu.memory_space<vmem>> -> memref<1x128xi32, #tpu.memory_space<vmem>>
        %dma_wait3A_36 = tpu.memref_squeeze %dma_wait3A_35 : memref<1x128xi32, #tpu.memory_space<vmem>> -> memref<128xi32, #tpu.memory_space<vmem>>
        %dma_wait3A_37 = arith.constant 0 : i32
        %dma_wait3A_38 = tpu.memref_slice %arg6[%dma_wait3A_37] : memref<100003840xi32, #tpu.memory_space<hbm>> -> memref<100003840xi32, #tpu.memory_space<hbm>>
        tpu.wait_indirect_dma semaphore(%arg17 : memref<!tpu.dma_semaphore, #tpu.memory_space<semaphore_mem>>) src(%dma_wait3A_33 : memref<128xi32, #tpu.memory_space<vmem>>) dst(%dma_wait3A_38 : memref<100003840xi32, #tpu.memory_space<hbm>>)
      }
      %scan3A_30 = arith.constant 80 : i32
    } else {
    }
    %barrier3A_7 = arith.constant 0 : index
    tpu.barrier barrier_id(%barrier3A_7)
    %eq3A_8 = arith.constant 0 : i32
    %eq3A_9 = arith.cmpi eq, %arg0, %eq3A_8 : i32
    %convert_element_type3A_10 = arith.extui %eq3A_9 : i1 to i32
    %cond3A_11 = arith.constant 0 : i32
    %cond3A_12 = arith.cmpi ne, %convert_element_type3A_10, %cond3A_11 : i32
    scf.if %cond3A_12 {
      %mul3A = arith.constant 80 : i32
      %mul3A_19 = arith.muli %arg1, %mul3A : i32
      %scan3A = arith.constant 0 : i32
      %scan3A_20 = arith.constant 0 : i32
      %scan3A_21 = arith.constant 80 : i32
      %scan3A_22 = arith.addi %scan3A_20, %scan3A_21 : i32
      %scan3A_23 = arith.constant 1 : i32
      scf.for %scan3A_43 = %scan3A_20 to %scan3A_22 step %scan3A_23  : i32 {
        %dma_start3A = arith.constant 0 : i32
        %dma_start3A_44 = tpu.memref_slice %arg12[%scan3A_43, %dma_start3A] : memref<80x128xi32, #tpu.memory_space<vmem>> -> memref<1x128xi32, #tpu.memory_space<vmem>>
        %dma_start3A_45 = tpu.memref_squeeze %dma_start3A_44 : memref<1x128xi32, #tpu.memory_space<vmem>> -> memref<128xi32, #tpu.memory_space<vmem>>
        %dma_start3A_46 = arith.constant 0 : i32
        %dma_start3A_47 = tpu.memref_slice %arg9[%scan3A_43, %dma_start3A_46] : memref<80x128xi32, #tpu.memory_space<vmem>> -> memref<1x128xi32, #tpu.memory_space<vmem>>
        %dma_start3A_48 = tpu.memref_squeeze %dma_start3A_47 : memref<1x128xi32, #tpu.memory_space<vmem>> -> memref<128xi32, #tpu.memory_space<vmem>>
        %dma_start3A_49 = arith.constant 0 : i32
        %dma_start3A_50 = tpu.memref_slice %arg6[%dma_start3A_49] : memref<100003840xi32, #tpu.memory_space<hbm>> -> memref<100003840xi32, #tpu.memory_space<hbm>>
        tpu.enqueue_indirect_dma source(%dma_start3A_50 : memref<100003840xi32, #tpu.memory_space<hbm>>) target(%dma_start3A_45 : memref<128xi32, #tpu.memory_space<vmem>>) offsets(%dma_start3A_48 : memref<128xi32, #tpu.memory_space<vmem>>) semaphore(%arg17 : memref<!tpu.dma_semaphore, #tpu.memory_space<semaphore_mem>>)
      }
      %scan3A_24 = arith.constant 80 : i32
      %scan3A_25 = arith.constant 0 : i32
      %scan3A_26 = arith.constant 0 : i32
      %scan3A_27 = arith.constant 80 : i32
      %scan3A_28 = arith.addi %scan3A_26, %scan3A_27 : i32
      %scan3A_29 = arith.constant 1 : i32
      scf.for %scan3A_43 = %scan3A_26 to %scan3A_28 step %scan3A_29  : i32 {
        %dma_wait3A = arith.constant 0 : i32
        %dma_wait3A_44 = tpu.memref_slice %arg12[%scan3A_43, %dma_wait3A] : memref<80x128xi32, #tpu.memory_space<vmem>> -> memref<1x128xi32, #tpu.memory_space<vmem>>
        %dma_wait3A_45 = tpu.memref_squeeze %dma_wait3A_44 : memref<1x128xi32, #tpu.memory_space<vmem>> -> memref<128xi32, #tpu.memory_space<vmem>>
        %dma_wait3A_46 = arith.constant 0 : i32
        %dma_wait3A_47 = tpu.memref_slice %arg9[%scan3A_43, %dma_wait3A_46] : memref<80x128xi32, #tpu.memory_space<vmem>> -> memref<1x128xi32, #tpu.memory_space<vmem>>
        %dma_wait3A_48 = tpu.memref_squeeze %dma_wait3A_47 : memref<1x128xi32, #tpu.memory_space<vmem>> -> memref<128xi32, #tpu.memory_space<vmem>>
        %dma_wait3A_49 = arith.constant 0 : i32
        %dma_wait3A_50 = tpu.memref_slice %arg6[%dma_wait3A_49] : memref<100003840xi32, #tpu.memory_space<hbm>> -> memref<100003840xi32, #tpu.memory_space<hbm>>
        tpu.wait_indirect_dma semaphore(%arg17 : memref<!tpu.dma_semaphore, #tpu.memory_space<semaphore_mem>>) src(%dma_wait3A_50 : memref<100003840xi32, #tpu.memory_space<hbm>>) dst(%dma_wait3A_45 : memref<128xi32, #tpu.memory_space<vmem>>)
      }
      %scan3A_30 = arith.constant 80 : i32
      %scan3A_31 = arith.constant 0 : i32
      %scan3A_32 = arith.constant 0 : i32
      %scan3A_33 = arith.constant 80 : i32
      %scan3A_34 = arith.addi %scan3A_32, %scan3A_33 : i32
      %scan3A_35 = arith.constant 1 : i32
      scf.for %scan3A_43 = %scan3A_32 to %scan3A_34 step %scan3A_35  : i32 {
        %add3A = arith.addi %mul3A_19, %scan3A_43 : i32
        %mul3A_44 = arith.constant 128 : i32
        %mul3A_45 = arith.muli %add3A, %mul3A_44 : i32
        %get3A = arith.index_cast %scan3A_43 : i32 to index
        %get3A_46 = arith.constant 0 : index
        %get3A_47 = tpu.vector_load %arg7[%get3A, %get3A_46] {strides = array<i32>} : memref<80x128xi32, #tpu.memory_space<vmem>>, vector<1x16xi32>,
        %get3A_48 = vector.shape_cast %get3A_47 : vector<1x16xi32> to vector<16xi32>
        %get3A_49 = arith.index_cast %scan3A_43 : i32 to index
        %get3A_50 = arith.constant 0 : index
        %get3A_51 = tpu.vector_load %arg8[%get3A_49, %get3A_50] {strides = array<i32>} : memref<80x128xi32, #tpu.memory_space<vmem>>, vector<1x16xi32>,
        %get3A_52 = vector.shape_cast %get3A_51 : vector<1x16xi32> to vector<16xi32>
        %get3A_53 = arith.index_cast %scan3A_43 : i32 to index
        %get3A_54 = arith.constant 0 : index
        %get3A_55 = tpu.vector_load %arg12[%get3A_53, %get3A_54] {strides = array<i32>} : memref<80x128xi32, #tpu.memory_space<vmem>>, vector<1x16xi32>,
        %get3A_56 = vector.shape_cast %get3A_55 : vector<1x16xi32> to vector<16xi32>
        %add3A_57 = arith.constant 0 : i32
        %add3A_58 = arith.addi %mul3A_45, %add3A_57 : i32
        %iota3A = tpu.iota {dimensions = array<i32: 0>} : vector<16xi32>
        %add3A_59 = vector.broadcast %add3A_58 : i32 to vector<16xi32>
        %add3A_60 = arith.addi %add3A_59, %iota3A : vector<16xi32>
        %eq3A_61 = arith.cmpi eq, %get3A_56, %add3A_60 : vector<16xi32>
        %lt3A = arith.constant 160000 : i32
        %lt3A_62 = vector.broadcast %lt3A : i32 to vector<16xi32>
        %lt3A_63 = arith.cmpi slt, %add3A_60, %lt3A_62 : vector<16xi32>
        %and3A = arith.andi %eq3A_61, %lt3A_63 : vector<16xi1>
        %jit3A = arith.constant 10000 : i32
        %broadcast_in_dim3A = vector.broadcast %jit3A : i32 to vector<16xi32>
        %select_n3A = arith.select %and3A, %get3A_52, %broadcast_in_dim3A : vector<16xi1>, vector<16xi32>
        %swap3A = arith.index_cast %scan3A_43 : i32 to index
        %swap3A_64 = arith.constant 0 : index
        %swap3A_65 = tpu.vector_load %arg13[%swap3A, %swap3A_64] {strides = array<i32>} : memref<80x128xi32, #tpu.memory_space<vmem>>, vector<1x16xi32>,
        %swap3A_66 = vector.shape_cast %swap3A_65 : vector<1x16xi32> to vector<16xi32>
        %swap3A_67 = vector.shape_cast %select_n3A : vector<16xi32> to vector<1x16xi32>
        tpu.vector_store %arg13[%swap3A, %swap3A_64], %swap3A_67 {strides = array<i32>} : memref<80x128xi32, #tpu.memory_space<vmem>>, vector<1x16xi32>,
        %mul3A_68 = arith.constant 16384 : i32
        %mul3A_69 = vector.broadcast %mul3A_68 : i32 to vector<16xi32>
        %mul3A_70 = arith.muli %get3A_48, %mul3A_69 : vector<16xi32>
        %add3A_71 = arith.addi %mul3A_70, %select_n3A : vector<16xi32>
        %swap3A_72 = arith.index_cast %scan3A_43 : i32 to index
        %swap3A_73 = arith.constant 0 : index
        %swap3A_74 = tpu.vector_load %arg10[%swap3A_72, %swap3A_73] {strides = array<i32>} : memref<80x128xi32, #tpu.memory_space<vmem>>, vector<1x16xi32>,
        %swap3A_75 = vector.shape_cast %swap3A_74 : vector<1x16xi32> to vector<16xi32>
        %swap3A_76 = vector.shape_cast %add3A_71 : vector<16xi32> to vector<1x16xi32>
        tpu.vector_store %arg10[%swap3A_72, %swap3A_73], %swap3A_76 {strides = array<i32>} : memref<80x128xi32, #tpu.memory_space<vmem>>, vector<1x16xi32>,
        %get3A_77 = arith.index_cast %scan3A_43 : i32 to index
        %get3A_78 = arith.constant 16 : index
        %get3A_79 = tpu.vector_load %arg7[%get3A_77, %get3A_78] {strides = array<i32>} : memref<80x128xi32, #tpu.memory_space<vmem>>, vector<1x16xi32>,
        %get3A_80 = vector.shape_cast %get3A_79 : vector<1x16xi32> to vector<16xi32>
        %get3A_81 = arith.index_cast %scan3A_43 : i32 to index
        %get3A_82 = arith.constant 16 : index
        %get3A_83 = tpu.vector_load %arg8[%get3A_81, %get3A_82] {strides = array<i32>} : memref<80x128xi32, #tpu.memory_space<vmem>>, vector<1x16xi32>,
        %get3A_84 = vector.shape_cast %get3A_83 : vector<1x16xi32> to vector<16xi32>
        %get3A_85 = arith.index_cast %scan3A_43 : i32 to index
        %get3A_86 = arith.constant 16 : index
        %get3A_87 = tpu.vector_load %arg12[%get3A_85, %get3A_86] {strides = array<i32>} : memref<80x128xi32, #tpu.memory_space<vmem>>, vector<1x16xi32>,
        %get3A_88 = vector.shape_cast %get3A_87 : vector<1x16xi32> to vector<16xi32>
        %add3A_89 = arith.constant 16 : i32
        %add3A_90 = arith.addi %mul3A_45, %add3A_89 : i32
        %iota3A_91 = tpu.iota {dimensions = array<i32: 0>} : vector<16xi32>
        %add3A_92 = vector.broadcast %add3A_90 : i32 to vector<16xi32>
        %add3A_93 = arith.addi %add3A_92, %iota3A_91 : vector<16xi32>
        %eq3A_94 = arith.cmpi eq, %get3A_88, %add3A_93 : vector<16xi32>
        %lt3A_95 = arith.constant 160000 : i32
        %lt3A_96 = vector.broadcast %lt3A_95 : i32 to vector<16xi32>
        %lt3A_97 = arith.cmpi slt, %add3A_93, %lt3A_96 : vector<16xi32>
        %and3A_98 = arith.andi %eq3A_94, %lt3A_97 : vector<16xi1>
        %jit3A_99 = arith.constant 10000 : i32
        %broadcast_in_dim3A_100 = vector.broadcast %jit3A_99 : i32 to vector<16xi32>
        %select_n3A_101 = arith.select %and3A_98, %get3A_84, %broadcast_in_dim3A_100 : vector<16xi1>, vector<16xi32>
        %swap3A_102 = arith.index_cast %scan3A_43 : i32 to index
        %swap3A_103 = arith.constant 16 : index
        %swap3A_104 = tpu.vector_load %arg13[%swap3A_102, %swap3A_103] {strides = array<i32>} : memref<80x128xi32, #tpu.memory_space<vmem>>, vector<1x16xi32>,
        %swap3A_105 = vector.shape_cast %swap3A_104 : vector<1x16xi32> to vector<16xi32>
        %swap3A_106 = vector.shape_cast %select_n3A_101 : vector<16xi32> to vector<1x16xi32>
        tpu.vector_store %arg13[%swap3A_102, %swap3A_103], %swap3A_106 {strides = array<i32>} : memref<80x128xi32, #tpu.memory_space<vmem>>, vector<1x16xi32>,
        %mul3A_107 = arith.constant 16384 : i32
        %mul3A_108 = vector.broadcast %mul3A_107 : i32 to vector<16xi32>
        %mul3A_109 = arith.muli %get3A_80, %mul3A_108 : vector<16xi32>
        %add3A_110 = arith.addi %mul3A_109, %select_n3A_101 : vector<16xi32>
        %swap3A_111 = arith.index_cast %scan3A_43 : i32 to index
        %swap3A_112 = arith.constant 16 : index
        %swap3A_113 = tpu.vector_load %arg10[%swap3A_111, %swap3A_112] {strides = array<i32>} : memref<80x128xi32, #tpu.memory_space<vmem>>, vector<1x16xi32>,
        %swap3A_114 = vector.shape_cast %swap3A_113 : vector<1x16xi32> to vector<16xi32>
        %swap3A_115 = vector.shape_cast %add3A_110 : vector<16xi32> to vector<1x16xi32>
        tpu.vector_store %arg10[%swap3A_111, %swap3A_112], %swap3A_115 {strides = array<i32>} : memref<80x128xi32, #tpu.memory_space<vmem>>, vector<1x16xi32>,
        %get3A_116 = arith.index_cast %scan3A_43 : i32 to index
        %get3A_117 = arith.constant 32 : index
        %get3A_118 = tpu.vector_load %arg7[%get3A_116, %get3A_117] {strides = array<i32>} : memref<80x128xi32, #tpu.memory_space<vmem>>, vector<1x16xi32>,
        %get3A_119 = vector.shape_cast %get3A_118 : vector<1x16xi32> to vector<16xi32>
        %get3A_120 = arith.index_cast %scan3A_43 : i32 to index
        %get3A_121 = arith.constant 32 : index
        %get3A_122 = tpu.vector_load %arg8[%get3A_120, %get3A_121] {strides = array<i32>} : memref<80x128xi32, #tpu.memory_space<vmem>>, vector<1x16xi32>,
        %get3A_123 = vector.shape_cast %get3A_122 : vector<1x16xi32> to vector<16xi32>
        %get3A_124 = arith.index_cast %scan3A_43 : i32 to index
        %get3A_125 = arith.constant 32 : index
        %get3A_126 = tpu.vector_load %arg12[%get3A_124, %get3A_125] {strides = array<i32>} : memref<80x128xi32, #tpu.memory_space<vmem>>, vector<1x16xi32>,
        %get3A_127 = vector.shape_cast %get3A_126 : vector<1x16xi32> to vector<16xi32>
        %add3A_128 = arith.constant 32 : i32
        %add3A_129 = arith.addi %mul3A_45, %add3A_128 : i32
        %iota3A_130 = tpu.iota {dimensions = array<i32: 0>} : vector<16xi32>
        %add3A_131 = vector.broadcast %add3A_129 : i32 to vector<16xi32>
        %add3A_132 = arith.addi %add3A_131, %iota3A_130 : vector<16xi32>
        %eq3A_133 = arith.cmpi eq, %get3A_127, %add3A_132 : vector<16xi32>
        %lt3A_134 = arith.constant 160000 : i32
        %lt3A_135 = vector.broadcast %lt3A_134 : i32 to vector<16xi32>
        %lt3A_136 = arith.cmpi slt, %add3A_132, %lt3A_135 : vector<16xi32>
        %and3A_137 = arith.andi %eq3A_133, %lt3A_136 : vector<16xi1>
        %jit3A_138 = arith.constant 10000 : i32
        %broadcast_in_dim3A_139 = vector.broadcast %jit3A_138 : i32 to vector<16xi32>
        %select_n3A_140 = arith.select %and3A_137, %get3A_123, %broadcast_in_dim3A_139 : vector<16xi1>, vector<16xi32>
        %swap3A_141 = arith.index_cast %scan3A_43 : i32 to index
        %swap3A_142 = arith.constant 32 : index
        %swap3A_143 = tpu.vector_load %arg13[%swap3A_141, %swap3A_142] {strides = array<i32>} : memref<80x128xi32, #tpu.memory_space<vmem>>, vector<1x16xi32>,
        %swap3A_144 = vector.shape_cast %swap3A_143 : vector<1x16xi32> to vector<16xi32>
        %swap3A_145 = vector.shape_cast %select_n3A_140 : vector<16xi32> to vector<1x16xi32>
        tpu.vector_store %arg13[%swap3A_141, %swap3A_142], %swap3A_145 {strides = array<i32>} : memref<80x128xi32, #tpu.memory_space<vmem>>, vector<1x16xi32>,
        %mul3A_146 = arith.constant 16384 : i32
        %mul3A_147 = vector.broadcast %mul3A_146 : i32 to vector<16xi32>
        %mul3A_148 = arith.muli %get3A_119, %mul3A_147 : vector<16xi32>
        %add3A_149 = arith.addi %mul3A_148, %select_n3A_140 : vector<16xi32>
        %swap3A_150 = arith.index_cast %scan3A_43 : i32 to index
        %swap3A_151 = arith.constant 32 : index
        %swap3A_152 = tpu.vector_load %arg10[%swap3A_150, %swap3A_151] {strides = array<i32>} : memref<80x128xi32, #tpu.memory_space<vmem>>, vector<1x16xi32>,
        %swap3A_153 = vector.shape_cast %swap3A_152 : vector<1x16xi32> to vector<16xi32>
        %swap3A_154 = vector.shape_cast %add3A_149 : vector<16xi32> to vector<1x16xi32>
        tpu.vector_store %arg10[%swap3A_150, %swap3A_151], %swap3A_154 {strides = array<i32>} : memref<80x128xi32, #tpu.memory_space<vmem>>, vector<1x16xi32>,
        %get3A_155 = arith.index_cast %scan3A_43 : i32 to index
        %get3A_156 = arith.constant 48 : index
        %get3A_157 = tpu.vector_load %arg7[%get3A_155, %get3A_156] {strides = array<i32>} : memref<80x128xi32, #tpu.memory_space<vmem>>, vector<1x16xi32>,
        %get3A_158 = vector.shape_cast %get3A_157 : vector<1x16xi32> to vector<16xi32>
        %get3A_159 = arith.index_cast %scan3A_43 : i32 to index
        %get3A_160 = arith.constant 48 : index
        %get3A_161 = tpu.vector_load %arg8[%get3A_159, %get3A_160] {strides = array<i32>} : memref<80x128xi32, #tpu.memory_space<vmem>>, vector<1x16xi32>,
        %get3A_162 = vector.shape_cast %get3A_161 : vector<1x16xi32> to vector<16xi32>
        %get3A_163 = arith.index_cast %scan3A_43 : i32 to index
        %get3A_164 = arith.constant 48 : index
        %get3A_165 = tpu.vector_load %arg12[%get3A_163, %get3A_164] {strides = array<i32>} : memref<80x128xi32, #tpu.memory_space<vmem>>, vector<1x16xi32>,
        %get3A_166 = vector.shape_cast %get3A_165 : vector<1x16xi32> to vector<16xi32>
        %add3A_167 = arith.constant 48 : i32
        %add3A_168 = arith.addi %mul3A_45, %add3A_167 : i32
        %iota3A_169 = tpu.iota {dimensions = array<i32: 0>} : vector<16xi32>
        %add3A_170 = vector.broadcast %add3A_168 : i32 to vector<16xi32>
        %add3A_171 = arith.addi %add3A_170, %iota3A_169 : vector<16xi32>
        %eq3A_172 = arith.cmpi eq, %get3A_166, %add3A_171 : vector<16xi32>
        %lt3A_173 = arith.constant 160000 : i32
        %lt3A_174 = vector.broadcast %lt3A_173 : i32 to vector<16xi32>
        %lt3A_175 = arith.cmpi slt, %add3A_171, %lt3A_174 : vector<16xi32>
        %and3A_176 = arith.andi %eq3A_172, %lt3A_175 : vector<16xi1>
        %jit3A_177 = arith.constant 10000 : i32
        %broadcast_in_dim3A_178 = vector.broadcast %jit3A_177 : i32 to vector<16xi32>
        %select_n3A_179 = arith.select %and3A_176, %get3A_162, %broadcast_in_dim3A_178 : vector<16xi1>, vector<16xi32>
        %swap3A_180 = arith.index_cast %scan3A_43 : i32 to index
        %swap3A_181 = arith.constant 48 : index
        %swap3A_182 = tpu.vector_load %arg13[%swap3A_180, %swap3A_181] {strides = array<i32>} : memref<80x128xi32, #tpu.memory_space<vmem>>, vector<1x16xi32>,
        %swap3A_183 = vector.shape_cast %swap3A_182 : vector<1x16xi32> to vector<16xi32>
        %swap3A_184 = vector.shape_cast %select_n3A_179 : vector<16xi32> to vector<1x16xi32>
        tpu.vector_store %arg13[%swap3A_180, %swap3A_181], %swap3A_184 {strides = array<i32>} : memref<80x128xi32, #tpu.memory_space<vmem>>, vector<1x16xi32>,
        %mul3A_185 = arith.constant 16384 : i32
        %mul3A_186 = vector.broadcast %mul3A_185 : i32 to vector<16xi32>
        %mul3A_187 = arith.muli %get3A_158, %mul3A_186 : vector<16xi32>
        %add3A_188 = arith.addi %mul3A_187, %select_n3A_179 : vector<16xi32>
        %swap3A_189 = arith.index_cast %scan3A_43 : i32 to index
        %swap3A_190 = arith.constant 48 : index
        %swap3A_191 = tpu.vector_load %arg10[%swap3A_189, %swap3A_190] {strides = array<i32>} : memref<80x128xi32, #tpu.memory_space<vmem>>, vector<1x16xi32>,
        %swap3A_192 = vector.shape_cast %swap3A_191 : vector<1x16xi32> to vector<16xi32>
        %swap3A_193 = vector.shape_cast %add3A_188 : vector<16xi32> to vector<1x16xi32>
        tpu.vector_store %arg10[%swap3A_189, %swap3A_190], %swap3A_193 {strides = array<i32>} : memref<80x128xi32, #tpu.memory_space<vmem>>, vector<1x16xi32>,
        %get3A_194 = arith.index_cast %scan3A_43 : i32 to index
        %get3A_195 = arith.constant 64 : index
        %get3A_196 = tpu.vector_load %arg7[%get3A_194, %get3A_195] {strides = array<i32>} : memref<80x128xi32, #tpu.memory_space<vmem>>, vector<1x16xi32>,
        %get3A_197 = vector.shape_cast %get3A_196 : vector<1x16xi32> to vector<16xi32>
        %get3A_198 = arith.index_cast %scan3A_43 : i32 to index
        %get3A_199 = arith.constant 64 : index
        %get3A_200 = tpu.vector_load %arg8[%get3A_198, %get3A_199] {strides = array<i32>} : memref<80x128xi32, #tpu.memory_space<vmem>>, vector<1x16xi32>,
        %get3A_201 = vector.shape_cast %get3A_200 : vector<1x16xi32> to vector<16xi32>
        %get3A_202 = arith.index_cast %scan3A_43 : i32 to index
        %get3A_203 = arith.constant 64 : index
        %get3A_204 = tpu.vector_load %arg12[%get3A_202, %get3A_203] {strides = array<i32>} : memref<80x128xi32, #tpu.memory_space<vmem>>, vector<1x16xi32>,
        %get3A_205 = vector.shape_cast %get3A_204 : vector<1x16xi32> to vector<16xi32>
        %add3A_206 = arith.constant 64 : i32
        %add3A_207 = arith.addi %mul3A_45, %add3A_206 : i32
        %iota3A_208 = tpu.iota {dimensions = array<i32: 0>} : vector<16xi32>
        %add3A_209 = vector.broadcast %add3A_207 : i32 to vector<16xi32>
        %add3A_210 = arith.addi %add3A_209, %iota3A_208 : vector<16xi32>
        %eq3A_211 = arith.cmpi eq, %get3A_205, %add3A_210 : vector<16xi32>
        %lt3A_212 = arith.constant 160000 : i32
        %lt3A_213 = vector.broadcast %lt3A_212 : i32 to vector<16xi32>
        %lt3A_214 = arith.cmpi slt, %add3A_210, %lt3A_213 : vector<16xi32>
        %and3A_215 = arith.andi %eq3A_211, %lt3A_214 : vector<16xi1>
        %jit3A_216 = arith.constant 10000 : i32
        %broadcast_in_dim3A_217 = vector.broadcast %jit3A_216 : i32 to vector<16xi32>
        %select_n3A_218 = arith.select %and3A_215, %get3A_201, %broadcast_in_dim3A_217 : vector<16xi1>, vector<16xi32>
        %swap3A_219 = arith.index_cast %scan3A_43 : i32 to index
        %swap3A_220 = arith.constant 64 : index
        %swap3A_221 = tpu.vector_load %arg13[%swap3A_219, %swap3A_220] {strides = array<i32>} : memref<80x128xi32, #tpu.memory_space<vmem>>, vector<1x16xi32>,
        %swap3A_222 = vector.shape_cast %swap3A_221 : vector<1x16xi32> to vector<16xi32>
        %swap3A_223 = vector.shape_cast %select_n3A_218 : vector<16xi32> to vector<1x16xi32>
        tpu.vector_store %arg13[%swap3A_219, %swap3A_220], %swap3A_223 {strides = array<i32>} : memref<80x128xi32, #tpu.memory_space<vmem>>, vector<1x16xi32>,
        %mul3A_224 = arith.constant 16384 : i32
        %mul3A_225 = vector.broadcast %mul3A_224 : i32 to vector<16xi32>
        %mul3A_226 = arith.muli %get3A_197, %mul3A_225 : vector<16xi32>
        %add3A_227 = arith.addi %mul3A_226, %select_n3A_218 : vector<16xi32>
        %swap3A_228 = arith.index_cast %scan3A_43 : i32 to index
        %swap3A_229 = arith.constant 64 : index
        %swap3A_230 = tpu.vector_load %arg10[%swap3A_228, %swap3A_229] {strides = array<i32>} : memref<80x128xi32, #tpu.memory_space<vmem>>, vector<1x16xi32>,
        %swap3A_231 = vector.shape_cast %swap3A_230 : vector<1x16xi32> to vector<16xi32>
        %swap3A_232 = vector.shape_cast %add3A_227 : vector<16xi32> to vector<1x16xi32>
        tpu.vector_store %arg10[%swap3A_228, %swap3A_229], %swap3A_232 {strides = array<i32>} : memref<80x128xi32, #tpu.memory_space<vmem>>, vector<1x16xi32>,
        %get3A_233 = arith.index_cast %scan3A_43 : i32 to index
        %get3A_234 = arith.constant 80 : index
        %get3A_235 = tpu.vector_load %arg7[%get3A_233, %get3A_234] {strides = array<i32>} : memref<80x128xi32, #tpu.memory_space<vmem>>, vector<1x16xi32>,
        %get3A_236 = vector.shape_cast %get3A_235 : vector<1x16xi32> to vector<16xi32>
        %get3A_237 = arith.index_cast %scan3A_43 : i32 to index
        %get3A_238 = arith.constant 80 : index
        %get3A_239 = tpu.vector_load %arg8[%get3A_237, %get3A_238] {strides = array<i32>} : memref<80x128xi32, #tpu.memory_space<vmem>>, vector<1x16xi32>,
        %get3A_240 = vector.shape_cast %get3A_239 : vector<1x16xi32> to vector<16xi32>
        %get3A_241 = arith.index_cast %scan3A_43 : i32 to index
        %get3A_242 = arith.constant 80 : index
        %get3A_243 = tpu.vector_load %arg12[%get3A_241, %get3A_242] {strides = array<i32>} : memref<80x128xi32, #tpu.memory_space<vmem>>, vector<1x16xi32>,
        %get3A_244 = vector.shape_cast %get3A_243 : vector<1x16xi32> to vector<16xi32>
        %add3A_245 = arith.constant 80 : i32
        %add3A_246 = arith.addi %mul3A_45, %add3A_245 : i32
        %iota3A_247 = tpu.iota {dimensions = array<i32: 0>} : vector<16xi32>
        %add3A_248 = vector.broadcast %add3A_246 : i32 to vector<16xi32>
        %add3A_249 = arith.addi %add3A_248, %iota3A_247 : vector<16xi32>
        %eq3A_250 = arith.cmpi eq, %get3A_244, %add3A_249 : vector<16xi32>
        %lt3A_251 = arith.constant 160000 : i32
        %lt3A_252 = vector.broadcast %lt3A_251 : i32 to vector<16xi32>
        %lt3A_253 = arith.cmpi slt, %add3A_249, %lt3A_252 : vector<16xi32>
        %and3A_254 = arith.andi %eq3A_250, %lt3A_253 : vector<16xi1>
        %jit3A_255 = arith.constant 10000 : i32
        %broadcast_in_dim3A_256 = vector.broadcast %jit3A_255 : i32 to vector<16xi32>
        %select_n3A_257 = arith.select %and3A_254, %get3A_240, %broadcast_in_dim3A_256 : vector<16xi1>, vector<16xi32>
        %swap3A_258 = arith.index_cast %scan3A_43 : i32 to index
        %swap3A_259 = arith.constant 80 : index
        %swap3A_260 = tpu.vector_load %arg13[%swap3A_258, %swap3A_259] {strides = array<i32>} : memref<80x128xi32, #tpu.memory_space<vmem>>, vector<1x16xi32>,
        %swap3A_261 = vector.shape_cast %swap3A_260 : vector<1x16xi32> to vector<16xi32>
        %swap3A_262 = vector.shape_cast %select_n3A_257 : vector<16xi32> to vector<1x16xi32>
        tpu.vector_store %arg13[%swap3A_258, %swap3A_259], %swap3A_262 {strides = array<i32>} : memref<80x128xi32, #tpu.memory_space<vmem>>, vector<1x16xi32>,
        %mul3A_263 = arith.constant 16384 : i32
        %mul3A_264 = vector.broadcast %mul3A_263 : i32 to vector<16xi32>
        %mul3A_265 = arith.muli %get3A_236, %mul3A_264 : vector<16xi32>
        %add3A_266 = arith.addi %mul3A_265, %select_n3A_257 : vector<16xi32>
        %swap3A_267 = arith.index_cast %scan3A_43 : i32 to index
        %swap3A_268 = arith.constant 80 : index
        %swap3A_269 = tpu.vector_load %arg10[%swap3A_267, %swap3A_268] {strides = array<i32>} : memref<80x128xi32, #tpu.memory_space<vmem>>, vector<1x16xi32>,
        %swap3A_270 = vector.shape_cast %swap3A_269 : vector<1x16xi32> to vector<16xi32>
        %swap3A_271 = vector.shape_cast %add3A_266 : vector<16xi32> to vector<1x16xi32>
        tpu.vector_store %arg10[%swap3A_267, %swap3A_268], %swap3A_271 {strides = array<i32>} : memref<80x128xi32, #tpu.memory_space<vmem>>, vector<1x16xi32>,
        %get3A_272 = arith.index_cast %scan3A_43 : i32 to index
        %get3A_273 = arith.constant 96 : index
        %get3A_274 = tpu.vector_load %arg7[%get3A_272, %get3A_273] {strides = array<i32>} : memref<80x128xi32, #tpu.memory_space<vmem>>, vector<1x16xi32>,
        %get3A_275 = vector.shape_cast %get3A_274 : vector<1x16xi32> to vector<16xi32>
        %get3A_276 = arith.index_cast %scan3A_43 : i32 to index
        %get3A_277 = arith.constant 96 : index
        %get3A_278 = tpu.vector_load %arg8[%get3A_276, %get3A_277] {strides = array<i32>} : memref<80x128xi32, #tpu.memory_space<vmem>>, vector<1x16xi32>,
        %get3A_279 = vector.shape_cast %get3A_278 : vector<1x16xi32> to vector<16xi32>
        %get3A_280 = arith.index_cast %scan3A_43 : i32 to index
        %get3A_281 = arith.constant 96 : index
        %get3A_282 = tpu.vector_load %arg12[%get3A_280, %get3A_281] {strides = array<i32>} : memref<80x128xi32, #tpu.memory_space<vmem>>, vector<1x16xi32>,
        %get3A_283 = vector.shape_cast %get3A_282 : vector<1x16xi32> to vector<16xi32>
        %add3A_284 = arith.constant 96 : i32
        %add3A_285 = arith.addi %mul3A_45, %add3A_284 : i32
        %iota3A_286 = tpu.iota {dimensions = array<i32: 0>} : vector<16xi32>
        %add3A_287 = vector.broadcast %add3A_285 : i32 to vector<16xi32>
        %add3A_288 = arith.addi %add3A_287, %iota3A_286 : vector<16xi32>
        %eq3A_289 = arith.cmpi eq, %get3A_283, %add3A_288 : vector<16xi32>
        %lt3A_290 = arith.constant 160000 : i32
        %lt3A_291 = vector.broadcast %lt3A_290 : i32 to vector<16xi32>
        %lt3A_292 = arith.cmpi slt, %add3A_288, %lt3A_291 : vector<16xi32>
        %and3A_293 = arith.andi %eq3A_289, %lt3A_292 : vector<16xi1>
        %jit3A_294 = arith.constant 10000 : i32
        %broadcast_in_dim3A_295 = vector.broadcast %jit3A_294 : i32 to vector<16xi32>
        %select_n3A_296 = arith.select %and3A_293, %get3A_279, %broadcast_in_dim3A_295 : vector<16xi1>, vector<16xi32>
        %swap3A_297 = arith.index_cast %scan3A_43 : i32 to index
        %swap3A_298 = arith.constant 96 : index
        %swap3A_299 = tpu.vector_load %arg13[%swap3A_297, %swap3A_298] {strides = array<i32>} : memref<80x128xi32, #tpu.memory_space<vmem>>, vector<1x16xi32>,
        %swap3A_300 = vector.shape_cast %swap3A_299 : vector<1x16xi32> to vector<16xi32>
        %swap3A_301 = vector.shape_cast %select_n3A_296 : vector<16xi32> to vector<1x16xi32>
        tpu.vector_store %arg13[%swap3A_297, %swap3A_298], %swap3A_301 {strides = array<i32>} : memref<80x128xi32, #tpu.memory_space<vmem>>, vector<1x16xi32>,
        %mul3A_302 = arith.constant 16384 : i32
        %mul3A_303 = vector.broadcast %mul3A_302 : i32 to vector<16xi32>
        %mul3A_304 = arith.muli %get3A_275, %mul3A_303 : vector<16xi32>
        %add3A_305 = arith.addi %mul3A_304, %select_n3A_296 : vector<16xi32>
        %swap3A_306 = arith.index_cast %scan3A_43 : i32 to index
        %swap3A_307 = arith.constant 96 : index
        %swap3A_308 = tpu.vector_load %arg10[%swap3A_306, %swap3A_307] {strides = array<i32>} : memref<80x128xi32, #tpu.memory_space<vmem>>, vector<1x16xi32>,
        %swap3A_309 = vector.shape_cast %swap3A_308 : vector<1x16xi32> to vector<16xi32>
        %swap3A_310 = vector.shape_cast %add3A_305 : vector<16xi32> to vector<1x16xi32>
        tpu.vector_store %arg10[%swap3A_306, %swap3A_307], %swap3A_310 {strides = array<i32>} : memref<80x128xi32, #tpu.memory_space<vmem>>, vector<1x16xi32>,
        %get3A_311 = arith.index_cast %scan3A_43 : i32 to index
        %get3A_312 = arith.constant 112 : index
        %get3A_313 = tpu.vector_load %arg7[%get3A_311, %get3A_312] {strides = array<i32>} : memref<80x128xi32, #tpu.memory_space<vmem>>, vector<1x16xi32>,
        %get3A_314 = vector.shape_cast %get3A_313 : vector<1x16xi32> to vector<16xi32>
        %get3A_315 = arith.index_cast %scan3A_43 : i32 to index
        %get3A_316 = arith.constant 112 : index
        %get3A_317 = tpu.vector_load %arg8[%get3A_315, %get3A_316] {strides = array<i32>} : memref<80x128xi32, #tpu.memory_space<vmem>>, vector<1x16xi32>,
        %get3A_318 = vector.shape_cast %get3A_317 : vector<1x16xi32> to vector<16xi32>
        %get3A_319 = arith.index_cast %scan3A_43 : i32 to index
        %get3A_320 = arith.constant 112 : index
        %get3A_321 = tpu.vector_load %arg12[%get3A_319, %get3A_320] {strides = array<i32>} : memref<80x128xi32, #tpu.memory_space<vmem>>, vector<1x16xi32>,
        %get3A_322 = vector.shape_cast %get3A_321 : vector<1x16xi32> to vector<16xi32>
        %add3A_323 = arith.constant 112 : i32
        %add3A_324 = arith.addi %mul3A_45, %add3A_323 : i32
        %iota3A_325 = tpu.iota {dimensions = array<i32: 0>} : vector<16xi32>
        %add3A_326 = vector.broadcast %add3A_324 : i32 to vector<16xi32>
        %add3A_327 = arith.addi %add3A_326, %iota3A_325 : vector<16xi32>
        %eq3A_328 = arith.cmpi eq, %get3A_322, %add3A_327 : vector<16xi32>
        %lt3A_329 = arith.constant 160000 : i32
        %lt3A_330 = vector.broadcast %lt3A_329 : i32 to vector<16xi32>
        %lt3A_331 = arith.cmpi slt, %add3A_327, %lt3A_330 : vector<16xi32>
        %and3A_332 = arith.andi %eq3A_328, %lt3A_331 : vector<16xi1>
        %jit3A_333 = arith.constant 10000 : i32
        %broadcast_in_dim3A_334 = vector.broadcast %jit3A_333 : i32 to vector<16xi32>
        %select_n3A_335 = arith.select %and3A_332, %get3A_318, %broadcast_in_dim3A_334 : vector<16xi1>, vector<16xi32>
        %swap3A_336 = arith.index_cast %scan3A_43 : i32 to index
        %swap3A_337 = arith.constant 112 : index
        %swap3A_338 = tpu.vector_load %arg13[%swap3A_336, %swap3A_337] {strides = array<i32>} : memref<80x128xi32, #tpu.memory_space<vmem>>, vector<1x16xi32>,
        %swap3A_339 = vector.shape_cast %swap3A_338 : vector<1x16xi32> to vector<16xi32>
        %swap3A_340 = vector.shape_cast %select_n3A_335 : vector<16xi32> to vector<1x16xi32>
        tpu.vector_store %arg13[%swap3A_336, %swap3A_337], %swap3A_340 {strides = array<i32>} : memref<80x128xi32, #tpu.memory_space<vmem>>, vector<1x16xi32>,
        %mul3A_341 = arith.constant 16384 : i32
        %mul3A_342 = vector.broadcast %mul3A_341 : i32 to vector<16xi32>
        %mul3A_343 = arith.muli %get3A_314, %mul3A_342 : vector<16xi32>
        %add3A_344 = arith.addi %mul3A_343, %select_n3A_335 : vector<16xi32>
        %swap3A_345 = arith.index_cast %scan3A_43 : i32 to index
        %swap3A_346 = arith.constant 112 : index
        %swap3A_347 = tpu.vector_load %arg10[%swap3A_345, %swap3A_346] {strides = array<i32>} : memref<80x128xi32, #tpu.memory_space<vmem>>, vector<1x16xi32>,
        %swap3A_348 = vector.shape_cast %swap3A_347 : vector<1x16xi32> to vector<16xi32>
        %swap3A_349 = vector.shape_cast %add3A_344 : vector<16xi32> to vector<1x16xi32>
        tpu.vector_store %arg10[%swap3A_345, %swap3A_346], %swap3A_349 {strides = array<i32>} : memref<80x128xi32, #tpu.memory_space<vmem>>, vector<1x16xi32>,
        %dma_start3A = arith.constant 0 : i32
        %dma_start3A_350 = tpu.memref_slice %arg13[%scan3A_43, %dma_start3A] : memref<80x128xi32, #tpu.memory_space<vmem>> -> memref<1x128xi32, #tpu.memory_space<vmem>>
        %dma_start3A_351 = tpu.memref_squeeze %dma_start3A_350 : memref<1x128xi32, #tpu.memory_space<vmem>> -> memref<128xi32, #tpu.memory_space<vmem>>
        %dma_start3A_352 = arith.constant 0 : i32
        %dma_start3A_353 = tpu.memref_slice %arg16[%dma_start3A_352] : memref<10240xf32, #tpu.memory_space<vmem_shared>> -> memref<10240xf32, #tpu.memory_space<vmem_shared>>
        tpu.enqueue_indirect_dma source(%arg14 : memref<128xf32, #tpu.memory_space<vmem>>) target(%dma_start3A_353 : memref<10240xf32, #tpu.memory_space<vmem_shared>>) offsets(%dma_start3A_351 : memref<128xi32, #tpu.memory_space<vmem>>) semaphore(%arg17 : memref<!tpu.dma_semaphore, #tpu.memory_space<semaphore_mem>>) {add = true}
      }
      %scan3A_36 = arith.constant 80 : i32
      %scan3A_37 = arith.constant 0 : i32
      %scan3A_38 = arith.constant 0 : i32
      %scan3A_39 = arith.constant 80 : i32
      %scan3A_40 = arith.addi %scan3A_38, %scan3A_39 : i32
      %scan3A_41 = arith.constant 1 : i32
      scf.for %scan3A_43 = %scan3A_38 to %scan3A_40 step %scan3A_41  : i32 {
        %dma_wait3A = arith.constant 0 : i32
        %dma_wait3A_44 = tpu.memref_slice %arg13[%scan3A_43, %dma_wait3A] : memref<80x128xi32, #tpu.memory_space<vmem>> -> memref<1x128xi32, #tpu.memory_space<vmem>>
        %dma_wait3A_45 = tpu.memref_squeeze %dma_wait3A_44 : memref<1x128xi32, #tpu.memory_space<vmem>> -> memref<128xi32, #tpu.memory_space<vmem>>
        %dma_wait3A_46 = arith.constant 0 : i32
        %dma_wait3A_47 = tpu.memref_slice %arg16[%dma_wait3A_46] : memref<10240xf32, #tpu.memory_space<vmem_shared>> -> memref<10240xf32, #tpu.memory_space<vmem_shared>>
        tpu.wait_indirect_dma semaphore(%arg17 : memref<!tpu.dma_semaphore, #tpu.memory_space<semaphore_mem>>) src(%arg14 : memref<128xf32, #tpu.memory_space<vmem>>) dst(%dma_wait3A_47 : memref<10240xf32, #tpu.memory_space<vmem_shared>>)
      }
      %scan3A_42 = arith.constant 80 : i32
      "tpu.region"() ({
        %run_scoped3A = tpu.sem_alloc : memref<!tpu.dma_semaphore, #tpu.memory_space<semaphore_mem>>
        %dma_start3A = arith.constant 0 : i32
        %dma_start3A_43 = tpu.memref_slice %arg4[%mul3A_19, %dma_start3A] : memref<1280x128xi32, #tpu.memory_space<hbm>> -> memref<80x128xi32, #tpu.memory_space<hbm>>
        %dma_start3A_44 = arith.constant 0 : i32
        %dma_start3A_45 = tpu.memref_slice %arg4[%mul3A_19, %dma_start3A_44] : memref<1280x128xi32, #tpu.memory_space<hbm>> -> memref<80x128xi32, #tpu.memory_space<hbm>>
        tpu.enqueue_dma source(%arg10 : memref<80x128xi32, #tpu.memory_space<vmem>>) target(%dma_start3A_45 : memref<80x128xi32, #tpu.memory_space<hbm>>) target_semaphore(%run_scoped3A : memref<!tpu.dma_semaphore, #tpu.memory_space<semaphore_mem>>)
        %dma_wait3A = arith.constant 0 : i32
        %dma_wait3A_46 = tpu.memref_slice %arg4[%mul3A_19, %dma_wait3A] : memref<1280x128xi32, #tpu.memory_space<hbm>> -> memref<80x128xi32, #tpu.memory_space<hbm>>
        %dma_wait3A_47 = arith.constant 0 : i32
        %dma_wait3A_48 = tpu.memref_slice %arg4[%mul3A_19, %dma_wait3A_47] : memref<1280x128xi32, #tpu.memory_space<hbm>> -> memref<80x128xi32, #tpu.memory_space<hbm>>
        tpu.wait_dma2 semaphore(%run_scoped3A : memref<!tpu.dma_semaphore, #tpu.memory_space<semaphore_mem>>) src(%arg10 : memref<80x128xi32, #tpu.memory_space<vmem>>) dst(%dma_wait3A_48 : memref<80x128xi32, #tpu.memory_space<hbm>>)
        tpu.yield
      }) : () -> ()
    } else {
    }
    %barrier3A_13 = arith.constant 0 : index
    tpu.barrier barrier_id(%barrier3A_13)
    %eq3A_14 = arith.constant 0 : i32
    %eq3A_15 = arith.cmpi eq, %arg0, %eq3A_14 : i32
    %convert_element_type3A_16 = arith.extui %eq3A_15 : i1 to i32
    %cond3A_17 = arith.constant 0 : i32
    %cond3A_18 = arith.cmpi ne, %convert_element_type3A_16, %cond3A_17 : i32
    scf.if %cond3A_18 {
      %mul3A = arith.constant 640 : i32
      %mul3A_19 = arith.muli %arg1, %mul3A : i32
      %mul3A_20 = arith.constant 640 : i32
      %mul3A_21 = arith.muli %arg1, %mul3A_20 : i32
      "tpu.region"() ({
        %run_scoped3A = tpu.sem_alloc : memref<!tpu.dma_semaphore, #tpu.memory_space<semaphore_mem>>
        %dma_start3A = tpu.memref_slice %arg5[%mul3A_21] : memref<10240xf32, #tpu.memory_space<hbm>> -> memref<640xf32, #tpu.memory_space<hbm>>
        %dma_start3A_22 = tpu.memref_slice %arg16[%mul3A_19] : memref<10240xf32, #tpu.memory_space<vmem_shared>> -> memref<640xf32, #tpu.memory_space<vmem_shared>>
        tpu.enqueue_dma source(%dma_start3A_22 : memref<640xf32, #tpu.memory_space<vmem_shared>>) target(%dma_start3A : memref<640xf32, #tpu.memory_space<hbm>>) target_semaphore(%run_scoped3A : memref<!tpu.dma_semaphore, #tpu.memory_space<semaphore_mem>>)
        %dma_wait3A = tpu.memref_slice %arg5[%mul3A_21] : memref<10240xf32, #tpu.memory_space<hbm>> -> memref<640xf32, #tpu.memory_space<hbm>>
        %dma_wait3A_23 = tpu.memref_slice %arg16[%mul3A_19] : memref<10240xf32, #tpu.memory_space<vmem_shared>> -> memref<640xf32, #tpu.memory_space<vmem_shared>>
        tpu.wait_dma2 semaphore(%run_scoped3A : memref<!tpu.dma_semaphore, #tpu.memory_space<semaphore_mem>>) src(%dma_wait3A_23 : memref<640xf32, #tpu.memory_space<vmem_shared>>) dst(%dma_wait3A : memref<640xf32, #tpu.memory_space<hbm>>)
        tpu.yield
      }) : () -> ()
    } else {
    }
    return
  }
}

#map = affine_map<(d0, d1) -> (0, 0)>
#map1 = affine_map<(d0, d1) -> (0, 0, 0)>
module attributes {stable_mosaic.version = 14 : i64} {
  func.func @_agg_body(%arg0: i32, %arg1: i32, %arg2: memref<10000x128xf32, #tpu.memory_space<hbm>>, %arg3: memref<1280x128xi32, #tpu.memory_space<hbm>>, %arg4: memref<2x10240x128xf32, #tpu.memory_space<hbm>>, %arg5: memref<40x128xi32, #tpu.memory_space<vmem>>, %arg6: memref<64xi32, #tpu.memory_space<vmem>>, %arg7: memref<64xi32, #tpu.memory_space<vmem>>, %arg8: memref<64xi32, #tpu.memory_space<vmem>>, %arg9: memref<64xi32, #tpu.memory_space<vmem>>, %arg10: memref<64xi32, #tpu.memory_space<vmem>>, %arg11: memref<64xi32, #tpu.memory_space<vmem>>, %arg12: memref<64xi32, #tpu.memory_space<vmem>>, %arg13: memref<64xi32, #tpu.memory_space<vmem>>, %arg14: memref<64x128xf32, #tpu.memory_space<vmem>>, %arg15: memref<64x128xf32, #tpu.memory_space<vmem>>, %arg16: memref<64x128xf32, #tpu.memory_space<vmem>>, %arg17: memref<64x128xf32, #tpu.memory_space<vmem>>, %arg18: memref<10240x128xf32, #tpu.memory_space<vmem_shared>>, %arg19: memref<!tpu.dma_semaphore, #tpu.memory_space<semaphore_mem>>, %arg20: memref<!tpu.dma_semaphore, #tpu.memory_space<semaphore_mem>>, %arg21: memref<!tpu.dma_semaphore, #tpu.memory_space<semaphore_mem>>, %arg22: memref<!tpu.dma_semaphore, #tpu.memory_space<semaphore_mem>>) attributes {dimension_semantics = [#tpu.dimension_semantics<core_parallel>, #tpu.dimension_semantics<subcore_parallel>], iteration_bounds = array<i64: 2, 16>, scalar_prefetch = 0 : i64, scratch_operands = 18 : i64, tpu.core_type = #tpu.core_type<sc_vector_subcore>, window_params = [{transform_indices = #map}, {transform_indices = #map}, {transform_indices = #map1}]} {
    %scan3A = arith.constant 0 : i32
    %scan3A_0 = arith.constant 0 : i32
    %scan3A_1 = arith.constant 64 : i32
    %scan3A_2 = arith.addi %scan3A_0, %scan3A_1 : i32
    %scan3A_3 = arith.constant 1 : i32
    scf.for %scan3A_381 = %scan3A_0 to %scan3A_2 step %scan3A_3  : i32 {
      %broadcast_in_dim3A = arith.constant 0.000000e+00 : f32
      %broadcast_in_dim3A_382 = vector.broadcast %broadcast_in_dim3A : f32 to vector<16xf32>
      %swap3A_383 = arith.index_cast %scan3A_381 : i32 to index
      %swap3A_384 = arith.constant 0 : index
      %swap3A_385 = tpu.vector_load %arg14[%swap3A_383, %swap3A_384] {strides = array<i32>} : memref<64x128xf32, #tpu.memory_space<vmem>>, vector<1x16xf32>,
      %swap3A_386 = vector.shape_cast %swap3A_385 : vector<1x16xf32> to vector<16xf32>
      %swap3A_387 = vector.shape_cast %broadcast_in_dim3A_382 : vector<16xf32> to vector<1x16xf32>
      tpu.vector_store %arg14[%swap3A_383, %swap3A_384], %swap3A_387 {strides = array<i32>} : memref<64x128xf32, #tpu.memory_space<vmem>>, vector<1x16xf32>,
      %broadcast_in_dim3A_388 = arith.constant 0.000000e+00 : f32
      %broadcast_in_dim3A_389 = vector.broadcast %broadcast_in_dim3A_388 : f32 to vector<16xf32>
      %swap3A_390 = arith.index_cast %scan3A_381 : i32 to index
      %swap3A_391 = arith.constant 16 : index
      %swap3A_392 = tpu.vector_load %arg14[%swap3A_390, %swap3A_391] {strides = array<i32>} : memref<64x128xf32, #tpu.memory_space<vmem>>, vector<1x16xf32>,
      %swap3A_393 = vector.shape_cast %swap3A_392 : vector<1x16xf32> to vector<16xf32>
      %swap3A_394 = vector.shape_cast %broadcast_in_dim3A_389 : vector<16xf32> to vector<1x16xf32>
      tpu.vector_store %arg14[%swap3A_390, %swap3A_391], %swap3A_394 {strides = array<i32>} : memref<64x128xf32, #tpu.memory_space<vmem>>, vector<1x16xf32>,
      %broadcast_in_dim3A_395 = arith.constant 0.000000e+00 : f32
      %broadcast_in_dim3A_396 = vector.broadcast %broadcast_in_dim3A_395 : f32 to vector<16xf32>
      %swap3A_397 = arith.index_cast %scan3A_381 : i32 to index
      %swap3A_398 = arith.constant 32 : index
      %swap3A_399 = tpu.vector_load %arg14[%swap3A_397, %swap3A_398] {strides = array<i32>} : memref<64x128xf32, #tpu.memory_space<vmem>>, vector<1x16xf32>,
      %swap3A_400 = vector.shape_cast %swap3A_399 : vector<1x16xf32> to vector<16xf32>
      %swap3A_401 = vector.shape_cast %broadcast_in_dim3A_396 : vector<16xf32> to vector<1x16xf32>
      tpu.vector_store %arg14[%swap3A_397, %swap3A_398], %swap3A_401 {strides = array<i32>} : memref<64x128xf32, #tpu.memory_space<vmem>>, vector<1x16xf32>,
      %broadcast_in_dim3A_402 = arith.constant 0.000000e+00 : f32
      %broadcast_in_dim3A_403 = vector.broadcast %broadcast_in_dim3A_402 : f32 to vector<16xf32>
      %swap3A_404 = arith.index_cast %scan3A_381 : i32 to index
      %swap3A_405 = arith.constant 48 : index
      %swap3A_406 = tpu.vector_load %arg14[%swap3A_404, %swap3A_405] {strides = array<i32>} : memref<64x128xf32, #tpu.memory_space<vmem>>, vector<1x16xf32>,
      %swap3A_407 = vector.shape_cast %swap3A_406 : vector<1x16xf32> to vector<16xf32>
      %swap3A_408 = vector.shape_cast %broadcast_in_dim3A_403 : vector<16xf32> to vector<1x16xf32>
      tpu.vector_store %arg14[%swap3A_404, %swap3A_405], %swap3A_408 {strides = array<i32>} : memref<64x128xf32, #tpu.memory_space<vmem>>, vector<1x16xf32>,
      %broadcast_in_dim3A_409 = arith.constant 0.000000e+00 : f32
      %broadcast_in_dim3A_410 = vector.broadcast %broadcast_in_dim3A_409 : f32 to vector<16xf32>
      %swap3A_411 = arith.index_cast %scan3A_381 : i32 to index
      %swap3A_412 = arith.constant 64 : index
      %swap3A_413 = tpu.vector_load %arg14[%swap3A_411, %swap3A_412] {strides = array<i32>} : memref<64x128xf32, #tpu.memory_space<vmem>>, vector<1x16xf32>,
      %swap3A_414 = vector.shape_cast %swap3A_413 : vector<1x16xf32> to vector<16xf32>
      %swap3A_415 = vector.shape_cast %broadcast_in_dim3A_410 : vector<16xf32> to vector<1x16xf32>
      tpu.vector_store %arg14[%swap3A_411, %swap3A_412], %swap3A_415 {strides = array<i32>} : memref<64x128xf32, #tpu.memory_space<vmem>>, vector<1x16xf32>,
      %broadcast_in_dim3A_416 = arith.constant 0.000000e+00 : f32
      %broadcast_in_dim3A_417 = vector.broadcast %broadcast_in_dim3A_416 : f32 to vector<16xf32>
      %swap3A_418 = arith.index_cast %scan3A_381 : i32 to index
      %swap3A_419 = arith.constant 80 : index
      %swap3A_420 = tpu.vector_load %arg14[%swap3A_418, %swap3A_419] {strides = array<i32>} : memref<64x128xf32, #tpu.memory_space<vmem>>, vector<1x16xf32>,
      %swap3A_421 = vector.shape_cast %swap3A_420 : vector<1x16xf32> to vector<16xf32>
      %swap3A_422 = vector.shape_cast %broadcast_in_dim3A_417 : vector<16xf32> to vector<1x16xf32>
      tpu.vector_store %arg14[%swap3A_418, %swap3A_419], %swap3A_422 {strides = array<i32>} : memref<64x128xf32, #tpu.memory_space<vmem>>, vector<1x16xf32>,
      %broadcast_in_dim3A_423 = arith.constant 0.000000e+00 : f32
      %broadcast_in_dim3A_424 = vector.broadcast %broadcast_in_dim3A_423 : f32 to vector<16xf32>
      %swap3A_425 = arith.index_cast %scan3A_381 : i32 to index
      %swap3A_426 = arith.constant 96 : index
      %swap3A_427 = tpu.vector_load %arg14[%swap3A_425, %swap3A_426] {strides = array<i32>} : memref<64x128xf32, #tpu.memory_space<vmem>>, vector<1x16xf32>,
      %swap3A_428 = vector.shape_cast %swap3A_427 : vector<1x16xf32> to vector<16xf32>
      %swap3A_429 = vector.shape_cast %broadcast_in_dim3A_424 : vector<16xf32> to vector<1x16xf32>
      tpu.vector_store %arg14[%swap3A_425, %swap3A_426], %swap3A_429 {strides = array<i32>} : memref<64x128xf32, #tpu.memory_space<vmem>>, vector<1x16xf32>,
      %broadcast_in_dim3A_430 = arith.constant 0.000000e+00 : f32
      %broadcast_in_dim3A_431 = vector.broadcast %broadcast_in_dim3A_430 : f32 to vector<16xf32>
      %swap3A_432 = arith.index_cast %scan3A_381 : i32 to index
      %swap3A_433 = arith.constant 112 : index
      %swap3A_434 = tpu.vector_load %arg14[%swap3A_432, %swap3A_433] {strides = array<i32>} : memref<64x128xf32, #tpu.memory_space<vmem>>, vector<1x16xf32>,
      %swap3A_435 = vector.shape_cast %swap3A_434 : vector<1x16xf32> to vector<16xf32>
      %swap3A_436 = vector.shape_cast %broadcast_in_dim3A_431 : vector<16xf32> to vector<1x16xf32>
      tpu.vector_store %arg14[%swap3A_432, %swap3A_433], %swap3A_436 {strides = array<i32>} : memref<64x128xf32, #tpu.memory_space<vmem>>, vector<1x16xf32>,
    }
    %scan3A_4 = arith.constant 64 : i32
    %mul3A = arith.constant 640 : i32
    %mul3A_5 = arith.muli %arg1, %mul3A : i32
    %add3A = arith.constant 0 : i32
    %add3A_6 = arith.addi %mul3A_5, %add3A : i32
    "tpu.region"() ({
      %run_scoped3A = tpu.sem_alloc : memref<!tpu.dma_semaphore, #tpu.memory_space<semaphore_mem>>
      %dma_start3A_381 = arith.constant 0 : i32
      %dma_start3A_382 = tpu.memref_slice %arg18[%add3A_6, %dma_start3A_381] : memref<10240x128xf32, #tpu.memory_space<vmem_shared>> -> memref<64x128xf32, #tpu.memory_space<vmem_shared>>
      %dma_start3A_383 = arith.constant 0 : i32
      %dma_start3A_384 = tpu.memref_slice %arg18[%add3A_6, %dma_start3A_383] : memref<10240x128xf32, #tpu.memory_space<vmem_shared>> -> memref<64x128xf32, #tpu.memory_space<vmem_shared>>
      tpu.enqueue_dma source(%arg14 : memref<64x128xf32, #tpu.memory_space<vmem>>) target(%dma_start3A_384 : memref<64x128xf32, #tpu.memory_space<vmem_shared>>) target_semaphore(%run_scoped3A : memref<!tpu.dma_semaphore, #tpu.memory_space<semaphore_mem>>)
      %dma_wait3A_385 = arith.constant 0 : i32
      %dma_wait3A_386 = tpu.memref_slice %arg18[%add3A_6, %dma_wait3A_385] : memref<10240x128xf32, #tpu.memory_space<vmem_shared>> -> memref<64x128xf32, #tpu.memory_space<vmem_shared>>
      %dma_wait3A_387 = arith.constant 0 : i32
      %dma_wait3A_388 = tpu.memref_slice %arg18[%add3A_6, %dma_wait3A_387] : memref<10240x128xf32, #tpu.memory_space<vmem_shared>> -> memref<64x128xf32, #tpu.memory_space<vmem_shared>>
      tpu.wait_dma2 semaphore(%run_scoped3A : memref<!tpu.dma_semaphore, #tpu.memory_space<semaphore_mem>>) src(%arg14 : memref<64x128xf32, #tpu.memory_space<vmem>>) dst(%dma_wait3A_388 : memref<64x128xf32, #tpu.memory_space<vmem_shared>>)
      tpu.yield
    }) : () -> ()
    %mul3A_7 = arith.constant 640 : i32
    %mul3A_8 = arith.muli %arg1, %mul3A_7 : i32
    %add3A_9 = arith.constant 64 : i32
    %add3A_10 = arith.addi %mul3A_8, %add3A_9 : i32
    "tpu.region"() ({
      %run_scoped3A = tpu.sem_alloc : memref<!tpu.dma_semaphore, #tpu.memory_space<semaphore_mem>>
      %dma_start3A_381 = arith.constant 0 : i32
      %dma_start3A_382 = tpu.memref_slice %arg18[%add3A_10, %dma_start3A_381] : memref<10240x128xf32, #tpu.memory_space<vmem_shared>> -> memref<64x128xf32, #tpu.memory_space<vmem_shared>>
      %dma_start3A_383 = arith.constant 0 : i32
      %dma_start3A_384 = tpu.memref_slice %arg18[%add3A_10, %dma_start3A_383] : memref<10240x128xf32, #tpu.memory_space<vmem_shared>> -> memref<64x128xf32, #tpu.memory_space<vmem_shared>>
      tpu.enqueue_dma source(%arg14 : memref<64x128xf32, #tpu.memory_space<vmem>>) target(%dma_start3A_384 : memref<64x128xf32, #tpu.memory_space<vmem_shared>>) target_semaphore(%run_scoped3A : memref<!tpu.dma_semaphore, #tpu.memory_space<semaphore_mem>>)
      %dma_wait3A_385 = arith.constant 0 : i32
      %dma_wait3A_386 = tpu.memref_slice %arg18[%add3A_10, %dma_wait3A_385] : memref<10240x128xf32, #tpu.memory_space<vmem_shared>> -> memref<64x128xf32, #tpu.memory_space<vmem_shared>>
      %dma_wait3A_387 = arith.constant 0 : i32
      %dma_wait3A_388 = tpu.memref_slice %arg18[%add3A_10, %dma_wait3A_387] : memref<10240x128xf32, #tpu.memory_space<vmem_shared>> -> memref<64x128xf32, #tpu.memory_space<vmem_shared>>
      tpu.wait_dma2 semaphore(%run_scoped3A : memref<!tpu.dma_semaphore, #tpu.memory_space<semaphore_mem>>) src(%arg14 : memref<64x128xf32, #tpu.memory_space<vmem>>) dst(%dma_wait3A_388 : memref<64x128xf32, #tpu.memory_space<vmem_shared>>)
      tpu.yield
    }) : () -> ()
    %mul3A_11 = arith.constant 640 : i32
    %mul3A_12 = arith.muli %arg1, %mul3A_11 : i32
    %add3A_13 = arith.constant 128 : i32
    %add3A_14 = arith.addi %mul3A_12, %add3A_13 : i32
    "tpu.region"() ({
      %run_scoped3A = tpu.sem_alloc : memref<!tpu.dma_semaphore, #tpu.memory_space<semaphore_mem>>
      %dma_start3A_381 = arith.constant 0 : i32
      %dma_start3A_382 = tpu.memref_slice %arg18[%add3A_14, %dma_start3A_381] : memref<10240x128xf32, #tpu.memory_space<vmem_shared>> -> memref<64x128xf32, #tpu.memory_space<vmem_shared>>
      %dma_start3A_383 = arith.constant 0 : i32
      %dma_start3A_384 = tpu.memref_slice %arg18[%add3A_14, %dma_start3A_383] : memref<10240x128xf32, #tpu.memory_space<vmem_shared>> -> memref<64x128xf32, #tpu.memory_space<vmem_shared>>
      tpu.enqueue_dma source(%arg14 : memref<64x128xf32, #tpu.memory_space<vmem>>) target(%dma_start3A_384 : memref<64x128xf32, #tpu.memory_space<vmem_shared>>) target_semaphore(%run_scoped3A : memref<!tpu.dma_semaphore, #tpu.memory_space<semaphore_mem>>)
      %dma_wait3A_385 = arith.constant 0 : i32
      %dma_wait3A_386 = tpu.memref_slice %arg18[%add3A_14, %dma_wait3A_385] : memref<10240x128xf32, #tpu.memory_space<vmem_shared>> -> memref<64x128xf32, #tpu.memory_space<vmem_shared>>
      %dma_wait3A_387 = arith.constant 0 : i32
      %dma_wait3A_388 = tpu.memref_slice %arg18[%add3A_14, %dma_wait3A_387] : memref<10240x128xf32, #tpu.memory_space<vmem_shared>> -> memref<64x128xf32, #tpu.memory_space<vmem_shared>>
      tpu.wait_dma2 semaphore(%run_scoped3A : memref<!tpu.dma_semaphore, #tpu.memory_space<semaphore_mem>>) src(%arg14 : memref<64x128xf32, #tpu.memory_space<vmem>>) dst(%dma_wait3A_388 : memref<64x128xf32, #tpu.memory_space<vmem_shared>>)
      tpu.yield
    }) : () -> ()
    %mul3A_15 = arith.constant 640 : i32
    %mul3A_16 = arith.muli %arg1, %mul3A_15 : i32
    %add3A_17 = arith.constant 192 : i32
    %add3A_18 = arith.addi %mul3A_16, %add3A_17 : i32
    "tpu.region"() ({
      %run_scoped3A = tpu.sem_alloc : memref<!tpu.dma_semaphore, #tpu.memory_space<semaphore_mem>>
      %dma_start3A_381 = arith.constant 0 : i32
      %dma_start3A_382 = tpu.memref_slice %arg18[%add3A_18, %dma_start3A_381] : memref<10240x128xf32, #tpu.memory_space<vmem_shared>> -> memref<64x128xf32, #tpu.memory_space<vmem_shared>>
      %dma_start3A_383 = arith.constant 0 : i32
      %dma_start3A_384 = tpu.memref_slice %arg18[%add3A_18, %dma_start3A_383] : memref<10240x128xf32, #tpu.memory_space<vmem_shared>> -> memref<64x128xf32, #tpu.memory_space<vmem_shared>>
      tpu.enqueue_dma source(%arg14 : memref<64x128xf32, #tpu.memory_space<vmem>>) target(%dma_start3A_384 : memref<64x128xf32, #tpu.memory_space<vmem_shared>>) target_semaphore(%run_scoped3A : memref<!tpu.dma_semaphore, #tpu.memory_space<semaphore_mem>>)
      %dma_wait3A_385 = arith.constant 0 : i32
      %dma_wait3A_386 = tpu.memref_slice %arg18[%add3A_18, %dma_wait3A_385] : memref<10240x128xf32, #tpu.memory_space<vmem_shared>> -> memref<64x128xf32, #tpu.memory_space<vmem_shared>>
      %dma_wait3A_387 = arith.constant 0 : i32
      %dma_wait3A_388 = tpu.memref_slice %arg18[%add3A_18, %dma_wait3A_387] : memref<10240x128xf32, #tpu.memory_space<vmem_shared>> -> memref<64x128xf32, #tpu.memory_space<vmem_shared>>
      tpu.wait_dma2 semaphore(%run_scoped3A : memref<!tpu.dma_semaphore, #tpu.memory_space<semaphore_mem>>) src(%arg14 : memref<64x128xf32, #tpu.memory_space<vmem>>) dst(%dma_wait3A_388 : memref<64x128xf32, #tpu.memory_space<vmem_shared>>)
      tpu.yield
    }) : () -> ()
    %mul3A_19 = arith.constant 640 : i32
    %mul3A_20 = arith.muli %arg1, %mul3A_19 : i32
    %add3A_21 = arith.constant 256 : i32
    %add3A_22 = arith.addi %mul3A_20, %add3A_21 : i32
    "tpu.region"() ({
      %run_scoped3A = tpu.sem_alloc : memref<!tpu.dma_semaphore, #tpu.memory_space<semaphore_mem>>
      %dma_start3A_381 = arith.constant 0 : i32
      %dma_start3A_382 = tpu.memref_slice %arg18[%add3A_22, %dma_start3A_381] : memref<10240x128xf32, #tpu.memory_space<vmem_shared>> -> memref<64x128xf32, #tpu.memory_space<vmem_shared>>
      %dma_start3A_383 = arith.constant 0 : i32
      %dma_start3A_384 = tpu.memref_slice %arg18[%add3A_22, %dma_start3A_383] : memref<10240x128xf32, #tpu.memory_space<vmem_shared>> -> memref<64x128xf32, #tpu.memory_space<vmem_shared>>
      tpu.enqueue_dma source(%arg14 : memref<64x128xf32, #tpu.memory_space<vmem>>) target(%dma_start3A_384 : memref<64x128xf32, #tpu.memory_space<vmem_shared>>) target_semaphore(%run_scoped3A : memref<!tpu.dma_semaphore, #tpu.memory_space<semaphore_mem>>)
      %dma_wait3A_385 = arith.constant 0 : i32
      %dma_wait3A_386 = tpu.memref_slice %arg18[%add3A_22, %dma_wait3A_385] : memref<10240x128xf32, #tpu.memory_space<vmem_shared>> -> memref<64x128xf32, #tpu.memory_space<vmem_shared>>
      %dma_wait3A_387 = arith.constant 0 : i32
      %dma_wait3A_388 = tpu.memref_slice %arg18[%add3A_22, %dma_wait3A_387] : memref<10240x128xf32, #tpu.memory_space<vmem_shared>> -> memref<64x128xf32, #tpu.memory_space<vmem_shared>>
      tpu.wait_dma2 semaphore(%run_scoped3A : memref<!tpu.dma_semaphore, #tpu.memory_space<semaphore_mem>>) src(%arg14 : memref<64x128xf32, #tpu.memory_space<vmem>>) dst(%dma_wait3A_388 : memref<64x128xf32, #tpu.memory_space<vmem_shared>>)
      tpu.yield
    }) : () -> ()
    %mul3A_23 = arith.constant 640 : i32
    %mul3A_24 = arith.muli %arg1, %mul3A_23 : i32
    %add3A_25 = arith.constant 320 : i32
    %add3A_26 = arith.addi %mul3A_24, %add3A_25 : i32
    "tpu.region"() ({
      %run_scoped3A = tpu.sem_alloc : memref<!tpu.dma_semaphore, #tpu.memory_space<semaphore_mem>>
      %dma_start3A_381 = arith.constant 0 : i32
      %dma_start3A_382 = tpu.memref_slice %arg18[%add3A_26, %dma_start3A_381] : memref<10240x128xf32, #tpu.memory_space<vmem_shared>> -> memref<64x128xf32, #tpu.memory_space<vmem_shared>>
      %dma_start3A_383 = arith.constant 0 : i32
      %dma_start3A_384 = tpu.memref_slice %arg18[%add3A_26, %dma_start3A_383] : memref<10240x128xf32, #tpu.memory_space<vmem_shared>> -> memref<64x128xf32, #tpu.memory_space<vmem_shared>>
      tpu.enqueue_dma source(%arg14 : memref<64x128xf32, #tpu.memory_space<vmem>>) target(%dma_start3A_384 : memref<64x128xf32, #tpu.memory_space<vmem_shared>>) target_semaphore(%run_scoped3A : memref<!tpu.dma_semaphore, #tpu.memory_space<semaphore_mem>>)
      %dma_wait3A_385 = arith.constant 0 : i32
      %dma_wait3A_386 = tpu.memref_slice %arg18[%add3A_26, %dma_wait3A_385] : memref<10240x128xf32, #tpu.memory_space<vmem_shared>> -> memref<64x128xf32, #tpu.memory_space<vmem_shared>>
      %dma_wait3A_387 = arith.constant 0 : i32
      %dma_wait3A_388 = tpu.memref_slice %arg18[%add3A_26, %dma_wait3A_387] : memref<10240x128xf32, #tpu.memory_space<vmem_shared>> -> memref<64x128xf32, #tpu.memory_space<vmem_shared>>
      tpu.wait_dma2 semaphore(%run_scoped3A : memref<!tpu.dma_semaphore, #tpu.memory_space<semaphore_mem>>) src(%arg14 : memref<64x128xf32, #tpu.memory_space<vmem>>) dst(%dma_wait3A_388 : memref<64x128xf32, #tpu.memory_space<vmem_shared>>)
      tpu.yield
    }) : () -> ()
    %mul3A_27 = arith.constant 640 : i32
    %mul3A_28 = arith.muli %arg1, %mul3A_27 : i32
    %add3A_29 = arith.constant 384 : i32
    %add3A_30 = arith.addi %mul3A_28, %add3A_29 : i32
    "tpu.region"() ({
      %run_scoped3A = tpu.sem_alloc : memref<!tpu.dma_semaphore, #tpu.memory_space<semaphore_mem>>
      %dma_start3A_381 = arith.constant 0 : i32
      %dma_start3A_382 = tpu.memref_slice %arg18[%add3A_30, %dma_start3A_381] : memref<10240x128xf32, #tpu.memory_space<vmem_shared>> -> memref<64x128xf32, #tpu.memory_space<vmem_shared>>
      %dma_start3A_383 = arith.constant 0 : i32
      %dma_start3A_384 = tpu.memref_slice %arg18[%add3A_30, %dma_start3A_383] : memref<10240x128xf32, #tpu.memory_space<vmem_shared>> -> memref<64x128xf32, #tpu.memory_space<vmem_shared>>
      tpu.enqueue_dma source(%arg14 : memref<64x128xf32, #tpu.memory_space<vmem>>) target(%dma_start3A_384 : memref<64x128xf32, #tpu.memory_space<vmem_shared>>) target_semaphore(%run_scoped3A : memref<!tpu.dma_semaphore, #tpu.memory_space<semaphore_mem>>)
      %dma_wait3A_385 = arith.constant 0 : i32
      %dma_wait3A_386 = tpu.memref_slice %arg18[%add3A_30, %dma_wait3A_385] : memref<10240x128xf32, #tpu.memory_space<vmem_shared>> -> memref<64x128xf32, #tpu.memory_space<vmem_shared>>
      %dma_wait3A_387 = arith.constant 0 : i32
      %dma_wait3A_388 = tpu.memref_slice %arg18[%add3A_30, %dma_wait3A_387] : memref<10240x128xf32, #tpu.memory_space<vmem_shared>> -> memref<64x128xf32, #tpu.memory_space<vmem_shared>>
      tpu.wait_dma2 semaphore(%run_scoped3A : memref<!tpu.dma_semaphore, #tpu.memory_space<semaphore_mem>>) src(%arg14 : memref<64x128xf32, #tpu.memory_space<vmem>>) dst(%dma_wait3A_388 : memref<64x128xf32, #tpu.memory_space<vmem_shared>>)
      tpu.yield
    }) : () -> ()
    %mul3A_31 = arith.constant 640 : i32
    %mul3A_32 = arith.muli %arg1, %mul3A_31 : i32
    %add3A_33 = arith.constant 448 : i32
    %add3A_34 = arith.addi %mul3A_32, %add3A_33 : i32
    "tpu.region"() ({
      %run_scoped3A = tpu.sem_alloc : memref<!tpu.dma_semaphore, #tpu.memory_space<semaphore_mem>>
      %dma_start3A_381 = arith.constant 0 : i32
      %dma_start3A_382 = tpu.memref_slice %arg18[%add3A_34, %dma_start3A_381] : memref<10240x128xf32, #tpu.memory_space<vmem_shared>> -> memref<64x128xf32, #tpu.memory_space<vmem_shared>>
      %dma_start3A_383 = arith.constant 0 : i32
      %dma_start3A_384 = tpu.memref_slice %arg18[%add3A_34, %dma_start3A_383] : memref<10240x128xf32, #tpu.memory_space<vmem_shared>> -> memref<64x128xf32, #tpu.memory_space<vmem_shared>>
      tpu.enqueue_dma source(%arg14 : memref<64x128xf32, #tpu.memory_space<vmem>>) target(%dma_start3A_384 : memref<64x128xf32, #tpu.memory_space<vmem_shared>>) target_semaphore(%run_scoped3A : memref<!tpu.dma_semaphore, #tpu.memory_space<semaphore_mem>>)
      %dma_wait3A_385 = arith.constant 0 : i32
      %dma_wait3A_386 = tpu.memref_slice %arg18[%add3A_34, %dma_wait3A_385] : memref<10240x128xf32, #tpu.memory_space<vmem_shared>> -> memref<64x128xf32, #tpu.memory_space<vmem_shared>>
      %dma_wait3A_387 = arith.constant 0 : i32
      %dma_wait3A_388 = tpu.memref_slice %arg18[%add3A_34, %dma_wait3A_387] : memref<10240x128xf32, #tpu.memory_space<vmem_shared>> -> memref<64x128xf32, #tpu.memory_space<vmem_shared>>
      tpu.wait_dma2 semaphore(%run_scoped3A : memref<!tpu.dma_semaphore, #tpu.memory_space<semaphore_mem>>) src(%arg14 : memref<64x128xf32, #tpu.memory_space<vmem>>) dst(%dma_wait3A_388 : memref<64x128xf32, #tpu.memory_space<vmem_shared>>)
      tpu.yield
    }) : () -> ()
    %mul3A_35 = arith.constant 640 : i32
    %mul3A_36 = arith.muli %arg1, %mul3A_35 : i32
    %add3A_37 = arith.constant 512 : i32
    %add3A_38 = arith.addi %mul3A_36, %add3A_37 : i32
    "tpu.region"() ({
      %run_scoped3A = tpu.sem_alloc : memref<!tpu.dma_semaphore, #tpu.memory_space<semaphore_mem>>
      %dma_start3A_381 = arith.constant 0 : i32
      %dma_start3A_382 = tpu.memref_slice %arg18[%add3A_38, %dma_start3A_381] : memref<10240x128xf32, #tpu.memory_space<vmem_shared>> -> memref<64x128xf32, #tpu.memory_space<vmem_shared>>
      %dma_start3A_383 = arith.constant 0 : i32
      %dma_start3A_384 = tpu.memref_slice %arg18[%add3A_38, %dma_start3A_383] : memref<10240x128xf32, #tpu.memory_space<vmem_shared>> -> memref<64x128xf32, #tpu.memory_space<vmem_shared>>
      tpu.enqueue_dma source(%arg14 : memref<64x128xf32, #tpu.memory_space<vmem>>) target(%dma_start3A_384 : memref<64x128xf32, #tpu.memory_space<vmem_shared>>) target_semaphore(%run_scoped3A : memref<!tpu.dma_semaphore, #tpu.memory_space<semaphore_mem>>)
      %dma_wait3A_385 = arith.constant 0 : i32
      %dma_wait3A_386 = tpu.memref_slice %arg18[%add3A_38, %dma_wait3A_385] : memref<10240x128xf32, #tpu.memory_space<vmem_shared>> -> memref<64x128xf32, #tpu.memory_space<vmem_shared>>
      %dma_wait3A_387 = arith.constant 0 : i32
      %dma_wait3A_388 = tpu.memref_slice %arg18[%add3A_38, %dma_wait3A_387] : memref<10240x128xf32, #tpu.memory_space<vmem_shared>> -> memref<64x128xf32, #tpu.memory_space<vmem_shared>>
      tpu.wait_dma2 semaphore(%run_scoped3A : memref<!tpu.dma_semaphore, #tpu.memory_space<semaphore_mem>>) src(%arg14 : memref<64x128xf32, #tpu.memory_space<vmem>>) dst(%dma_wait3A_388 : memref<64x128xf32, #tpu.memory_space<vmem_shared>>)
      tpu.yield
    }) : () -> ()
    %mul3A_39 = arith.constant 640 : i32
    %mul3A_40 = arith.muli %arg1, %mul3A_39 : i32
    %add3A_41 = arith.constant 576 : i32
    %add3A_42 = arith.addi %mul3A_40, %add3A_41 : i32
    "tpu.region"() ({
      %run_scoped3A = tpu.sem_alloc : memref<!tpu.dma_semaphore, #tpu.memory_space<semaphore_mem>>
      %dma_start3A_381 = arith.constant 0 : i32
      %dma_start3A_382 = tpu.memref_slice %arg18[%add3A_42, %dma_start3A_381] : memref<10240x128xf32, #tpu.memory_space<vmem_shared>> -> memref<64x128xf32, #tpu.memory_space<vmem_shared>>
      %dma_start3A_383 = arith.constant 0 : i32
      %dma_start3A_384 = tpu.memref_slice %arg18[%add3A_42, %dma_start3A_383] : memref<10240x128xf32, #tpu.memory_space<vmem_shared>> -> memref<64x128xf32, #tpu.memory_space<vmem_shared>>
      tpu.enqueue_dma source(%arg14 : memref<64x128xf32, #tpu.memory_space<vmem>>) target(%dma_start3A_384 : memref<64x128xf32, #tpu.memory_space<vmem_shared>>) target_semaphore(%run_scoped3A : memref<!tpu.dma_semaphore, #tpu.memory_space<semaphore_mem>>)
      %dma_wait3A_385 = arith.constant 0 : i32
      %dma_wait3A_386 = tpu.memref_slice %arg18[%add3A_42, %dma_wait3A_385] : memref<10240x128xf32, #tpu.memory_space<vmem_shared>> -> memref<64x128xf32, #tpu.memory_space<vmem_shared>>
      %dma_wait3A_387 = arith.constant 0 : i32
      %dma_wait3A_388 = tpu.memref_slice %arg18[%add3A_42, %dma_wait3A_387] : memref<10240x128xf32, #tpu.memory_space<vmem_shared>> -> memref<64x128xf32, #tpu.memory_space<vmem_shared>>
      tpu.wait_dma2 semaphore(%run_scoped3A : memref<!tpu.dma_semaphore, #tpu.memory_space<semaphore_mem>>) src(%arg14 : memref<64x128xf32, #tpu.memory_space<vmem>>) dst(%dma_wait3A_388 : memref<64x128xf32, #tpu.memory_space<vmem_shared>>)
      tpu.yield
    }) : () -> ()
    %barrier3A = arith.constant 0 : index
    tpu.barrier barrier_id(%barrier3A)
    %mul3A_43 = arith.constant 16 : i32
    %mul3A_44 = arith.muli %arg0, %mul3A_43 : i32
    %add3A_45 = arith.addi %mul3A_44, %arg1 : i32
    %mul3A_46 = arith.constant 40 : i32
    %mul3A_47 = arith.muli %add3A_45, %mul3A_46 : i32
    "tpu.region"() ({
      %run_scoped3A = tpu.sem_alloc : memref<!tpu.dma_semaphore, #tpu.memory_space<semaphore_mem>>
      %dma_start3A_381 = arith.constant 0 : i32
      %dma_start3A_382 = tpu.memref_slice %arg3[%mul3A_47, %dma_start3A_381] : memref<1280x128xi32, #tpu.memory_space<hbm>> -> memref<40x128xi32, #tpu.memory_space<hbm>>
      %dma_start3A_383 = arith.constant 0 : i32
      %dma_start3A_384 = tpu.memref_slice %arg3[%mul3A_47, %dma_start3A_383] : memref<1280x128xi32, #tpu.memory_space<hbm>> -> memref<40x128xi32, #tpu.memory_space<hbm>>
      tpu.enqueue_dma source(%dma_start3A_384 : memref<40x128xi32, #tpu.memory_space<hbm>>) target(%arg5 : memref<40x128xi32, #tpu.memory_space<vmem>>) target_semaphore(%run_scoped3A : memref<!tpu.dma_semaphore, #tpu.memory_space<semaphore_mem>>)
      %dma_wait3A_385 = arith.constant 0 : i32
      %dma_wait3A_386 = tpu.memref_slice %arg3[%mul3A_47, %dma_wait3A_385] : memref<1280x128xi32, #tpu.memory_space<hbm>> -> memref<40x128xi32, #tpu.memory_space<hbm>>
      %dma_wait3A_387 = arith.constant 0 : i32
      %dma_wait3A_388 = tpu.memref_slice %arg3[%mul3A_47, %dma_wait3A_387] : memref<1280x128xi32, #tpu.memory_space<hbm>> -> memref<40x128xi32, #tpu.memory_space<hbm>>
      tpu.wait_dma2 semaphore(%run_scoped3A : memref<!tpu.dma_semaphore, #tpu.memory_space<semaphore_mem>>) src(%dma_wait3A_388 : memref<40x128xi32, #tpu.memory_space<hbm>>) dst(%arg5 : memref<40x128xi32, #tpu.memory_space<vmem>>)
      tpu.yield
    }) : () -> ()
    %get3A = arith.constant 0 : i32
    %get3A_48 = arith.index_cast %get3A : i32 to index
    %get3A_49 = arith.constant 0 : index
    %get3A_50 = tpu.vector_load %arg5[%get3A_48, %get3A_49] {strides = array<i32>} : memref<40x128xi32, #tpu.memory_space<vmem>>, vector<1x16xi32>,
    %get3A_51 = vector.shape_cast %get3A_50 : vector<1x16xi32> to vector<16xi32>
    %shift_right_logical3A = arith.constant 14 : i32
    %shift_right_logical3A_52 = vector.broadcast %shift_right_logical3A : i32 to vector<16xi32>
    %shift_right_logical3A_53 = arith.shrui %get3A_51, %shift_right_logical3A_52 : vector<16xi32>
    %swap3A = arith.constant 0 : index
    %swap3A_54 = tpu.vector_load %arg6[%swap3A] {strides = array<i32>} : memref<64xi32, #tpu.memory_space<vmem>>, vector<16xi32>,
    %swap3A_55 = vector.shape_cast %swap3A_54 : vector<16xi32> to vector<16xi32>
    %swap3A_56 = vector.shape_cast %shift_right_logical3A_53 : vector<16xi32> to vector<16xi32>
    tpu.vector_store %arg6[%swap3A], %swap3A_56 {strides = array<i32>} : memref<64xi32, #tpu.memory_space<vmem>>, vector<16xi32>,
    %and3A = arith.constant 16383 : i32
    %and3A_57 = vector.broadcast %and3A : i32 to vector<16xi32>
    %and3A_58 = arith.andi %get3A_51, %and3A_57 : vector<16xi32>
    %swap3A_59 = arith.constant 0 : index
    %swap3A_60 = tpu.vector_load %arg10[%swap3A_59] {strides = array<i32>} : memref<64xi32, #tpu.memory_space<vmem>>, vector<16xi32>,
    %swap3A_61 = vector.shape_cast %swap3A_60 : vector<16xi32> to vector<16xi32>
    %swap3A_62 = vector.shape_cast %and3A_58 : vector<16xi32> to vector<16xi32>
    tpu.vector_store %arg10[%swap3A_59], %swap3A_62 {strides = array<i32>} : memref<64xi32, #tpu.memory_space<vmem>>, vector<16xi32>,
    %get3A_63 = arith.constant 0 : i32
    %get3A_64 = arith.index_cast %get3A_63 : i32 to index
    %get3A_65 = arith.constant 16 : index
    %get3A_66 = tpu.vector_load %arg5[%get3A_64, %get3A_65] {strides = array<i32>} : memref<40x128xi32, #tpu.memory_space<vmem>>, vector<1x16xi32>,
    %get3A_67 = vector.shape_cast %get3A_66 : vector<1x16xi32> to vector<16xi32>
    %shift_right_logical3A_68 = arith.constant 14 : i32
    %shift_right_logical3A_69 = vector.broadcast %shift_right_logical3A_68 : i32 to vector<16xi32>
    %shift_right_logical3A_70 = arith.shrui %get3A_67, %shift_right_logical3A_69 : vector<16xi32>
    %swap3A_71 = arith.constant 16 : index
    %swap3A_72 = tpu.vector_load %arg6[%swap3A_71] {strides = array<i32>} : memref<64xi32, #tpu.memory_space<vmem>>, vector<16xi32>,
    %swap3A_73 = vector.shape_cast %swap3A_72 : vector<16xi32> to vector<16xi32>
    %swap3A_74 = vector.shape_cast %shift_right_logical3A_70 : vector<16xi32> to vector<16xi32>
    tpu.vector_store %arg6[%swap3A_71], %swap3A_74 {strides = array<i32>} : memref<64xi32, #tpu.memory_space<vmem>>, vector<16xi32>,
    %and3A_75 = arith.constant 16383 : i32
    %and3A_76 = vector.broadcast %and3A_75 : i32 to vector<16xi32>
    %and3A_77 = arith.andi %get3A_67, %and3A_76 : vector<16xi32>
    %swap3A_78 = arith.constant 16 : index
    %swap3A_79 = tpu.vector_load %arg10[%swap3A_78] {strides = array<i32>} : memref<64xi32, #tpu.memory_space<vmem>>, vector<16xi32>,
    %swap3A_80 = vector.shape_cast %swap3A_79 : vector<16xi32> to vector<16xi32>
    %swap3A_81 = vector.shape_cast %and3A_77 : vector<16xi32> to vector<16xi32>
    tpu.vector_store %arg10[%swap3A_78], %swap3A_81 {strides = array<i32>} : memref<64xi32, #tpu.memory_space<vmem>>, vector<16xi32>,
    %get3A_82 = arith.constant 0 : i32
    %get3A_83 = arith.index_cast %get3A_82 : i32 to index
    %get3A_84 = arith.constant 32 : index
    %get3A_85 = tpu.vector_load %arg5[%get3A_83, %get3A_84] {strides = array<i32>} : memref<40x128xi32, #tpu.memory_space<vmem>>, vector<1x16xi32>,
    %get3A_86 = vector.shape_cast %get3A_85 : vector<1x16xi32> to vector<16xi32>
    %shift_right_logical3A_87 = arith.constant 14 : i32
    %shift_right_logical3A_88 = vector.broadcast %shift_right_logical3A_87 : i32 to vector<16xi32>
    %shift_right_logical3A_89 = arith.shrui %get3A_86, %shift_right_logical3A_88 : vector<16xi32>
    %swap3A_90 = arith.constant 32 : index
    %swap3A_91 = tpu.vector_load %arg6[%swap3A_90] {strides = array<i32>} : memref<64xi32, #tpu.memory_space<vmem>>, vector<16xi32>,
    %swap3A_92 = vector.shape_cast %swap3A_91 : vector<16xi32> to vector<16xi32>
    %swap3A_93 = vector.shape_cast %shift_right_logical3A_89 : vector<16xi32> to vector<16xi32>
    tpu.vector_store %arg6[%swap3A_90], %swap3A_93 {strides = array<i32>} : memref<64xi32, #tpu.memory_space<vmem>>, vector<16xi32>,
    %and3A_94 = arith.constant 16383 : i32
    %and3A_95 = vector.broadcast %and3A_94 : i32 to vector<16xi32>
    %and3A_96 = arith.andi %get3A_86, %and3A_95 : vector<16xi32>
    %swap3A_97 = arith.constant 32 : index
    %swap3A_98 = tpu.vector_load %arg10[%swap3A_97] {strides = array<i32>} : memref<64xi32, #tpu.memory_space<vmem>>, vector<16xi32>,
    %swap3A_99 = vector.shape_cast %swap3A_98 : vector<16xi32> to vector<16xi32>
    %swap3A_100 = vector.shape_cast %and3A_96 : vector<16xi32> to vector<16xi32>
    tpu.vector_store %arg10[%swap3A_97], %swap3A_100 {strides = array<i32>} : memref<64xi32, #tpu.memory_space<vmem>>, vector<16xi32>,
    %get3A_101 = arith.constant 0 : i32
    %get3A_102 = arith.index_cast %get3A_101 : i32 to index
    %get3A_103 = arith.constant 48 : index
    %get3A_104 = tpu.vector_load %arg5[%get3A_102, %get3A_103] {strides = array<i32>} : memref<40x128xi32, #tpu.memory_space<vmem>>, vector<1x16xi32>,
    %get3A_105 = vector.shape_cast %get3A_104 : vector<1x16xi32> to vector<16xi32>
    %shift_right_logical3A_106 = arith.constant 14 : i32
    %shift_right_logical3A_107 = vector.broadcast %shift_right_logical3A_106 : i32 to vector<16xi32>
    %shift_right_logical3A_108 = arith.shrui %get3A_105, %shift_right_logical3A_107 : vector<16xi32>
    %swap3A_109 = arith.constant 48 : index
    %swap3A_110 = tpu.vector_load %arg6[%swap3A_109] {strides = array<i32>} : memref<64xi32, #tpu.memory_space<vmem>>, vector<16xi32>,
    %swap3A_111 = vector.shape_cast %swap3A_110 : vector<16xi32> to vector<16xi32>
    %swap3A_112 = vector.shape_cast %shift_right_logical3A_108 : vector<16xi32> to vector<16xi32>
    tpu.vector_store %arg6[%swap3A_109], %swap3A_112 {strides = array<i32>} : memref<64xi32, #tpu.memory_space<vmem>>, vector<16xi32>,
    %and3A_113 = arith.constant 16383 : i32
    %and3A_114 = vector.broadcast %and3A_113 : i32 to vector<16xi32>
    %and3A_115 = arith.andi %get3A_105, %and3A_114 : vector<16xi32>
    %swap3A_116 = arith.constant 48 : index
    %swap3A_117 = tpu.vector_load %arg10[%swap3A_116] {strides = array<i32>} : memref<64xi32, #tpu.memory_space<vmem>>, vector<16xi32>,
    %swap3A_118 = vector.shape_cast %swap3A_117 : vector<16xi32> to vector<16xi32>
    %swap3A_119 = vector.shape_cast %and3A_115 : vector<16xi32> to vector<16xi32>
    tpu.vector_store %arg10[%swap3A_116], %swap3A_119 {strides = array<i32>} : memref<64xi32, #tpu.memory_space<vmem>>, vector<16xi32>,
    %dma_start3A = arith.constant 0 : i32
    %dma_start3A_120 = arith.constant 0 : i32
    %dma_start3A_121 = tpu.memref_slice %arg2[%dma_start3A, %dma_start3A_120] : memref<10000x128xf32, #tpu.memory_space<hbm>> -> memref<10000x128xf32, #tpu.memory_space<hbm>>
    tpu.enqueue_indirect_dma source(%dma_start3A_121 : memref<10000x128xf32, #tpu.memory_space<hbm>>) target(%arg14 : memref<64x128xf32, #tpu.memory_space<vmem>>) offsets(%arg6 : memref<64xi32, #tpu.memory_space<vmem>>) semaphore(%arg19 : memref<!tpu.dma_semaphore, #tpu.memory_space<semaphore_mem>>)
    %get3A_122 = arith.constant 0 : i32
    %get3A_123 = arith.index_cast %get3A_122 : i32 to index
    %get3A_124 = arith.constant 64 : index
    %get3A_125 = tpu.vector_load %arg5[%get3A_123, %get3A_124] {strides = array<i32>} : memref<40x128xi32, #tpu.memory_space<vmem>>, vector<1x16xi32>,
    %get3A_126 = vector.shape_cast %get3A_125 : vector<1x16xi32> to vector<16xi32>
    %shift_right_logical3A_127 = arith.constant 14 : i32
    %shift_right_logical3A_128 = vector.broadcast %shift_right_logical3A_127 : i32 to vector<16xi32>
    %shift_right_logical3A_129 = arith.shrui %get3A_126, %shift_right_logical3A_128 : vector<16xi32>
    %swap3A_130 = arith.constant 0 : index
    %swap3A_131 = tpu.vector_load %arg7[%swap3A_130] {strides = array<i32>} : memref<64xi32, #tpu.memory_space<vmem>>, vector<16xi32>,
    %swap3A_132 = vector.shape_cast %swap3A_131 : vector<16xi32> to vector<16xi32>
    %swap3A_133 = vector.shape_cast %shift_right_logical3A_129 : vector<16xi32> to vector<16xi32>
    tpu.vector_store %arg7[%swap3A_130], %swap3A_133 {strides = array<i32>} : memref<64xi32, #tpu.memory_space<vmem>>, vector<16xi32>,
    %and3A_134 = arith.constant 16383 : i32
    %and3A_135 = vector.broadcast %and3A_134 : i32 to vector<16xi32>
    %and3A_136 = arith.andi %get3A_126, %and3A_135 : vector<16xi32>
    %swap3A_137 = arith.constant 0 : index
    %swap3A_138 = tpu.vector_load %arg11[%swap3A_137] {strides = array<i32>} : memref<64xi32, #tpu.memory_space<vmem>>, vector<16xi32>,
    %swap3A_139 = vector.shape_cast %swap3A_138 : vector<16xi32> to vector<16xi32>
    %swap3A_140 = vector.shape_cast %and3A_136 : vector<16xi32> to vector<16xi32>
    tpu.vector_store %arg11[%swap3A_137], %swap3A_140 {strides = array<i32>} : memref<64xi32, #tpu.memory_space<vmem>>, vector<16xi32>,
    %get3A_141 = arith.constant 0 : i32
    %get3A_142 = arith.index_cast %get3A_141 : i32 to index
    %get3A_143 = arith.constant 80 : index
    %get3A_144 = tpu.vector_load %arg5[%get3A_142, %get3A_143] {strides = array<i32>} : memref<40x128xi32, #tpu.memory_space<vmem>>, vector<1x16xi32>,
    %get3A_145 = vector.shape_cast %get3A_144 : vector<1x16xi32> to vector<16xi32>
    %shift_right_logical3A_146 = arith.constant 14 : i32
    %shift_right_logical3A_147 = vector.broadcast %shift_right_logical3A_146 : i32 to vector<16xi32>
    %shift_right_logical3A_148 = arith.shrui %get3A_145, %shift_right_logical3A_147 : vector<16xi32>
    %swap3A_149 = arith.constant 16 : index
    %swap3A_150 = tpu.vector_load %arg7[%swap3A_149] {strides = array<i32>} : memref<64xi32, #tpu.memory_space<vmem>>, vector<16xi32>,
    %swap3A_151 = vector.shape_cast %swap3A_150 : vector<16xi32> to vector<16xi32>
    %swap3A_152 = vector.shape_cast %shift_right_logical3A_148 : vector<16xi32> to vector<16xi32>
    tpu.vector_store %arg7[%swap3A_149], %swap3A_152 {strides = array<i32>} : memref<64xi32, #tpu.memory_space<vmem>>, vector<16xi32>,
    %and3A_153 = arith.constant 16383 : i32
    %and3A_154 = vector.broadcast %and3A_153 : i32 to vector<16xi32>
    %and3A_155 = arith.andi %get3A_145, %and3A_154 : vector<16xi32>
    %swap3A_156 = arith.constant 16 : index
    %swap3A_157 = tpu.vector_load %arg11[%swap3A_156] {strides = array<i32>} : memref<64xi32, #tpu.memory_space<vmem>>, vector<16xi32>,
    %swap3A_158 = vector.shape_cast %swap3A_157 : vector<16xi32> to vector<16xi32>
    %swap3A_159 = vector.shape_cast %and3A_155 : vector<16xi32> to vector<16xi32>
    tpu.vector_store %arg11[%swap3A_156], %swap3A_159 {strides = array<i32>} : memref<64xi32, #tpu.memory_space<vmem>>, vector<16xi32>,
    %get3A_160 = arith.constant 0 : i32
    %get3A_161 = arith.index_cast %get3A_160 : i32 to index
    %get3A_162 = arith.constant 96 : index
    %get3A_163 = tpu.vector_load %arg5[%get3A_161, %get3A_162] {strides = array<i32>} : memref<40x128xi32, #tpu.memory_space<vmem>>, vector<1x16xi32>,
    %get3A_164 = vector.shape_cast %get3A_163 : vector<1x16xi32> to vector<16xi32>
    %shift_right_logical3A_165 = arith.constant 14 : i32
    %shift_right_logical3A_166 = vector.broadcast %shift_right_logical3A_165 : i32 to vector<16xi32>
    %shift_right_logical3A_167 = arith.shrui %get3A_164, %shift_right_logical3A_166 : vector<16xi32>
    %swap3A_168 = arith.constant 32 : index
    %swap3A_169 = tpu.vector_load %arg7[%swap3A_168] {strides = array<i32>} : memref<64xi32, #tpu.memory_space<vmem>>, vector<16xi32>,
    %swap3A_170 = vector.shape_cast %swap3A_169 : vector<16xi32> to vector<16xi32>
    %swap3A_171 = vector.shape_cast %shift_right_logical3A_167 : vector<16xi32> to vector<16xi32>
    tpu.vector_store %arg7[%swap3A_168], %swap3A_171 {strides = array<i32>} : memref<64xi32, #tpu.memory_space<vmem>>, vector<16xi32>,
    %and3A_172 = arith.constant 16383 : i32
    %and3A_173 = vector.broadcast %and3A_172 : i32 to vector<16xi32>
    %and3A_174 = arith.andi %get3A_164, %and3A_173 : vector<16xi32>
    %swap3A_175 = arith.constant 32 : index
    %swap3A_176 = tpu.vector_load %arg11[%swap3A_175] {strides = array<i32>} : memref<64xi32, #tpu.memory_space<vmem>>, vector<16xi32>,
    %swap3A_177 = vector.shape_cast %swap3A_176 : vector<16xi32> to vector<16xi32>
    %swap3A_178 = vector.shape_cast %and3A_174 : vector<16xi32> to vector<16xi32>
    tpu.vector_store %arg11[%swap3A_175], %swap3A_178 {strides = array<i32>} : memref<64xi32, #tpu.memory_space<vmem>>, vector<16xi32>,
    %get3A_179 = arith.constant 0 : i32
    %get3A_180 = arith.index_cast %get3A_179 : i32 to index
    %get3A_181 = arith.constant 112 : index
    %get3A_182 = tpu.vector_load %arg5[%get3A_180, %get3A_181] {strides = array<i32>} : memref<40x128xi32, #tpu.memory_space<vmem>>, vector<1x16xi32>,
    %get3A_183 = vector.shape_cast %get3A_182 : vector<1x16xi32> to vector<16xi32>
    %shift_right_logical3A_184 = arith.constant 14 : i32
    %shift_right_logical3A_185 = vector.broadcast %shift_right_logical3A_184 : i32 to vector<16xi32>
    %shift_right_logical3A_186 = arith.shrui %get3A_183, %shift_right_logical3A_185 : vector<16xi32>
    %swap3A_187 = arith.constant 48 : index
    %swap3A_188 = tpu.vector_load %arg7[%swap3A_187] {strides = array<i32>} : memref<64xi32, #tpu.memory_space<vmem>>, vector<16xi32>,
    %swap3A_189 = vector.shape_cast %swap3A_188 : vector<16xi32> to vector<16xi32>
    %swap3A_190 = vector.shape_cast %shift_right_logical3A_186 : vector<16xi32> to vector<16xi32>
    tpu.vector_store %arg7[%swap3A_187], %swap3A_190 {strides = array<i32>} : memref<64xi32, #tpu.memory_space<vmem>>, vector<16xi32>,
    %and3A_191 = arith.constant 16383 : i32
    %and3A_192 = vector.broadcast %and3A_191 : i32 to vector<16xi32>
    %and3A_193 = arith.andi %get3A_183, %and3A_192 : vector<16xi32>
    %swap3A_194 = arith.constant 48 : index
    %swap3A_195 = tpu.vector_load %arg11[%swap3A_194] {strides = array<i32>} : memref<64xi32, #tpu.memory_space<vmem>>, vector<16xi32>,
    %swap3A_196 = vector.shape_cast %swap3A_195 : vector<16xi32> to vector<16xi32>
    %swap3A_197 = vector.shape_cast %and3A_193 : vector<16xi32> to vector<16xi32>
    tpu.vector_store %arg11[%swap3A_194], %swap3A_197 {strides = array<i32>} : memref<64xi32, #tpu.memory_space<vmem>>, vector<16xi32>,
    %dma_start3A_198 = arith.constant 0 : i32
    %dma_start3A_199 = arith.constant 0 : i32
    %dma_start3A_200 = tpu.memref_slice %arg2[%dma_start3A_198, %dma_start3A_199] : memref<10000x128xf32, #tpu.memory_space<hbm>> -> memref<10000x128xf32, #tpu.memory_space<hbm>>
    tpu.enqueue_indirect_dma source(%dma_start3A_200 : memref<10000x128xf32, #tpu.memory_space<hbm>>) target(%arg15 : memref<64x128xf32, #tpu.memory_space<vmem>>) offsets(%arg7 : memref<64xi32, #tpu.memory_space<vmem>>) semaphore(%arg20 : memref<!tpu.dma_semaphore, #tpu.memory_space<semaphore_mem>>)
    %get3A_201 = arith.constant 1 : i32
    %get3A_202 = arith.index_cast %get3A_201 : i32 to index
    %get3A_203 = arith.constant 0 : index
    %get3A_204 = tpu.vector_load %arg5[%get3A_202, %get3A_203] {strides = array<i32>} : memref<40x128xi32, #tpu.memory_space<vmem>>, vector<1x16xi32>,
    %get3A_205 = vector.shape_cast %get3A_204 : vector<1x16xi32> to vector<16xi32>
    %shift_right_logical3A_206 = arith.constant 14 : i32
    %shift_right_logical3A_207 = vector.broadcast %shift_right_logical3A_206 : i32 to vector<16xi32>
    %shift_right_logical3A_208 = arith.shrui %get3A_205, %shift_right_logical3A_207 : vector<16xi32>
    %swap3A_209 = arith.constant 0 : index
    %swap3A_210 = tpu.vector_load %arg8[%swap3A_209] {strides = array<i32>} : memref<64xi32, #tpu.memory_space<vmem>>, vector<16xi32>,
    %swap3A_211 = vector.shape_cast %swap3A_210 : vector<16xi32> to vector<16xi32>
    %swap3A_212 = vector.shape_cast %shift_right_logical3A_208 : vector<16xi32> to vector<16xi32>
    tpu.vector_store %arg8[%swap3A_209], %swap3A_212 {strides = array<i32>} : memref<64xi32, #tpu.memory_space<vmem>>, vector<16xi32>,
    %and3A_213 = arith.constant 16383 : i32
    %and3A_214 = vector.broadcast %and3A_213 : i32 to vector<16xi32>
    %and3A_215 = arith.andi %get3A_205, %and3A_214 : vector<16xi32>
    %swap3A_216 = arith.constant 0 : index
    %swap3A_217 = tpu.vector_load %arg12[%swap3A_216] {strides = array<i32>} : memref<64xi32, #tpu.memory_space<vmem>>, vector<16xi32>,
    %swap3A_218 = vector.shape_cast %swap3A_217 : vector<16xi32> to vector<16xi32>
    %swap3A_219 = vector.shape_cast %and3A_215 : vector<16xi32> to vector<16xi32>
    tpu.vector_store %arg12[%swap3A_216], %swap3A_219 {strides = array<i32>} : memref<64xi32, #tpu.memory_space<vmem>>, vector<16xi32>,
    %get3A_220 = arith.constant 1 : i32
    %get3A_221 = arith.index_cast %get3A_220 : i32 to index
    %get3A_222 = arith.constant 16 : index
    %get3A_223 = tpu.vector_load %arg5[%get3A_221, %get3A_222] {strides = array<i32>} : memref<40x128xi32, #tpu.memory_space<vmem>>, vector<1x16xi32>,
    %get3A_224 = vector.shape_cast %get3A_223 : vector<1x16xi32> to vector<16xi32>
    %shift_right_logical3A_225 = arith.constant 14 : i32
    %shift_right_logical3A_226 = vector.broadcast %shift_right_logical3A_225 : i32 to vector<16xi32>
    %shift_right_logical3A_227 = arith.shrui %get3A_224, %shift_right_logical3A_226 : vector<16xi32>
    %swap3A_228 = arith.constant 16 : index
    %swap3A_229 = tpu.vector_load %arg8[%swap3A_228] {strides = array<i32>} : memref<64xi32, #tpu.memory_space<vmem>>, vector<16xi32>,
    %swap3A_230 = vector.shape_cast %swap3A_229 : vector<16xi32> to vector<16xi32>
    %swap3A_231 = vector.shape_cast %shift_right_logical3A_227 : vector<16xi32> to vector<16xi32>
    tpu.vector_store %arg8[%swap3A_228], %swap3A_231 {strides = array<i32>} : memref<64xi32, #tpu.memory_space<vmem>>, vector<16xi32>,
    %and3A_232 = arith.constant 16383 : i32
    %and3A_233 = vector.broadcast %and3A_232 : i32 to vector<16xi32>
    %and3A_234 = arith.andi %get3A_224, %and3A_233 : vector<16xi32>
    %swap3A_235 = arith.constant 16 : index
    %swap3A_236 = tpu.vector_load %arg12[%swap3A_235] {strides = array<i32>} : memref<64xi32, #tpu.memory_space<vmem>>, vector<16xi32>,
    %swap3A_237 = vector.shape_cast %swap3A_236 : vector<16xi32> to vector<16xi32>
    %swap3A_238 = vector.shape_cast %and3A_234 : vector<16xi32> to vector<16xi32>
    tpu.vector_store %arg12[%swap3A_235], %swap3A_238 {strides = array<i32>} : memref<64xi32, #tpu.memory_space<vmem>>, vector<16xi32>,
    %get3A_239 = arith.constant 1 : i32
    %get3A_240 = arith.index_cast %get3A_239 : i32 to index
    %get3A_241 = arith.constant 32 : index
    %get3A_242 = tpu.vector_load %arg5[%get3A_240, %get3A_241] {strides = array<i32>} : memref<40x128xi32, #tpu.memory_space<vmem>>, vector<1x16xi32>,
    %get3A_243 = vector.shape_cast %get3A_242 : vector<1x16xi32> to vector<16xi32>
    %shift_right_logical3A_244 = arith.constant 14 : i32
    %shift_right_logical3A_245 = vector.broadcast %shift_right_logical3A_244 : i32 to vector<16xi32>
    %shift_right_logical3A_246 = arith.shrui %get3A_243, %shift_right_logical3A_245 : vector<16xi32>
    %swap3A_247 = arith.constant 32 : index
    %swap3A_248 = tpu.vector_load %arg8[%swap3A_247] {strides = array<i32>} : memref<64xi32, #tpu.memory_space<vmem>>, vector<16xi32>,
    %swap3A_249 = vector.shape_cast %swap3A_248 : vector<16xi32> to vector<16xi32>
    %swap3A_250 = vector.shape_cast %shift_right_logical3A_246 : vector<16xi32> to vector<16xi32>
    tpu.vector_store %arg8[%swap3A_247], %swap3A_250 {strides = array<i32>} : memref<64xi32, #tpu.memory_space<vmem>>, vector<16xi32>,
    %and3A_251 = arith.constant 16383 : i32
    %and3A_252 = vector.broadcast %and3A_251 : i32 to vector<16xi32>
    %and3A_253 = arith.andi %get3A_243, %and3A_252 : vector<16xi32>
    %swap3A_254 = arith.constant 32 : index
    %swap3A_255 = tpu.vector_load %arg12[%swap3A_254] {strides = array<i32>} : memref<64xi32, #tpu.memory_space<vmem>>, vector<16xi32>,
    %swap3A_256 = vector.shape_cast %swap3A_255 : vector<16xi32> to vector<16xi32>
    %swap3A_257 = vector.shape_cast %and3A_253 : vector<16xi32> to vector<16xi32>
    tpu.vector_store %arg12[%swap3A_254], %swap3A_257 {strides = array<i32>} : memref<64xi32, #tpu.memory_space<vmem>>, vector<16xi32>,
    %get3A_258 = arith.constant 1 : i32
    %get3A_259 = arith.index_cast %get3A_258 : i32 to index
    %get3A_260 = arith.constant 48 : index
    %get3A_261 = tpu.vector_load %arg5[%get3A_259, %get3A_260] {strides = array<i32>} : memref<40x128xi32, #tpu.memory_space<vmem>>, vector<1x16xi32>,
    %get3A_262 = vector.shape_cast %get3A_261 : vector<1x16xi32> to vector<16xi32>
    %shift_right_logical3A_263 = arith.constant 14 : i32
    %shift_right_logical3A_264 = vector.broadcast %shift_right_logical3A_263 : i32 to vector<16xi32>
    %shift_right_logical3A_265 = arith.shrui %get3A_262, %shift_right_logical3A_264 : vector<16xi32>
    %swap3A_266 = arith.constant 48 : index
    %swap3A_267 = tpu.vector_load %arg8[%swap3A_266] {strides = array<i32>} : memref<64xi32, #tpu.memory_space<vmem>>, vector<16xi32>,
    %swap3A_268 = vector.shape_cast %swap3A_267 : vector<16xi32> to vector<16xi32>
    %swap3A_269 = vector.shape_cast %shift_right_logical3A_265 : vector<16xi32> to vector<16xi32>
    tpu.vector_store %arg8[%swap3A_266], %swap3A_269 {strides = array<i32>} : memref<64xi32, #tpu.memory_space<vmem>>, vector<16xi32>,
    %and3A_270 = arith.constant 16383 : i32
    %and3A_271 = vector.broadcast %and3A_270 : i32 to vector<16xi32>
    %and3A_272 = arith.andi %get3A_262, %and3A_271 : vector<16xi32>
    %swap3A_273 = arith.constant 48 : index
    %swap3A_274 = tpu.vector_load %arg12[%swap3A_273] {strides = array<i32>} : memref<64xi32, #tpu.memory_space<vmem>>, vector<16xi32>,
    %swap3A_275 = vector.shape_cast %swap3A_274 : vector<16xi32> to vector<16xi32>
    %swap3A_276 = vector.shape_cast %and3A_272 : vector<16xi32> to vector<16xi32>
    tpu.vector_store %arg12[%swap3A_273], %swap3A_276 {strides = array<i32>} : memref<64xi32, #tpu.memory_space<vmem>>, vector<16xi32>,
    %dma_start3A_277 = arith.constant 0 : i32
    %dma_start3A_278 = arith.constant 0 : i32
    %dma_start3A_279 = tpu.memref_slice %arg2[%dma_start3A_277, %dma_start3A_278] : memref<10000x128xf32, #tpu.memory_space<hbm>> -> memref<10000x128xf32, #tpu.memory_space<hbm>>
    tpu.enqueue_indirect_dma source(%dma_start3A_279 : memref<10000x128xf32, #tpu.memory_space<hbm>>) target(%arg16 : memref<64x128xf32, #tpu.memory_space<vmem>>) offsets(%arg8 : memref<64xi32, #tpu.memory_space<vmem>>) semaphore(%arg21 : memref<!tpu.dma_semaphore, #tpu.memory_space<semaphore_mem>>)
    %get3A_280 = arith.constant 1 : i32
    %get3A_281 = arith.index_cast %get3A_280 : i32 to index
    %get3A_282 = arith.constant 64 : index
    %get3A_283 = tpu.vector_load %arg5[%get3A_281, %get3A_282] {strides = array<i32>} : memref<40x128xi32, #tpu.memory_space<vmem>>, vector<1x16xi32>,
    %get3A_284 = vector.shape_cast %get3A_283 : vector<1x16xi32> to vector<16xi32>
    %shift_right_logical3A_285 = arith.constant 14 : i32
    %shift_right_logical3A_286 = vector.broadcast %shift_right_logical3A_285 : i32 to vector<16xi32>
    %shift_right_logical3A_287 = arith.shrui %get3A_284, %shift_right_logical3A_286 : vector<16xi32>
    %swap3A_288 = arith.constant 0 : index
    %swap3A_289 = tpu.vector_load %arg9[%swap3A_288] {strides = array<i32>} : memref<64xi32, #tpu.memory_space<vmem>>, vector<16xi32>,
    %swap3A_290 = vector.shape_cast %swap3A_289 : vector<16xi32> to vector<16xi32>
    %swap3A_291 = vector.shape_cast %shift_right_logical3A_287 : vector<16xi32> to vector<16xi32>
    tpu.vector_store %arg9[%swap3A_288], %swap3A_291 {strides = array<i32>} : memref<64xi32, #tpu.memory_space<vmem>>, vector<16xi32>,
    %and3A_292 = arith.constant 16383 : i32
    %and3A_293 = vector.broadcast %and3A_292 : i32 to vector<16xi32>
    %and3A_294 = arith.andi %get3A_284, %and3A_293 : vector<16xi32>
    %swap3A_295 = arith.constant 0 : index
    %swap3A_296 = tpu.vector_load %arg13[%swap3A_295] {strides = array<i32>} : memref<64xi32, #tpu.memory_space<vmem>>, vector<16xi32>,
    %swap3A_297 = vector.shape_cast %swap3A_296 : vector<16xi32> to vector<16xi32>
    %swap3A_298 = vector.shape_cast %and3A_294 : vector<16xi32> to vector<16xi32>
    tpu.vector_store %arg13[%swap3A_295], %swap3A_298 {strides = array<i32>} : memref<64xi32, #tpu.memory_space<vmem>>, vector<16xi32>,
    %get3A_299 = arith.constant 1 : i32
    %get3A_300 = arith.index_cast %get3A_299 : i32 to index
    %get3A_301 = arith.constant 80 : index
    %get3A_302 = tpu.vector_load %arg5[%get3A_300, %get3A_301] {strides = array<i32>} : memref<40x128xi32, #tpu.memory_space<vmem>>, vector<1x16xi32>,
    %get3A_303 = vector.shape_cast %get3A_302 : vector<1x16xi32> to vector<16xi32>
    %shift_right_logical3A_304 = arith.constant 14 : i32
    %shift_right_logical3A_305 = vector.broadcast %shift_right_logical3A_304 : i32 to vector<16xi32>
    %shift_right_logical3A_306 = arith.shrui %get3A_303, %shift_right_logical3A_305 : vector<16xi32>
    %swap3A_307 = arith.constant 16 : index
    %swap3A_308 = tpu.vector_load %arg9[%swap3A_307] {strides = array<i32>} : memref<64xi32, #tpu.memory_space<vmem>>, vector<16xi32>,
    %swap3A_309 = vector.shape_cast %swap3A_308 : vector<16xi32> to vector<16xi32>
    %swap3A_310 = vector.shape_cast %shift_right_logical3A_306 : vector<16xi32> to vector<16xi32>
    tpu.vector_store %arg9[%swap3A_307], %swap3A_310 {strides = array<i32>} : memref<64xi32, #tpu.memory_space<vmem>>, vector<16xi32>,
    %and3A_311 = arith.constant 16383 : i32
    %and3A_312 = vector.broadcast %and3A_311 : i32 to vector<16xi32>
    %and3A_313 = arith.andi %get3A_303, %and3A_312 : vector<16xi32>
    %swap3A_314 = arith.constant 16 : index
    %swap3A_315 = tpu.vector_load %arg13[%swap3A_314] {strides = array<i32>} : memref<64xi32, #tpu.memory_space<vmem>>, vector<16xi32>,
    %swap3A_316 = vector.shape_cast %swap3A_315 : vector<16xi32> to vector<16xi32>
    %swap3A_317 = vector.shape_cast %and3A_313 : vector<16xi32> to vector<16xi32>
    tpu.vector_store %arg13[%swap3A_314], %swap3A_317 {strides = array<i32>} : memref<64xi32, #tpu.memory_space<vmem>>, vector<16xi32>,
    %get3A_318 = arith.constant 1 : i32
    %get3A_319 = arith.index_cast %get3A_318 : i32 to index
    %get3A_320 = arith.constant 96 : index
    %get3A_321 = tpu.vector_load %arg5[%get3A_319, %get3A_320] {strides = array<i32>} : memref<40x128xi32, #tpu.memory_space<vmem>>, vector<1x16xi32>,
    %get3A_322 = vector.shape_cast %get3A_321 : vector<1x16xi32> to vector<16xi32>
    %shift_right_logical3A_323 = arith.constant 14 : i32
    %shift_right_logical3A_324 = vector.broadcast %shift_right_logical3A_323 : i32 to vector<16xi32>
    %shift_right_logical3A_325 = arith.shrui %get3A_322, %shift_right_logical3A_324 : vector<16xi32>
    %swap3A_326 = arith.constant 32 : index
    %swap3A_327 = tpu.vector_load %arg9[%swap3A_326] {strides = array<i32>} : memref<64xi32, #tpu.memory_space<vmem>>, vector<16xi32>,
    %swap3A_328 = vector.shape_cast %swap3A_327 : vector<16xi32> to vector<16xi32>
    %swap3A_329 = vector.shape_cast %shift_right_logical3A_325 : vector<16xi32> to vector<16xi32>
    tpu.vector_store %arg9[%swap3A_326], %swap3A_329 {strides = array<i32>} : memref<64xi32, #tpu.memory_space<vmem>>, vector<16xi32>,
    %and3A_330 = arith.constant 16383 : i32
    %and3A_331 = vector.broadcast %and3A_330 : i32 to vector<16xi32>
    %and3A_332 = arith.andi %get3A_322, %and3A_331 : vector<16xi32>
    %swap3A_333 = arith.constant 32 : index
    %swap3A_334 = tpu.vector_load %arg13[%swap3A_333] {strides = array<i32>} : memref<64xi32, #tpu.memory_space<vmem>>, vector<16xi32>,
    %swap3A_335 = vector.shape_cast %swap3A_334 : vector<16xi32> to vector<16xi32>
    %swap3A_336 = vector.shape_cast %and3A_332 : vector<16xi32> to vector<16xi32>
    tpu.vector_store %arg13[%swap3A_333], %swap3A_336 {strides = array<i32>} : memref<64xi32, #tpu.memory_space<vmem>>, vector<16xi32>,
    %get3A_337 = arith.constant 1 : i32
    %get3A_338 = arith.index_cast %get3A_337 : i32 to index
    %get3A_339 = arith.constant 112 : index
    %get3A_340 = tpu.vector_load %arg5[%get3A_338, %get3A_339] {strides = array<i32>} : memref<40x128xi32, #tpu.memory_space<vmem>>, vector<1x16xi32>,
    %get3A_341 = vector.shape_cast %get3A_340 : vector<1x16xi32> to vector<16xi32>
    %shift_right_logical3A_342 = arith.constant 14 : i32
    %shift_right_logical3A_343 = vector.broadcast %shift_right_logical3A_342 : i32 to vector<16xi32>
    %shift_right_logical3A_344 = arith.shrui %get3A_341, %shift_right_logical3A_343 : vector<16xi32>
    %swap3A_345 = arith.constant 48 : index
    %swap3A_346 = tpu.vector_load %arg9[%swap3A_345] {strides = array<i32>} : memref<64xi32, #tpu.memory_space<vmem>>, vector<16xi32>,
    %swap3A_347 = vector.shape_cast %swap3A_346 : vector<16xi32> to vector<16xi32>
    %swap3A_348 = vector.shape_cast %shift_right_logical3A_344 : vector<16xi32> to vector<16xi32>
    tpu.vector_store %arg9[%swap3A_345], %swap3A_348 {strides = array<i32>} : memref<64xi32, #tpu.memory_space<vmem>>, vector<16xi32>,
    %and3A_349 = arith.constant 16383 : i32
    %and3A_350 = vector.broadcast %and3A_349 : i32 to vector<16xi32>
    %and3A_351 = arith.andi %get3A_341, %and3A_350 : vector<16xi32>
    %swap3A_352 = arith.constant 48 : index
    %swap3A_353 = tpu.vector_load %arg13[%swap3A_352] {strides = array<i32>} : memref<64xi32, #tpu.memory_space<vmem>>, vector<16xi32>,
    %swap3A_354 = vector.shape_cast %swap3A_353 : vector<16xi32> to vector<16xi32>
    %swap3A_355 = vector.shape_cast %and3A_351 : vector<16xi32> to vector<16xi32>
    tpu.vector_store %arg13[%swap3A_352], %swap3A_355 {strides = array<i32>} : memref<64xi32, #tpu.memory_space<vmem>>, vector<16xi32>,
    %dma_start3A_356 = arith.constant 0 : i32
    %dma_start3A_357 = arith.constant 0 : i32
    %dma_start3A_358 = tpu.memref_slice %arg2[%dma_start3A_356, %dma_start3A_357] : memref<10000x128xf32, #tpu.memory_space<hbm>> -> memref<10000x128xf32, #tpu.memory_space<hbm>>
    tpu.enqueue_indirect_dma source(%dma_start3A_358 : memref<10000x128xf32, #tpu.memory_space<hbm>>) target(%arg17 : memref<64x128xf32, #tpu.memory_space<vmem>>) offsets(%arg9 : memref<64xi32, #tpu.memory_space<vmem>>) semaphore(%arg22 : memref<!tpu.dma_semaphore, #tpu.memory_space<semaphore_mem>>)
    %scan3A_359 = arith.constant 0 : i32
    %scan3A_360 = arith.constant 0 : i32
    %scan3A_361 = arith.constant 19 : i32
    %scan3A_362 = arith.addi %scan3A_360, %scan3A_361 : i32
    %scan3A_363 = arith.constant 1 : i32
    scf.for %scan3A_381 = %scan3A_360 to %scan3A_362 step %scan3A_363  : i32 {
      %mul3A_382 = arith.constant 4 : i32
      %mul3A_383 = arith.muli %scan3A_381, %mul3A_382 : i32
      %add3A_384 = arith.constant 0 : i32
      %add3A_385 = arith.addi %mul3A_383, %add3A_384 : i32
      %dma_wait3A_386 = arith.constant 0 : i32
      %dma_wait3A_387 = arith.constant 0 : i32
      %dma_wait3A_388 = tpu.memref_slice %arg2[%dma_wait3A_386, %dma_wait3A_387] : memref<10000x128xf32, #tpu.memory_space<hbm>> -> memref<10000x128xf32, #tpu.memory_space<hbm>>
      tpu.wait_indirect_dma semaphore(%arg19 : memref<!tpu.dma_semaphore, #tpu.memory_space<semaphore_mem>>) src(%dma_wait3A_388 : memref<10000x128xf32, #tpu.memory_space<hbm>>) dst(%arg14 : memref<64x128xf32, #tpu.memory_space<vmem>>)
      "tpu.region"() ({
        %run_scoped3A = tpu.sem_alloc : memref<!tpu.dma_semaphore, #tpu.memory_space<semaphore_mem>>
        %dma_start3A_909 = arith.constant 0 : i32
        %dma_start3A_910 = arith.constant 0 : i32
        %dma_start3A_911 = tpu.memref_slice %arg18[%dma_start3A_909, %dma_start3A_910] : memref<10240x128xf32, #tpu.memory_space<vmem_shared>> -> memref<10240x128xf32, #tpu.memory_space<vmem_shared>>
        tpu.enqueue_indirect_dma source(%arg14 : memref<64x128xf32, #tpu.memory_space<vmem>>) target(%dma_start3A_911 : memref<10240x128xf32, #tpu.memory_space<vmem_shared>>) offsets(%arg10 : memref<64xi32, #tpu.memory_space<vmem>>) semaphore(%run_scoped3A : memref<!tpu.dma_semaphore, #tpu.memory_space<semaphore_mem>>) {add = true}
        %dma_wait3A_912 = arith.constant 0 : i32
        %dma_wait3A_913 = arith.constant 0 : i32
        %dma_wait3A_914 = tpu.memref_slice %arg18[%dma_wait3A_912, %dma_wait3A_913] : memref<10240x128xf32, #tpu.memory_space<vmem_shared>> -> memref<10240x128xf32, #tpu.memory_space<vmem_shared>>
        tpu.wait_indirect_dma semaphore(%run_scoped3A : memref<!tpu.dma_semaphore, #tpu.memory_space<semaphore_mem>>) src(%arg14 : memref<64x128xf32, #tpu.memory_space<vmem>>) dst(%dma_wait3A_914 : memref<10240x128xf32, #tpu.memory_space<vmem_shared>>)
        tpu.yield
      }) : () -> ()
      %add3A_389 = arith.constant 4 : i32
      %add3A_390 = arith.addi %add3A_385, %add3A_389 : i32
      %jit3A = arith.constant 2 : i32
      %div3A = arith.divsi %add3A_390, %jit3A : i32
      %sign3A = arith.constant 0 : i32
      %sign3A_391 = arith.cmpi sgt, %add3A_390, %sign3A : i32
      %sign3A_392 = arith.extui %sign3A_391 : i1 to i32
      %sign3A_393 = arith.constant 0 : i32
      %sign3A_394 = arith.cmpi slt, %add3A_390, %sign3A_393 : i32
      %sign3A_395 = arith.extui %sign3A_394 : i1 to i32
      %sign3A_396 = arith.subi %sign3A_392, %sign3A_395 : i32
      %sign3A_397 = arith.constant 0 : i32
      %sign3A_398 = arith.cmpi sgt, %jit3A, %sign3A_397 : i32
      %sign3A_399 = arith.extui %sign3A_398 : i1 to i32
      %sign3A_400 = arith.constant 0 : i32
      %sign3A_401 = arith.cmpi slt, %jit3A, %sign3A_400 : i32
      %sign3A_402 = arith.extui %sign3A_401 : i1 to i32
      %sign3A_403 = arith.subi %sign3A_399, %sign3A_402 : i32
      %ne3A = arith.cmpi ne, %sign3A_396, %sign3A_403 : i32
      %rem3A = arith.remsi %add3A_390, %jit3A : i32
      %ne3A_404 = arith.constant 0 : i32
      %ne3A_405 = arith.cmpi ne, %rem3A, %ne3A_404 : i32
      %and3A_406 = arith.andi %ne3A, %ne3A_405 : i1
      %sub3A = arith.constant 1 : i32
      %sub3A_407 = arith.subi %div3A, %sub3A : i32
      %select_n3A = arith.select %and3A_406, %sub3A_407, %div3A : i32
      %jit3A_408 = arith.constant 2 : i32
      %eq3A = arith.constant 0 : i32
      %eq3A_409 = arith.cmpi eq, %jit3A_408, %eq3A : i32
      %jit3A_410 = arith.constant 1 : i32
      %select_n3A_411 = arith.select %eq3A_409, %jit3A_410, %jit3A_408 : i32
      %rem3A_412 = arith.remsi %add3A_390, %select_n3A_411 : i32
      %ne3A_413 = arith.constant 0 : i32
      %ne3A_414 = arith.cmpi ne, %rem3A_412, %ne3A_413 : i32
      %lt3A = arith.constant 0 : i32
      %lt3A_415 = arith.cmpi slt, %rem3A_412, %lt3A : i32
      %lt3A_416 = arith.constant 0 : i32
      %lt3A_417 = arith.cmpi slt, %select_n3A_411, %lt3A_416 : i32
      %ne3A_418 = arith.xori %lt3A_415, %lt3A_417 : i1
      %and3A_419 = arith.andi %ne3A_418, %ne3A_414 : i1
      %add3A_420 = arith.addi %rem3A_412, %select_n3A_411 : i32
      %select_n3A_421 = arith.select %and3A_419, %add3A_420, %rem3A_412 : i32
      %mul3A_422 = arith.constant 64 : i32
      %mul3A_423 = arith.muli %select_n3A_421, %mul3A_422 : i32
      %add3A_424 = arith.constant 0 : i32
      %add3A_425 = arith.addi %mul3A_423, %add3A_424 : i32
      %get3A_426 = arith.index_cast %select_n3A : i32 to index
      %get3A_427 = arith.index_cast %add3A_425 : i32 to index
      %get3A_428 = tpu.vector_load %arg5[%get3A_426, %get3A_427] {strides = array<i32>} : memref<40x128xi32, #tpu.memory_space<vmem>>, vector<1x16xi32>,
      %get3A_429 = vector.shape_cast %get3A_428 : vector<1x16xi32> to vector<16xi32>
      %shift_right_logical3A_430 = arith.constant 14 : i32
      %shift_right_logical3A_431 = vector.broadcast %shift_right_logical3A_430 : i32 to vector<16xi32>
      %shift_right_logical3A_432 = arith.shrui %get3A_429, %shift_right_logical3A_431 : vector<16xi32>
      %swap3A_433 = arith.constant 0 : index
      %swap3A_434 = tpu.vector_load %arg6[%swap3A_433] {strides = array<i32>} : memref<64xi32, #tpu.memory_space<vmem>>, vector<16xi32>,
      %swap3A_435 = vector.shape_cast %swap3A_434 : vector<16xi32> to vector<16xi32>
      %swap3A_436 = vector.shape_cast %shift_right_logical3A_432 : vector<16xi32> to vector<16xi32>
      tpu.vector_store %arg6[%swap3A_433], %swap3A_436 {strides = array<i32>} : memref<64xi32, #tpu.memory_space<vmem>>, vector<16xi32>,
      %and3A_437 = arith.constant 16383 : i32
      %and3A_438 = vector.broadcast %and3A_437 : i32 to vector<16xi32>
      %and3A_439 = arith.andi %get3A_429, %and3A_438 : vector<16xi32>
      %swap3A_440 = arith.constant 0 : index
      %swap3A_441 = tpu.vector_load %arg10[%swap3A_440] {strides = array<i32>} : memref<64xi32, #tpu.memory_space<vmem>>, vector<16xi32>,
      %swap3A_442 = vector.shape_cast %swap3A_441 : vector<16xi32> to vector<16xi32>
      %swap3A_443 = vector.shape_cast %and3A_439 : vector<16xi32> to vector<16xi32>
      tpu.vector_store %arg10[%swap3A_440], %swap3A_443 {strides = array<i32>} : memref<64xi32, #tpu.memory_space<vmem>>, vector<16xi32>,
      %add3A_444 = arith.constant 16 : i32
      %add3A_445 = arith.addi %mul3A_423, %add3A_444 : i32
      %get3A_446 = arith.index_cast %select_n3A : i32 to index
      %get3A_447 = arith.index_cast %add3A_445 : i32 to index
      %get3A_448 = tpu.vector_load %arg5[%get3A_446, %get3A_447] {strides = array<i32>} : memref<40x128xi32, #tpu.memory_space<vmem>>, vector<1x16xi32>,
      %get3A_449 = vector.shape_cast %get3A_448 : vector<1x16xi32> to vector<16xi32>
      %shift_right_logical3A_450 = arith.constant 14 : i32
      %shift_right_logical3A_451 = vector.broadcast %shift_right_logical3A_450 : i32 to vector<16xi32>
      %shift_right_logical3A_452 = arith.shrui %get3A_449, %shift_right_logical3A_451 : vector<16xi32>
      %swap3A_453 = arith.constant 16 : index
      %swap3A_454 = tpu.vector_load %arg6[%swap3A_453] {strides = array<i32>} : memref<64xi32, #tpu.memory_space<vmem>>, vector<16xi32>,
      %swap3A_455 = vector.shape_cast %swap3A_454 : vector<16xi32> to vector<16xi32>
      %swap3A_456 = vector.shape_cast %shift_right_logical3A_452 : vector<16xi32> to vector<16xi32>
      tpu.vector_store %arg6[%swap3A_453], %swap3A_456 {strides = array<i32>} : memref<64xi32, #tpu.memory_space<vmem>>, vector<16xi32>,
      %and3A_457 = arith.constant 16383 : i32
      %and3A_458 = vector.broadcast %and3A_457 : i32 to vector<16xi32>
      %and3A_459 = arith.andi %get3A_449, %and3A_458 : vector<16xi32>
      %swap3A_460 = arith.constant 16 : index
      %swap3A_461 = tpu.vector_load %arg10[%swap3A_460] {strides = array<i32>} : memref<64xi32, #tpu.memory_space<vmem>>, vector<16xi32>,
      %swap3A_462 = vector.shape_cast %swap3A_461 : vector<16xi32> to vector<16xi32>
      %swap3A_463 = vector.shape_cast %and3A_459 : vector<16xi32> to vector<16xi32>
      tpu.vector_store %arg10[%swap3A_460], %swap3A_463 {strides = array<i32>} : memref<64xi32, #tpu.memory_space<vmem>>, vector<16xi32>,
      %add3A_464 = arith.constant 32 : i32
      %add3A_465 = arith.addi %mul3A_423, %add3A_464 : i32
      %get3A_466 = arith.index_cast %select_n3A : i32 to index
      %get3A_467 = arith.index_cast %add3A_465 : i32 to index
      %get3A_468 = tpu.vector_load %arg5[%get3A_466, %get3A_467] {strides = array<i32>} : memref<40x128xi32, #tpu.memory_space<vmem>>, vector<1x16xi32>,
      %get3A_469 = vector.shape_cast %get3A_468 : vector<1x16xi32> to vector<16xi32>
      %shift_right_logical3A_470 = arith.constant 14 : i32
      %shift_right_logical3A_471 = vector.broadcast %shift_right_logical3A_470 : i32 to vector<16xi32>
      %shift_right_logical3A_472 = arith.shrui %get3A_469, %shift_right_logical3A_471 : vector<16xi32>
      %swap3A_473 = arith.constant 32 : index
      %swap3A_474 = tpu.vector_load %arg6[%swap3A_473] {strides = array<i32>} : memref<64xi32, #tpu.memory_space<vmem>>, vector<16xi32>,
      %swap3A_475 = vector.shape_cast %swap3A_474 : vector<16xi32> to vector<16xi32>
      %swap3A_476 = vector.shape_cast %shift_right_logical3A_472 : vector<16xi32> to vector<16xi32>
      tpu.vector_store %arg6[%swap3A_473], %swap3A_476 {strides = array<i32>} : memref<64xi32, #tpu.memory_space<vmem>>, vector<16xi32>,
      %and3A_477 = arith.constant 16383 : i32
      %and3A_478 = vector.broadcast %and3A_477 : i32 to vector<16xi32>
      %and3A_479 = arith.andi %get3A_469, %and3A_478 : vector<16xi32>
      %swap3A_480 = arith.constant 32 : index
      %swap3A_481 = tpu.vector_load %arg10[%swap3A_480] {strides = array<i32>} : memref<64xi32, #tpu.memory_space<vmem>>, vector<16xi32>,
      %swap3A_482 = vector.shape_cast %swap3A_481 : vector<16xi32> to vector<16xi32>
      %swap3A_483 = vector.shape_cast %and3A_479 : vector<16xi32> to vector<16xi32>
      tpu.vector_store %arg10[%swap3A_480], %swap3A_483 {strides = array<i32>} : memref<64xi32, #tpu.memory_space<vmem>>, vector<16xi32>,
      %add3A_484 = arith.constant 48 : i32
      %add3A_485 = arith.addi %mul3A_423, %add3A_484 : i32
      %get3A_486 = arith.index_cast %select_n3A : i32 to index
      %get3A_487 = arith.index_cast %add3A_485 : i32 to index
      %get3A_488 = tpu.vector_load %arg5[%get3A_486, %get3A_487] {strides = array<i32>} : memref<40x128xi32, #tpu.memory_space<vmem>>, vector<1x16xi32>,
      %get3A_489 = vector.shape_cast %get3A_488 : vector<1x16xi32> to vector<16xi32>
      %shift_right_logical3A_490 = arith.constant 14 : i32
      %shift_right_logical3A_491 = vector.broadcast %shift_right_logical3A_490 : i32 to vector<16xi32>
      %shift_right_logical3A_492 = arith.shrui %get3A_489, %shift_right_logical3A_491 : vector<16xi32>
      %swap3A_493 = arith.constant 48 : index
      %swap3A_494 = tpu.vector_load %arg6[%swap3A_493] {strides = array<i32>} : memref<64xi32, #tpu.memory_space<vmem>>, vector<16xi32>,
      %swap3A_495 = vector.shape_cast %swap3A_494 : vector<16xi32> to vector<16xi32>
      %swap3A_496 = vector.shape_cast %shift_right_logical3A_492 : vector<16xi32> to vector<16xi32>
      tpu.vector_store %arg6[%swap3A_493], %swap3A_496 {strides = array<i32>} : memref<64xi32, #tpu.memory_space<vmem>>, vector<16xi32>,
      %and3A_497 = arith.constant 16383 : i32
      %and3A_498 = vector.broadcast %and3A_497 : i32 to vector<16xi32>
      %and3A_499 = arith.andi %get3A_489, %and3A_498 : vector<16xi32>
      %swap3A_500 = arith.constant 48 : index
      %swap3A_501 = tpu.vector_load %arg10[%swap3A_500] {strides = array<i32>} : memref<64xi32, #tpu.memory_space<vmem>>, vector<16xi32>,
      %swap3A_502 = vector.shape_cast %swap3A_501 : vector<16xi32> to vector<16xi32>
      %swap3A_503 = vector.shape_cast %and3A_499 : vector<16xi32> to vector<16xi32>
      tpu.vector_store %arg10[%swap3A_500], %swap3A_503 {strides = array<i32>} : memref<64xi32, #tpu.memory_space<vmem>>, vector<16xi32>,
      %dma_start3A_504 = arith.constant 0 : i32
      %dma_start3A_505 = arith.constant 0 : i32
      %dma_start3A_506 = tpu.memref_slice %arg2[%dma_start3A_504, %dma_start3A_505] : memref<10000x128xf32, #tpu.memory_space<hbm>> -> memref<10000x128xf32, #tpu.memory_space<hbm>>
      tpu.enqueue_indirect_dma source(%dma_start3A_506 : memref<10000x128xf32, #tpu.memory_space<hbm>>) target(%arg14 : memref<64x128xf32, #tpu.memory_space<vmem>>) offsets(%arg6 : memref<64xi32, #tpu.memory_space<vmem>>) semaphore(%arg19 : memref<!tpu.dma_semaphore, #tpu.memory_space<semaphore_mem>>)
      %mul3A_507 = arith.constant 4 : i32
      %mul3A_508 = arith.muli %scan3A_381, %mul3A_507 : i32
      %add3A_509 = arith.constant 1 : i32
      %add3A_510 = arith.addi %mul3A_508, %add3A_509 : i32
      %dma_wait3A_511 = arith.constant 0 : i32
      %dma_wait3A_512 = arith.constant 0 : i32
      %dma_wait3A_513 = tpu.memref_slice %arg2[%dma_wait3A_511, %dma_wait3A_512] : memref<10000x128xf32, #tpu.memory_space<hbm>> -> memref<10000x128xf32, #tpu.memory_space<hbm>>
      tpu.wait_indirect_dma semaphore(%arg20 : memref<!tpu.dma_semaphore, #tpu.memory_space<semaphore_mem>>) src(%dma_wait3A_513 : memref<10000x128xf32, #tpu.memory_space<hbm>>) dst(%arg15 : memref<64x128xf32, #tpu.memory_space<vmem>>)
      "tpu.region"() ({
        %run_scoped3A = tpu.sem_alloc : memref<!tpu.dma_semaphore, #tpu.memory_space<semaphore_mem>>
        %dma_start3A_909 = arith.constant 0 : i32
        %dma_start3A_910 = arith.constant 0 : i32
        %dma_start3A_911 = tpu.memref_slice %arg18[%dma_start3A_909, %dma_start3A_910] : memref<10240x128xf32, #tpu.memory_space<vmem_shared>> -> memref<10240x128xf32, #tpu.memory_space<vmem_shared>>
        tpu.enqueue_indirect_dma source(%arg15 : memref<64x128xf32, #tpu.memory_space<vmem>>) target(%dma_start3A_911 : memref<10240x128xf32, #tpu.memory_space<vmem_shared>>) offsets(%arg11 : memref<64xi32, #tpu.memory_space<vmem>>) semaphore(%run_scoped3A : memref<!tpu.dma_semaphore, #tpu.memory_space<semaphore_mem>>) {add = true}
        %dma_wait3A_912 = arith.constant 0 : i32
        %dma_wait3A_913 = arith.constant 0 : i32
        %dma_wait3A_914 = tpu.memref_slice %arg18[%dma_wait3A_912, %dma_wait3A_913] : memref<10240x128xf32, #tpu.memory_space<vmem_shared>> -> memref<10240x128xf32, #tpu.memory_space<vmem_shared>>
        tpu.wait_indirect_dma semaphore(%run_scoped3A : memref<!tpu.dma_semaphore, #tpu.memory_space<semaphore_mem>>) src(%arg15 : memref<64x128xf32, #tpu.memory_space<vmem>>) dst(%dma_wait3A_914 : memref<10240x128xf32, #tpu.memory_space<vmem_shared>>)
        tpu.yield
      }) : () -> ()
      %add3A_514 = arith.constant 4 : i32
      %add3A_515 = arith.addi %add3A_510, %add3A_514 : i32
      %jit3A_516 = arith.constant 2 : i32
      %div3A_517 = arith.divsi %add3A_515, %jit3A_516 : i32
      %sign3A_518 = arith.constant 0 : i32
      %sign3A_519 = arith.cmpi sgt, %add3A_515, %sign3A_518 : i32
      %sign3A_520 = arith.extui %sign3A_519 : i1 to i32
      %sign3A_521 = arith.constant 0 : i32
      %sign3A_522 = arith.cmpi slt, %add3A_515, %sign3A_521 : i32
      %sign3A_523 = arith.extui %sign3A_522 : i1 to i32
      %sign3A_524 = arith.subi %sign3A_520, %sign3A_523 : i32
      %sign3A_525 = arith.constant 0 : i32
      %sign3A_526 = arith.cmpi sgt, %jit3A_516, %sign3A_525 : i32
      %sign3A_527 = arith.extui %sign3A_526 : i1 to i32
      %sign3A_528 = arith.constant 0 : i32
      %sign3A_529 = arith.cmpi slt, %jit3A_516, %sign3A_528 : i32
      %sign3A_530 = arith.extui %sign3A_529 : i1 to i32
      %sign3A_531 = arith.subi %sign3A_527, %sign3A_530 : i32
      %ne3A_532 = arith.cmpi ne, %sign3A_524, %sign3A_531 : i32
      %rem3A_533 = arith.remsi %add3A_515, %jit3A_516 : i32
      %ne3A_534 = arith.constant 0 : i32
      %ne3A_535 = arith.cmpi ne, %rem3A_533, %ne3A_534 : i32
      %and3A_536 = arith.andi %ne3A_532, %ne3A_535 : i1
      %sub3A_537 = arith.constant 1 : i32
      %sub3A_538 = arith.subi %div3A_517, %sub3A_537 : i32
      %select_n3A_539 = arith.select %and3A_536, %sub3A_538, %div3A_517 : i32
      %jit3A_540 = arith.constant 2 : i32
      %eq3A_541 = arith.constant 0 : i32
      %eq3A_542 = arith.cmpi eq, %jit3A_540, %eq3A_541 : i32
      %jit3A_543 = arith.constant 1 : i32
      %select_n3A_544 = arith.select %eq3A_542, %jit3A_543, %jit3A_540 : i32
      %rem3A_545 = arith.remsi %add3A_515, %select_n3A_544 : i32
      %ne3A_546 = arith.constant 0 : i32
      %ne3A_547 = arith.cmpi ne, %rem3A_545, %ne3A_546 : i32
      %lt3A_548 = arith.constant 0 : i32
      %lt3A_549 = arith.cmpi slt, %rem3A_545, %lt3A_548 : i32
      %lt3A_550 = arith.constant 0 : i32
      %lt3A_551 = arith.cmpi slt, %select_n3A_544, %lt3A_550 : i32
      %ne3A_552 = arith.xori %lt3A_549, %lt3A_551 : i1
      %and3A_553 = arith.andi %ne3A_552, %ne3A_547 : i1
      %add3A_554 = arith.addi %rem3A_545, %select_n3A_544 : i32
      %select_n3A_555 = arith.select %and3A_553, %add3A_554, %rem3A_545 : i32
      %mul3A_556 = arith.constant 64 : i32
      %mul3A_557 = arith.muli %select_n3A_555, %mul3A_556 : i32
      %add3A_558 = arith.constant 0 : i32
      %add3A_559 = arith.addi %mul3A_557, %add3A_558 : i32
      %get3A_560 = arith.index_cast %select_n3A_539 : i32 to index
      %get3A_561 = arith.index_cast %add3A_559 : i32 to index
      %get3A_562 = tpu.vector_load %arg5[%get3A_560, %get3A_561] {strides = array<i32>} : memref<40x128xi32, #tpu.memory_space<vmem>>, vector<1x16xi32>,
      %get3A_563 = vector.shape_cast %get3A_562 : vector<1x16xi32> to vector<16xi32>
      %shift_right_logical3A_564 = arith.constant 14 : i32
      %shift_right_logical3A_565 = vector.broadcast %shift_right_logical3A_564 : i32 to vector<16xi32>
      %shift_right_logical3A_566 = arith.shrui %get3A_563, %shift_right_logical3A_565 : vector<16xi32>
      %swap3A_567 = arith.constant 0 : index
      %swap3A_568 = tpu.vector_load %arg7[%swap3A_567] {strides = array<i32>} : memref<64xi32, #tpu.memory_space<vmem>>, vector<16xi32>,
      %swap3A_569 = vector.shape_cast %swap3A_568 : vector<16xi32> to vector<16xi32>
      %swap3A_570 = vector.shape_cast %shift_right_logical3A_566 : vector<16xi32> to vector<16xi32>
      tpu.vector_store %arg7[%swap3A_567], %swap3A_570 {strides = array<i32>} : memref<64xi32, #tpu.memory_space<vmem>>, vector<16xi32>,
      %and3A_571 = arith.constant 16383 : i32
      %and3A_572 = vector.broadcast %and3A_571 : i32 to vector<16xi32>
      %and3A_573 = arith.andi %get3A_563, %and3A_572 : vector<16xi32>
      %swap3A_574 = arith.constant 0 : index
      %swap3A_575 = tpu.vector_load %arg11[%swap3A_574] {strides = array<i32>} : memref<64xi32, #tpu.memory_space<vmem>>, vector<16xi32>,
      %swap3A_576 = vector.shape_cast %swap3A_575 : vector<16xi32> to vector<16xi32>
      %swap3A_577 = vector.shape_cast %and3A_573 : vector<16xi32> to vector<16xi32>
      tpu.vector_store %arg11[%swap3A_574], %swap3A_577 {strides = array<i32>} : memref<64xi32, #tpu.memory_space<vmem>>, vector<16xi32>,
      %add3A_578 = arith.constant 16 : i32
      %add3A_579 = arith.addi %mul3A_557, %add3A_578 : i32
      %get3A_580 = arith.index_cast %select_n3A_539 : i32 to index
      %get3A_581 = arith.index_cast %add3A_579 : i32 to index
      %get3A_582 = tpu.vector_load %arg5[%get3A_580, %get3A_581] {strides = array<i32>} : memref<40x128xi32, #tpu.memory_space<vmem>>, vector<1x16xi32>,
      %get3A_583 = vector.shape_cast %get3A_582 : vector<1x16xi32> to vector<16xi32>
      %shift_right_logical3A_584 = arith.constant 14 : i32
      %shift_right_logical3A_585 = vector.broadcast %shift_right_logical3A_584 : i32 to vector<16xi32>
      %shift_right_logical3A_586 = arith.shrui %get3A_583, %shift_right_logical3A_585 : vector<16xi32>
      %swap3A_587 = arith.constant 16 : index
      %swap3A_588 = tpu.vector_load %arg7[%swap3A_587] {strides = array<i32>} : memref<64xi32, #tpu.memory_space<vmem>>, vector<16xi32>,
      %swap3A_589 = vector.shape_cast %swap3A_588 : vector<16xi32> to vector<16xi32>
      %swap3A_590 = vector.shape_cast %shift_right_logical3A_586 : vector<16xi32> to vector<16xi32>
      tpu.vector_store %arg7[%swap3A_587], %swap3A_590 {strides = array<i32>} : memref<64xi32, #tpu.memory_space<vmem>>, vector<16xi32>,
      %and3A_591 = arith.constant 16383 : i32
      %and3A_592 = vector.broadcast %and3A_591 : i32 to vector<16xi32>
      %and3A_593 = arith.andi %get3A_583, %and3A_592 : vector<16xi32>
      %swap3A_594 = arith.constant 16 : index
      %swap3A_595 = tpu.vector_load %arg11[%swap3A_594] {strides = array<i32>} : memref<64xi32, #tpu.memory_space<vmem>>, vector<16xi32>,
      %swap3A_596 = vector.shape_cast %swap3A_595 : vector<16xi32> to vector<16xi32>
      %swap3A_597 = vector.shape_cast %and3A_593 : vector<16xi32> to vector<16xi32>
      tpu.vector_store %arg11[%swap3A_594], %swap3A_597 {strides = array<i32>} : memref<64xi32, #tpu.memory_space<vmem>>, vector<16xi32>,
      %add3A_598 = arith.constant 32 : i32
      %add3A_599 = arith.addi %mul3A_557, %add3A_598 : i32
      %get3A_600 = arith.index_cast %select_n3A_539 : i32 to index
      %get3A_601 = arith.index_cast %add3A_599 : i32 to index
      %get3A_602 = tpu.vector_load %arg5[%get3A_600, %get3A_601] {strides = array<i32>} : memref<40x128xi32, #tpu.memory_space<vmem>>, vector<1x16xi32>,
      %get3A_603 = vector.shape_cast %get3A_602 : vector<1x16xi32> to vector<16xi32>
      %shift_right_logical3A_604 = arith.constant 14 : i32
      %shift_right_logical3A_605 = vector.broadcast %shift_right_logical3A_604 : i32 to vector<16xi32>
      %shift_right_logical3A_606 = arith.shrui %get3A_603, %shift_right_logical3A_605 : vector<16xi32>
      %swap3A_607 = arith.constant 32 : index
      %swap3A_608 = tpu.vector_load %arg7[%swap3A_607] {strides = array<i32>} : memref<64xi32, #tpu.memory_space<vmem>>, vector<16xi32>,
      %swap3A_609 = vector.shape_cast %swap3A_608 : vector<16xi32> to vector<16xi32>
      %swap3A_610 = vector.shape_cast %shift_right_logical3A_606 : vector<16xi32> to vector<16xi32>
      tpu.vector_store %arg7[%swap3A_607], %swap3A_610 {strides = array<i32>} : memref<64xi32, #tpu.memory_space<vmem>>, vector<16xi32>,
      %and3A_611 = arith.constant 16383 : i32
      %and3A_612 = vector.broadcast %and3A_611 : i32 to vector<16xi32>
      %and3A_613 = arith.andi %get3A_603, %and3A_612 : vector<16xi32>
      %swap3A_614 = arith.constant 32 : index
      %swap3A_615 = tpu.vector_load %arg11[%swap3A_614] {strides = array<i32>} : memref<64xi32, #tpu.memory_space<vmem>>, vector<16xi32>,
      %swap3A_616 = vector.shape_cast %swap3A_615 : vector<16xi32> to vector<16xi32>
      %swap3A_617 = vector.shape_cast %and3A_613 : vector<16xi32> to vector<16xi32>
      tpu.vector_store %arg11[%swap3A_614], %swap3A_617 {strides = array<i32>} : memref<64xi32, #tpu.memory_space<vmem>>, vector<16xi32>,
      %add3A_618 = arith.constant 48 : i32
      %add3A_619 = arith.addi %mul3A_557, %add3A_618 : i32
      %get3A_620 = arith.index_cast %select_n3A_539 : i32 to index
      %get3A_621 = arith.index_cast %add3A_619 : i32 to index
      %get3A_622 = tpu.vector_load %arg5[%get3A_620, %get3A_621] {strides = array<i32>} : memref<40x128xi32, #tpu.memory_space<vmem>>, vector<1x16xi32>,
      %get3A_623 = vector.shape_cast %get3A_622 : vector<1x16xi32> to vector<16xi32>
      %shift_right_logical3A_624 = arith.constant 14 : i32
      %shift_right_logical3A_625 = vector.broadcast %shift_right_logical3A_624 : i32 to vector<16xi32>
      %shift_right_logical3A_626 = arith.shrui %get3A_623, %shift_right_logical3A_625 : vector<16xi32>
      %swap3A_627 = arith.constant 48 : index
      %swap3A_628 = tpu.vector_load %arg7[%swap3A_627] {strides = array<i32>} : memref<64xi32, #tpu.memory_space<vmem>>, vector<16xi32>,
      %swap3A_629 = vector.shape_cast %swap3A_628 : vector<16xi32> to vector<16xi32>
      %swap3A_630 = vector.shape_cast %shift_right_logical3A_626 : vector<16xi32> to vector<16xi32>
      tpu.vector_store %arg7[%swap3A_627], %swap3A_630 {strides = array<i32>} : memref<64xi32, #tpu.memory_space<vmem>>, vector<16xi32>,
      %and3A_631 = arith.constant 16383 : i32
      %and3A_632 = vector.broadcast %and3A_631 : i32 to vector<16xi32>
      %and3A_633 = arith.andi %get3A_623, %and3A_632 : vector<16xi32>
      %swap3A_634 = arith.constant 48 : index
      %swap3A_635 = tpu.vector_load %arg11[%swap3A_634] {strides = array<i32>} : memref<64xi32, #tpu.memory_space<vmem>>, vector<16xi32>,
      %swap3A_636 = vector.shape_cast %swap3A_635 : vector<16xi32> to vector<16xi32>
      %swap3A_637 = vector.shape_cast %and3A_633 : vector<16xi32> to vector<16xi32>
      tpu.vector_store %arg11[%swap3A_634], %swap3A_637 {strides = array<i32>} : memref<64xi32, #tpu.memory_space<vmem>>, vector<16xi32>,
      %dma_start3A_638 = arith.constant 0 : i32
      %dma_start3A_639 = arith.constant 0 : i32
      %dma_start3A_640 = tpu.memref_slice %arg2[%dma_start3A_638, %dma_start3A_639] : memref<10000x128xf32, #tpu.memory_space<hbm>> -> memref<10000x128xf32, #tpu.memory_space<hbm>>
      tpu.enqueue_indirect_dma source(%dma_start3A_640 : memref<10000x128xf32, #tpu.memory_space<hbm>>) target(%arg15 : memref<64x128xf32, #tpu.memory_space<vmem>>) offsets(%arg7 : memref<64xi32, #tpu.memory_space<vmem>>) semaphore(%arg20 : memref<!tpu.dma_semaphore, #tpu.memory_space<semaphore_mem>>)
      %mul3A_641 = arith.constant 4 : i32
      %mul3A_642 = arith.muli %scan3A_381, %mul3A_641 : i32
      %add3A_643 = arith.constant 2 : i32
      %add3A_644 = arith.addi %mul3A_642, %add3A_643 : i32
      %dma_wait3A_645 = arith.constant 0 : i32
      %dma_wait3A_646 = arith.constant 0 : i32
      %dma_wait3A_647 = tpu.memref_slice %arg2[%dma_wait3A_645, %dma_wait3A_646] : memref<10000x128xf32, #tpu.memory_space<hbm>> -> memref<10000x128xf32, #tpu.memory_space<hbm>>
      tpu.wait_indirect_dma semaphore(%arg21 : memref<!tpu.dma_semaphore, #tpu.memory_space<semaphore_mem>>) src(%dma_wait3A_647 : memref<10000x128xf32, #tpu.memory_space<hbm>>) dst(%arg16 : memref<64x128xf32, #tpu.memory_space<vmem>>)
      "tpu.region"() ({
        %run_scoped3A = tpu.sem_alloc : memref<!tpu.dma_semaphore, #tpu.memory_space<semaphore_mem>>
        %dma_start3A_909 = arith.constant 0 : i32
        %dma_start3A_910 = arith.constant 0 : i32
        %dma_start3A_911 = tpu.memref_slice %arg18[%dma_start3A_909, %dma_start3A_910] : memref<10240x128xf32, #tpu.memory_space<vmem_shared>> -> memref<10240x128xf32, #tpu.memory_space<vmem_shared>>
        tpu.enqueue_indirect_dma source(%arg16 : memref<64x128xf32, #tpu.memory_space<vmem>>) target(%dma_start3A_911 : memref<10240x128xf32, #tpu.memory_space<vmem_shared>>) offsets(%arg12 : memref<64xi32, #tpu.memory_space<vmem>>) semaphore(%run_scoped3A : memref<!tpu.dma_semaphore, #tpu.memory_space<semaphore_mem>>) {add = true}
        %dma_wait3A_912 = arith.constant 0 : i32
        %dma_wait3A_913 = arith.constant 0 : i32
        %dma_wait3A_914 = tpu.memref_slice %arg18[%dma_wait3A_912, %dma_wait3A_913] : memref<10240x128xf32, #tpu.memory_space<vmem_shared>> -> memref<10240x128xf32, #tpu.memory_space<vmem_shared>>
        tpu.wait_indirect_dma semaphore(%run_scoped3A : memref<!tpu.dma_semaphore, #tpu.memory_space<semaphore_mem>>) src(%arg16 : memref<64x128xf32, #tpu.memory_space<vmem>>) dst(%dma_wait3A_914 : memref<10240x128xf32, #tpu.memory_space<vmem_shared>>)
        tpu.yield
      }) : () -> ()
      %add3A_648 = arith.constant 4 : i32
      %add3A_649 = arith.addi %add3A_644, %add3A_648 : i32
      %jit3A_650 = arith.constant 2 : i32
      %div3A_651 = arith.divsi %add3A_649, %jit3A_650 : i32
      %sign3A_652 = arith.constant 0 : i32
      %sign3A_653 = arith.cmpi sgt, %add3A_649, %sign3A_652 : i32
      %sign3A_654 = arith.extui %sign3A_653 : i1 to i32
      %sign3A_655 = arith.constant 0 : i32
      %sign3A_656 = arith.cmpi slt, %add3A_649, %sign3A_655 : i32
      %sign3A_657 = arith.extui %sign3A_656 : i1 to i32
      %sign3A_658 = arith.subi %sign3A_654, %sign3A_657 : i32
      %sign3A_659 = arith.constant 0 : i32
      %sign3A_660 = arith.cmpi sgt, %jit3A_650, %sign3A_659 : i32
      %sign3A_661 = arith.extui %sign3A_660 : i1 to i32
      %sign3A_662 = arith.constant 0 : i32
      %sign3A_663 = arith.cmpi slt, %jit3A_650, %sign3A_662 : i32
      %sign3A_664 = arith.extui %sign3A_663 : i1 to i32
      %sign3A_665 = arith.subi %sign3A_661, %sign3A_664 : i32
      %ne3A_666 = arith.cmpi ne, %sign3A_658, %sign3A_665 : i32
      %rem3A_667 = arith.remsi %add3A_649, %jit3A_650 : i32
      %ne3A_668 = arith.constant 0 : i32
      %ne3A_669 = arith.cmpi ne, %rem3A_667, %ne3A_668 : i32
      %and3A_670 = arith.andi %ne3A_666, %ne3A_669 : i1
      %sub3A_671 = arith.constant 1 : i32
      %sub3A_672 = arith.subi %div3A_651, %sub3A_671 : i32
      %select_n3A_673 = arith.select %and3A_670, %sub3A_672, %div3A_651 : i32
      %jit3A_674 = arith.constant 2 : i32
      %eq3A_675 = arith.constant 0 : i32
      %eq3A_676 = arith.cmpi eq, %jit3A_674, %eq3A_675 : i32
      %jit3A_677 = arith.constant 1 : i32
      %select_n3A_678 = arith.select %eq3A_676, %jit3A_677, %jit3A_674 : i32
      %rem3A_679 = arith.remsi %add3A_649, %select_n3A_678 : i32
      %ne3A_680 = arith.constant 0 : i32
      %ne3A_681 = arith.cmpi ne, %rem3A_679, %ne3A_680 : i32
      %lt3A_682 = arith.constant 0 : i32
      %lt3A_683 = arith.cmpi slt, %rem3A_679, %lt3A_682 : i32
      %lt3A_684 = arith.constant 0 : i32
      %lt3A_685 = arith.cmpi slt, %select_n3A_678, %lt3A_684 : i32
      %ne3A_686 = arith.xori %lt3A_683, %lt3A_685 : i1
      %and3A_687 = arith.andi %ne3A_686, %ne3A_681 : i1
      %add3A_688 = arith.addi %rem3A_679, %select_n3A_678 : i32
      %select_n3A_689 = arith.select %and3A_687, %add3A_688, %rem3A_679 : i32
      %mul3A_690 = arith.constant 64 : i32
      %mul3A_691 = arith.muli %select_n3A_689, %mul3A_690 : i32
      %add3A_692 = arith.constant 0 : i32
      %add3A_693 = arith.addi %mul3A_691, %add3A_692 : i32
      %get3A_694 = arith.index_cast %select_n3A_673 : i32 to index
      %get3A_695 = arith.index_cast %add3A_693 : i32 to index
      %get3A_696 = tpu.vector_load %arg5[%get3A_694, %get3A_695] {strides = array<i32>} : memref<40x128xi32, #tpu.memory_space<vmem>>, vector<1x16xi32>,
      %get3A_697 = vector.shape_cast %get3A_696 : vector<1x16xi32> to vector<16xi32>
      %shift_right_logical3A_698 = arith.constant 14 : i32
      %shift_right_logical3A_699 = vector.broadcast %shift_right_logical3A_698 : i32 to vector<16xi32>
      %shift_right_logical3A_700 = arith.shrui %get3A_697, %shift_right_logical3A_699 : vector<16xi32>
      %swap3A_701 = arith.constant 0 : index
      %swap3A_702 = tpu.vector_load %arg8[%swap3A_701] {strides = array<i32>} : memref<64xi32, #tpu.memory_space<vmem>>, vector<16xi32>,
      %swap3A_703 = vector.shape_cast %swap3A_702 : vector<16xi32> to vector<16xi32>
      %swap3A_704 = vector.shape_cast %shift_right_logical3A_700 : vector<16xi32> to vector<16xi32>
      tpu.vector_store %arg8[%swap3A_701], %swap3A_704 {strides = array<i32>} : memref<64xi32, #tpu.memory_space<vmem>>, vector<16xi32>,
      %and3A_705 = arith.constant 16383 : i32
      %and3A_706 = vector.broadcast %and3A_705 : i32 to vector<16xi32>
      %and3A_707 = arith.andi %get3A_697, %and3A_706 : vector<16xi32>
      %swap3A_708 = arith.constant 0 : index
      %swap3A_709 = tpu.vector_load %arg12[%swap3A_708] {strides = array<i32>} : memref<64xi32, #tpu.memory_space<vmem>>, vector<16xi32>,
      %swap3A_710 = vector.shape_cast %swap3A_709 : vector<16xi32> to vector<16xi32>
      %swap3A_711 = vector.shape_cast %and3A_707 : vector<16xi32> to vector<16xi32>
      tpu.vector_store %arg12[%swap3A_708], %swap3A_711 {strides = array<i32>} : memref<64xi32, #tpu.memory_space<vmem>>, vector<16xi32>,
      %add3A_712 = arith.constant 16 : i32
      %add3A_713 = arith.addi %mul3A_691, %add3A_712 : i32
      %get3A_714 = arith.index_cast %select_n3A_673 : i32 to index
      %get3A_715 = arith.index_cast %add3A_713 : i32 to index
      %get3A_716 = tpu.vector_load %arg5[%get3A_714, %get3A_715] {strides = array<i32>} : memref<40x128xi32, #tpu.memory_space<vmem>>, vector<1x16xi32>,
      %get3A_717 = vector.shape_cast %get3A_716 : vector<1x16xi32> to vector<16xi32>
      %shift_right_logical3A_718 = arith.constant 14 : i32
      %shift_right_logical3A_719 = vector.broadcast %shift_right_logical3A_718 : i32 to vector<16xi32>
      %shift_right_logical3A_720 = arith.shrui %get3A_717, %shift_right_logical3A_719 : vector<16xi32>
      %swap3A_721 = arith.constant 16 : index
      %swap3A_722 = tpu.vector_load %arg8[%swap3A_721] {strides = array<i32>} : memref<64xi32, #tpu.memory_space<vmem>>, vector<16xi32>,
      %swap3A_723 = vector.shape_cast %swap3A_722 : vector<16xi32> to vector<16xi32>
      %swap3A_724 = vector.shape_cast %shift_right_logical3A_720 : vector<16xi32> to vector<16xi32>
      tpu.vector_store %arg8[%swap3A_721], %swap3A_724 {strides = array<i32>} : memref<64xi32, #tpu.memory_space<vmem>>, vector<16xi32>,
      %and3A_725 = arith.constant 16383 : i32
      %and3A_726 = vector.broadcast %and3A_725 : i32 to vector<16xi32>
      %and3A_727 = arith.andi %get3A_717, %and3A_726 : vector<16xi32>
      %swap3A_728 = arith.constant 16 : index
      %swap3A_729 = tpu.vector_load %arg12[%swap3A_728] {strides = array<i32>} : memref<64xi32, #tpu.memory_space<vmem>>, vector<16xi32>,
      %swap3A_730 = vector.shape_cast %swap3A_729 : vector<16xi32> to vector<16xi32>
      %swap3A_731 = vector.shape_cast %and3A_727 : vector<16xi32> to vector<16xi32>
      tpu.vector_store %arg12[%swap3A_728], %swap3A_731 {strides = array<i32>} : memref<64xi32, #tpu.memory_space<vmem>>, vector<16xi32>,
      %add3A_732 = arith.constant 32 : i32
      %add3A_733 = arith.addi %mul3A_691, %add3A_732 : i32
      %get3A_734 = arith.index_cast %select_n3A_673 : i32 to index
      %get3A_735 = arith.index_cast %add3A_733 : i32 to index
      %get3A_736 = tpu.vector_load %arg5[%get3A_734, %get3A_735] {strides = array<i32>} : memref<40x128xi32, #tpu.memory_space<vmem>>, vector<1x16xi32>,
      %get3A_737 = vector.shape_cast %get3A_736 : vector<1x16xi32> to vector<16xi32>
      %shift_right_logical3A_738 = arith.constant 14 : i32
      %shift_right_logical3A_739 = vector.broadcast %shift_right_logical3A_738 : i32 to vector<16xi32>
      %shift_right_logical3A_740 = arith.shrui %get3A_737, %shift_right_logical3A_739 : vector<16xi32>
      %swap3A_741 = arith.constant 32 : index
      %swap3A_742 = tpu.vector_load %arg8[%swap3A_741] {strides = array<i32>} : memref<64xi32, #tpu.memory_space<vmem>>, vector<16xi32>,
      %swap3A_743 = vector.shape_cast %swap3A_742 : vector<16xi32> to vector<16xi32>
      %swap3A_744 = vector.shape_cast %shift_right_logical3A_740 : vector<16xi32> to vector<16xi32>
      tpu.vector_store %arg8[%swap3A_741], %swap3A_744 {strides = array<i32>} : memref<64xi32, #tpu.memory_space<vmem>>, vector<16xi32>,
      %and3A_745 = arith.constant 16383 : i32
      %and3A_746 = vector.broadcast %and3A_745 : i32 to vector<16xi32>
      %and3A_747 = arith.andi %get3A_737, %and3A_746 : vector<16xi32>
      %swap3A_748 = arith.constant 32 : index
      %swap3A_749 = tpu.vector_load %arg12[%swap3A_748] {strides = array<i32>} : memref<64xi32, #tpu.memory_space<vmem>>, vector<16xi32>,
      %swap3A_750 = vector.shape_cast %swap3A_749 : vector<16xi32> to vector<16xi32>
      %swap3A_751 = vector.shape_cast %and3A_747 : vector<16xi32> to vector<16xi32>
      tpu.vector_store %arg12[%swap3A_748], %swap3A_751 {strides = array<i32>} : memref<64xi32, #tpu.memory_space<vmem>>, vector<16xi32>,
      %add3A_752 = arith.constant 48 : i32
      %add3A_753 = arith.addi %mul3A_691, %add3A_752 : i32
      %get3A_754 = arith.index_cast %select_n3A_673 : i32 to index
      %get3A_755 = arith.index_cast %add3A_753 : i32 to index
      %get3A_756 = tpu.vector_load %arg5[%get3A_754, %get3A_755] {strides = array<i32>} : memref<40x128xi32, #tpu.memory_space<vmem>>, vector<1x16xi32>,
      %get3A_757 = vector.shape_cast %get3A_756 : vector<1x16xi32> to vector<16xi32>
      %shift_right_logical3A_758 = arith.constant 14 : i32
      %shift_right_logical3A_759 = vector.broadcast %shift_right_logical3A_758 : i32 to vector<16xi32>
      %shift_right_logical3A_760 = arith.shrui %get3A_757, %shift_right_logical3A_759 : vector<16xi32>
      %swap3A_761 = arith.constant 48 : index
      %swap3A_762 = tpu.vector_load %arg8[%swap3A_761] {strides = array<i32>} : memref<64xi32, #tpu.memory_space<vmem>>, vector<16xi32>,
      %swap3A_763 = vector.shape_cast %swap3A_762 : vector<16xi32> to vector<16xi32>
      %swap3A_764 = vector.shape_cast %shift_right_logical3A_760 : vector<16xi32> to vector<16xi32>
      tpu.vector_store %arg8[%swap3A_761], %swap3A_764 {strides = array<i32>} : memref<64xi32, #tpu.memory_space<vmem>>, vector<16xi32>,
      %and3A_765 = arith.constant 16383 : i32
      %and3A_766 = vector.broadcast %and3A_765 : i32 to vector<16xi32>
      %and3A_767 = arith.andi %get3A_757, %and3A_766 : vector<16xi32>
      %swap3A_768 = arith.constant 48 : index
      %swap3A_769 = tpu.vector_load %arg12[%swap3A_768] {strides = array<i32>} : memref<64xi32, #tpu.memory_space<vmem>>, vector<16xi32>,
      %swap3A_770 = vector.shape_cast %swap3A_769 : vector<16xi32> to vector<16xi32>
      %swap3A_771 = vector.shape_cast %and3A_767 : vector<16xi32> to vector<16xi32>
      tpu.vector_store %arg12[%swap3A_768], %swap3A_771 {strides = array<i32>} : memref<64xi32, #tpu.memory_space<vmem>>, vector<16xi32>,
      %dma_start3A_772 = arith.constant 0 : i32
      %dma_start3A_773 = arith.constant 0 : i32
      %dma_start3A_774 = tpu.memref_slice %arg2[%dma_start3A_772, %dma_start3A_773] : memref<10000x128xf32, #tpu.memory_space<hbm>> -> memref<10000x128xf32, #tpu.memory_space<hbm>>
      tpu.enqueue_indirect_dma source(%dma_start3A_774 : memref<10000x128xf32, #tpu.memory_space<hbm>>) target(%arg16 : memref<64x128xf32, #tpu.memory_space<vmem>>) offsets(%arg8 : memref<64xi32, #tpu.memory_space<vmem>>) semaphore(%arg21 : memref<!tpu.dma_semaphore, #tpu.memory_space<semaphore_mem>>)
      %mul3A_775 = arith.constant 4 : i32
      %mul3A_776 = arith.muli %scan3A_381, %mul3A_775 : i32
      %add3A_777 = arith.constant 3 : i32
      %add3A_778 = arith.addi %mul3A_776, %add3A_777 : i32
      %dma_wait3A_779 = arith.constant 0 : i32
      %dma_wait3A_780 = arith.constant 0 : i32
      %dma_wait3A_781 = tpu.memref_slice %arg2[%dma_wait3A_779, %dma_wait3A_780] : memref<10000x128xf32, #tpu.memory_space<hbm>> -> memref<10000x128xf32, #tpu.memory_space<hbm>>
      tpu.wait_indirect_dma semaphore(%arg22 : memref<!tpu.dma_semaphore, #tpu.memory_space<semaphore_mem>>) src(%dma_wait3A_781 : memref<10000x128xf32, #tpu.memory_space<hbm>>) dst(%arg17 : memref<64x128xf32, #tpu.memory_space<vmem>>)
      "tpu.region"() ({
        %run_scoped3A = tpu.sem_alloc : memref<!tpu.dma_semaphore, #tpu.memory_space<semaphore_mem>>
        %dma_start3A_909 = arith.constant 0 : i32
        %dma_start3A_910 = arith.constant 0 : i32
        %dma_start3A_911 = tpu.memref_slice %arg18[%dma_start3A_909, %dma_start3A_910] : memref<10240x128xf32, #tpu.memory_space<vmem_shared>> -> memref<10240x128xf32, #tpu.memory_space<vmem_shared>>
        tpu.enqueue_indirect_dma source(%arg17 : memref<64x128xf32, #tpu.memory_space<vmem>>) target(%dma_start3A_911 : memref<10240x128xf32, #tpu.memory_space<vmem_shared>>) offsets(%arg13 : memref<64xi32, #tpu.memory_space<vmem>>) semaphore(%run_scoped3A : memref<!tpu.dma_semaphore, #tpu.memory_space<semaphore_mem>>) {add = true}
        %dma_wait3A_912 = arith.constant 0 : i32
        %dma_wait3A_913 = arith.constant 0 : i32
        %dma_wait3A_914 = tpu.memref_slice %arg18[%dma_wait3A_912, %dma_wait3A_913] : memref<10240x128xf32, #tpu.memory_space<vmem_shared>> -> memref<10240x128xf32, #tpu.memory_space<vmem_shared>>
        tpu.wait_indirect_dma semaphore(%run_scoped3A : memref<!tpu.dma_semaphore, #tpu.memory_space<semaphore_mem>>) src(%arg17 : memref<64x128xf32, #tpu.memory_space<vmem>>) dst(%dma_wait3A_914 : memref<10240x128xf32, #tpu.memory_space<vmem_shared>>)
        tpu.yield
      }) : () -> ()
      %add3A_782 = arith.constant 4 : i32
      %add3A_783 = arith.addi %add3A_778, %add3A_782 : i32
      %jit3A_784 = arith.constant 2 : i32
      %div3A_785 = arith.divsi %add3A_783, %jit3A_784 : i32
      %sign3A_786 = arith.constant 0 : i32
      %sign3A_787 = arith.cmpi sgt, %add3A_783, %sign3A_786 : i32
      %sign3A_788 = arith.extui %sign3A_787 : i1 to i32
      %sign3A_789 = arith.constant 0 : i32
      %sign3A_790 = arith.cmpi slt, %add3A_783, %sign3A_789 : i32
      %sign3A_791 = arith.extui %sign3A_790 : i1 to i32
      %sign3A_792 = arith.subi %sign3A_788, %sign3A_791 : i32
      %sign3A_793 = arith.constant 0 : i32
      %sign3A_794 = arith.cmpi sgt, %jit3A_784, %sign3A_793 : i32
      %sign3A_795 = arith.extui %sign3A_794 : i1 to i32
      %sign3A_796 = arith.constant 0 : i32
      %sign3A_797 = arith.cmpi slt, %jit3A_784, %sign3A_796 : i32
      %sign3A_798 = arith.extui %sign3A_797 : i1 to i32
      %sign3A_799 = arith.subi %sign3A_795, %sign3A_798 : i32
      %ne3A_800 = arith.cmpi ne, %sign3A_792, %sign3A_799 : i32
      %rem3A_801 = arith.remsi %add3A_783, %jit3A_784 : i32
      %ne3A_802 = arith.constant 0 : i32
      %ne3A_803 = arith.cmpi ne, %rem3A_801, %ne3A_802 : i32
      %and3A_804 = arith.andi %ne3A_800, %ne3A_803 : i1
      %sub3A_805 = arith.constant 1 : i32
      %sub3A_806 = arith.subi %div3A_785, %sub3A_805 : i32
      %select_n3A_807 = arith.select %and3A_804, %sub3A_806, %div3A_785 : i32
      %jit3A_808 = arith.constant 2 : i32
      %eq3A_809 = arith.constant 0 : i32
      %eq3A_810 = arith.cmpi eq, %jit3A_808, %eq3A_809 : i32
      %jit3A_811 = arith.constant 1 : i32
      %select_n3A_812 = arith.select %eq3A_810, %jit3A_811, %jit3A_808 : i32
      %rem3A_813 = arith.remsi %add3A_783, %select_n3A_812 : i32
      %ne3A_814 = arith.constant 0 : i32
      %ne3A_815 = arith.cmpi ne, %rem3A_813, %ne3A_814 : i32
      %lt3A_816 = arith.constant 0 : i32
      %lt3A_817 = arith.cmpi slt, %rem3A_813, %lt3A_816 : i32
      %lt3A_818 = arith.constant 0 : i32
      %lt3A_819 = arith.cmpi slt, %select_n3A_812, %lt3A_818 : i32
      %ne3A_820 = arith.xori %lt3A_817, %lt3A_819 : i1
      %and3A_821 = arith.andi %ne3A_820, %ne3A_815 : i1
      %add3A_822 = arith.addi %rem3A_813, %select_n3A_812 : i32
      %select_n3A_823 = arith.select %and3A_821, %add3A_822, %rem3A_813 : i32
      %mul3A_824 = arith.constant 64 : i32
      %mul3A_825 = arith.muli %select_n3A_823, %mul3A_824 : i32
      %add3A_826 = arith.constant 0 : i32
      %add3A_827 = arith.addi %mul3A_825, %add3A_826 : i32
      %get3A_828 = arith.index_cast %select_n3A_807 : i32 to index
      %get3A_829 = arith.index_cast %add3A_827 : i32 to index
      %get3A_830 = tpu.vector_load %arg5[%get3A_828, %get3A_829] {strides = array<i32>} : memref<40x128xi32, #tpu.memory_space<vmem>>, vector<1x16xi32>,
      %get3A_831 = vector.shape_cast %get3A_830 : vector<1x16xi32> to vector<16xi32>
      %shift_right_logical3A_832 = arith.constant 14 : i32
      %shift_right_logical3A_833 = vector.broadcast %shift_right_logical3A_832 : i32 to vector<16xi32>
      %shift_right_logical3A_834 = arith.shrui %get3A_831, %shift_right_logical3A_833 : vector<16xi32>
      %swap3A_835 = arith.constant 0 : index
      %swap3A_836 = tpu.vector_load %arg9[%swap3A_835] {strides = array<i32>} : memref<64xi32, #tpu.memory_space<vmem>>, vector<16xi32>,
      %swap3A_837 = vector.shape_cast %swap3A_836 : vector<16xi32> to vector<16xi32>
      %swap3A_838 = vector.shape_cast %shift_right_logical3A_834 : vector<16xi32> to vector<16xi32>
      tpu.vector_store %arg9[%swap3A_835], %swap3A_838 {strides = array<i32>} : memref<64xi32, #tpu.memory_space<vmem>>, vector<16xi32>,
      %and3A_839 = arith.constant 16383 : i32
      %and3A_840 = vector.broadcast %and3A_839 : i32 to vector<16xi32>
      %and3A_841 = arith.andi %get3A_831, %and3A_840 : vector<16xi32>
      %swap3A_842 = arith.constant 0 : index
      %swap3A_843 = tpu.vector_load %arg13[%swap3A_842] {strides = array<i32>} : memref<64xi32, #tpu.memory_space<vmem>>, vector<16xi32>,
      %swap3A_844 = vector.shape_cast %swap3A_843 : vector<16xi32> to vector<16xi32>
      %swap3A_845 = vector.shape_cast %and3A_841 : vector<16xi32> to vector<16xi32>
      tpu.vector_store %arg13[%swap3A_842], %swap3A_845 {strides = array<i32>} : memref<64xi32, #tpu.memory_space<vmem>>, vector<16xi32>,
      %add3A_846 = arith.constant 16 : i32
      %add3A_847 = arith.addi %mul3A_825, %add3A_846 : i32
      %get3A_848 = arith.index_cast %select_n3A_807 : i32 to index
      %get3A_849 = arith.index_cast %add3A_847 : i32 to index
      %get3A_850 = tpu.vector_load %arg5[%get3A_848, %get3A_849] {strides = array<i32>} : memref<40x128xi32, #tpu.memory_space<vmem>>, vector<1x16xi32>,
      %get3A_851 = vector.shape_cast %get3A_850 : vector<1x16xi32> to vector<16xi32>
      %shift_right_logical3A_852 = arith.constant 14 : i32
      %shift_right_logical3A_853 = vector.broadcast %shift_right_logical3A_852 : i32 to vector<16xi32>
      %shift_right_logical3A_854 = arith.shrui %get3A_851, %shift_right_logical3A_853 : vector<16xi32>
      %swap3A_855 = arith.constant 16 : index
      %swap3A_856 = tpu.vector_load %arg9[%swap3A_855] {strides = array<i32>} : memref<64xi32, #tpu.memory_space<vmem>>, vector<16xi32>,
      %swap3A_857 = vector.shape_cast %swap3A_856 : vector<16xi32> to vector<16xi32>
      %swap3A_858 = vector.shape_cast %shift_right_logical3A_854 : vector<16xi32> to vector<16xi32>
      tpu.vector_store %arg9[%swap3A_855], %swap3A_858 {strides = array<i32>} : memref<64xi32, #tpu.memory_space<vmem>>, vector<16xi32>,
      %and3A_859 = arith.constant 16383 : i32
      %and3A_860 = vector.broadcast %and3A_859 : i32 to vector<16xi32>
      %and3A_861 = arith.andi %get3A_851, %and3A_860 : vector<16xi32>
      %swap3A_862 = arith.constant 16 : index
      %swap3A_863 = tpu.vector_load %arg13[%swap3A_862] {strides = array<i32>} : memref<64xi32, #tpu.memory_space<vmem>>, vector<16xi32>,
      %swap3A_864 = vector.shape_cast %swap3A_863 : vector<16xi32> to vector<16xi32>
      %swap3A_865 = vector.shape_cast %and3A_861 : vector<16xi32> to vector<16xi32>
      tpu.vector_store %arg13[%swap3A_862], %swap3A_865 {strides = array<i32>} : memref<64xi32, #tpu.memory_space<vmem>>, vector<16xi32>,
      %add3A_866 = arith.constant 32 : i32
      %add3A_867 = arith.addi %mul3A_825, %add3A_866 : i32
      %get3A_868 = arith.index_cast %select_n3A_807 : i32 to index
      %get3A_869 = arith.index_cast %add3A_867 : i32 to index
      %get3A_870 = tpu.vector_load %arg5[%get3A_868, %get3A_869] {strides = array<i32>} : memref<40x128xi32, #tpu.memory_space<vmem>>, vector<1x16xi32>,
      %get3A_871 = vector.shape_cast %get3A_870 : vector<1x16xi32> to vector<16xi32>
      %shift_right_logical3A_872 = arith.constant 14 : i32
      %shift_right_logical3A_873 = vector.broadcast %shift_right_logical3A_872 : i32 to vector<16xi32>
      %shift_right_logical3A_874 = arith.shrui %get3A_871, %shift_right_logical3A_873 : vector<16xi32>
      %swap3A_875 = arith.constant 32 : index
      %swap3A_876 = tpu.vector_load %arg9[%swap3A_875] {strides = array<i32>} : memref<64xi32, #tpu.memory_space<vmem>>, vector<16xi32>,
      %swap3A_877 = vector.shape_cast %swap3A_876 : vector<16xi32> to vector<16xi32>
      %swap3A_878 = vector.shape_cast %shift_right_logical3A_874 : vector<16xi32> to vector<16xi32>
      tpu.vector_store %arg9[%swap3A_875], %swap3A_878 {strides = array<i32>} : memref<64xi32, #tpu.memory_space<vmem>>, vector<16xi32>,
      %and3A_879 = arith.constant 16383 : i32
      %and3A_880 = vector.broadcast %and3A_879 : i32 to vector<16xi32>
      %and3A_881 = arith.andi %get3A_871, %and3A_880 : vector<16xi32>
      %swap3A_882 = arith.constant 32 : index
      %swap3A_883 = tpu.vector_load %arg13[%swap3A_882] {strides = array<i32>} : memref<64xi32, #tpu.memory_space<vmem>>, vector<16xi32>,
      %swap3A_884 = vector.shape_cast %swap3A_883 : vector<16xi32> to vector<16xi32>
      %swap3A_885 = vector.shape_cast %and3A_881 : vector<16xi32> to vector<16xi32>
      tpu.vector_store %arg13[%swap3A_882], %swap3A_885 {strides = array<i32>} : memref<64xi32, #tpu.memory_space<vmem>>, vector<16xi32>,
      %add3A_886 = arith.constant 48 : i32
      %add3A_887 = arith.addi %mul3A_825, %add3A_886 : i32
      %get3A_888 = arith.index_cast %select_n3A_807 : i32 to index
      %get3A_889 = arith.index_cast %add3A_887 : i32 to index
      %get3A_890 = tpu.vector_load %arg5[%get3A_888, %get3A_889] {strides = array<i32>} : memref<40x128xi32, #tpu.memory_space<vmem>>, vector<1x16xi32>,
      %get3A_891 = vector.shape_cast %get3A_890 : vector<1x16xi32> to vector<16xi32>
      %shift_right_logical3A_892 = arith.constant 14 : i32
      %shift_right_logical3A_893 = vector.broadcast %shift_right_logical3A_892 : i32 to vector<16xi32>
      %shift_right_logical3A_894 = arith.shrui %get3A_891, %shift_right_logical3A_893 : vector<16xi32>
      %swap3A_895 = arith.constant 48 : index
      %swap3A_896 = tpu.vector_load %arg9[%swap3A_895] {strides = array<i32>} : memref<64xi32, #tpu.memory_space<vmem>>, vector<16xi32>,
      %swap3A_897 = vector.shape_cast %swap3A_896 : vector<16xi32> to vector<16xi32>
      %swap3A_898 = vector.shape_cast %shift_right_logical3A_894 : vector<16xi32> to vector<16xi32>
      tpu.vector_store %arg9[%swap3A_895], %swap3A_898 {strides = array<i32>} : memref<64xi32, #tpu.memory_space<vmem>>, vector<16xi32>,
      %and3A_899 = arith.constant 16383 : i32
      %and3A_900 = vector.broadcast %and3A_899 : i32 to vector<16xi32>
      %and3A_901 = arith.andi %get3A_891, %and3A_900 : vector<16xi32>
      %swap3A_902 = arith.constant 48 : index
      %swap3A_903 = tpu.vector_load %arg13[%swap3A_902] {strides = array<i32>} : memref<64xi32, #tpu.memory_space<vmem>>, vector<16xi32>,
      %swap3A_904 = vector.shape_cast %swap3A_903 : vector<16xi32> to vector<16xi32>
      %swap3A_905 = vector.shape_cast %and3A_901 : vector<16xi32> to vector<16xi32>
      tpu.vector_store %arg13[%swap3A_902], %swap3A_905 {strides = array<i32>} : memref<64xi32, #tpu.memory_space<vmem>>, vector<16xi32>,
      %dma_start3A_906 = arith.constant 0 : i32
      %dma_start3A_907 = arith.constant 0 : i32
      %dma_start3A_908 = tpu.memref_slice %arg2[%dma_start3A_906, %dma_start3A_907] : memref<10000x128xf32, #tpu.memory_space<hbm>> -> memref<10000x128xf32, #tpu.memory_space<hbm>>
      tpu.enqueue_indirect_dma source(%dma_start3A_908 : memref<10000x128xf32, #tpu.memory_space<hbm>>) target(%arg17 : memref<64x128xf32, #tpu.memory_space<vmem>>) offsets(%arg9 : memref<64xi32, #tpu.memory_space<vmem>>) semaphore(%arg22 : memref<!tpu.dma_semaphore, #tpu.memory_space<semaphore_mem>>)
    }
    %scan3A_364 = arith.constant 19 : i32
    %dma_wait3A = arith.constant 0 : i32
    %dma_wait3A_365 = arith.constant 0 : i32
    %dma_wait3A_366 = tpu.memref_slice %arg2[%dma_wait3A, %dma_wait3A_365] : memref<10000x128xf32, #tpu.memory_space<hbm>> -> memref<10000x128xf32, #tpu.memory_space<hbm>>
    tpu.wait_indirect_dma semaphore(%arg19 : memref<!tpu.dma_semaphore, #tpu.memory_space<semaphore_mem>>) src(%dma_wait3A_366 : memref<10000x128xf32, #tpu.memory_space<hbm>>) dst(%arg14 : memref<64x128xf32, #tpu.memory_space<vmem>>)
    "tpu.region"() ({
      %run_scoped3A = tpu.sem_alloc : memref<!tpu.dma_semaphore, #tpu.memory_space<semaphore_mem>>
      %dma_start3A_381 = arith.constant 0 : i32
      %dma_start3A_382 = arith.constant 0 : i32
      %dma_start3A_383 = tpu.memref_slice %arg18[%dma_start3A_381, %dma_start3A_382] : memref<10240x128xf32, #tpu.memory_space<vmem_shared>> -> memref<10240x128xf32, #tpu.memory_space<vmem_shared>>
      tpu.enqueue_indirect_dma source(%arg14 : memref<64x128xf32, #tpu.memory_space<vmem>>) target(%dma_start3A_383 : memref<10240x128xf32, #tpu.memory_space<vmem_shared>>) offsets(%arg10 : memref<64xi32, #tpu.memory_space<vmem>>) semaphore(%run_scoped3A : memref<!tpu.dma_semaphore, #tpu.memory_space<semaphore_mem>>) {add = true}
      %dma_wait3A_384 = arith.constant 0 : i32
      %dma_wait3A_385 = arith.constant 0 : i32
      %dma_wait3A_386 = tpu.memref_slice %arg18[%dma_wait3A_384, %dma_wait3A_385] : memref<10240x128xf32, #tpu.memory_space<vmem_shared>> -> memref<10240x128xf32, #tpu.memory_space<vmem_shared>>
      tpu.wait_indirect_dma semaphore(%run_scoped3A : memref<!tpu.dma_semaphore, #tpu.memory_space<semaphore_mem>>) src(%arg14 : memref<64x128xf32, #tpu.memory_space<vmem>>) dst(%dma_wait3A_386 : memref<10240x128xf32, #tpu.memory_space<vmem_shared>>)
      tpu.yield
    }) : () -> ()
    %dma_wait3A_367 = arith.constant 0 : i32
    %dma_wait3A_368 = arith.constant 0 : i32
    %dma_wait3A_369 = tpu.memref_slice %arg2[%dma_wait3A_367, %dma_wait3A_368] : memref<10000x128xf32, #tpu.memory_space<hbm>> -> memref<10000x128xf32, #tpu.memory_space<hbm>>
    tpu.wait_indirect_dma semaphore(%arg20 : memref<!tpu.dma_semaphore, #tpu.memory_space<semaphore_mem>>) src(%dma_wait3A_369 : memref<10000x128xf32, #tpu.memory_space<hbm>>) dst(%arg15 : memref<64x128xf32, #tpu.memory_space<vmem>>)
    "tpu.region"() ({
      %run_scoped3A = tpu.sem_alloc : memref<!tpu.dma_semaphore, #tpu.memory_space<semaphore_mem>>
      %dma_start3A_381 = arith.constant 0 : i32
      %dma_start3A_382 = arith.constant 0 : i32
      %dma_start3A_383 = tpu.memref_slice %arg18[%dma_start3A_381, %dma_start3A_382] : memref<10240x128xf32, #tpu.memory_space<vmem_shared>> -> memref<10240x128xf32, #tpu.memory_space<vmem_shared>>
      tpu.enqueue_indirect_dma source(%arg15 : memref<64x128xf32, #tpu.memory_space<vmem>>) target(%dma_start3A_383 : memref<10240x128xf32, #tpu.memory_space<vmem_shared>>) offsets(%arg11 : memref<64xi32, #tpu.memory_space<vmem>>) semaphore(%run_scoped3A : memref<!tpu.dma_semaphore, #tpu.memory_space<semaphore_mem>>) {add = true}
      %dma_wait3A_384 = arith.constant 0 : i32
      %dma_wait3A_385 = arith.constant 0 : i32
      %dma_wait3A_386 = tpu.memref_slice %arg18[%dma_wait3A_384, %dma_wait3A_385] : memref<10240x128xf32, #tpu.memory_space<vmem_shared>> -> memref<10240x128xf32, #tpu.memory_space<vmem_shared>>
      tpu.wait_indirect_dma semaphore(%run_scoped3A : memref<!tpu.dma_semaphore, #tpu.memory_space<semaphore_mem>>) src(%arg15 : memref<64x128xf32, #tpu.memory_space<vmem>>) dst(%dma_wait3A_386 : memref<10240x128xf32, #tpu.memory_space<vmem_shared>>)
      tpu.yield
    }) : () -> ()
    %dma_wait3A_370 = arith.constant 0 : i32
    %dma_wait3A_371 = arith.constant 0 : i32
    %dma_wait3A_372 = tpu.memref_slice %arg2[%dma_wait3A_370, %dma_wait3A_371] : memref<10000x128xf32, #tpu.memory_space<hbm>> -> memref<10000x128xf32, #tpu.memory_space<hbm>>
    tpu.wait_indirect_dma semaphore(%arg21 : memref<!tpu.dma_semaphore, #tpu.memory_space<semaphore_mem>>) src(%dma_wait3A_372 : memref<10000x128xf32, #tpu.memory_space<hbm>>) dst(%arg16 : memref<64x128xf32, #tpu.memory_space<vmem>>)
    "tpu.region"() ({
      %run_scoped3A = tpu.sem_alloc : memref<!tpu.dma_semaphore, #tpu.memory_space<semaphore_mem>>
      %dma_start3A_381 = arith.constant 0 : i32
      %dma_start3A_382 = arith.constant 0 : i32
      %dma_start3A_383 = tpu.memref_slice %arg18[%dma_start3A_381, %dma_start3A_382] : memref<10240x128xf32, #tpu.memory_space<vmem_shared>> -> memref<10240x128xf32, #tpu.memory_space<vmem_shared>>
      tpu.enqueue_indirect_dma source(%arg16 : memref<64x128xf32, #tpu.memory_space<vmem>>) target(%dma_start3A_383 : memref<10240x128xf32, #tpu.memory_space<vmem_shared>>) offsets(%arg12 : memref<64xi32, #tpu.memory_space<vmem>>) semaphore(%run_scoped3A : memref<!tpu.dma_semaphore, #tpu.memory_space<semaphore_mem>>) {add = true}
      %dma_wait3A_384 = arith.constant 0 : i32
      %dma_wait3A_385 = arith.constant 0 : i32
      %dma_wait3A_386 = tpu.memref_slice %arg18[%dma_wait3A_384, %dma_wait3A_385] : memref<10240x128xf32, #tpu.memory_space<vmem_shared>> -> memref<10240x128xf32, #tpu.memory_space<vmem_shared>>
      tpu.wait_indirect_dma semaphore(%run_scoped3A : memref<!tpu.dma_semaphore, #tpu.memory_space<semaphore_mem>>) src(%arg16 : memref<64x128xf32, #tpu.memory_space<vmem>>) dst(%dma_wait3A_386 : memref<10240x128xf32, #tpu.memory_space<vmem_shared>>)
      tpu.yield
    }) : () -> ()
    %dma_wait3A_373 = arith.constant 0 : i32
    %dma_wait3A_374 = arith.constant 0 : i32
    %dma_wait3A_375 = tpu.memref_slice %arg2[%dma_wait3A_373, %dma_wait3A_374] : memref<10000x128xf32, #tpu.memory_space<hbm>> -> memref<10000x128xf32, #tpu.memory_space<hbm>>
    tpu.wait_indirect_dma semaphore(%arg22 : memref<!tpu.dma_semaphore, #tpu.memory_space<semaphore_mem>>) src(%dma_wait3A_375 : memref<10000x128xf32, #tpu.memory_space<hbm>>) dst(%arg17 : memref<64x128xf32, #tpu.memory_space<vmem>>)
    "tpu.region"() ({
      %run_scoped3A = tpu.sem_alloc : memref<!tpu.dma_semaphore, #tpu.memory_space<semaphore_mem>>
      %dma_start3A_381 = arith.constant 0 : i32
      %dma_start3A_382 = arith.constant 0 : i32
      %dma_start3A_383 = tpu.memref_slice %arg18[%dma_start3A_381, %dma_start3A_382] : memref<10240x128xf32, #tpu.memory_space<vmem_shared>> -> memref<10240x128xf32, #tpu.memory_space<vmem_shared>>
      tpu.enqueue_indirect_dma source(%arg17 : memref<64x128xf32, #tpu.memory_space<vmem>>) target(%dma_start3A_383 : memref<10240x128xf32, #tpu.memory_space<vmem_shared>>) offsets(%arg13 : memref<64xi32, #tpu.memory_space<vmem>>) semaphore(%run_scoped3A : memref<!tpu.dma_semaphore, #tpu.memory_space<semaphore_mem>>) {add = true}
      %dma_wait3A_384 = arith.constant 0 : i32
      %dma_wait3A_385 = arith.constant 0 : i32
      %dma_wait3A_386 = tpu.memref_slice %arg18[%dma_wait3A_384, %dma_wait3A_385] : memref<10240x128xf32, #tpu.memory_space<vmem_shared>> -> memref<10240x128xf32, #tpu.memory_space<vmem_shared>>
      tpu.wait_indirect_dma semaphore(%run_scoped3A : memref<!tpu.dma_semaphore, #tpu.memory_space<semaphore_mem>>) src(%arg17 : memref<64x128xf32, #tpu.memory_space<vmem>>) dst(%dma_wait3A_386 : memref<10240x128xf32, #tpu.memory_space<vmem_shared>>)
      tpu.yield
    }) : () -> ()
    %barrier3A_376 = arith.constant 0 : index
    tpu.barrier barrier_id(%barrier3A_376)
    %mul3A_377 = arith.constant 640 : i32
    %mul3A_378 = arith.muli %arg1, %mul3A_377 : i32
    %mul3A_379 = arith.constant 640 : i32
    %mul3A_380 = arith.muli %arg1, %mul3A_379 : i32
    "tpu.region"() ({
      %run_scoped3A = tpu.sem_alloc : memref<!tpu.dma_semaphore, #tpu.memory_space<semaphore_mem>>
      %dma_start3A_381 = arith.constant 0 : i32
      %dma_start3A_382 = arith.constant 0 : i32
      %dma_start3A_383 = tpu.memref_slice %arg4[%arg0, %dma_start3A_381, %dma_start3A_382] : memref<2x10240x128xf32, #tpu.memory_space<hbm>> -> memref<1x10240x128xf32, #tpu.memory_space<hbm>>
      %dma_start3A_384 = tpu.memref_squeeze %dma_start3A_383 : memref<1x10240x128xf32, #tpu.memory_space<hbm>> -> memref<10240x128xf32, #tpu.memory_space<hbm>>
      %dma_start3A_385 = arith.constant 0 : i32
      %dma_start3A_386 = tpu.memref_slice %dma_start3A_384[%mul3A_380, %dma_start3A_385] : memref<10240x128xf32, #tpu.memory_space<hbm>> -> memref<640x128xf32, #tpu.memory_space<hbm>>
      %dma_start3A_387 = arith.constant 0 : i32
      %dma_start3A_388 = tpu.memref_slice %arg18[%mul3A_378, %dma_start3A_387] : memref<10240x128xf32, #tpu.memory_space<vmem_shared>> -> memref<640x128xf32, #tpu.memory_space<vmem_shared>>
      tpu.enqueue_dma source(%dma_start3A_388 : memref<640x128xf32, #tpu.memory_space<vmem_shared>>) target(%dma_start3A_386 : memref<640x128xf32, #tpu.memory_space<hbm>>) target_semaphore(%run_scoped3A : memref<!tpu.dma_semaphore, #tpu.memory_space<semaphore_mem>>)
      %dma_wait3A_389 = arith.constant 0 : i32
      %dma_wait3A_390 = arith.constant 0 : i32
      %dma_wait3A_391 = tpu.memref_slice %arg4[%arg0, %dma_wait3A_389, %dma_wait3A_390] : memref<2x10240x128xf32, #tpu.memory_space<hbm>> -> memref<1x10240x128xf32, #tpu.memory_space<hbm>>
      %dma_wait3A_392 = tpu.memref_squeeze %dma_wait3A_391 : memref<1x10240x128xf32, #tpu.memory_space<hbm>> -> memref<10240x128xf32, #tpu.memory_space<hbm>>
      %dma_wait3A_393 = arith.constant 0 : i32
      %dma_wait3A_394 = tpu.memref_slice %dma_wait3A_392[%mul3A_380, %dma_wait3A_393] : memref<10240x128xf32, #tpu.memory_space<hbm>> -> memref<640x128xf32, #tpu.memory_space<hbm>>
      %dma_wait3A_395 = arith.constant 0 : i32
      %dma_wait3A_396 = tpu.memref_slice %arg18[%mul3A_378, %dma_wait3A_395] : memref<10240x128xf32, #tpu.memory_space<vmem_shared>> -> memref<640x128xf32, #tpu.memory_space<vmem_shared>>
      tpu.wait_dma2 semaphore(%run_scoped3A : memref<!tpu.dma_semaphore, #tpu.memory_space<semaphore_mem>>) src(%dma_wait3A_396 : memref<640x128xf32, #tpu.memory_space<vmem_shared>>) dst(%dma_wait3A_394 : memref<640x128xf32, #tpu.memory_space<hbm>>)
      tpu.yield
    }) : () -> ()
    return
  }
}

#map = affine_map<(d0, d1) -> (0, 0)>
#map1 = affine_map<(d0, d1) -> (0, 0, 0)>
module attributes {stable_mosaic.version = 14 : i64} {
  func.func @_agg_body(%arg0: i32, %arg1: i32, %arg2: memref<10000x128xf32, #tpu.memory_space<hbm>>, %arg3: memref<1280x128xi32, #tpu.memory_space<hbm>>, %arg4: memref<2x10240x128xf32, #tpu.memory_space<hbm>>, %arg5: memref<40x128xi32, #tpu.memory_space<vmem>>, %arg6: memref<64xi32, #tpu.memory_space<vmem>>, %arg7: memref<64xi32, #tpu.memory_space<vmem>>, %arg8: memref<64xi32, #tpu.memory_space<vmem>>, %arg9: memref<64xi32, #tpu.memory_space<vmem>>, %arg10: memref<64xi32, #tpu.memory_space<vmem>>, %arg11: memref<64xi32, #tpu.memory_space<vmem>>, %arg12: memref<64xi32, #tpu.memory_space<vmem>>, %arg13: memref<64xi32, #tpu.memory_space<vmem>>, %arg14: memref<64x128xf32, #tpu.memory_space<vmem>>, %arg15: memref<64x128xf32, #tpu.memory_space<vmem>>, %arg16: memref<64x128xf32, #tpu.memory_space<vmem>>, %arg17: memref<64x128xf32, #tpu.memory_space<vmem>>, %arg18: memref<10240x128xf32, #tpu.memory_space<vmem_shared>>, %arg19: memref<!tpu.dma_semaphore, #tpu.memory_space<semaphore_mem>>, %arg20: memref<!tpu.dma_semaphore, #tpu.memory_space<semaphore_mem>>, %arg21: memref<!tpu.dma_semaphore, #tpu.memory_space<semaphore_mem>>, %arg22: memref<!tpu.dma_semaphore, #tpu.memory_space<semaphore_mem>>) attributes {dimension_semantics = [#tpu.dimension_semantics<core_parallel>, #tpu.dimension_semantics<subcore_parallel>], iteration_bounds = array<i64: 2, 16>, scalar_prefetch = 0 : i64, scratch_operands = 18 : i64, tpu.core_type = #tpu.core_type<sc_vector_subcore>, window_params = [{transform_indices = #map}, {transform_indices = #map}, {transform_indices = #map1}]} {
    %scan3A = arith.constant 0 : i32
    %scan3A_0 = arith.constant 0 : i32
    %scan3A_1 = arith.constant 64 : i32
    %scan3A_2 = arith.addi %scan3A_0, %scan3A_1 : i32
    %scan3A_3 = arith.constant 1 : i32
    scf.for %scan3A_381 = %scan3A_0 to %scan3A_2 step %scan3A_3  : i32 {
      %broadcast_in_dim3A = arith.constant 0.000000e+00 : f32
      %broadcast_in_dim3A_382 = vector.broadcast %broadcast_in_dim3A : f32 to vector<16xf32>
      %swap3A_383 = arith.index_cast %scan3A_381 : i32 to index
      %swap3A_384 = arith.constant 0 : index
      %swap3A_385 = tpu.vector_load %arg14[%swap3A_383, %swap3A_384] {strides = array<i32>} : memref<64x128xf32, #tpu.memory_space<vmem>>, vector<1x16xf32>,
      %swap3A_386 = vector.shape_cast %swap3A_385 : vector<1x16xf32> to vector<16xf32>
      %swap3A_387 = vector.shape_cast %broadcast_in_dim3A_382 : vector<16xf32> to vector<1x16xf32>
      tpu.vector_store %arg14[%swap3A_383, %swap3A_384], %swap3A_387 {strides = array<i32>} : memref<64x128xf32, #tpu.memory_space<vmem>>, vector<1x16xf32>,
      %broadcast_in_dim3A_388 = arith.constant 0.000000e+00 : f32
      %broadcast_in_dim3A_389 = vector.broadcast %broadcast_in_dim3A_388 : f32 to vector<16xf32>
      %swap3A_390 = arith.index_cast %scan3A_381 : i32 to index
      %swap3A_391 = arith.constant 16 : index
      %swap3A_392 = tpu.vector_load %arg14[%swap3A_390, %swap3A_391] {strides = array<i32>} : memref<64x128xf32, #tpu.memory_space<vmem>>, vector<1x16xf32>,
      %swap3A_393 = vector.shape_cast %swap3A_392 : vector<1x16xf32> to vector<16xf32>
      %swap3A_394 = vector.shape_cast %broadcast_in_dim3A_389 : vector<16xf32> to vector<1x16xf32>
      tpu.vector_store %arg14[%swap3A_390, %swap3A_391], %swap3A_394 {strides = array<i32>} : memref<64x128xf32, #tpu.memory_space<vmem>>, vector<1x16xf32>,
      %broadcast_in_dim3A_395 = arith.constant 0.000000e+00 : f32
      %broadcast_in_dim3A_396 = vector.broadcast %broadcast_in_dim3A_395 : f32 to vector<16xf32>
      %swap3A_397 = arith.index_cast %scan3A_381 : i32 to index
      %swap3A_398 = arith.constant 32 : index
      %swap3A_399 = tpu.vector_load %arg14[%swap3A_397, %swap3A_398] {strides = array<i32>} : memref<64x128xf32, #tpu.memory_space<vmem>>, vector<1x16xf32>,
      %swap3A_400 = vector.shape_cast %swap3A_399 : vector<1x16xf32> to vector<16xf32>
      %swap3A_401 = vector.shape_cast %broadcast_in_dim3A_396 : vector<16xf32> to vector<1x16xf32>
      tpu.vector_store %arg14[%swap3A_397, %swap3A_398], %swap3A_401 {strides = array<i32>} : memref<64x128xf32, #tpu.memory_space<vmem>>, vector<1x16xf32>,
      %broadcast_in_dim3A_402 = arith.constant 0.000000e+00 : f32
      %broadcast_in_dim3A_403 = vector.broadcast %broadcast_in_dim3A_402 : f32 to vector<16xf32>
      %swap3A_404 = arith.index_cast %scan3A_381 : i32 to index
      %swap3A_405 = arith.constant 48 : index
      %swap3A_406 = tpu.vector_load %arg14[%swap3A_404, %swap3A_405] {strides = array<i32>} : memref<64x128xf32, #tpu.memory_space<vmem>>, vector<1x16xf32>,
      %swap3A_407 = vector.shape_cast %swap3A_406 : vector<1x16xf32> to vector<16xf32>
      %swap3A_408 = vector.shape_cast %broadcast_in_dim3A_403 : vector<16xf32> to vector<1x16xf32>
      tpu.vector_store %arg14[%swap3A_404, %swap3A_405], %swap3A_408 {strides = array<i32>} : memref<64x128xf32, #tpu.memory_space<vmem>>, vector<1x16xf32>,
      %broadcast_in_dim3A_409 = arith.constant 0.000000e+00 : f32
      %broadcast_in_dim3A_410 = vector.broadcast %broadcast_in_dim3A_409 : f32 to vector<16xf32>
      %swap3A_411 = arith.index_cast %scan3A_381 : i32 to index
      %swap3A_412 = arith.constant 64 : index
      %swap3A_413 = tpu.vector_load %arg14[%swap3A_411, %swap3A_412] {strides = array<i32>} : memref<64x128xf32, #tpu.memory_space<vmem>>, vector<1x16xf32>,
      %swap3A_414 = vector.shape_cast %swap3A_413 : vector<1x16xf32> to vector<16xf32>
      %swap3A_415 = vector.shape_cast %broadcast_in_dim3A_410 : vector<16xf32> to vector<1x16xf32>
      tpu.vector_store %arg14[%swap3A_411, %swap3A_412], %swap3A_415 {strides = array<i32>} : memref<64x128xf32, #tpu.memory_space<vmem>>, vector<1x16xf32>,
      %broadcast_in_dim3A_416 = arith.constant 0.000000e+00 : f32
      %broadcast_in_dim3A_417 = vector.broadcast %broadcast_in_dim3A_416 : f32 to vector<16xf32>
      %swap3A_418 = arith.index_cast %scan3A_381 : i32 to index
      %swap3A_419 = arith.constant 80 : index
      %swap3A_420 = tpu.vector_load %arg14[%swap3A_418, %swap3A_419] {strides = array<i32>} : memref<64x128xf32, #tpu.memory_space<vmem>>, vector<1x16xf32>,
      %swap3A_421 = vector.shape_cast %swap3A_420 : vector<1x16xf32> to vector<16xf32>
      %swap3A_422 = vector.shape_cast %broadcast_in_dim3A_417 : vector<16xf32> to vector<1x16xf32>
      tpu.vector_store %arg14[%swap3A_418, %swap3A_419], %swap3A_422 {strides = array<i32>} : memref<64x128xf32, #tpu.memory_space<vmem>>, vector<1x16xf32>,
      %broadcast_in_dim3A_423 = arith.constant 0.000000e+00 : f32
      %broadcast_in_dim3A_424 = vector.broadcast %broadcast_in_dim3A_423 : f32 to vector<16xf32>
      %swap3A_425 = arith.index_cast %scan3A_381 : i32 to index
      %swap3A_426 = arith.constant 96 : index
      %swap3A_427 = tpu.vector_load %arg14[%swap3A_425, %swap3A_426] {strides = array<i32>} : memref<64x128xf32, #tpu.memory_space<vmem>>, vector<1x16xf32>,
      %swap3A_428 = vector.shape_cast %swap3A_427 : vector<1x16xf32> to vector<16xf32>
      %swap3A_429 = vector.shape_cast %broadcast_in_dim3A_424 : vector<16xf32> to vector<1x16xf32>
      tpu.vector_store %arg14[%swap3A_425, %swap3A_426], %swap3A_429 {strides = array<i32>} : memref<64x128xf32, #tpu.memory_space<vmem>>, vector<1x16xf32>,
      %broadcast_in_dim3A_430 = arith.constant 0.000000e+00 : f32
      %broadcast_in_dim3A_431 = vector.broadcast %broadcast_in_dim3A_430 : f32 to vector<16xf32>
      %swap3A_432 = arith.index_cast %scan3A_381 : i32 to index
      %swap3A_433 = arith.constant 112 : index
      %swap3A_434 = tpu.vector_load %arg14[%swap3A_432, %swap3A_433] {strides = array<i32>} : memref<64x128xf32, #tpu.memory_space<vmem>>, vector<1x16xf32>,
      %swap3A_435 = vector.shape_cast %swap3A_434 : vector<1x16xf32> to vector<16xf32>
      %swap3A_436 = vector.shape_cast %broadcast_in_dim3A_431 : vector<16xf32> to vector<1x16xf32>
      tpu.vector_store %arg14[%swap3A_432, %swap3A_433], %swap3A_436 {strides = array<i32>} : memref<64x128xf32, #tpu.memory_space<vmem>>, vector<1x16xf32>,
    }
    %scan3A_4 = arith.constant 64 : i32
    %mul3A = arith.constant 640 : i32
    %mul3A_5 = arith.muli %arg1, %mul3A : i32
    %add3A = arith.constant 0 : i32
    %add3A_6 = arith.addi %mul3A_5, %add3A : i32
    "tpu.region"() ({
      %run_scoped3A = tpu.sem_alloc : memref<!tpu.dma_semaphore, #tpu.memory_space<semaphore_mem>>
      %dma_start3A_381 = arith.constant 0 : i32
      %dma_start3A_382 = tpu.memref_slice %arg18[%add3A_6, %dma_start3A_381] : memref<10240x128xf32, #tpu.memory_space<vmem_shared>> -> memref<64x128xf32, #tpu.memory_space<vmem_shared>>
      %dma_start3A_383 = arith.constant 0 : i32
      %dma_start3A_384 = tpu.memref_slice %arg18[%add3A_6, %dma_start3A_383] : memref<10240x128xf32, #tpu.memory_space<vmem_shared>> -> memref<64x128xf32, #tpu.memory_space<vmem_shared>>
      tpu.enqueue_dma source(%arg14 : memref<64x128xf32, #tpu.memory_space<vmem>>) target(%dma_start3A_384 : memref<64x128xf32, #tpu.memory_space<vmem_shared>>) target_semaphore(%run_scoped3A : memref<!tpu.dma_semaphore, #tpu.memory_space<semaphore_mem>>)
      %dma_wait3A_385 = arith.constant 0 : i32
      %dma_wait3A_386 = tpu.memref_slice %arg18[%add3A_6, %dma_wait3A_385] : memref<10240x128xf32, #tpu.memory_space<vmem_shared>> -> memref<64x128xf32, #tpu.memory_space<vmem_shared>>
      %dma_wait3A_387 = arith.constant 0 : i32
      %dma_wait3A_388 = tpu.memref_slice %arg18[%add3A_6, %dma_wait3A_387] : memref<10240x128xf32, #tpu.memory_space<vmem_shared>> -> memref<64x128xf32, #tpu.memory_space<vmem_shared>>
      tpu.wait_dma2 semaphore(%run_scoped3A : memref<!tpu.dma_semaphore, #tpu.memory_space<semaphore_mem>>) src(%arg14 : memref<64x128xf32, #tpu.memory_space<vmem>>) dst(%dma_wait3A_388 : memref<64x128xf32, #tpu.memory_space<vmem_shared>>)
      tpu.yield
    }) : () -> ()
    %mul3A_7 = arith.constant 640 : i32
    %mul3A_8 = arith.muli %arg1, %mul3A_7 : i32
    %add3A_9 = arith.constant 64 : i32
    %add3A_10 = arith.addi %mul3A_8, %add3A_9 : i32
    "tpu.region"() ({
      %run_scoped3A = tpu.sem_alloc : memref<!tpu.dma_semaphore, #tpu.memory_space<semaphore_mem>>
      %dma_start3A_381 = arith.constant 0 : i32
      %dma_start3A_382 = tpu.memref_slice %arg18[%add3A_10, %dma_start3A_381] : memref<10240x128xf32, #tpu.memory_space<vmem_shared>> -> memref<64x128xf32, #tpu.memory_space<vmem_shared>>
      %dma_start3A_383 = arith.constant 0 : i32
      %dma_start3A_384 = tpu.memref_slice %arg18[%add3A_10, %dma_start3A_383] : memref<10240x128xf32, #tpu.memory_space<vmem_shared>> -> memref<64x128xf32, #tpu.memory_space<vmem_shared>>
      tpu.enqueue_dma source(%arg14 : memref<64x128xf32, #tpu.memory_space<vmem>>) target(%dma_start3A_384 : memref<64x128xf32, #tpu.memory_space<vmem_shared>>) target_semaphore(%run_scoped3A : memref<!tpu.dma_semaphore, #tpu.memory_space<semaphore_mem>>)
      %dma_wait3A_385 = arith.constant 0 : i32
      %dma_wait3A_386 = tpu.memref_slice %arg18[%add3A_10, %dma_wait3A_385] : memref<10240x128xf32, #tpu.memory_space<vmem_shared>> -> memref<64x128xf32, #tpu.memory_space<vmem_shared>>
      %dma_wait3A_387 = arith.constant 0 : i32
      %dma_wait3A_388 = tpu.memref_slice %arg18[%add3A_10, %dma_wait3A_387] : memref<10240x128xf32, #tpu.memory_space<vmem_shared>> -> memref<64x128xf32, #tpu.memory_space<vmem_shared>>
      tpu.wait_dma2 semaphore(%run_scoped3A : memref<!tpu.dma_semaphore, #tpu.memory_space<semaphore_mem>>) src(%arg14 : memref<64x128xf32, #tpu.memory_space<vmem>>) dst(%dma_wait3A_388 : memref<64x128xf32, #tpu.memory_space<vmem_shared>>)
      tpu.yield
    }) : () -> ()
    %mul3A_11 = arith.constant 640 : i32
    %mul3A_12 = arith.muli %arg1, %mul3A_11 : i32
    %add3A_13 = arith.constant 128 : i32
    %add3A_14 = arith.addi %mul3A_12, %add3A_13 : i32
    "tpu.region"() ({
      %run_scoped3A = tpu.sem_alloc : memref<!tpu.dma_semaphore, #tpu.memory_space<semaphore_mem>>
      %dma_start3A_381 = arith.constant 0 : i32
      %dma_start3A_382 = tpu.memref_slice %arg18[%add3A_14, %dma_start3A_381] : memref<10240x128xf32, #tpu.memory_space<vmem_shared>> -> memref<64x128xf32, #tpu.memory_space<vmem_shared>>
      %dma_start3A_383 = arith.constant 0 : i32
      %dma_start3A_384 = tpu.memref_slice %arg18[%add3A_14, %dma_start3A_383] : memref<10240x128xf32, #tpu.memory_space<vmem_shared>> -> memref<64x128xf32, #tpu.memory_space<vmem_shared>>
      tpu.enqueue_dma source(%arg14 : memref<64x128xf32, #tpu.memory_space<vmem>>) target(%dma_start3A_384 : memref<64x128xf32, #tpu.memory_space<vmem_shared>>) target_semaphore(%run_scoped3A : memref<!tpu.dma_semaphore, #tpu.memory_space<semaphore_mem>>)
      %dma_wait3A_385 = arith.constant 0 : i32
      %dma_wait3A_386 = tpu.memref_slice %arg18[%add3A_14, %dma_wait3A_385] : memref<10240x128xf32, #tpu.memory_space<vmem_shared>> -> memref<64x128xf32, #tpu.memory_space<vmem_shared>>
      %dma_wait3A_387 = arith.constant 0 : i32
      %dma_wait3A_388 = tpu.memref_slice %arg18[%add3A_14, %dma_wait3A_387] : memref<10240x128xf32, #tpu.memory_space<vmem_shared>> -> memref<64x128xf32, #tpu.memory_space<vmem_shared>>
      tpu.wait_dma2 semaphore(%run_scoped3A : memref<!tpu.dma_semaphore, #tpu.memory_space<semaphore_mem>>) src(%arg14 : memref<64x128xf32, #tpu.memory_space<vmem>>) dst(%dma_wait3A_388 : memref<64x128xf32, #tpu.memory_space<vmem_shared>>)
      tpu.yield
    }) : () -> ()
    %mul3A_15 = arith.constant 640 : i32
    %mul3A_16 = arith.muli %arg1, %mul3A_15 : i32
    %add3A_17 = arith.constant 192 : i32
    %add3A_18 = arith.addi %mul3A_16, %add3A_17 : i32
    "tpu.region"() ({
      %run_scoped3A = tpu.sem_alloc : memref<!tpu.dma_semaphore, #tpu.memory_space<semaphore_mem>>
      %dma_start3A_381 = arith.constant 0 : i32
      %dma_start3A_382 = tpu.memref_slice %arg18[%add3A_18, %dma_start3A_381] : memref<10240x128xf32, #tpu.memory_space<vmem_shared>> -> memref<64x128xf32, #tpu.memory_space<vmem_shared>>
      %dma_start3A_383 = arith.constant 0 : i32
      %dma_start3A_384 = tpu.memref_slice %arg18[%add3A_18, %dma_start3A_383] : memref<10240x128xf32, #tpu.memory_space<vmem_shared>> -> memref<64x128xf32, #tpu.memory_space<vmem_shared>>
      tpu.enqueue_dma source(%arg14 : memref<64x128xf32, #tpu.memory_space<vmem>>) target(%dma_start3A_384 : memref<64x128xf32, #tpu.memory_space<vmem_shared>>) target_semaphore(%run_scoped3A : memref<!tpu.dma_semaphore, #tpu.memory_space<semaphore_mem>>)
      %dma_wait3A_385 = arith.constant 0 : i32
      %dma_wait3A_386 = tpu.memref_slice %arg18[%add3A_18, %dma_wait3A_385] : memref<10240x128xf32, #tpu.memory_space<vmem_shared>> -> memref<64x128xf32, #tpu.memory_space<vmem_shared>>
      %dma_wait3A_387 = arith.constant 0 : i32
      %dma_wait3A_388 = tpu.memref_slice %arg18[%add3A_18, %dma_wait3A_387] : memref<10240x128xf32, #tpu.memory_space<vmem_shared>> -> memref<64x128xf32, #tpu.memory_space<vmem_shared>>
      tpu.wait_dma2 semaphore(%run_scoped3A : memref<!tpu.dma_semaphore, #tpu.memory_space<semaphore_mem>>) src(%arg14 : memref<64x128xf32, #tpu.memory_space<vmem>>) dst(%dma_wait3A_388 : memref<64x128xf32, #tpu.memory_space<vmem_shared>>)
      tpu.yield
    }) : () -> ()
    %mul3A_19 = arith.constant 640 : i32
    %mul3A_20 = arith.muli %arg1, %mul3A_19 : i32
    %add3A_21 = arith.constant 256 : i32
    %add3A_22 = arith.addi %mul3A_20, %add3A_21 : i32
    "tpu.region"() ({
      %run_scoped3A = tpu.sem_alloc : memref<!tpu.dma_semaphore, #tpu.memory_space<semaphore_mem>>
      %dma_start3A_381 = arith.constant 0 : i32
      %dma_start3A_382 = tpu.memref_slice %arg18[%add3A_22, %dma_start3A_381] : memref<10240x128xf32, #tpu.memory_space<vmem_shared>> -> memref<64x128xf32, #tpu.memory_space<vmem_shared>>
      %dma_start3A_383 = arith.constant 0 : i32
      %dma_start3A_384 = tpu.memref_slice %arg18[%add3A_22, %dma_start3A_383] : memref<10240x128xf32, #tpu.memory_space<vmem_shared>> -> memref<64x128xf32, #tpu.memory_space<vmem_shared>>
      tpu.enqueue_dma source(%arg14 : memref<64x128xf32, #tpu.memory_space<vmem>>) target(%dma_start3A_384 : memref<64x128xf32, #tpu.memory_space<vmem_shared>>) target_semaphore(%run_scoped3A : memref<!tpu.dma_semaphore, #tpu.memory_space<semaphore_mem>>)
      %dma_wait3A_385 = arith.constant 0 : i32
      %dma_wait3A_386 = tpu.memref_slice %arg18[%add3A_22, %dma_wait3A_385] : memref<10240x128xf32, #tpu.memory_space<vmem_shared>> -> memref<64x128xf32, #tpu.memory_space<vmem_shared>>
      %dma_wait3A_387 = arith.constant 0 : i32
      %dma_wait3A_388 = tpu.memref_slice %arg18[%add3A_22, %dma_wait3A_387] : memref<10240x128xf32, #tpu.memory_space<vmem_shared>> -> memref<64x128xf32, #tpu.memory_space<vmem_shared>>
      tpu.wait_dma2 semaphore(%run_scoped3A : memref<!tpu.dma_semaphore, #tpu.memory_space<semaphore_mem>>) src(%arg14 : memref<64x128xf32, #tpu.memory_space<vmem>>) dst(%dma_wait3A_388 : memref<64x128xf32, #tpu.memory_space<vmem_shared>>)
      tpu.yield
    }) : () -> ()
    %mul3A_23 = arith.constant 640 : i32
    %mul3A_24 = arith.muli %arg1, %mul3A_23 : i32
    %add3A_25 = arith.constant 320 : i32
    %add3A_26 = arith.addi %mul3A_24, %add3A_25 : i32
    "tpu.region"() ({
      %run_scoped3A = tpu.sem_alloc : memref<!tpu.dma_semaphore, #tpu.memory_space<semaphore_mem>>
      %dma_start3A_381 = arith.constant 0 : i32
      %dma_start3A_382 = tpu.memref_slice %arg18[%add3A_26, %dma_start3A_381] : memref<10240x128xf32, #tpu.memory_space<vmem_shared>> -> memref<64x128xf32, #tpu.memory_space<vmem_shared>>
      %dma_start3A_383 = arith.constant 0 : i32
      %dma_start3A_384 = tpu.memref_slice %arg18[%add3A_26, %dma_start3A_383] : memref<10240x128xf32, #tpu.memory_space<vmem_shared>> -> memref<64x128xf32, #tpu.memory_space<vmem_shared>>
      tpu.enqueue_dma source(%arg14 : memref<64x128xf32, #tpu.memory_space<vmem>>) target(%dma_start3A_384 : memref<64x128xf32, #tpu.memory_space<vmem_shared>>) target_semaphore(%run_scoped3A : memref<!tpu.dma_semaphore, #tpu.memory_space<semaphore_mem>>)
      %dma_wait3A_385 = arith.constant 0 : i32
      %dma_wait3A_386 = tpu.memref_slice %arg18[%add3A_26, %dma_wait3A_385] : memref<10240x128xf32, #tpu.memory_space<vmem_shared>> -> memref<64x128xf32, #tpu.memory_space<vmem_shared>>
      %dma_wait3A_387 = arith.constant 0 : i32
      %dma_wait3A_388 = tpu.memref_slice %arg18[%add3A_26, %dma_wait3A_387] : memref<10240x128xf32, #tpu.memory_space<vmem_shared>> -> memref<64x128xf32, #tpu.memory_space<vmem_shared>>
      tpu.wait_dma2 semaphore(%run_scoped3A : memref<!tpu.dma_semaphore, #tpu.memory_space<semaphore_mem>>) src(%arg14 : memref<64x128xf32, #tpu.memory_space<vmem>>) dst(%dma_wait3A_388 : memref<64x128xf32, #tpu.memory_space<vmem_shared>>)
      tpu.yield
    }) : () -> ()
    %mul3A_27 = arith.constant 640 : i32
    %mul3A_28 = arith.muli %arg1, %mul3A_27 : i32
    %add3A_29 = arith.constant 384 : i32
    %add3A_30 = arith.addi %mul3A_28, %add3A_29 : i32
    "tpu.region"() ({
      %run_scoped3A = tpu.sem_alloc : memref<!tpu.dma_semaphore, #tpu.memory_space<semaphore_mem>>
      %dma_start3A_381 = arith.constant 0 : i32
      %dma_start3A_382 = tpu.memref_slice %arg18[%add3A_30, %dma_start3A_381] : memref<10240x128xf32, #tpu.memory_space<vmem_shared>> -> memref<64x128xf32, #tpu.memory_space<vmem_shared>>
      %dma_start3A_383 = arith.constant 0 : i32
      %dma_start3A_384 = tpu.memref_slice %arg18[%add3A_30, %dma_start3A_383] : memref<10240x128xf32, #tpu.memory_space<vmem_shared>> -> memref<64x128xf32, #tpu.memory_space<vmem_shared>>
      tpu.enqueue_dma source(%arg14 : memref<64x128xf32, #tpu.memory_space<vmem>>) target(%dma_start3A_384 : memref<64x128xf32, #tpu.memory_space<vmem_shared>>) target_semaphore(%run_scoped3A : memref<!tpu.dma_semaphore, #tpu.memory_space<semaphore_mem>>)
      %dma_wait3A_385 = arith.constant 0 : i32
      %dma_wait3A_386 = tpu.memref_slice %arg18[%add3A_30, %dma_wait3A_385] : memref<10240x128xf32, #tpu.memory_space<vmem_shared>> -> memref<64x128xf32, #tpu.memory_space<vmem_shared>>
      %dma_wait3A_387 = arith.constant 0 : i32
      %dma_wait3A_388 = tpu.memref_slice %arg18[%add3A_30, %dma_wait3A_387] : memref<10240x128xf32, #tpu.memory_space<vmem_shared>> -> memref<64x128xf32, #tpu.memory_space<vmem_shared>>
      tpu.wait_dma2 semaphore(%run_scoped3A : memref<!tpu.dma_semaphore, #tpu.memory_space<semaphore_mem>>) src(%arg14 : memref<64x128xf32, #tpu.memory_space<vmem>>) dst(%dma_wait3A_388 : memref<64x128xf32, #tpu.memory_space<vmem_shared>>)
      tpu.yield
    }) : () -> ()
    %mul3A_31 = arith.constant 640 : i32
    %mul3A_32 = arith.muli %arg1, %mul3A_31 : i32
    %add3A_33 = arith.constant 448 : i32
    %add3A_34 = arith.addi %mul3A_32, %add3A_33 : i32
    "tpu.region"() ({
      %run_scoped3A = tpu.sem_alloc : memref<!tpu.dma_semaphore, #tpu.memory_space<semaphore_mem>>
      %dma_start3A_381 = arith.constant 0 : i32
      %dma_start3A_382 = tpu.memref_slice %arg18[%add3A_34, %dma_start3A_381] : memref<10240x128xf32, #tpu.memory_space<vmem_shared>> -> memref<64x128xf32, #tpu.memory_space<vmem_shared>>
      %dma_start3A_383 = arith.constant 0 : i32
      %dma_start3A_384 = tpu.memref_slice %arg18[%add3A_34, %dma_start3A_383] : memref<10240x128xf32, #tpu.memory_space<vmem_shared>> -> memref<64x128xf32, #tpu.memory_space<vmem_shared>>
      tpu.enqueue_dma source(%arg14 : memref<64x128xf32, #tpu.memory_space<vmem>>) target(%dma_start3A_384 : memref<64x128xf32, #tpu.memory_space<vmem_shared>>) target_semaphore(%run_scoped3A : memref<!tpu.dma_semaphore, #tpu.memory_space<semaphore_mem>>)
      %dma_wait3A_385 = arith.constant 0 : i32
      %dma_wait3A_386 = tpu.memref_slice %arg18[%add3A_34, %dma_wait3A_385] : memref<10240x128xf32, #tpu.memory_space<vmem_shared>> -> memref<64x128xf32, #tpu.memory_space<vmem_shared>>
      %dma_wait3A_387 = arith.constant 0 : i32
      %dma_wait3A_388 = tpu.memref_slice %arg18[%add3A_34, %dma_wait3A_387] : memref<10240x128xf32, #tpu.memory_space<vmem_shared>> -> memref<64x128xf32, #tpu.memory_space<vmem_shared>>
      tpu.wait_dma2 semaphore(%run_scoped3A : memref<!tpu.dma_semaphore, #tpu.memory_space<semaphore_mem>>) src(%arg14 : memref<64x128xf32, #tpu.memory_space<vmem>>) dst(%dma_wait3A_388 : memref<64x128xf32, #tpu.memory_space<vmem_shared>>)
      tpu.yield
    }) : () -> ()
    %mul3A_35 = arith.constant 640 : i32
    %mul3A_36 = arith.muli %arg1, %mul3A_35 : i32
    %add3A_37 = arith.constant 512 : i32
    %add3A_38 = arith.addi %mul3A_36, %add3A_37 : i32
    "tpu.region"() ({
      %run_scoped3A = tpu.sem_alloc : memref<!tpu.dma_semaphore, #tpu.memory_space<semaphore_mem>>
      %dma_start3A_381 = arith.constant 0 : i32
      %dma_start3A_382 = tpu.memref_slice %arg18[%add3A_38, %dma_start3A_381] : memref<10240x128xf32, #tpu.memory_space<vmem_shared>> -> memref<64x128xf32, #tpu.memory_space<vmem_shared>>
      %dma_start3A_383 = arith.constant 0 : i32
      %dma_start3A_384 = tpu.memref_slice %arg18[%add3A_38, %dma_start3A_383] : memref<10240x128xf32, #tpu.memory_space<vmem_shared>> -> memref<64x128xf32, #tpu.memory_space<vmem_shared>>
      tpu.enqueue_dma source(%arg14 : memref<64x128xf32, #tpu.memory_space<vmem>>) target(%dma_start3A_384 : memref<64x128xf32, #tpu.memory_space<vmem_shared>>) target_semaphore(%run_scoped3A : memref<!tpu.dma_semaphore, #tpu.memory_space<semaphore_mem>>)
      %dma_wait3A_385 = arith.constant 0 : i32
      %dma_wait3A_386 = tpu.memref_slice %arg18[%add3A_38, %dma_wait3A_385] : memref<10240x128xf32, #tpu.memory_space<vmem_shared>> -> memref<64x128xf32, #tpu.memory_space<vmem_shared>>
      %dma_wait3A_387 = arith.constant 0 : i32
      %dma_wait3A_388 = tpu.memref_slice %arg18[%add3A_38, %dma_wait3A_387] : memref<10240x128xf32, #tpu.memory_space<vmem_shared>> -> memref<64x128xf32, #tpu.memory_space<vmem_shared>>
      tpu.wait_dma2 semaphore(%run_scoped3A : memref<!tpu.dma_semaphore, #tpu.memory_space<semaphore_mem>>) src(%arg14 : memref<64x128xf32, #tpu.memory_space<vmem>>) dst(%dma_wait3A_388 : memref<64x128xf32, #tpu.memory_space<vmem_shared>>)
      tpu.yield
    }) : () -> ()
    %mul3A_39 = arith.constant 640 : i32
    %mul3A_40 = arith.muli %arg1, %mul3A_39 : i32
    %add3A_41 = arith.constant 576 : i32
    %add3A_42 = arith.addi %mul3A_40, %add3A_41 : i32
    "tpu.region"() ({
      %run_scoped3A = tpu.sem_alloc : memref<!tpu.dma_semaphore, #tpu.memory_space<semaphore_mem>>
      %dma_start3A_381 = arith.constant 0 : i32
      %dma_start3A_382 = tpu.memref_slice %arg18[%add3A_42, %dma_start3A_381] : memref<10240x128xf32, #tpu.memory_space<vmem_shared>> -> memref<64x128xf32, #tpu.memory_space<vmem_shared>>
      %dma_start3A_383 = arith.constant 0 : i32
      %dma_start3A_384 = tpu.memref_slice %arg18[%add3A_42, %dma_start3A_383] : memref<10240x128xf32, #tpu.memory_space<vmem_shared>> -> memref<64x128xf32, #tpu.memory_space<vmem_shared>>
      tpu.enqueue_dma source(%arg14 : memref<64x128xf32, #tpu.memory_space<vmem>>) target(%dma_start3A_384 : memref<64x128xf32, #tpu.memory_space<vmem_shared>>) target_semaphore(%run_scoped3A : memref<!tpu.dma_semaphore, #tpu.memory_space<semaphore_mem>>)
      %dma_wait3A_385 = arith.constant 0 : i32
      %dma_wait3A_386 = tpu.memref_slice %arg18[%add3A_42, %dma_wait3A_385] : memref<10240x128xf32, #tpu.memory_space<vmem_shared>> -> memref<64x128xf32, #tpu.memory_space<vmem_shared>>
      %dma_wait3A_387 = arith.constant 0 : i32
      %dma_wait3A_388 = tpu.memref_slice %arg18[%add3A_42, %dma_wait3A_387] : memref<10240x128xf32, #tpu.memory_space<vmem_shared>> -> memref<64x128xf32, #tpu.memory_space<vmem_shared>>
      tpu.wait_dma2 semaphore(%run_scoped3A : memref<!tpu.dma_semaphore, #tpu.memory_space<semaphore_mem>>) src(%arg14 : memref<64x128xf32, #tpu.memory_space<vmem>>) dst(%dma_wait3A_388 : memref<64x128xf32, #tpu.memory_space<vmem_shared>>)
      tpu.yield
    }) : () -> ()
    %barrier3A = arith.constant 0 : index
    tpu.barrier barrier_id(%barrier3A)
    %mul3A_43 = arith.constant 16 : i32
    %mul3A_44 = arith.muli %arg0, %mul3A_43 : i32
    %add3A_45 = arith.addi %mul3A_44, %arg1 : i32
    %mul3A_46 = arith.constant 40 : i32
    %mul3A_47 = arith.muli %add3A_45, %mul3A_46 : i32
    "tpu.region"() ({
      %run_scoped3A = tpu.sem_alloc : memref<!tpu.dma_semaphore, #tpu.memory_space<semaphore_mem>>
      %dma_start3A_381 = arith.constant 0 : i32
      %dma_start3A_382 = tpu.memref_slice %arg3[%mul3A_47, %dma_start3A_381] : memref<1280x128xi32, #tpu.memory_space<hbm>> -> memref<40x128xi32, #tpu.memory_space<hbm>>
      %dma_start3A_383 = arith.constant 0 : i32
      %dma_start3A_384 = tpu.memref_slice %arg3[%mul3A_47, %dma_start3A_383] : memref<1280x128xi32, #tpu.memory_space<hbm>> -> memref<40x128xi32, #tpu.memory_space<hbm>>
      tpu.enqueue_dma source(%dma_start3A_384 : memref<40x128xi32, #tpu.memory_space<hbm>>) target(%arg5 : memref<40x128xi32, #tpu.memory_space<vmem>>) target_semaphore(%run_scoped3A : memref<!tpu.dma_semaphore, #tpu.memory_space<semaphore_mem>>)
      %dma_wait3A_385 = arith.constant 0 : i32
      %dma_wait3A_386 = tpu.memref_slice %arg3[%mul3A_47, %dma_wait3A_385] : memref<1280x128xi32, #tpu.memory_space<hbm>> -> memref<40x128xi32, #tpu.memory_space<hbm>>
      %dma_wait3A_387 = arith.constant 0 : i32
      %dma_wait3A_388 = tpu.memref_slice %arg3[%mul3A_47, %dma_wait3A_387] : memref<1280x128xi32, #tpu.memory_space<hbm>> -> memref<40x128xi32, #tpu.memory_space<hbm>>
      tpu.wait_dma2 semaphore(%run_scoped3A : memref<!tpu.dma_semaphore, #tpu.memory_space<semaphore_mem>>) src(%dma_wait3A_388 : memref<40x128xi32, #tpu.memory_space<hbm>>) dst(%arg5 : memref<40x128xi32, #tpu.memory_space<vmem>>)
      tpu.yield
    }) : () -> ()
    %get3A = arith.constant 0 : i32
    %get3A_48 = arith.index_cast %get3A : i32 to index
    %get3A_49 = arith.constant 0 : index
    %get3A_50 = tpu.vector_load %arg5[%get3A_48, %get3A_49] {strides = array<i32>} : memref<40x128xi32, #tpu.memory_space<vmem>>, vector<1x16xi32>,
    %get3A_51 = vector.shape_cast %get3A_50 : vector<1x16xi32> to vector<16xi32>
    %shift_right_logical3A = arith.constant 14 : i32
    %shift_right_logical3A_52 = vector.broadcast %shift_right_logical3A : i32 to vector<16xi32>
    %shift_right_logical3A_53 = arith.shrui %get3A_51, %shift_right_logical3A_52 : vector<16xi32>
    %swap3A = arith.constant 0 : index
    %swap3A_54 = tpu.vector_load %arg6[%swap3A] {strides = array<i32>} : memref<64xi32, #tpu.memory_space<vmem>>, vector<16xi32>,
    %swap3A_55 = vector.shape_cast %swap3A_54 : vector<16xi32> to vector<16xi32>
    %swap3A_56 = vector.shape_cast %shift_right_logical3A_53 : vector<16xi32> to vector<16xi32>
    tpu.vector_store %arg6[%swap3A], %swap3A_56 {strides = array<i32>} : memref<64xi32, #tpu.memory_space<vmem>>, vector<16xi32>,
    %and3A = arith.constant 16383 : i32
    %and3A_57 = vector.broadcast %and3A : i32 to vector<16xi32>
    %and3A_58 = arith.andi %get3A_51, %and3A_57 : vector<16xi32>
    %swap3A_59 = arith.constant 0 : index
    %swap3A_60 = tpu.vector_load %arg10[%swap3A_59] {strides = array<i32>} : memref<64xi32, #tpu.memory_space<vmem>>, vector<16xi32>,
    %swap3A_61 = vector.shape_cast %swap3A_60 : vector<16xi32> to vector<16xi32>
    %swap3A_62 = vector.shape_cast %and3A_58 : vector<16xi32> to vector<16xi32>
    tpu.vector_store %arg10[%swap3A_59], %swap3A_62 {strides = array<i32>} : memref<64xi32, #tpu.memory_space<vmem>>, vector<16xi32>,
    %get3A_63 = arith.constant 0 : i32
    %get3A_64 = arith.index_cast %get3A_63 : i32 to index
    %get3A_65 = arith.constant 16 : index
    %get3A_66 = tpu.vector_load %arg5[%get3A_64, %get3A_65] {strides = array<i32>} : memref<40x128xi32, #tpu.memory_space<vmem>>, vector<1x16xi32>,
    %get3A_67 = vector.shape_cast %get3A_66 : vector<1x16xi32> to vector<16xi32>
    %shift_right_logical3A_68 = arith.constant 14 : i32
    %shift_right_logical3A_69 = vector.broadcast %shift_right_logical3A_68 : i32 to vector<16xi32>
    %shift_right_logical3A_70 = arith.shrui %get3A_67, %shift_right_logical3A_69 : vector<16xi32>
    %swap3A_71 = arith.constant 16 : index
    %swap3A_72 = tpu.vector_load %arg6[%swap3A_71] {strides = array<i32>} : memref<64xi32, #tpu.memory_space<vmem>>, vector<16xi32>,
    %swap3A_73 = vector.shape_cast %swap3A_72 : vector<16xi32> to vector<16xi32>
    %swap3A_74 = vector.shape_cast %shift_right_logical3A_70 : vector<16xi32> to vector<16xi32>
    tpu.vector_store %arg6[%swap3A_71], %swap3A_74 {strides = array<i32>} : memref<64xi32, #tpu.memory_space<vmem>>, vector<16xi32>,
    %and3A_75 = arith.constant 16383 : i32
    %and3A_76 = vector.broadcast %and3A_75 : i32 to vector<16xi32>
    %and3A_77 = arith.andi %get3A_67, %and3A_76 : vector<16xi32>
    %swap3A_78 = arith.constant 16 : index
    %swap3A_79 = tpu.vector_load %arg10[%swap3A_78] {strides = array<i32>} : memref<64xi32, #tpu.memory_space<vmem>>, vector<16xi32>,
    %swap3A_80 = vector.shape_cast %swap3A_79 : vector<16xi32> to vector<16xi32>
    %swap3A_81 = vector.shape_cast %and3A_77 : vector<16xi32> to vector<16xi32>
    tpu.vector_store %arg10[%swap3A_78], %swap3A_81 {strides = array<i32>} : memref<64xi32, #tpu.memory_space<vmem>>, vector<16xi32>,
    %get3A_82 = arith.constant 0 : i32
    %get3A_83 = arith.index_cast %get3A_82 : i32 to index
    %get3A_84 = arith.constant 32 : index
    %get3A_85 = tpu.vector_load %arg5[%get3A_83, %get3A_84] {strides = array<i32>} : memref<40x128xi32, #tpu.memory_space<vmem>>, vector<1x16xi32>,
    %get3A_86 = vector.shape_cast %get3A_85 : vector<1x16xi32> to vector<16xi32>
    %shift_right_logical3A_87 = arith.constant 14 : i32
    %shift_right_logical3A_88 = vector.broadcast %shift_right_logical3A_87 : i32 to vector<16xi32>
    %shift_right_logical3A_89 = arith.shrui %get3A_86, %shift_right_logical3A_88 : vector<16xi32>
    %swap3A_90 = arith.constant 32 : index
    %swap3A_91 = tpu.vector_load %arg6[%swap3A_90] {strides = array<i32>} : memref<64xi32, #tpu.memory_space<vmem>>, vector<16xi32>,
    %swap3A_92 = vector.shape_cast %swap3A_91 : vector<16xi32> to vector<16xi32>
    %swap3A_93 = vector.shape_cast %shift_right_logical3A_89 : vector<16xi32> to vector<16xi32>
    tpu.vector_store %arg6[%swap3A_90], %swap3A_93 {strides = array<i32>} : memref<64xi32, #tpu.memory_space<vmem>>, vector<16xi32>,
    %and3A_94 = arith.constant 16383 : i32
    %and3A_95 = vector.broadcast %and3A_94 : i32 to vector<16xi32>
    %and3A_96 = arith.andi %get3A_86, %and3A_95 : vector<16xi32>
    %swap3A_97 = arith.constant 32 : index
    %swap3A_98 = tpu.vector_load %arg10[%swap3A_97] {strides = array<i32>} : memref<64xi32, #tpu.memory_space<vmem>>, vector<16xi32>,
    %swap3A_99 = vector.shape_cast %swap3A_98 : vector<16xi32> to vector<16xi32>
    %swap3A_100 = vector.shape_cast %and3A_96 : vector<16xi32> to vector<16xi32>
    tpu.vector_store %arg10[%swap3A_97], %swap3A_100 {strides = array<i32>} : memref<64xi32, #tpu.memory_space<vmem>>, vector<16xi32>,
    %get3A_101 = arith.constant 0 : i32
    %get3A_102 = arith.index_cast %get3A_101 : i32 to index
    %get3A_103 = arith.constant 48 : index
    %get3A_104 = tpu.vector_load %arg5[%get3A_102, %get3A_103] {strides = array<i32>} : memref<40x128xi32, #tpu.memory_space<vmem>>, vector<1x16xi32>,
    %get3A_105 = vector.shape_cast %get3A_104 : vector<1x16xi32> to vector<16xi32>
    %shift_right_logical3A_106 = arith.constant 14 : i32
    %shift_right_logical3A_107 = vector.broadcast %shift_right_logical3A_106 : i32 to vector<16xi32>
    %shift_right_logical3A_108 = arith.shrui %get3A_105, %shift_right_logical3A_107 : vector<16xi32>
    %swap3A_109 = arith.constant 48 : index
    %swap3A_110 = tpu.vector_load %arg6[%swap3A_109] {strides = array<i32>} : memref<64xi32, #tpu.memory_space<vmem>>, vector<16xi32>,
    %swap3A_111 = vector.shape_cast %swap3A_110 : vector<16xi32> to vector<16xi32>
    %swap3A_112 = vector.shape_cast %shift_right_logical3A_108 : vector<16xi32> to vector<16xi32>
    tpu.vector_store %arg6[%swap3A_109], %swap3A_112 {strides = array<i32>} : memref<64xi32, #tpu.memory_space<vmem>>, vector<16xi32>,
    %and3A_113 = arith.constant 16383 : i32
    %and3A_114 = vector.broadcast %and3A_113 : i32 to vector<16xi32>
    %and3A_115 = arith.andi %get3A_105, %and3A_114 : vector<16xi32>
    %swap3A_116 = arith.constant 48 : index
    %swap3A_117 = tpu.vector_load %arg10[%swap3A_116] {strides = array<i32>} : memref<64xi32, #tpu.memory_space<vmem>>, vector<16xi32>,
    %swap3A_118 = vector.shape_cast %swap3A_117 : vector<16xi32> to vector<16xi32>
    %swap3A_119 = vector.shape_cast %and3A_115 : vector<16xi32> to vector<16xi32>
    tpu.vector_store %arg10[%swap3A_116], %swap3A_119 {strides = array<i32>} : memref<64xi32, #tpu.memory_space<vmem>>, vector<16xi32>,
    %dma_start3A = arith.constant 0 : i32
    %dma_start3A_120 = arith.constant 0 : i32
    %dma_start3A_121 = tpu.memref_slice %arg2[%dma_start3A, %dma_start3A_120] : memref<10000x128xf32, #tpu.memory_space<hbm>> -> memref<10000x128xf32, #tpu.memory_space<hbm>>
    tpu.enqueue_indirect_dma source(%dma_start3A_121 : memref<10000x128xf32, #tpu.memory_space<hbm>>) target(%arg14 : memref<64x128xf32, #tpu.memory_space<vmem>>) offsets(%arg6 : memref<64xi32, #tpu.memory_space<vmem>>) semaphore(%arg19 : memref<!tpu.dma_semaphore, #tpu.memory_space<semaphore_mem>>)
    %get3A_122 = arith.constant 0 : i32
    %get3A_123 = arith.index_cast %get3A_122 : i32 to index
    %get3A_124 = arith.constant 64 : index
    %get3A_125 = tpu.vector_load %arg5[%get3A_123, %get3A_124] {strides = array<i32>} : memref<40x128xi32, #tpu.memory_space<vmem>>, vector<1x16xi32>,
    %get3A_126 = vector.shape_cast %get3A_125 : vector<1x16xi32> to vector<16xi32>
    %shift_right_logical3A_127 = arith.constant 14 : i32
    %shift_right_logical3A_128 = vector.broadcast %shift_right_logical3A_127 : i32 to vector<16xi32>
    %shift_right_logical3A_129 = arith.shrui %get3A_126, %shift_right_logical3A_128 : vector<16xi32>
    %swap3A_130 = arith.constant 0 : index
    %swap3A_131 = tpu.vector_load %arg7[%swap3A_130] {strides = array<i32>} : memref<64xi32, #tpu.memory_space<vmem>>, vector<16xi32>,
    %swap3A_132 = vector.shape_cast %swap3A_131 : vector<16xi32> to vector<16xi32>
    %swap3A_133 = vector.shape_cast %shift_right_logical3A_129 : vector<16xi32> to vector<16xi32>
    tpu.vector_store %arg7[%swap3A_130], %swap3A_133 {strides = array<i32>} : memref<64xi32, #tpu.memory_space<vmem>>, vector<16xi32>,
    %and3A_134 = arith.constant 16383 : i32
    %and3A_135 = vector.broadcast %and3A_134 : i32 to vector<16xi32>
    %and3A_136 = arith.andi %get3A_126, %and3A_135 : vector<16xi32>
    %swap3A_137 = arith.constant 0 : index
    %swap3A_138 = tpu.vector_load %arg11[%swap3A_137] {strides = array<i32>} : memref<64xi32, #tpu.memory_space<vmem>>, vector<16xi32>,
    %swap3A_139 = vector.shape_cast %swap3A_138 : vector<16xi32> to vector<16xi32>
    %swap3A_140 = vector.shape_cast %and3A_136 : vector<16xi32> to vector<16xi32>
    tpu.vector_store %arg11[%swap3A_137], %swap3A_140 {strides = array<i32>} : memref<64xi32, #tpu.memory_space<vmem>>, vector<16xi32>,
    %get3A_141 = arith.constant 0 : i32
    %get3A_142 = arith.index_cast %get3A_141 : i32 to index
    %get3A_143 = arith.constant 80 : index
    %get3A_144 = tpu.vector_load %arg5[%get3A_142, %get3A_143] {strides = array<i32>} : memref<40x128xi32, #tpu.memory_space<vmem>>, vector<1x16xi32>,
    %get3A_145 = vector.shape_cast %get3A_144 : vector<1x16xi32> to vector<16xi32>
    %shift_right_logical3A_146 = arith.constant 14 : i32
    %shift_right_logical3A_147 = vector.broadcast %shift_right_logical3A_146 : i32 to vector<16xi32>
    %shift_right_logical3A_148 = arith.shrui %get3A_145, %shift_right_logical3A_147 : vector<16xi32>
    %swap3A_149 = arith.constant 16 : index
    %swap3A_150 = tpu.vector_load %arg7[%swap3A_149] {strides = array<i32>} : memref<64xi32, #tpu.memory_space<vmem>>, vector<16xi32>,
    %swap3A_151 = vector.shape_cast %swap3A_150 : vector<16xi32> to vector<16xi32>
    %swap3A_152 = vector.shape_cast %shift_right_logical3A_148 : vector<16xi32> to vector<16xi32>
    tpu.vector_store %arg7[%swap3A_149], %swap3A_152 {strides = array<i32>} : memref<64xi32, #tpu.memory_space<vmem>>, vector<16xi32>,
    %and3A_153 = arith.constant 16383 : i32
    %and3A_154 = vector.broadcast %and3A_153 : i32 to vector<16xi32>
    %and3A_155 = arith.andi %get3A_145, %and3A_154 : vector<16xi32>
    %swap3A_156 = arith.constant 16 : index
    %swap3A_157 = tpu.vector_load %arg11[%swap3A_156] {strides = array<i32>} : memref<64xi32, #tpu.memory_space<vmem>>, vector<16xi32>,
    %swap3A_158 = vector.shape_cast %swap3A_157 : vector<16xi32> to vector<16xi32>
    %swap3A_159 = vector.shape_cast %and3A_155 : vector<16xi32> to vector<16xi32>
    tpu.vector_store %arg11[%swap3A_156], %swap3A_159 {strides = array<i32>} : memref<64xi32, #tpu.memory_space<vmem>>, vector<16xi32>,
    %get3A_160 = arith.constant 0 : i32
    %get3A_161 = arith.index_cast %get3A_160 : i32 to index
    %get3A_162 = arith.constant 96 : index
    %get3A_163 = tpu.vector_load %arg5[%get3A_161, %get3A_162] {strides = array<i32>} : memref<40x128xi32, #tpu.memory_space<vmem>>, vector<1x16xi32>,
    %get3A_164 = vector.shape_cast %get3A_163 : vector<1x16xi32> to vector<16xi32>
    %shift_right_logical3A_165 = arith.constant 14 : i32
    %shift_right_logical3A_166 = vector.broadcast %shift_right_logical3A_165 : i32 to vector<16xi32>
    %shift_right_logical3A_167 = arith.shrui %get3A_164, %shift_right_logical3A_166 : vector<16xi32>
    %swap3A_168 = arith.constant 32 : index
    %swap3A_169 = tpu.vector_load %arg7[%swap3A_168] {strides = array<i32>} : memref<64xi32, #tpu.memory_space<vmem>>, vector<16xi32>,
    %swap3A_170 = vector.shape_cast %swap3A_169 : vector<16xi32> to vector<16xi32>
    %swap3A_171 = vector.shape_cast %shift_right_logical3A_167 : vector<16xi32> to vector<16xi32>
    tpu.vector_store %arg7[%swap3A_168], %swap3A_171 {strides = array<i32>} : memref<64xi32, #tpu.memory_space<vmem>>, vector<16xi32>,
    %and3A_172 = arith.constant 16383 : i32
    %and3A_173 = vector.broadcast %and3A_172 : i32 to vector<16xi32>
    %and3A_174 = arith.andi %get3A_164, %and3A_173 : vector<16xi32>
    %swap3A_175 = arith.constant 32 : index
    %swap3A_176 = tpu.vector_load %arg11[%swap3A_175] {strides = array<i32>} : memref<64xi32, #tpu.memory_space<vmem>>, vector<16xi32>,
    %swap3A_177 = vector.shape_cast %swap3A_176 : vector<16xi32> to vector<16xi32>
    %swap3A_178 = vector.shape_cast %and3A_174 : vector<16xi32> to vector<16xi32>
    tpu.vector_store %arg11[%swap3A_175], %swap3A_178 {strides = array<i32>} : memref<64xi32, #tpu.memory_space<vmem>>, vector<16xi32>,
    %get3A_179 = arith.constant 0 : i32
    %get3A_180 = arith.index_cast %get3A_179 : i32 to index
    %get3A_181 = arith.constant 112 : index
    %get3A_182 = tpu.vector_load %arg5[%get3A_180, %get3A_181] {strides = array<i32>} : memref<40x128xi32, #tpu.memory_space<vmem>>, vector<1x16xi32>,
    %get3A_183 = vector.shape_cast %get3A_182 : vector<1x16xi32> to vector<16xi32>
    %shift_right_logical3A_184 = arith.constant 14 : i32
    %shift_right_logical3A_185 = vector.broadcast %shift_right_logical3A_184 : i32 to vector<16xi32>
    %shift_right_logical3A_186 = arith.shrui %get3A_183, %shift_right_logical3A_185 : vector<16xi32>
    %swap3A_187 = arith.constant 48 : index
    %swap3A_188 = tpu.vector_load %arg7[%swap3A_187] {strides = array<i32>} : memref<64xi32, #tpu.memory_space<vmem>>, vector<16xi32>,
    %swap3A_189 = vector.shape_cast %swap3A_188 : vector<16xi32> to vector<16xi32>
    %swap3A_190 = vector.shape_cast %shift_right_logical3A_186 : vector<16xi32> to vector<16xi32>
    tpu.vector_store %arg7[%swap3A_187], %swap3A_190 {strides = array<i32>} : memref<64xi32, #tpu.memory_space<vmem>>, vector<16xi32>,
    %and3A_191 = arith.constant 16383 : i32
    %and3A_192 = vector.broadcast %and3A_191 : i32 to vector<16xi32>
    %and3A_193 = arith.andi %get3A_183, %and3A_192 : vector<16xi32>
    %swap3A_194 = arith.constant 48 : index
    %swap3A_195 = tpu.vector_load %arg11[%swap3A_194] {strides = array<i32>} : memref<64xi32, #tpu.memory_space<vmem>>, vector<16xi32>,
    %swap3A_196 = vector.shape_cast %swap3A_195 : vector<16xi32> to vector<16xi32>
    %swap3A_197 = vector.shape_cast %and3A_193 : vector<16xi32> to vector<16xi32>
    tpu.vector_store %arg11[%swap3A_194], %swap3A_197 {strides = array<i32>} : memref<64xi32, #tpu.memory_space<vmem>>, vector<16xi32>,
    %dma_start3A_198 = arith.constant 0 : i32
    %dma_start3A_199 = arith.constant 0 : i32
    %dma_start3A_200 = tpu.memref_slice %arg2[%dma_start3A_198, %dma_start3A_199] : memref<10000x128xf32, #tpu.memory_space<hbm>> -> memref<10000x128xf32, #tpu.memory_space<hbm>>
    tpu.enqueue_indirect_dma source(%dma_start3A_200 : memref<10000x128xf32, #tpu.memory_space<hbm>>) target(%arg15 : memref<64x128xf32, #tpu.memory_space<vmem>>) offsets(%arg7 : memref<64xi32, #tpu.memory_space<vmem>>) semaphore(%arg20 : memref<!tpu.dma_semaphore, #tpu.memory_space<semaphore_mem>>)
    %get3A_201 = arith.constant 1 : i32
    %get3A_202 = arith.index_cast %get3A_201 : i32 to index
    %get3A_203 = arith.constant 0 : index
    %get3A_204 = tpu.vector_load %arg5[%get3A_202, %get3A_203] {strides = array<i32>} : memref<40x128xi32, #tpu.memory_space<vmem>>, vector<1x16xi32>,
    %get3A_205 = vector.shape_cast %get3A_204 : vector<1x16xi32> to vector<16xi32>
    %shift_right_logical3A_206 = arith.constant 14 : i32
    %shift_right_logical3A_207 = vector.broadcast %shift_right_logical3A_206 : i32 to vector<16xi32>
    %shift_right_logical3A_208 = arith.shrui %get3A_205, %shift_right_logical3A_207 : vector<16xi32>
    %swap3A_209 = arith.constant 0 : index
    %swap3A_210 = tpu.vector_load %arg8[%swap3A_209] {strides = array<i32>} : memref<64xi32, #tpu.memory_space<vmem>>, vector<16xi32>,
    %swap3A_211 = vector.shape_cast %swap3A_210 : vector<16xi32> to vector<16xi32>
    %swap3A_212 = vector.shape_cast %shift_right_logical3A_208 : vector<16xi32> to vector<16xi32>
    tpu.vector_store %arg8[%swap3A_209], %swap3A_212 {strides = array<i32>} : memref<64xi32, #tpu.memory_space<vmem>>, vector<16xi32>,
    %and3A_213 = arith.constant 16383 : i32
    %and3A_214 = vector.broadcast %and3A_213 : i32 to vector<16xi32>
    %and3A_215 = arith.andi %get3A_205, %and3A_214 : vector<16xi32>
    %swap3A_216 = arith.constant 0 : index
    %swap3A_217 = tpu.vector_load %arg12[%swap3A_216] {strides = array<i32>} : memref<64xi32, #tpu.memory_space<vmem>>, vector<16xi32>,
    %swap3A_218 = vector.shape_cast %swap3A_217 : vector<16xi32> to vector<16xi32>
    %swap3A_219 = vector.shape_cast %and3A_215 : vector<16xi32> to vector<16xi32>
    tpu.vector_store %arg12[%swap3A_216], %swap3A_219 {strides = array<i32>} : memref<64xi32, #tpu.memory_space<vmem>>, vector<16xi32>,
    %get3A_220 = arith.constant 1 : i32
    %get3A_221 = arith.index_cast %get3A_220 : i32 to index
    %get3A_222 = arith.constant 16 : index
    %get3A_223 = tpu.vector_load %arg5[%get3A_221, %get3A_222] {strides = array<i32>} : memref<40x128xi32, #tpu.memory_space<vmem>>, vector<1x16xi32>,
    %get3A_224 = vector.shape_cast %get3A_223 : vector<1x16xi32> to vector<16xi32>
    %shift_right_logical3A_225 = arith.constant 14 : i32
    %shift_right_logical3A_226 = vector.broadcast %shift_right_logical3A_225 : i32 to vector<16xi32>
    %shift_right_logical3A_227 = arith.shrui %get3A_224, %shift_right_logical3A_226 : vector<16xi32>
    %swap3A_228 = arith.constant 16 : index
    %swap3A_229 = tpu.vector_load %arg8[%swap3A_228] {strides = array<i32>} : memref<64xi32, #tpu.memory_space<vmem>>, vector<16xi32>,
    %swap3A_230 = vector.shape_cast %swap3A_229 : vector<16xi32> to vector<16xi32>
    %swap3A_231 = vector.shape_cast %shift_right_logical3A_227 : vector<16xi32> to vector<16xi32>
    tpu.vector_store %arg8[%swap3A_228], %swap3A_231 {strides = array<i32>} : memref<64xi32, #tpu.memory_space<vmem>>, vector<16xi32>,
    %and3A_232 = arith.constant 16383 : i32
    %and3A_233 = vector.broadcast %and3A_232 : i32 to vector<16xi32>
    %and3A_234 = arith.andi %get3A_224, %and3A_233 : vector<16xi32>
    %swap3A_235 = arith.constant 16 : index
    %swap3A_236 = tpu.vector_load %arg12[%swap3A_235] {strides = array<i32>} : memref<64xi32, #tpu.memory_space<vmem>>, vector<16xi32>,
    %swap3A_237 = vector.shape_cast %swap3A_236 : vector<16xi32> to vector<16xi32>
    %swap3A_238 = vector.shape_cast %and3A_234 : vector<16xi32> to vector<16xi32>
    tpu.vector_store %arg12[%swap3A_235], %swap3A_238 {strides = array<i32>} : memref<64xi32, #tpu.memory_space<vmem>>, vector<16xi32>,
    %get3A_239 = arith.constant 1 : i32
    %get3A_240 = arith.index_cast %get3A_239 : i32 to index
    %get3A_241 = arith.constant 32 : index
    %get3A_242 = tpu.vector_load %arg5[%get3A_240, %get3A_241] {strides = array<i32>} : memref<40x128xi32, #tpu.memory_space<vmem>>, vector<1x16xi32>,
    %get3A_243 = vector.shape_cast %get3A_242 : vector<1x16xi32> to vector<16xi32>
    %shift_right_logical3A_244 = arith.constant 14 : i32
    %shift_right_logical3A_245 = vector.broadcast %shift_right_logical3A_244 : i32 to vector<16xi32>
    %shift_right_logical3A_246 = arith.shrui %get3A_243, %shift_right_logical3A_245 : vector<16xi32>
    %swap3A_247 = arith.constant 32 : index
    %swap3A_248 = tpu.vector_load %arg8[%swap3A_247] {strides = array<i32>} : memref<64xi32, #tpu.memory_space<vmem>>, vector<16xi32>,
    %swap3A_249 = vector.shape_cast %swap3A_248 : vector<16xi32> to vector<16xi32>
    %swap3A_250 = vector.shape_cast %shift_right_logical3A_246 : vector<16xi32> to vector<16xi32>
    tpu.vector_store %arg8[%swap3A_247], %swap3A_250 {strides = array<i32>} : memref<64xi32, #tpu.memory_space<vmem>>, vector<16xi32>,
    %and3A_251 = arith.constant 16383 : i32
    %and3A_252 = vector.broadcast %and3A_251 : i32 to vector<16xi32>
    %and3A_253 = arith.andi %get3A_243, %and3A_252 : vector<16xi32>
    %swap3A_254 = arith.constant 32 : index
    %swap3A_255 = tpu.vector_load %arg12[%swap3A_254] {strides = array<i32>} : memref<64xi32, #tpu.memory_space<vmem>>, vector<16xi32>,
    %swap3A_256 = vector.shape_cast %swap3A_255 : vector<16xi32> to vector<16xi32>
    %swap3A_257 = vector.shape_cast %and3A_253 : vector<16xi32> to vector<16xi32>
    tpu.vector_store %arg12[%swap3A_254], %swap3A_257 {strides = array<i32>} : memref<64xi32, #tpu.memory_space<vmem>>, vector<16xi32>,
    %get3A_258 = arith.constant 1 : i32
    %get3A_259 = arith.index_cast %get3A_258 : i32 to index
    %get3A_260 = arith.constant 48 : index
    %get3A_261 = tpu.vector_load %arg5[%get3A_259, %get3A_260] {strides = array<i32>} : memref<40x128xi32, #tpu.memory_space<vmem>>, vector<1x16xi32>,
    %get3A_262 = vector.shape_cast %get3A_261 : vector<1x16xi32> to vector<16xi32>
    %shift_right_logical3A_263 = arith.constant 14 : i32
    %shift_right_logical3A_264 = vector.broadcast %shift_right_logical3A_263 : i32 to vector<16xi32>
    %shift_right_logical3A_265 = arith.shrui %get3A_262, %shift_right_logical3A_264 : vector<16xi32>
    %swap3A_266 = arith.constant 48 : index
    %swap3A_267 = tpu.vector_load %arg8[%swap3A_266] {strides = array<i32>} : memref<64xi32, #tpu.memory_space<vmem>>, vector<16xi32>,
    %swap3A_268 = vector.shape_cast %swap3A_267 : vector<16xi32> to vector<16xi32>
    %swap3A_269 = vector.shape_cast %shift_right_logical3A_265 : vector<16xi32> to vector<16xi32>
    tpu.vector_store %arg8[%swap3A_266], %swap3A_269 {strides = array<i32>} : memref<64xi32, #tpu.memory_space<vmem>>, vector<16xi32>,
    %and3A_270 = arith.constant 16383 : i32
    %and3A_271 = vector.broadcast %and3A_270 : i32 to vector<16xi32>
    %and3A_272 = arith.andi %get3A_262, %and3A_271 : vector<16xi32>
    %swap3A_273 = arith.constant 48 : index
    %swap3A_274 = tpu.vector_load %arg12[%swap3A_273] {strides = array<i32>} : memref<64xi32, #tpu.memory_space<vmem>>, vector<16xi32>,
    %swap3A_275 = vector.shape_cast %swap3A_274 : vector<16xi32> to vector<16xi32>
    %swap3A_276 = vector.shape_cast %and3A_272 : vector<16xi32> to vector<16xi32>
    tpu.vector_store %arg12[%swap3A_273], %swap3A_276 {strides = array<i32>} : memref<64xi32, #tpu.memory_space<vmem>>, vector<16xi32>,
    %dma_start3A_277 = arith.constant 0 : i32
    %dma_start3A_278 = arith.constant 0 : i32
    %dma_start3A_279 = tpu.memref_slice %arg2[%dma_start3A_277, %dma_start3A_278] : memref<10000x128xf32, #tpu.memory_space<hbm>> -> memref<10000x128xf32, #tpu.memory_space<hbm>>
    tpu.enqueue_indirect_dma source(%dma_start3A_279 : memref<10000x128xf32, #tpu.memory_space<hbm>>) target(%arg16 : memref<64x128xf32, #tpu.memory_space<vmem>>) offsets(%arg8 : memref<64xi32, #tpu.memory_space<vmem>>) semaphore(%arg21 : memref<!tpu.dma_semaphore, #tpu.memory_space<semaphore_mem>>)
    %get3A_280 = arith.constant 1 : i32
    %get3A_281 = arith.index_cast %get3A_280 : i32 to index
    %get3A_282 = arith.constant 64 : index
    %get3A_283 = tpu.vector_load %arg5[%get3A_281, %get3A_282] {strides = array<i32>} : memref<40x128xi32, #tpu.memory_space<vmem>>, vector<1x16xi32>,
    %get3A_284 = vector.shape_cast %get3A_283 : vector<1x16xi32> to vector<16xi32>
    %shift_right_logical3A_285 = arith.constant 14 : i32
    %shift_right_logical3A_286 = vector.broadcast %shift_right_logical3A_285 : i32 to vector<16xi32>
    %shift_right_logical3A_287 = arith.shrui %get3A_284, %shift_right_logical3A_286 : vector<16xi32>
    %swap3A_288 = arith.constant 0 : index
    %swap3A_289 = tpu.vector_load %arg9[%swap3A_288] {strides = array<i32>} : memref<64xi32, #tpu.memory_space<vmem>>, vector<16xi32>,
    %swap3A_290 = vector.shape_cast %swap3A_289 : vector<16xi32> to vector<16xi32>
    %swap3A_291 = vector.shape_cast %shift_right_logical3A_287 : vector<16xi32> to vector<16xi32>
    tpu.vector_store %arg9[%swap3A_288], %swap3A_291 {strides = array<i32>} : memref<64xi32, #tpu.memory_space<vmem>>, vector<16xi32>,
    %and3A_292 = arith.constant 16383 : i32
    %and3A_293 = vector.broadcast %and3A_292 : i32 to vector<16xi32>
    %and3A_294 = arith.andi %get3A_284, %and3A_293 : vector<16xi32>
    %swap3A_295 = arith.constant 0 : index
    %swap3A_296 = tpu.vector_load %arg13[%swap3A_295] {strides = array<i32>} : memref<64xi32, #tpu.memory_space<vmem>>, vector<16xi32>,
    %swap3A_297 = vector.shape_cast %swap3A_296 : vector<16xi32> to vector<16xi32>
    %swap3A_298 = vector.shape_cast %and3A_294 : vector<16xi32> to vector<16xi32>
    tpu.vector_store %arg13[%swap3A_295], %swap3A_298 {strides = array<i32>} : memref<64xi32, #tpu.memory_space<vmem>>, vector<16xi32>,
    %get3A_299 = arith.constant 1 : i32
    %get3A_300 = arith.index_cast %get3A_299 : i32 to index
    %get3A_301 = arith.constant 80 : index
    %get3A_302 = tpu.vector_load %arg5[%get3A_300, %get3A_301] {strides = array<i32>} : memref<40x128xi32, #tpu.memory_space<vmem>>, vector<1x16xi32>,
    %get3A_303 = vector.shape_cast %get3A_302 : vector<1x16xi32> to vector<16xi32>
    %shift_right_logical3A_304 = arith.constant 14 : i32
    %shift_right_logical3A_305 = vector.broadcast %shift_right_logical3A_304 : i32 to vector<16xi32>
    %shift_right_logical3A_306 = arith.shrui %get3A_303, %shift_right_logical3A_305 : vector<16xi32>
    %swap3A_307 = arith.constant 16 : index
    %swap3A_308 = tpu.vector_load %arg9[%swap3A_307] {strides = array<i32>} : memref<64xi32, #tpu.memory_space<vmem>>, vector<16xi32>,
    %swap3A_309 = vector.shape_cast %swap3A_308 : vector<16xi32> to vector<16xi32>
    %swap3A_310 = vector.shape_cast %shift_right_logical3A_306 : vector<16xi32> to vector<16xi32>
    tpu.vector_store %arg9[%swap3A_307], %swap3A_310 {strides = array<i32>} : memref<64xi32, #tpu.memory_space<vmem>>, vector<16xi32>,
    %and3A_311 = arith.constant 16383 : i32
    %and3A_312 = vector.broadcast %and3A_311 : i32 to vector<16xi32>
    %and3A_313 = arith.andi %get3A_303, %and3A_312 : vector<16xi32>
    %swap3A_314 = arith.constant 16 : index
    %swap3A_315 = tpu.vector_load %arg13[%swap3A_314] {strides = array<i32>} : memref<64xi32, #tpu.memory_space<vmem>>, vector<16xi32>,
    %swap3A_316 = vector.shape_cast %swap3A_315 : vector<16xi32> to vector<16xi32>
    %swap3A_317 = vector.shape_cast %and3A_313 : vector<16xi32> to vector<16xi32>
    tpu.vector_store %arg13[%swap3A_314], %swap3A_317 {strides = array<i32>} : memref<64xi32, #tpu.memory_space<vmem>>, vector<16xi32>,
    %get3A_318 = arith.constant 1 : i32
    %get3A_319 = arith.index_cast %get3A_318 : i32 to index
    %get3A_320 = arith.constant 96 : index
    %get3A_321 = tpu.vector_load %arg5[%get3A_319, %get3A_320] {strides = array<i32>} : memref<40x128xi32, #tpu.memory_space<vmem>>, vector<1x16xi32>,
    %get3A_322 = vector.shape_cast %get3A_321 : vector<1x16xi32> to vector<16xi32>
    %shift_right_logical3A_323 = arith.constant 14 : i32
    %shift_right_logical3A_324 = vector.broadcast %shift_right_logical3A_323 : i32 to vector<16xi32>
    %shift_right_logical3A_325 = arith.shrui %get3A_322, %shift_right_logical3A_324 : vector<16xi32>
    %swap3A_326 = arith.constant 32 : index
    %swap3A_327 = tpu.vector_load %arg9[%swap3A_326] {strides = array<i32>} : memref<64xi32, #tpu.memory_space<vmem>>, vector<16xi32>,
    %swap3A_328 = vector.shape_cast %swap3A_327 : vector<16xi32> to vector<16xi32>
    %swap3A_329 = vector.shape_cast %shift_right_logical3A_325 : vector<16xi32> to vector<16xi32>
    tpu.vector_store %arg9[%swap3A_326], %swap3A_329 {strides = array<i32>} : memref<64xi32, #tpu.memory_space<vmem>>, vector<16xi32>,
    %and3A_330 = arith.constant 16383 : i32
    %and3A_331 = vector.broadcast %and3A_330 : i32 to vector<16xi32>
    %and3A_332 = arith.andi %get3A_322, %and3A_331 : vector<16xi32>
    %swap3A_333 = arith.constant 32 : index
    %swap3A_334 = tpu.vector_load %arg13[%swap3A_333] {strides = array<i32>} : memref<64xi32, #tpu.memory_space<vmem>>, vector<16xi32>,
    %swap3A_335 = vector.shape_cast %swap3A_334 : vector<16xi32> to vector<16xi32>
    %swap3A_336 = vector.shape_cast %and3A_332 : vector<16xi32> to vector<16xi32>
    tpu.vector_store %arg13[%swap3A_333], %swap3A_336 {strides = array<i32>} : memref<64xi32, #tpu.memory_space<vmem>>, vector<16xi32>,
    %get3A_337 = arith.constant 1 : i32
    %get3A_338 = arith.index_cast %get3A_337 : i32 to index
    %get3A_339 = arith.constant 112 : index
    %get3A_340 = tpu.vector_load %arg5[%get3A_338, %get3A_339] {strides = array<i32>} : memref<40x128xi32, #tpu.memory_space<vmem>>, vector<1x16xi32>,
    %get3A_341 = vector.shape_cast %get3A_340 : vector<1x16xi32> to vector<16xi32>
    %shift_right_logical3A_342 = arith.constant 14 : i32
    %shift_right_logical3A_343 = vector.broadcast %shift_right_logical3A_342 : i32 to vector<16xi32>
    %shift_right_logical3A_344 = arith.shrui %get3A_341, %shift_right_logical3A_343 : vector<16xi32>
    %swap3A_345 = arith.constant 48 : index
    %swap3A_346 = tpu.vector_load %arg9[%swap3A_345] {strides = array<i32>} : memref<64xi32, #tpu.memory_space<vmem>>, vector<16xi32>,
    %swap3A_347 = vector.shape_cast %swap3A_346 : vector<16xi32> to vector<16xi32>
    %swap3A_348 = vector.shape_cast %shift_right_logical3A_344 : vector<16xi32> to vector<16xi32>
    tpu.vector_store %arg9[%swap3A_345], %swap3A_348 {strides = array<i32>} : memref<64xi32, #tpu.memory_space<vmem>>, vector<16xi32>,
    %and3A_349 = arith.constant 16383 : i32
    %and3A_350 = vector.broadcast %and3A_349 : i32 to vector<16xi32>
    %and3A_351 = arith.andi %get3A_341, %and3A_350 : vector<16xi32>
    %swap3A_352 = arith.constant 48 : index
    %swap3A_353 = tpu.vector_load %arg13[%swap3A_352] {strides = array<i32>} : memref<64xi32, #tpu.memory_space<vmem>>, vector<16xi32>,
    %swap3A_354 = vector.shape_cast %swap3A_353 : vector<16xi32> to vector<16xi32>
    %swap3A_355 = vector.shape_cast %and3A_351 : vector<16xi32> to vector<16xi32>
    tpu.vector_store %arg13[%swap3A_352], %swap3A_355 {strides = array<i32>} : memref<64xi32, #tpu.memory_space<vmem>>, vector<16xi32>,
    %dma_start3A_356 = arith.constant 0 : i32
    %dma_start3A_357 = arith.constant 0 : i32
    %dma_start3A_358 = tpu.memref_slice %arg2[%dma_start3A_356, %dma_start3A_357] : memref<10000x128xf32, #tpu.memory_space<hbm>> -> memref<10000x128xf32, #tpu.memory_space<hbm>>
    tpu.enqueue_indirect_dma source(%dma_start3A_358 : memref<10000x128xf32, #tpu.memory_space<hbm>>) target(%arg17 : memref<64x128xf32, #tpu.memory_space<vmem>>) offsets(%arg9 : memref<64xi32, #tpu.memory_space<vmem>>) semaphore(%arg22 : memref<!tpu.dma_semaphore, #tpu.memory_space<semaphore_mem>>)
    %scan3A_359 = arith.constant 0 : i32
    %scan3A_360 = arith.constant 0 : i32
    %scan3A_361 = arith.constant 19 : i32
    %scan3A_362 = arith.addi %scan3A_360, %scan3A_361 : i32
    %scan3A_363 = arith.constant 1 : i32
    scf.for %scan3A_381 = %scan3A_360 to %scan3A_362 step %scan3A_363  : i32 {
      %mul3A_382 = arith.constant 4 : i32
      %mul3A_383 = arith.muli %scan3A_381, %mul3A_382 : i32
      %add3A_384 = arith.constant 0 : i32
      %add3A_385 = arith.addi %mul3A_383, %add3A_384 : i32
      %dma_wait3A_386 = arith.constant 0 : i32
      %dma_wait3A_387 = arith.constant 0 : i32
      %dma_wait3A_388 = tpu.memref_slice %arg2[%dma_wait3A_386, %dma_wait3A_387] : memref<10000x128xf32, #tpu.memory_space<hbm>> -> memref<10000x128xf32, #tpu.memory_space<hbm>>
      tpu.wait_indirect_dma semaphore(%arg19 : memref<!tpu.dma_semaphore, #tpu.memory_space<semaphore_mem>>) src(%dma_wait3A_388 : memref<10000x128xf32, #tpu.memory_space<hbm>>) dst(%arg14 : memref<64x128xf32, #tpu.memory_space<vmem>>)
      "tpu.region"() ({
        %run_scoped3A = tpu.sem_alloc : memref<!tpu.dma_semaphore, #tpu.memory_space<semaphore_mem>>
        %dma_start3A_909 = arith.constant 0 : i32
        %dma_start3A_910 = arith.constant 0 : i32
        %dma_start3A_911 = tpu.memref_slice %arg18[%dma_start3A_909, %dma_start3A_910] : memref<10240x128xf32, #tpu.memory_space<vmem_shared>> -> memref<10240x128xf32, #tpu.memory_space<vmem_shared>>
        tpu.enqueue_indirect_dma source(%arg14 : memref<64x128xf32, #tpu.memory_space<vmem>>) target(%dma_start3A_911 : memref<10240x128xf32, #tpu.memory_space<vmem_shared>>) offsets(%arg10 : memref<64xi32, #tpu.memory_space<vmem>>) semaphore(%run_scoped3A : memref<!tpu.dma_semaphore, #tpu.memory_space<semaphore_mem>>) {add = true}
        %dma_wait3A_912 = arith.constant 0 : i32
        %dma_wait3A_913 = arith.constant 0 : i32
        %dma_wait3A_914 = tpu.memref_slice %arg18[%dma_wait3A_912, %dma_wait3A_913] : memref<10240x128xf32, #tpu.memory_space<vmem_shared>> -> memref<10240x128xf32, #tpu.memory_space<vmem_shared>>
        tpu.wait_indirect_dma semaphore(%run_scoped3A : memref<!tpu.dma_semaphore, #tpu.memory_space<semaphore_mem>>) src(%arg14 : memref<64x128xf32, #tpu.memory_space<vmem>>) dst(%dma_wait3A_914 : memref<10240x128xf32, #tpu.memory_space<vmem_shared>>)
        tpu.yield
      }) : () -> ()
      %add3A_389 = arith.constant 4 : i32
      %add3A_390 = arith.addi %add3A_385, %add3A_389 : i32
      %jit3A = arith.constant 2 : i32
      %div3A = arith.divsi %add3A_390, %jit3A : i32
      %sign3A = arith.constant 0 : i32
      %sign3A_391 = arith.cmpi sgt, %add3A_390, %sign3A : i32
      %sign3A_392 = arith.extui %sign3A_391 : i1 to i32
      %sign3A_393 = arith.constant 0 : i32
      %sign3A_394 = arith.cmpi slt, %add3A_390, %sign3A_393 : i32
      %sign3A_395 = arith.extui %sign3A_394 : i1 to i32
      %sign3A_396 = arith.subi %sign3A_392, %sign3A_395 : i32
      %sign3A_397 = arith.constant 0 : i32
      %sign3A_398 = arith.cmpi sgt, %jit3A, %sign3A_397 : i32
      %sign3A_399 = arith.extui %sign3A_398 : i1 to i32
      %sign3A_400 = arith.constant 0 : i32
      %sign3A_401 = arith.cmpi slt, %jit3A, %sign3A_400 : i32
      %sign3A_402 = arith.extui %sign3A_401 : i1 to i32
      %sign3A_403 = arith.subi %sign3A_399, %sign3A_402 : i32
      %ne3A = arith.cmpi ne, %sign3A_396, %sign3A_403 : i32
      %rem3A = arith.remsi %add3A_390, %jit3A : i32
      %ne3A_404 = arith.constant 0 : i32
      %ne3A_405 = arith.cmpi ne, %rem3A, %ne3A_404 : i32
      %and3A_406 = arith.andi %ne3A, %ne3A_405 : i1
      %sub3A = arith.constant 1 : i32
      %sub3A_407 = arith.subi %div3A, %sub3A : i32
      %select_n3A = arith.select %and3A_406, %sub3A_407, %div3A : i32
      %jit3A_408 = arith.constant 2 : i32
      %eq3A = arith.constant 0 : i32
      %eq3A_409 = arith.cmpi eq, %jit3A_408, %eq3A : i32
      %jit3A_410 = arith.constant 1 : i32
      %select_n3A_411 = arith.select %eq3A_409, %jit3A_410, %jit3A_408 : i32
      %rem3A_412 = arith.remsi %add3A_390, %select_n3A_411 : i32
      %ne3A_413 = arith.constant 0 : i32
      %ne3A_414 = arith.cmpi ne, %rem3A_412, %ne3A_413 : i32
      %lt3A = arith.constant 0 : i32
      %lt3A_415 = arith.cmpi slt, %rem3A_412, %lt3A : i32
      %lt3A_416 = arith.constant 0 : i32
      %lt3A_417 = arith.cmpi slt, %select_n3A_411, %lt3A_416 : i32
      %ne3A_418 = arith.xori %lt3A_415, %lt3A_417 : i1
      %and3A_419 = arith.andi %ne3A_418, %ne3A_414 : i1
      %add3A_420 = arith.addi %rem3A_412, %select_n3A_411 : i32
      %select_n3A_421 = arith.select %and3A_419, %add3A_420, %rem3A_412 : i32
      %mul3A_422 = arith.constant 64 : i32
      %mul3A_423 = arith.muli %select_n3A_421, %mul3A_422 : i32
      %add3A_424 = arith.constant 0 : i32
      %add3A_425 = arith.addi %mul3A_423, %add3A_424 : i32
      %get3A_426 = arith.index_cast %select_n3A : i32 to index
      %get3A_427 = arith.index_cast %add3A_425 : i32 to index
      %get3A_428 = tpu.vector_load %arg5[%get3A_426, %get3A_427] {strides = array<i32>} : memref<40x128xi32, #tpu.memory_space<vmem>>, vector<1x16xi32>,
      %get3A_429 = vector.shape_cast %get3A_428 : vector<1x16xi32> to vector<16xi32>
      %shift_right_logical3A_430 = arith.constant 14 : i32
      %shift_right_logical3A_431 = vector.broadcast %shift_right_logical3A_430 : i32 to vector<16xi32>
      %shift_right_logical3A_432 = arith.shrui %get3A_429, %shift_right_logical3A_431 : vector<16xi32>
      %swap3A_433 = arith.constant 0 : index
      %swap3A_434 = tpu.vector_load %arg6[%swap3A_433] {strides = array<i32>} : memref<64xi32, #tpu.memory_space<vmem>>, vector<16xi32>,
      %swap3A_435 = vector.shape_cast %swap3A_434 : vector<16xi32> to vector<16xi32>
      %swap3A_436 = vector.shape_cast %shift_right_logical3A_432 : vector<16xi32> to vector<16xi32>
      tpu.vector_store %arg6[%swap3A_433], %swap3A_436 {strides = array<i32>} : memref<64xi32, #tpu.memory_space<vmem>>, vector<16xi32>,
      %and3A_437 = arith.constant 16383 : i32
      %and3A_438 = vector.broadcast %and3A_437 : i32 to vector<16xi32>
      %and3A_439 = arith.andi %get3A_429, %and3A_438 : vector<16xi32>
      %swap3A_440 = arith.constant 0 : index
      %swap3A_441 = tpu.vector_load %arg10[%swap3A_440] {strides = array<i32>} : memref<64xi32, #tpu.memory_space<vmem>>, vector<16xi32>,
      %swap3A_442 = vector.shape_cast %swap3A_441 : vector<16xi32> to vector<16xi32>
      %swap3A_443 = vector.shape_cast %and3A_439 : vector<16xi32> to vector<16xi32>
      tpu.vector_store %arg10[%swap3A_440], %swap3A_443 {strides = array<i32>} : memref<64xi32, #tpu.memory_space<vmem>>, vector<16xi32>,
      %add3A_444 = arith.constant 16 : i32
      %add3A_445 = arith.addi %mul3A_423, %add3A_444 : i32
      %get3A_446 = arith.index_cast %select_n3A : i32 to index
      %get3A_447 = arith.index_cast %add3A_445 : i32 to index
      %get3A_448 = tpu.vector_load %arg5[%get3A_446, %get3A_447] {strides = array<i32>} : memref<40x128xi32, #tpu.memory_space<vmem>>, vector<1x16xi32>,
      %get3A_449 = vector.shape_cast %get3A_448 : vector<1x16xi32> to vector<16xi32>
      %shift_right_logical3A_450 = arith.constant 14 : i32
      %shift_right_logical3A_451 = vector.broadcast %shift_right_logical3A_450 : i32 to vector<16xi32>
      %shift_right_logical3A_452 = arith.shrui %get3A_449, %shift_right_logical3A_451 : vector<16xi32>
      %swap3A_453 = arith.constant 16 : index
      %swap3A_454 = tpu.vector_load %arg6[%swap3A_453] {strides = array<i32>} : memref<64xi32, #tpu.memory_space<vmem>>, vector<16xi32>,
      %swap3A_455 = vector.shape_cast %swap3A_454 : vector<16xi32> to vector<16xi32>
      %swap3A_456 = vector.shape_cast %shift_right_logical3A_452 : vector<16xi32> to vector<16xi32>
      tpu.vector_store %arg6[%swap3A_453], %swap3A_456 {strides = array<i32>} : memref<64xi32, #tpu.memory_space<vmem>>, vector<16xi32>,
      %and3A_457 = arith.constant 16383 : i32
      %and3A_458 = vector.broadcast %and3A_457 : i32 to vector<16xi32>
      %and3A_459 = arith.andi %get3A_449, %and3A_458 : vector<16xi32>
      %swap3A_460 = arith.constant 16 : index
      %swap3A_461 = tpu.vector_load %arg10[%swap3A_460] {strides = array<i32>} : memref<64xi32, #tpu.memory_space<vmem>>, vector<16xi32>,
      %swap3A_462 = vector.shape_cast %swap3A_461 : vector<16xi32> to vector<16xi32>
      %swap3A_463 = vector.shape_cast %and3A_459 : vector<16xi32> to vector<16xi32>
      tpu.vector_store %arg10[%swap3A_460], %swap3A_463 {strides = array<i32>} : memref<64xi32, #tpu.memory_space<vmem>>, vector<16xi32>,
      %add3A_464 = arith.constant 32 : i32
      %add3A_465 = arith.addi %mul3A_423, %add3A_464 : i32
      %get3A_466 = arith.index_cast %select_n3A : i32 to index
      %get3A_467 = arith.index_cast %add3A_465 : i32 to index
      %get3A_468 = tpu.vector_load %arg5[%get3A_466, %get3A_467] {strides = array<i32>} : memref<40x128xi32, #tpu.memory_space<vmem>>, vector<1x16xi32>,
      %get3A_469 = vector.shape_cast %get3A_468 : vector<1x16xi32> to vector<16xi32>
      %shift_right_logical3A_470 = arith.constant 14 : i32
      %shift_right_logical3A_471 = vector.broadcast %shift_right_logical3A_470 : i32 to vector<16xi32>
      %shift_right_logical3A_472 = arith.shrui %get3A_469, %shift_right_logical3A_471 : vector<16xi32>
      %swap3A_473 = arith.constant 32 : index
      %swap3A_474 = tpu.vector_load %arg6[%swap3A_473] {strides = array<i32>} : memref<64xi32, #tpu.memory_space<vmem>>, vector<16xi32>,
      %swap3A_475 = vector.shape_cast %swap3A_474 : vector<16xi32> to vector<16xi32>
      %swap3A_476 = vector.shape_cast %shift_right_logical3A_472 : vector<16xi32> to vector<16xi32>
      tpu.vector_store %arg6[%swap3A_473], %swap3A_476 {strides = array<i32>} : memref<64xi32, #tpu.memory_space<vmem>>, vector<16xi32>,
      %and3A_477 = arith.constant 16383 : i32
      %and3A_478 = vector.broadcast %and3A_477 : i32 to vector<16xi32>
      %and3A_479 = arith.andi %get3A_469, %and3A_478 : vector<16xi32>
      %swap3A_480 = arith.constant 32 : index
      %swap3A_481 = tpu.vector_load %arg10[%swap3A_480] {strides = array<i32>} : memref<64xi32, #tpu.memory_space<vmem>>, vector<16xi32>,
      %swap3A_482 = vector.shape_cast %swap3A_481 : vector<16xi32> to vector<16xi32>
      %swap3A_483 = vector.shape_cast %and3A_479 : vector<16xi32> to vector<16xi32>
      tpu.vector_store %arg10[%swap3A_480], %swap3A_483 {strides = array<i32>} : memref<64xi32, #tpu.memory_space<vmem>>, vector<16xi32>,
      %add3A_484 = arith.constant 48 : i32
      %add3A_485 = arith.addi %mul3A_423, %add3A_484 : i32
      %get3A_486 = arith.index_cast %select_n3A : i32 to index
      %get3A_487 = arith.index_cast %add3A_485 : i32 to index
      %get3A_488 = tpu.vector_load %arg5[%get3A_486, %get3A_487] {strides = array<i32>} : memref<40x128xi32, #tpu.memory_space<vmem>>, vector<1x16xi32>,
      %get3A_489 = vector.shape_cast %get3A_488 : vector<1x16xi32> to vector<16xi32>
      %shift_right_logical3A_490 = arith.constant 14 : i32
      %shift_right_logical3A_491 = vector.broadcast %shift_right_logical3A_490 : i32 to vector<16xi32>
      %shift_right_logical3A_492 = arith.shrui %get3A_489, %shift_right_logical3A_491 : vector<16xi32>
      %swap3A_493 = arith.constant 48 : index
      %swap3A_494 = tpu.vector_load %arg6[%swap3A_493] {strides = array<i32>} : memref<64xi32, #tpu.memory_space<vmem>>, vector<16xi32>,
      %swap3A_495 = vector.shape_cast %swap3A_494 : vector<16xi32> to vector<16xi32>
      %swap3A_496 = vector.shape_cast %shift_right_logical3A_492 : vector<16xi32> to vector<16xi32>
      tpu.vector_store %arg6[%swap3A_493], %swap3A_496 {strides = array<i32>} : memref<64xi32, #tpu.memory_space<vmem>>, vector<16xi32>,
      %and3A_497 = arith.constant 16383 : i32
      %and3A_498 = vector.broadcast %and3A_497 : i32 to vector<16xi32>
      %and3A_499 = arith.andi %get3A_489, %and3A_498 : vector<16xi32>
      %swap3A_500 = arith.constant 48 : index
      %swap3A_501 = tpu.vector_load %arg10[%swap3A_500] {strides = array<i32>} : memref<64xi32, #tpu.memory_space<vmem>>, vector<16xi32>,
      %swap3A_502 = vector.shape_cast %swap3A_501 : vector<16xi32> to vector<16xi32>
      %swap3A_503 = vector.shape_cast %and3A_499 : vector<16xi32> to vector<16xi32>
      tpu.vector_store %arg10[%swap3A_500], %swap3A_503 {strides = array<i32>} : memref<64xi32, #tpu.memory_space<vmem>>, vector<16xi32>,
      %dma_start3A_504 = arith.constant 0 : i32
      %dma_start3A_505 = arith.constant 0 : i32
      %dma_start3A_506 = tpu.memref_slice %arg2[%dma_start3A_504, %dma_start3A_505] : memref<10000x128xf32, #tpu.memory_space<hbm>> -> memref<10000x128xf32, #tpu.memory_space<hbm>>
      tpu.enqueue_indirect_dma source(%dma_start3A_506 : memref<10000x128xf32, #tpu.memory_space<hbm>>) target(%arg14 : memref<64x128xf32, #tpu.memory_space<vmem>>) offsets(%arg6 : memref<64xi32, #tpu.memory_space<vmem>>) semaphore(%arg19 : memref<!tpu.dma_semaphore, #tpu.memory_space<semaphore_mem>>)
      %mul3A_507 = arith.constant 4 : i32
      %mul3A_508 = arith.muli %scan3A_381, %mul3A_507 : i32
      %add3A_509 = arith.constant 1 : i32
      %add3A_510 = arith.addi %mul3A_508, %add3A_509 : i32
      %dma_wait3A_511 = arith.constant 0 : i32
      %dma_wait3A_512 = arith.constant 0 : i32
      %dma_wait3A_513 = tpu.memref_slice %arg2[%dma_wait3A_511, %dma_wait3A_512] : memref<10000x128xf32, #tpu.memory_space<hbm>> -> memref<10000x128xf32, #tpu.memory_space<hbm>>
      tpu.wait_indirect_dma semaphore(%arg20 : memref<!tpu.dma_semaphore, #tpu.memory_space<semaphore_mem>>) src(%dma_wait3A_513 : memref<10000x128xf32, #tpu.memory_space<hbm>>) dst(%arg15 : memref<64x128xf32, #tpu.memory_space<vmem>>)
      "tpu.region"() ({
        %run_scoped3A = tpu.sem_alloc : memref<!tpu.dma_semaphore, #tpu.memory_space<semaphore_mem>>
        %dma_start3A_909 = arith.constant 0 : i32
        %dma_start3A_910 = arith.constant 0 : i32
        %dma_start3A_911 = tpu.memref_slice %arg18[%dma_start3A_909, %dma_start3A_910] : memref<10240x128xf32, #tpu.memory_space<vmem_shared>> -> memref<10240x128xf32, #tpu.memory_space<vmem_shared>>
        tpu.enqueue_indirect_dma source(%arg15 : memref<64x128xf32, #tpu.memory_space<vmem>>) target(%dma_start3A_911 : memref<10240x128xf32, #tpu.memory_space<vmem_shared>>) offsets(%arg11 : memref<64xi32, #tpu.memory_space<vmem>>) semaphore(%run_scoped3A : memref<!tpu.dma_semaphore, #tpu.memory_space<semaphore_mem>>) {add = true}
        %dma_wait3A_912 = arith.constant 0 : i32
        %dma_wait3A_913 = arith.constant 0 : i32
        %dma_wait3A_914 = tpu.memref_slice %arg18[%dma_wait3A_912, %dma_wait3A_913] : memref<10240x128xf32, #tpu.memory_space<vmem_shared>> -> memref<10240x128xf32, #tpu.memory_space<vmem_shared>>
        tpu.wait_indirect_dma semaphore(%run_scoped3A : memref<!tpu.dma_semaphore, #tpu.memory_space<semaphore_mem>>) src(%arg15 : memref<64x128xf32, #tpu.memory_space<vmem>>) dst(%dma_wait3A_914 : memref<10240x128xf32, #tpu.memory_space<vmem_shared>>)
        tpu.yield
      }) : () -> ()
      %add3A_514 = arith.constant 4 : i32
      %add3A_515 = arith.addi %add3A_510, %add3A_514 : i32
      %jit3A_516 = arith.constant 2 : i32
      %div3A_517 = arith.divsi %add3A_515, %jit3A_516 : i32
      %sign3A_518 = arith.constant 0 : i32
      %sign3A_519 = arith.cmpi sgt, %add3A_515, %sign3A_518 : i32
      %sign3A_520 = arith.extui %sign3A_519 : i1 to i32
      %sign3A_521 = arith.constant 0 : i32
      %sign3A_522 = arith.cmpi slt, %add3A_515, %sign3A_521 : i32
      %sign3A_523 = arith.extui %sign3A_522 : i1 to i32
      %sign3A_524 = arith.subi %sign3A_520, %sign3A_523 : i32
      %sign3A_525 = arith.constant 0 : i32
      %sign3A_526 = arith.cmpi sgt, %jit3A_516, %sign3A_525 : i32
      %sign3A_527 = arith.extui %sign3A_526 : i1 to i32
      %sign3A_528 = arith.constant 0 : i32
      %sign3A_529 = arith.cmpi slt, %jit3A_516, %sign3A_528 : i32
      %sign3A_530 = arith.extui %sign3A_529 : i1 to i32
      %sign3A_531 = arith.subi %sign3A_527, %sign3A_530 : i32
      %ne3A_532 = arith.cmpi ne, %sign3A_524, %sign3A_531 : i32
      %rem3A_533 = arith.remsi %add3A_515, %jit3A_516 : i32
      %ne3A_534 = arith.constant 0 : i32
      %ne3A_535 = arith.cmpi ne, %rem3A_533, %ne3A_534 : i32
      %and3A_536 = arith.andi %ne3A_532, %ne3A_535 : i1
      %sub3A_537 = arith.constant 1 : i32
      %sub3A_538 = arith.subi %div3A_517, %sub3A_537 : i32
      %select_n3A_539 = arith.select %and3A_536, %sub3A_538, %div3A_517 : i32
      %jit3A_540 = arith.constant 2 : i32
      %eq3A_541 = arith.constant 0 : i32
      %eq3A_542 = arith.cmpi eq, %jit3A_540, %eq3A_541 : i32
      %jit3A_543 = arith.constant 1 : i32
      %select_n3A_544 = arith.select %eq3A_542, %jit3A_543, %jit3A_540 : i32
      %rem3A_545 = arith.remsi %add3A_515, %select_n3A_544 : i32
      %ne3A_546 = arith.constant 0 : i32
      %ne3A_547 = arith.cmpi ne, %rem3A_545, %ne3A_546 : i32
      %lt3A_548 = arith.constant 0 : i32
      %lt3A_549 = arith.cmpi slt, %rem3A_545, %lt3A_548 : i32
      %lt3A_550 = arith.constant 0 : i32
      %lt3A_551 = arith.cmpi slt, %select_n3A_544, %lt3A_550 : i32
      %ne3A_552 = arith.xori %lt3A_549, %lt3A_551 : i1
      %and3A_553 = arith.andi %ne3A_552, %ne3A_547 : i1
      %add3A_554 = arith.addi %rem3A_545, %select_n3A_544 : i32
      %select_n3A_555 = arith.select %and3A_553, %add3A_554, %rem3A_545 : i32
      %mul3A_556 = arith.constant 64 : i32
      %mul3A_557 = arith.muli %select_n3A_555, %mul3A_556 : i32
      %add3A_558 = arith.constant 0 : i32
      %add3A_559 = arith.addi %mul3A_557, %add3A_558 : i32
      %get3A_560 = arith.index_cast %select_n3A_539 : i32 to index
      %get3A_561 = arith.index_cast %add3A_559 : i32 to index
      %get3A_562 = tpu.vector_load %arg5[%get3A_560, %get3A_561] {strides = array<i32>} : memref<40x128xi32, #tpu.memory_space<vmem>>, vector<1x16xi32>,
      %get3A_563 = vector.shape_cast %get3A_562 : vector<1x16xi32> to vector<16xi32>
      %shift_right_logical3A_564 = arith.constant 14 : i32
      %shift_right_logical3A_565 = vector.broadcast %shift_right_logical3A_564 : i32 to vector<16xi32>
      %shift_right_logical3A_566 = arith.shrui %get3A_563, %shift_right_logical3A_565 : vector<16xi32>
      %swap3A_567 = arith.constant 0 : index
      %swap3A_568 = tpu.vector_load %arg7[%swap3A_567] {strides = array<i32>} : memref<64xi32, #tpu.memory_space<vmem>>, vector<16xi32>,
      %swap3A_569 = vector.shape_cast %swap3A_568 : vector<16xi32> to vector<16xi32>
      %swap3A_570 = vector.shape_cast %shift_right_logical3A_566 : vector<16xi32> to vector<16xi32>
      tpu.vector_store %arg7[%swap3A_567], %swap3A_570 {strides = array<i32>} : memref<64xi32, #tpu.memory_space<vmem>>, vector<16xi32>,
      %and3A_571 = arith.constant 16383 : i32
      %and3A_572 = vector.broadcast %and3A_571 : i32 to vector<16xi32>
      %and3A_573 = arith.andi %get3A_563, %and3A_572 : vector<16xi32>
      %swap3A_574 = arith.constant 0 : index
      %swap3A_575 = tpu.vector_load %arg11[%swap3A_574] {strides = array<i32>} : memref<64xi32, #tpu.memory_space<vmem>>, vector<16xi32>,
      %swap3A_576 = vector.shape_cast %swap3A_575 : vector<16xi32> to vector<16xi32>
      %swap3A_577 = vector.shape_cast %and3A_573 : vector<16xi32> to vector<16xi32>
      tpu.vector_store %arg11[%swap3A_574], %swap3A_577 {strides = array<i32>} : memref<64xi32, #tpu.memory_space<vmem>>, vector<16xi32>,
      %add3A_578 = arith.constant 16 : i32
      %add3A_579 = arith.addi %mul3A_557, %add3A_578 : i32
      %get3A_580 = arith.index_cast %select_n3A_539 : i32 to index
      %get3A_581 = arith.index_cast %add3A_579 : i32 to index
      %get3A_582 = tpu.vector_load %arg5[%get3A_580, %get3A_581] {strides = array<i32>} : memref<40x128xi32, #tpu.memory_space<vmem>>, vector<1x16xi32>,
      %get3A_583 = vector.shape_cast %get3A_582 : vector<1x16xi32> to vector<16xi32>
      %shift_right_logical3A_584 = arith.constant 14 : i32
      %shift_right_logical3A_585 = vector.broadcast %shift_right_logical3A_584 : i32 to vector<16xi32>
      %shift_right_logical3A_586 = arith.shrui %get3A_583, %shift_right_logical3A_585 : vector<16xi32>
      %swap3A_587 = arith.constant 16 : index
      %swap3A_588 = tpu.vector_load %arg7[%swap3A_587] {strides = array<i32>} : memref<64xi32, #tpu.memory_space<vmem>>, vector<16xi32>,
      %swap3A_589 = vector.shape_cast %swap3A_588 : vector<16xi32> to vector<16xi32>
      %swap3A_590 = vector.shape_cast %shift_right_logical3A_586 : vector<16xi32> to vector<16xi32>
      tpu.vector_store %arg7[%swap3A_587], %swap3A_590 {strides = array<i32>} : memref<64xi32, #tpu.memory_space<vmem>>, vector<16xi32>,
      %and3A_591 = arith.constant 16383 : i32
      %and3A_592 = vector.broadcast %and3A_591 : i32 to vector<16xi32>
      %and3A_593 = arith.andi %get3A_583, %and3A_592 : vector<16xi32>
      %swap3A_594 = arith.constant 16 : index
      %swap3A_595 = tpu.vector_load %arg11[%swap3A_594] {strides = array<i32>} : memref<64xi32, #tpu.memory_space<vmem>>, vector<16xi32>,
      %swap3A_596 = vector.shape_cast %swap3A_595 : vector<16xi32> to vector<16xi32>
      %swap3A_597 = vector.shape_cast %and3A_593 : vector<16xi32> to vector<16xi32>
      tpu.vector_store %arg11[%swap3A_594], %swap3A_597 {strides = array<i32>} : memref<64xi32, #tpu.memory_space<vmem>>, vector<16xi32>,
      %add3A_598 = arith.constant 32 : i32
      %add3A_599 = arith.addi %mul3A_557, %add3A_598 : i32
      %get3A_600 = arith.index_cast %select_n3A_539 : i32 to index
      %get3A_601 = arith.index_cast %add3A_599 : i32 to index
      %get3A_602 = tpu.vector_load %arg5[%get3A_600, %get3A_601] {strides = array<i32>} : memref<40x128xi32, #tpu.memory_space<vmem>>, vector<1x16xi32>,
      %get3A_603 = vector.shape_cast %get3A_602 : vector<1x16xi32> to vector<16xi32>
      %shift_right_logical3A_604 = arith.constant 14 : i32
      %shift_right_logical3A_605 = vector.broadcast %shift_right_logical3A_604 : i32 to vector<16xi32>
      %shift_right_logical3A_606 = arith.shrui %get3A_603, %shift_right_logical3A_605 : vector<16xi32>
      %swap3A_607 = arith.constant 32 : index
      %swap3A_608 = tpu.vector_load %arg7[%swap3A_607] {strides = array<i32>} : memref<64xi32, #tpu.memory_space<vmem>>, vector<16xi32>,
      %swap3A_609 = vector.shape_cast %swap3A_608 : vector<16xi32> to vector<16xi32>
      %swap3A_610 = vector.shape_cast %shift_right_logical3A_606 : vector<16xi32> to vector<16xi32>
      tpu.vector_store %arg7[%swap3A_607], %swap3A_610 {strides = array<i32>} : memref<64xi32, #tpu.memory_space<vmem>>, vector<16xi32>,
      %and3A_611 = arith.constant 16383 : i32
      %and3A_612 = vector.broadcast %and3A_611 : i32 to vector<16xi32>
      %and3A_613 = arith.andi %get3A_603, %and3A_612 : vector<16xi32>
      %swap3A_614 = arith.constant 32 : index
      %swap3A_615 = tpu.vector_load %arg11[%swap3A_614] {strides = array<i32>} : memref<64xi32, #tpu.memory_space<vmem>>, vector<16xi32>,
      %swap3A_616 = vector.shape_cast %swap3A_615 : vector<16xi32> to vector<16xi32>
      %swap3A_617 = vector.shape_cast %and3A_613 : vector<16xi32> to vector<16xi32>
      tpu.vector_store %arg11[%swap3A_614], %swap3A_617 {strides = array<i32>} : memref<64xi32, #tpu.memory_space<vmem>>, vector<16xi32>,
      %add3A_618 = arith.constant 48 : i32
      %add3A_619 = arith.addi %mul3A_557, %add3A_618 : i32
      %get3A_620 = arith.index_cast %select_n3A_539 : i32 to index
      %get3A_621 = arith.index_cast %add3A_619 : i32 to index
      %get3A_622 = tpu.vector_load %arg5[%get3A_620, %get3A_621] {strides = array<i32>} : memref<40x128xi32, #tpu.memory_space<vmem>>, vector<1x16xi32>,
      %get3A_623 = vector.shape_cast %get3A_622 : vector<1x16xi32> to vector<16xi32>
      %shift_right_logical3A_624 = arith.constant 14 : i32
      %shift_right_logical3A_625 = vector.broadcast %shift_right_logical3A_624 : i32 to vector<16xi32>
      %shift_right_logical3A_626 = arith.shrui %get3A_623, %shift_right_logical3A_625 : vector<16xi32>
      %swap3A_627 = arith.constant 48 : index
      %swap3A_628 = tpu.vector_load %arg7[%swap3A_627] {strides = array<i32>} : memref<64xi32, #tpu.memory_space<vmem>>, vector<16xi32>,
      %swap3A_629 = vector.shape_cast %swap3A_628 : vector<16xi32> to vector<16xi32>
      %swap3A_630 = vector.shape_cast %shift_right_logical3A_626 : vector<16xi32> to vector<16xi32>
      tpu.vector_store %arg7[%swap3A_627], %swap3A_630 {strides = array<i32>} : memref<64xi32, #tpu.memory_space<vmem>>, vector<16xi32>,
      %and3A_631 = arith.constant 16383 : i32
      %and3A_632 = vector.broadcast %and3A_631 : i32 to vector<16xi32>
      %and3A_633 = arith.andi %get3A_623, %and3A_632 : vector<16xi32>
      %swap3A_634 = arith.constant 48 : index
      %swap3A_635 = tpu.vector_load %arg11[%swap3A_634] {strides = array<i32>} : memref<64xi32, #tpu.memory_space<vmem>>, vector<16xi32>,
      %swap3A_636 = vector.shape_cast %swap3A_635 : vector<16xi32> to vector<16xi32>
      %swap3A_637 = vector.shape_cast %and3A_633 : vector<16xi32> to vector<16xi32>
      tpu.vector_store %arg11[%swap3A_634], %swap3A_637 {strides = array<i32>} : memref<64xi32, #tpu.memory_space<vmem>>, vector<16xi32>,
      %dma_start3A_638 = arith.constant 0 : i32
      %dma_start3A_639 = arith.constant 0 : i32
      %dma_start3A_640 = tpu.memref_slice %arg2[%dma_start3A_638, %dma_start3A_639] : memref<10000x128xf32, #tpu.memory_space<hbm>> -> memref<10000x128xf32, #tpu.memory_space<hbm>>
      tpu.enqueue_indirect_dma source(%dma_start3A_640 : memref<10000x128xf32, #tpu.memory_space<hbm>>) target(%arg15 : memref<64x128xf32, #tpu.memory_space<vmem>>) offsets(%arg7 : memref<64xi32, #tpu.memory_space<vmem>>) semaphore(%arg20 : memref<!tpu.dma_semaphore, #tpu.memory_space<semaphore_mem>>)
      %mul3A_641 = arith.constant 4 : i32
      %mul3A_642 = arith.muli %scan3A_381, %mul3A_641 : i32
      %add3A_643 = arith.constant 2 : i32
      %add3A_644 = arith.addi %mul3A_642, %add3A_643 : i32
      %dma_wait3A_645 = arith.constant 0 : i32
      %dma_wait3A_646 = arith.constant 0 : i32
      %dma_wait3A_647 = tpu.memref_slice %arg2[%dma_wait3A_645, %dma_wait3A_646] : memref<10000x128xf32, #tpu.memory_space<hbm>> -> memref<10000x128xf32, #tpu.memory_space<hbm>>
      tpu.wait_indirect_dma semaphore(%arg21 : memref<!tpu.dma_semaphore, #tpu.memory_space<semaphore_mem>>) src(%dma_wait3A_647 : memref<10000x128xf32, #tpu.memory_space<hbm>>) dst(%arg16 : memref<64x128xf32, #tpu.memory_space<vmem>>)
      "tpu.region"() ({
        %run_scoped3A = tpu.sem_alloc : memref<!tpu.dma_semaphore, #tpu.memory_space<semaphore_mem>>
        %dma_start3A_909 = arith.constant 0 : i32
        %dma_start3A_910 = arith.constant 0 : i32
        %dma_start3A_911 = tpu.memref_slice %arg18[%dma_start3A_909, %dma_start3A_910] : memref<10240x128xf32, #tpu.memory_space<vmem_shared>> -> memref<10240x128xf32, #tpu.memory_space<vmem_shared>>
        tpu.enqueue_indirect_dma source(%arg16 : memref<64x128xf32, #tpu.memory_space<vmem>>) target(%dma_start3A_911 : memref<10240x128xf32, #tpu.memory_space<vmem_shared>>) offsets(%arg12 : memref<64xi32, #tpu.memory_space<vmem>>) semaphore(%run_scoped3A : memref<!tpu.dma_semaphore, #tpu.memory_space<semaphore_mem>>) {add = true}
        %dma_wait3A_912 = arith.constant 0 : i32
        %dma_wait3A_913 = arith.constant 0 : i32
        %dma_wait3A_914 = tpu.memref_slice %arg18[%dma_wait3A_912, %dma_wait3A_913] : memref<10240x128xf32, #tpu.memory_space<vmem_shared>> -> memref<10240x128xf32, #tpu.memory_space<vmem_shared>>
        tpu.wait_indirect_dma semaphore(%run_scoped3A : memref<!tpu.dma_semaphore, #tpu.memory_space<semaphore_mem>>) src(%arg16 : memref<64x128xf32, #tpu.memory_space<vmem>>) dst(%dma_wait3A_914 : memref<10240x128xf32, #tpu.memory_space<vmem_shared>>)
        tpu.yield
      }) : () -> ()
      %add3A_648 = arith.constant 4 : i32
      %add3A_649 = arith.addi %add3A_644, %add3A_648 : i32
      %jit3A_650 = arith.constant 2 : i32
      %div3A_651 = arith.divsi %add3A_649, %jit3A_650 : i32
      %sign3A_652 = arith.constant 0 : i32
      %sign3A_653 = arith.cmpi sgt, %add3A_649, %sign3A_652 : i32
      %sign3A_654 = arith.extui %sign3A_653 : i1 to i32
      %sign3A_655 = arith.constant 0 : i32
      %sign3A_656 = arith.cmpi slt, %add3A_649, %sign3A_655 : i32
      %sign3A_657 = arith.extui %sign3A_656 : i1 to i32
      %sign3A_658 = arith.subi %sign3A_654, %sign3A_657 : i32
      %sign3A_659 = arith.constant 0 : i32
      %sign3A_660 = arith.cmpi sgt, %jit3A_650, %sign3A_659 : i32
      %sign3A_661 = arith.extui %sign3A_660 : i1 to i32
      %sign3A_662 = arith.constant 0 : i32
      %sign3A_663 = arith.cmpi slt, %jit3A_650, %sign3A_662 : i32
      %sign3A_664 = arith.extui %sign3A_663 : i1 to i32
      %sign3A_665 = arith.subi %sign3A_661, %sign3A_664 : i32
      %ne3A_666 = arith.cmpi ne, %sign3A_658, %sign3A_665 : i32
      %rem3A_667 = arith.remsi %add3A_649, %jit3A_650 : i32
      %ne3A_668 = arith.constant 0 : i32
      %ne3A_669 = arith.cmpi ne, %rem3A_667, %ne3A_668 : i32
      %and3A_670 = arith.andi %ne3A_666, %ne3A_669 : i1
      %sub3A_671 = arith.constant 1 : i32
      %sub3A_672 = arith.subi %div3A_651, %sub3A_671 : i32
      %select_n3A_673 = arith.select %and3A_670, %sub3A_672, %div3A_651 : i32
      %jit3A_674 = arith.constant 2 : i32
      %eq3A_675 = arith.constant 0 : i32
      %eq3A_676 = arith.cmpi eq, %jit3A_674, %eq3A_675 : i32
      %jit3A_677 = arith.constant 1 : i32
      %select_n3A_678 = arith.select %eq3A_676, %jit3A_677, %jit3A_674 : i32
      %rem3A_679 = arith.remsi %add3A_649, %select_n3A_678 : i32
      %ne3A_680 = arith.constant 0 : i32
      %ne3A_681 = arith.cmpi ne, %rem3A_679, %ne3A_680 : i32
      %lt3A_682 = arith.constant 0 : i32
      %lt3A_683 = arith.cmpi slt, %rem3A_679, %lt3A_682 : i32
      %lt3A_684 = arith.constant 0 : i32
      %lt3A_685 = arith.cmpi slt, %select_n3A_678, %lt3A_684 : i32
      %ne3A_686 = arith.xori %lt3A_683, %lt3A_685 : i1
      %and3A_687 = arith.andi %ne3A_686, %ne3A_681 : i1
      %add3A_688 = arith.addi %rem3A_679, %select_n3A_678 : i32
      %select_n3A_689 = arith.select %and3A_687, %add3A_688, %rem3A_679 : i32
      %mul3A_690 = arith.constant 64 : i32
      %mul3A_691 = arith.muli %select_n3A_689, %mul3A_690 : i32
      %add3A_692 = arith.constant 0 : i32
      %add3A_693 = arith.addi %mul3A_691, %add3A_692 : i32
      %get3A_694 = arith.index_cast %select_n3A_673 : i32 to index
      %get3A_695 = arith.index_cast %add3A_693 : i32 to index
      %get3A_696 = tpu.vector_load %arg5[%get3A_694, %get3A_695] {strides = array<i32>} : memref<40x128xi32, #tpu.memory_space<vmem>>, vector<1x16xi32>,
      %get3A_697 = vector.shape_cast %get3A_696 : vector<1x16xi32> to vector<16xi32>
      %shift_right_logical3A_698 = arith.constant 14 : i32
      %shift_right_logical3A_699 = vector.broadcast %shift_right_logical3A_698 : i32 to vector<16xi32>
      %shift_right_logical3A_700 = arith.shrui %get3A_697, %shift_right_logical3A_699 : vector<16xi32>
      %swap3A_701 = arith.constant 0 : index
      %swap3A_702 = tpu.vector_load %arg8[%swap3A_701] {strides = array<i32>} : memref<64xi32, #tpu.memory_space<vmem>>, vector<16xi32>,
      %swap3A_703 = vector.shape_cast %swap3A_702 : vector<16xi32> to vector<16xi32>
      %swap3A_704 = vector.shape_cast %shift_right_logical3A_700 : vector<16xi32> to vector<16xi32>
      tpu.vector_store %arg8[%swap3A_701], %swap3A_704 {strides = array<i32>} : memref<64xi32, #tpu.memory_space<vmem>>, vector<16xi32>,
      %and3A_705 = arith.constant 16383 : i32
      %and3A_706 = vector.broadcast %and3A_705 : i32 to vector<16xi32>
      %and3A_707 = arith.andi %get3A_697, %and3A_706 : vector<16xi32>
      %swap3A_708 = arith.constant 0 : index
      %swap3A_709 = tpu.vector_load %arg12[%swap3A_708] {strides = array<i32>} : memref<64xi32, #tpu.memory_space<vmem>>, vector<16xi32>,
      %swap3A_710 = vector.shape_cast %swap3A_709 : vector<16xi32> to vector<16xi32>
      %swap3A_711 = vector.shape_cast %and3A_707 : vector<16xi32> to vector<16xi32>
      tpu.vector_store %arg12[%swap3A_708], %swap3A_711 {strides = array<i32>} : memref<64xi32, #tpu.memory_space<vmem>>, vector<16xi32>,
      %add3A_712 = arith.constant 16 : i32
      %add3A_713 = arith.addi %mul3A_691, %add3A_712 : i32
      %get3A_714 = arith.index_cast %select_n3A_673 : i32 to index
      %get3A_715 = arith.index_cast %add3A_713 : i32 to index
      %get3A_716 = tpu.vector_load %arg5[%get3A_714, %get3A_715] {strides = array<i32>} : memref<40x128xi32, #tpu.memory_space<vmem>>, vector<1x16xi32>,
      %get3A_717 = vector.shape_cast %get3A_716 : vector<1x16xi32> to vector<16xi32>
      %shift_right_logical3A_718 = arith.constant 14 : i32
      %shift_right_logical3A_719 = vector.broadcast %shift_right_logical3A_718 : i32 to vector<16xi32>
      %shift_right_logical3A_720 = arith.shrui %get3A_717, %shift_right_logical3A_719 : vector<16xi32>
      %swap3A_721 = arith.constant 16 : index
      %swap3A_722 = tpu.vector_load %arg8[%swap3A_721] {strides = array<i32>} : memref<64xi32, #tpu.memory_space<vmem>>, vector<16xi32>,
      %swap3A_723 = vector.shape_cast %swap3A_722 : vector<16xi32> to vector<16xi32>
      %swap3A_724 = vector.shape_cast %shift_right_logical3A_720 : vector<16xi32> to vector<16xi32>
      tpu.vector_store %arg8[%swap3A_721], %swap3A_724 {strides = array<i32>} : memref<64xi32, #tpu.memory_space<vmem>>, vector<16xi32>,
      %and3A_725 = arith.constant 16383 : i32
      %and3A_726 = vector.broadcast %and3A_725 : i32 to vector<16xi32>
      %and3A_727 = arith.andi %get3A_717, %and3A_726 : vector<16xi32>
      %swap3A_728 = arith.constant 16 : index
      %swap3A_729 = tpu.vector_load %arg12[%swap3A_728] {strides = array<i32>} : memref<64xi32, #tpu.memory_space<vmem>>, vector<16xi32>,
      %swap3A_730 = vector.shape_cast %swap3A_729 : vector<16xi32> to vector<16xi32>
      %swap3A_731 = vector.shape_cast %and3A_727 : vector<16xi32> to vector<16xi32>
      tpu.vector_store %arg12[%swap3A_728], %swap3A_731 {strides = array<i32>} : memref<64xi32, #tpu.memory_space<vmem>>, vector<16xi32>,
      %add3A_732 = arith.constant 32 : i32
      %add3A_733 = arith.addi %mul3A_691, %add3A_732 : i32
      %get3A_734 = arith.index_cast %select_n3A_673 : i32 to index
      %get3A_735 = arith.index_cast %add3A_733 : i32 to index
      %get3A_736 = tpu.vector_load %arg5[%get3A_734, %get3A_735] {strides = array<i32>} : memref<40x128xi32, #tpu.memory_space<vmem>>, vector<1x16xi32>,
      %get3A_737 = vector.shape_cast %get3A_736 : vector<1x16xi32> to vector<16xi32>
      %shift_right_logical3A_738 = arith.constant 14 : i32
      %shift_right_logical3A_739 = vector.broadcast %shift_right_logical3A_738 : i32 to vector<16xi32>
      %shift_right_logical3A_740 = arith.shrui %get3A_737, %shift_right_logical3A_739 : vector<16xi32>
      %swap3A_741 = arith.constant 32 : index
      %swap3A_742 = tpu.vector_load %arg8[%swap3A_741] {strides = array<i32>} : memref<64xi32, #tpu.memory_space<vmem>>, vector<16xi32>,
      %swap3A_743 = vector.shape_cast %swap3A_742 : vector<16xi32> to vector<16xi32>
      %swap3A_744 = vector.shape_cast %shift_right_logical3A_740 : vector<16xi32> to vector<16xi32>
      tpu.vector_store %arg8[%swap3A_741], %swap3A_744 {strides = array<i32>} : memref<64xi32, #tpu.memory_space<vmem>>, vector<16xi32>,
      %and3A_745 = arith.constant 16383 : i32
      %and3A_746 = vector.broadcast %and3A_745 : i32 to vector<16xi32>
      %and3A_747 = arith.andi %get3A_737, %and3A_746 : vector<16xi32>
      %swap3A_748 = arith.constant 32 : index
      %swap3A_749 = tpu.vector_load %arg12[%swap3A_748] {strides = array<i32>} : memref<64xi32, #tpu.memory_space<vmem>>, vector<16xi32>,
      %swap3A_750 = vector.shape_cast %swap3A_749 : vector<16xi32> to vector<16xi32>
      %swap3A_751 = vector.shape_cast %and3A_747 : vector<16xi32> to vector<16xi32>
      tpu.vector_store %arg12[%swap3A_748], %swap3A_751 {strides = array<i32>} : memref<64xi32, #tpu.memory_space<vmem>>, vector<16xi32>,
      %add3A_752 = arith.constant 48 : i32
      %add3A_753 = arith.addi %mul3A_691, %add3A_752 : i32
      %get3A_754 = arith.index_cast %select_n3A_673 : i32 to index
      %get3A_755 = arith.index_cast %add3A_753 : i32 to index
      %get3A_756 = tpu.vector_load %arg5[%get3A_754, %get3A_755] {strides = array<i32>} : memref<40x128xi32, #tpu.memory_space<vmem>>, vector<1x16xi32>,
      %get3A_757 = vector.shape_cast %get3A_756 : vector<1x16xi32> to vector<16xi32>
      %shift_right_logical3A_758 = arith.constant 14 : i32
      %shift_right_logical3A_759 = vector.broadcast %shift_right_logical3A_758 : i32 to vector<16xi32>
      %shift_right_logical3A_760 = arith.shrui %get3A_757, %shift_right_logical3A_759 : vector<16xi32>
      %swap3A_761 = arith.constant 48 : index
      %swap3A_762 = tpu.vector_load %arg8[%swap3A_761] {strides = array<i32>} : memref<64xi32, #tpu.memory_space<vmem>>, vector<16xi32>,
      %swap3A_763 = vector.shape_cast %swap3A_762 : vector<16xi32> to vector<16xi32>
      %swap3A_764 = vector.shape_cast %shift_right_logical3A_760 : vector<16xi32> to vector<16xi32>
      tpu.vector_store %arg8[%swap3A_761], %swap3A_764 {strides = array<i32>} : memref<64xi32, #tpu.memory_space<vmem>>, vector<16xi32>,
      %and3A_765 = arith.constant 16383 : i32
      %and3A_766 = vector.broadcast %and3A_765 : i32 to vector<16xi32>
      %and3A_767 = arith.andi %get3A_757, %and3A_766 : vector<16xi32>
      %swap3A_768 = arith.constant 48 : index
      %swap3A_769 = tpu.vector_load %arg12[%swap3A_768] {strides = array<i32>} : memref<64xi32, #tpu.memory_space<vmem>>, vector<16xi32>,
      %swap3A_770 = vector.shape_cast %swap3A_769 : vector<16xi32> to vector<16xi32>
      %swap3A_771 = vector.shape_cast %and3A_767 : vector<16xi32> to vector<16xi32>
      tpu.vector_store %arg12[%swap3A_768], %swap3A_771 {strides = array<i32>} : memref<64xi32, #tpu.memory_space<vmem>>, vector<16xi32>,
      %dma_start3A_772 = arith.constant 0 : i32
      %dma_start3A_773 = arith.constant 0 : i32
      %dma_start3A_774 = tpu.memref_slice %arg2[%dma_start3A_772, %dma_start3A_773] : memref<10000x128xf32, #tpu.memory_space<hbm>> -> memref<10000x128xf32, #tpu.memory_space<hbm>>
      tpu.enqueue_indirect_dma source(%dma_start3A_774 : memref<10000x128xf32, #tpu.memory_space<hbm>>) target(%arg16 : memref<64x128xf32, #tpu.memory_space<vmem>>) offsets(%arg8 : memref<64xi32, #tpu.memory_space<vmem>>) semaphore(%arg21 : memref<!tpu.dma_semaphore, #tpu.memory_space<semaphore_mem>>)
      %mul3A_775 = arith.constant 4 : i32
      %mul3A_776 = arith.muli %scan3A_381, %mul3A_775 : i32
      %add3A_777 = arith.constant 3 : i32
      %add3A_778 = arith.addi %mul3A_776, %add3A_777 : i32
      %dma_wait3A_779 = arith.constant 0 : i32
      %dma_wait3A_780 = arith.constant 0 : i32
      %dma_wait3A_781 = tpu.memref_slice %arg2[%dma_wait3A_779, %dma_wait3A_780] : memref<10000x128xf32, #tpu.memory_space<hbm>> -> memref<10000x128xf32, #tpu.memory_space<hbm>>
      tpu.wait_indirect_dma semaphore(%arg22 : memref<!tpu.dma_semaphore, #tpu.memory_space<semaphore_mem>>) src(%dma_wait3A_781 : memref<10000x128xf32, #tpu.memory_space<hbm>>) dst(%arg17 : memref<64x128xf32, #tpu.memory_space<vmem>>)
      "tpu.region"() ({
        %run_scoped3A = tpu.sem_alloc : memref<!tpu.dma_semaphore, #tpu.memory_space<semaphore_mem>>
        %dma_start3A_909 = arith.constant 0 : i32
        %dma_start3A_910 = arith.constant 0 : i32
        %dma_start3A_911 = tpu.memref_slice %arg18[%dma_start3A_909, %dma_start3A_910] : memref<10240x128xf32, #tpu.memory_space<vmem_shared>> -> memref<10240x128xf32, #tpu.memory_space<vmem_shared>>
        tpu.enqueue_indirect_dma source(%arg17 : memref<64x128xf32, #tpu.memory_space<vmem>>) target(%dma_start3A_911 : memref<10240x128xf32, #tpu.memory_space<vmem_shared>>) offsets(%arg13 : memref<64xi32, #tpu.memory_space<vmem>>) semaphore(%run_scoped3A : memref<!tpu.dma_semaphore, #tpu.memory_space<semaphore_mem>>) {add = true}
        %dma_wait3A_912 = arith.constant 0 : i32
        %dma_wait3A_913 = arith.constant 0 : i32
        %dma_wait3A_914 = tpu.memref_slice %arg18[%dma_wait3A_912, %dma_wait3A_913] : memref<10240x128xf32, #tpu.memory_space<vmem_shared>> -> memref<10240x128xf32, #tpu.memory_space<vmem_shared>>
        tpu.wait_indirect_dma semaphore(%run_scoped3A : memref<!tpu.dma_semaphore, #tpu.memory_space<semaphore_mem>>) src(%arg17 : memref<64x128xf32, #tpu.memory_space<vmem>>) dst(%dma_wait3A_914 : memref<10240x128xf32, #tpu.memory_space<vmem_shared>>)
        tpu.yield
      }) : () -> ()
      %add3A_782 = arith.constant 4 : i32
      %add3A_783 = arith.addi %add3A_778, %add3A_782 : i32
      %jit3A_784 = arith.constant 2 : i32
      %div3A_785 = arith.divsi %add3A_783, %jit3A_784 : i32
      %sign3A_786 = arith.constant 0 : i32
      %sign3A_787 = arith.cmpi sgt, %add3A_783, %sign3A_786 : i32
      %sign3A_788 = arith.extui %sign3A_787 : i1 to i32
      %sign3A_789 = arith.constant 0 : i32
      %sign3A_790 = arith.cmpi slt, %add3A_783, %sign3A_789 : i32
      %sign3A_791 = arith.extui %sign3A_790 : i1 to i32
      %sign3A_792 = arith.subi %sign3A_788, %sign3A_791 : i32
      %sign3A_793 = arith.constant 0 : i32
      %sign3A_794 = arith.cmpi sgt, %jit3A_784, %sign3A_793 : i32
      %sign3A_795 = arith.extui %sign3A_794 : i1 to i32
      %sign3A_796 = arith.constant 0 : i32
      %sign3A_797 = arith.cmpi slt, %jit3A_784, %sign3A_796 : i32
      %sign3A_798 = arith.extui %sign3A_797 : i1 to i32
      %sign3A_799 = arith.subi %sign3A_795, %sign3A_798 : i32
      %ne3A_800 = arith.cmpi ne, %sign3A_792, %sign3A_799 : i32
      %rem3A_801 = arith.remsi %add3A_783, %jit3A_784 : i32
      %ne3A_802 = arith.constant 0 : i32
      %ne3A_803 = arith.cmpi ne, %rem3A_801, %ne3A_802 : i32
      %and3A_804 = arith.andi %ne3A_800, %ne3A_803 : i1
      %sub3A_805 = arith.constant 1 : i32
      %sub3A_806 = arith.subi %div3A_785, %sub3A_805 : i32
      %select_n3A_807 = arith.select %and3A_804, %sub3A_806, %div3A_785 : i32
      %jit3A_808 = arith.constant 2 : i32
      %eq3A_809 = arith.constant 0 : i32
      %eq3A_810 = arith.cmpi eq, %jit3A_808, %eq3A_809 : i32
      %jit3A_811 = arith.constant 1 : i32
      %select_n3A_812 = arith.select %eq3A_810, %jit3A_811, %jit3A_808 : i32
      %rem3A_813 = arith.remsi %add3A_783, %select_n3A_812 : i32
      %ne3A_814 = arith.constant 0 : i32
      %ne3A_815 = arith.cmpi ne, %rem3A_813, %ne3A_814 : i32
      %lt3A_816 = arith.constant 0 : i32
      %lt3A_817 = arith.cmpi slt, %rem3A_813, %lt3A_816 : i32
      %lt3A_818 = arith.constant 0 : i32
      %lt3A_819 = arith.cmpi slt, %select_n3A_812, %lt3A_818 : i32
      %ne3A_820 = arith.xori %lt3A_817, %lt3A_819 : i1
      %and3A_821 = arith.andi %ne3A_820, %ne3A_815 : i1
      %add3A_822 = arith.addi %rem3A_813, %select_n3A_812 : i32
      %select_n3A_823 = arith.select %and3A_821, %add3A_822, %rem3A_813 : i32
      %mul3A_824 = arith.constant 64 : i32
      %mul3A_825 = arith.muli %select_n3A_823, %mul3A_824 : i32
      %add3A_826 = arith.constant 0 : i32
      %add3A_827 = arith.addi %mul3A_825, %add3A_826 : i32
      %get3A_828 = arith.index_cast %select_n3A_807 : i32 to index
      %get3A_829 = arith.index_cast %add3A_827 : i32 to index
      %get3A_830 = tpu.vector_load %arg5[%get3A_828, %get3A_829] {strides = array<i32>} : memref<40x128xi32, #tpu.memory_space<vmem>>, vector<1x16xi32>,
      %get3A_831 = vector.shape_cast %get3A_830 : vector<1x16xi32> to vector<16xi32>
      %shift_right_logical3A_832 = arith.constant 14 : i32
      %shift_right_logical3A_833 = vector.broadcast %shift_right_logical3A_832 : i32 to vector<16xi32>
      %shift_right_logical3A_834 = arith.shrui %get3A_831, %shift_right_logical3A_833 : vector<16xi32>
      %swap3A_835 = arith.constant 0 : index
      %swap3A_836 = tpu.vector_load %arg9[%swap3A_835] {strides = array<i32>} : memref<64xi32, #tpu.memory_space<vmem>>, vector<16xi32>,
      %swap3A_837 = vector.shape_cast %swap3A_836 : vector<16xi32> to vector<16xi32>
      %swap3A_838 = vector.shape_cast %shift_right_logical3A_834 : vector<16xi32> to vector<16xi32>
      tpu.vector_store %arg9[%swap3A_835], %swap3A_838 {strides = array<i32>} : memref<64xi32, #tpu.memory_space<vmem>>, vector<16xi32>,
      %and3A_839 = arith.constant 16383 : i32
      %and3A_840 = vector.broadcast %and3A_839 : i32 to vector<16xi32>
      %and3A_841 = arith.andi %get3A_831, %and3A_840 : vector<16xi32>
      %swap3A_842 = arith.constant 0 : index
      %swap3A_843 = tpu.vector_load %arg13[%swap3A_842] {strides = array<i32>} : memref<64xi32, #tpu.memory_space<vmem>>, vector<16xi32>,
      %swap3A_844 = vector.shape_cast %swap3A_843 : vector<16xi32> to vector<16xi32>
      %swap3A_845 = vector.shape_cast %and3A_841 : vector<16xi32> to vector<16xi32>
      tpu.vector_store %arg13[%swap3A_842], %swap3A_845 {strides = array<i32>} : memref<64xi32, #tpu.memory_space<vmem>>, vector<16xi32>,
      %add3A_846 = arith.constant 16 : i32
      %add3A_847 = arith.addi %mul3A_825, %add3A_846 : i32
      %get3A_848 = arith.index_cast %select_n3A_807 : i32 to index
      %get3A_849 = arith.index_cast %add3A_847 : i32 to index
      %get3A_850 = tpu.vector_load %arg5[%get3A_848, %get3A_849] {strides = array<i32>} : memref<40x128xi32, #tpu.memory_space<vmem>>, vector<1x16xi32>,
      %get3A_851 = vector.shape_cast %get3A_850 : vector<1x16xi32> to vector<16xi32>
      %shift_right_logical3A_852 = arith.constant 14 : i32
      %shift_right_logical3A_853 = vector.broadcast %shift_right_logical3A_852 : i32 to vector<16xi32>
      %shift_right_logical3A_854 = arith.shrui %get3A_851, %shift_right_logical3A_853 : vector<16xi32>
      %swap3A_855 = arith.constant 16 : index
      %swap3A_856 = tpu.vector_load %arg9[%swap3A_855] {strides = array<i32>} : memref<64xi32, #tpu.memory_space<vmem>>, vector<16xi32>,
      %swap3A_857 = vector.shape_cast %swap3A_856 : vector<16xi32> to vector<16xi32>
      %swap3A_858 = vector.shape_cast %shift_right_logical3A_854 : vector<16xi32> to vector<16xi32>
      tpu.vector_store %arg9[%swap3A_855], %swap3A_858 {strides = array<i32>} : memref<64xi32, #tpu.memory_space<vmem>>, vector<16xi32>,
      %and3A_859 = arith.constant 16383 : i32
      %and3A_860 = vector.broadcast %and3A_859 : i32 to vector<16xi32>
      %and3A_861 = arith.andi %get3A_851, %and3A_860 : vector<16xi32>
      %swap3A_862 = arith.constant 16 : index
      %swap3A_863 = tpu.vector_load %arg13[%swap3A_862] {strides = array<i32>} : memref<64xi32, #tpu.memory_space<vmem>>, vector<16xi32>,
      %swap3A_864 = vector.shape_cast %swap3A_863 : vector<16xi32> to vector<16xi32>
      %swap3A_865 = vector.shape_cast %and3A_861 : vector<16xi32> to vector<16xi32>
      tpu.vector_store %arg13[%swap3A_862], %swap3A_865 {strides = array<i32>} : memref<64xi32, #tpu.memory_space<vmem>>, vector<16xi32>,
      %add3A_866 = arith.constant 32 : i32
      %add3A_867 = arith.addi %mul3A_825, %add3A_866 : i32
      %get3A_868 = arith.index_cast %select_n3A_807 : i32 to index
      %get3A_869 = arith.index_cast %add3A_867 : i32 to index
      %get3A_870 = tpu.vector_load %arg5[%get3A_868, %get3A_869] {strides = array<i32>} : memref<40x128xi32, #tpu.memory_space<vmem>>, vector<1x16xi32>,
      %get3A_871 = vector.shape_cast %get3A_870 : vector<1x16xi32> to vector<16xi32>
      %shift_right_logical3A_872 = arith.constant 14 : i32
      %shift_right_logical3A_873 = vector.broadcast %shift_right_logical3A_872 : i32 to vector<16xi32>
      %shift_right_logical3A_874 = arith.shrui %get3A_871, %shift_right_logical3A_873 : vector<16xi32>
      %swap3A_875 = arith.constant 32 : index
      %swap3A_876 = tpu.vector_load %arg9[%swap3A_875] {strides = array<i32>} : memref<64xi32, #tpu.memory_space<vmem>>, vector<16xi32>,
      %swap3A_877 = vector.shape_cast %swap3A_876 : vector<16xi32> to vector<16xi32>
      %swap3A_878 = vector.shape_cast %shift_right_logical3A_874 : vector<16xi32> to vector<16xi32>
      tpu.vector_store %arg9[%swap3A_875], %swap3A_878 {strides = array<i32>} : memref<64xi32, #tpu.memory_space<vmem>>, vector<16xi32>,
      %and3A_879 = arith.constant 16383 : i32
      %and3A_880 = vector.broadcast %and3A_879 : i32 to vector<16xi32>
      %and3A_881 = arith.andi %get3A_871, %and3A_880 : vector<16xi32>
      %swap3A_882 = arith.constant 32 : index
      %swap3A_883 = tpu.vector_load %arg13[%swap3A_882] {strides = array<i32>} : memref<64xi32, #tpu.memory_space<vmem>>, vector<16xi32>,
      %swap3A_884 = vector.shape_cast %swap3A_883 : vector<16xi32> to vector<16xi32>
      %swap3A_885 = vector.shape_cast %and3A_881 : vector<16xi32> to vector<16xi32>
      tpu.vector_store %arg13[%swap3A_882], %swap3A_885 {strides = array<i32>} : memref<64xi32, #tpu.memory_space<vmem>>, vector<16xi32>,
      %add3A_886 = arith.constant 48 : i32
      %add3A_887 = arith.addi %mul3A_825, %add3A_886 : i32
      %get3A_888 = arith.index_cast %select_n3A_807 : i32 to index
      %get3A_889 = arith.index_cast %add3A_887 : i32 to index
      %get3A_890 = tpu.vector_load %arg5[%get3A_888, %get3A_889] {strides = array<i32>} : memref<40x128xi32, #tpu.memory_space<vmem>>, vector<1x16xi32>,
      %get3A_891 = vector.shape_cast %get3A_890 : vector<1x16xi32> to vector<16xi32>
      %shift_right_logical3A_892 = arith.constant 14 : i32
      %shift_right_logical3A_893 = vector.broadcast %shift_right_logical3A_892 : i32 to vector<16xi32>
      %shift_right_logical3A_894 = arith.shrui %get3A_891, %shift_right_logical3A_893 : vector<16xi32>
      %swap3A_895 = arith.constant 48 : index
      %swap3A_896 = tpu.vector_load %arg9[%swap3A_895] {strides = array<i32>} : memref<64xi32, #tpu.memory_space<vmem>>, vector<16xi32>,
      %swap3A_897 = vector.shape_cast %swap3A_896 : vector<16xi32> to vector<16xi32>
      %swap3A_898 = vector.shape_cast %shift_right_logical3A_894 : vector<16xi32> to vector<16xi32>
      tpu.vector_store %arg9[%swap3A_895], %swap3A_898 {strides = array<i32>} : memref<64xi32, #tpu.memory_space<vmem>>, vector<16xi32>,
      %and3A_899 = arith.constant 16383 : i32
      %and3A_900 = vector.broadcast %and3A_899 : i32 to vector<16xi32>
      %and3A_901 = arith.andi %get3A_891, %and3A_900 : vector<16xi32>
      %swap3A_902 = arith.constant 48 : index
      %swap3A_903 = tpu.vector_load %arg13[%swap3A_902] {strides = array<i32>} : memref<64xi32, #tpu.memory_space<vmem>>, vector<16xi32>,
      %swap3A_904 = vector.shape_cast %swap3A_903 : vector<16xi32> to vector<16xi32>
      %swap3A_905 = vector.shape_cast %and3A_901 : vector<16xi32> to vector<16xi32>
      tpu.vector_store %arg13[%swap3A_902], %swap3A_905 {strides = array<i32>} : memref<64xi32, #tpu.memory_space<vmem>>, vector<16xi32>,
      %dma_start3A_906 = arith.constant 0 : i32
      %dma_start3A_907 = arith.constant 0 : i32
      %dma_start3A_908 = tpu.memref_slice %arg2[%dma_start3A_906, %dma_start3A_907] : memref<10000x128xf32, #tpu.memory_space<hbm>> -> memref<10000x128xf32, #tpu.memory_space<hbm>>
      tpu.enqueue_indirect_dma source(%dma_start3A_908 : memref<10000x128xf32, #tpu.memory_space<hbm>>) target(%arg17 : memref<64x128xf32, #tpu.memory_space<vmem>>) offsets(%arg9 : memref<64xi32, #tpu.memory_space<vmem>>) semaphore(%arg22 : memref<!tpu.dma_semaphore, #tpu.memory_space<semaphore_mem>>)
    }
    %scan3A_364 = arith.constant 19 : i32
    %dma_wait3A = arith.constant 0 : i32
    %dma_wait3A_365 = arith.constant 0 : i32
    %dma_wait3A_366 = tpu.memref_slice %arg2[%dma_wait3A, %dma_wait3A_365] : memref<10000x128xf32, #tpu.memory_space<hbm>> -> memref<10000x128xf32, #tpu.memory_space<hbm>>
    tpu.wait_indirect_dma semaphore(%arg19 : memref<!tpu.dma_semaphore, #tpu.memory_space<semaphore_mem>>) src(%dma_wait3A_366 : memref<10000x128xf32, #tpu.memory_space<hbm>>) dst(%arg14 : memref<64x128xf32, #tpu.memory_space<vmem>>)
    "tpu.region"() ({
      %run_scoped3A = tpu.sem_alloc : memref<!tpu.dma_semaphore, #tpu.memory_space<semaphore_mem>>
      %dma_start3A_381 = arith.constant 0 : i32
      %dma_start3A_382 = arith.constant 0 : i32
      %dma_start3A_383 = tpu.memref_slice %arg18[%dma_start3A_381, %dma_start3A_382] : memref<10240x128xf32, #tpu.memory_space<vmem_shared>> -> memref<10240x128xf32, #tpu.memory_space<vmem_shared>>
      tpu.enqueue_indirect_dma source(%arg14 : memref<64x128xf32, #tpu.memory_space<vmem>>) target(%dma_start3A_383 : memref<10240x128xf32, #tpu.memory_space<vmem_shared>>) offsets(%arg10 : memref<64xi32, #tpu.memory_space<vmem>>) semaphore(%run_scoped3A : memref<!tpu.dma_semaphore, #tpu.memory_space<semaphore_mem>>) {add = true}
      %dma_wait3A_384 = arith.constant 0 : i32
      %dma_wait3A_385 = arith.constant 0 : i32
      %dma_wait3A_386 = tpu.memref_slice %arg18[%dma_wait3A_384, %dma_wait3A_385] : memref<10240x128xf32, #tpu.memory_space<vmem_shared>> -> memref<10240x128xf32, #tpu.memory_space<vmem_shared>>
      tpu.wait_indirect_dma semaphore(%run_scoped3A : memref<!tpu.dma_semaphore, #tpu.memory_space<semaphore_mem>>) src(%arg14 : memref<64x128xf32, #tpu.memory_space<vmem>>) dst(%dma_wait3A_386 : memref<10240x128xf32, #tpu.memory_space<vmem_shared>>)
      tpu.yield
    }) : () -> ()
    %dma_wait3A_367 = arith.constant 0 : i32
    %dma_wait3A_368 = arith.constant 0 : i32
    %dma_wait3A_369 = tpu.memref_slice %arg2[%dma_wait3A_367, %dma_wait3A_368] : memref<10000x128xf32, #tpu.memory_space<hbm>> -> memref<10000x128xf32, #tpu.memory_space<hbm>>
    tpu.wait_indirect_dma semaphore(%arg20 : memref<!tpu.dma_semaphore, #tpu.memory_space<semaphore_mem>>) src(%dma_wait3A_369 : memref<10000x128xf32, #tpu.memory_space<hbm>>) dst(%arg15 : memref<64x128xf32, #tpu.memory_space<vmem>>)
    "tpu.region"() ({
      %run_scoped3A = tpu.sem_alloc : memref<!tpu.dma_semaphore, #tpu.memory_space<semaphore_mem>>
      %dma_start3A_381 = arith.constant 0 : i32
      %dma_start3A_382 = arith.constant 0 : i32
      %dma_start3A_383 = tpu.memref_slice %arg18[%dma_start3A_381, %dma_start3A_382] : memref<10240x128xf32, #tpu.memory_space<vmem_shared>> -> memref<10240x128xf32, #tpu.memory_space<vmem_shared>>
      tpu.enqueue_indirect_dma source(%arg15 : memref<64x128xf32, #tpu.memory_space<vmem>>) target(%dma_start3A_383 : memref<10240x128xf32, #tpu.memory_space<vmem_shared>>) offsets(%arg11 : memref<64xi32, #tpu.memory_space<vmem>>) semaphore(%run_scoped3A : memref<!tpu.dma_semaphore, #tpu.memory_space<semaphore_mem>>) {add = true}
      %dma_wait3A_384 = arith.constant 0 : i32
      %dma_wait3A_385 = arith.constant 0 : i32
      %dma_wait3A_386 = tpu.memref_slice %arg18[%dma_wait3A_384, %dma_wait3A_385] : memref<10240x128xf32, #tpu.memory_space<vmem_shared>> -> memref<10240x128xf32, #tpu.memory_space<vmem_shared>>
      tpu.wait_indirect_dma semaphore(%run_scoped3A : memref<!tpu.dma_semaphore, #tpu.memory_space<semaphore_mem>>) src(%arg15 : memref<64x128xf32, #tpu.memory_space<vmem>>) dst(%dma_wait3A_386 : memref<10240x128xf32, #tpu.memory_space<vmem_shared>>)
      tpu.yield
    }) : () -> ()
    %dma_wait3A_370 = arith.constant 0 : i32
    %dma_wait3A_371 = arith.constant 0 : i32
    %dma_wait3A_372 = tpu.memref_slice %arg2[%dma_wait3A_370, %dma_wait3A_371] : memref<10000x128xf32, #tpu.memory_space<hbm>> -> memref<10000x128xf32, #tpu.memory_space<hbm>>
    tpu.wait_indirect_dma semaphore(%arg21 : memref<!tpu.dma_semaphore, #tpu.memory_space<semaphore_mem>>) src(%dma_wait3A_372 : memref<10000x128xf32, #tpu.memory_space<hbm>>) dst(%arg16 : memref<64x128xf32, #tpu.memory_space<vmem>>)
    "tpu.region"() ({
      %run_scoped3A = tpu.sem_alloc : memref<!tpu.dma_semaphore, #tpu.memory_space<semaphore_mem>>
      %dma_start3A_381 = arith.constant 0 : i32
      %dma_start3A_382 = arith.constant 0 : i32
      %dma_start3A_383 = tpu.memref_slice %arg18[%dma_start3A_381, %dma_start3A_382] : memref<10240x128xf32, #tpu.memory_space<vmem_shared>> -> memref<10240x128xf32, #tpu.memory_space<vmem_shared>>
      tpu.enqueue_indirect_dma source(%arg16 : memref<64x128xf32, #tpu.memory_space<vmem>>) target(%dma_start3A_383 : memref<10240x128xf32, #tpu.memory_space<vmem_shared>>) offsets(%arg12 : memref<64xi32, #tpu.memory_space<vmem>>) semaphore(%run_scoped3A : memref<!tpu.dma_semaphore, #tpu.memory_space<semaphore_mem>>) {add = true}
      %dma_wait3A_384 = arith.constant 0 : i32
      %dma_wait3A_385 = arith.constant 0 : i32
      %dma_wait3A_386 = tpu.memref_slice %arg18[%dma_wait3A_384, %dma_wait3A_385] : memref<10240x128xf32, #tpu.memory_space<vmem_shared>> -> memref<10240x128xf32, #tpu.memory_space<vmem_shared>>
      tpu.wait_indirect_dma semaphore(%run_scoped3A : memref<!tpu.dma_semaphore, #tpu.memory_space<semaphore_mem>>) src(%arg16 : memref<64x128xf32, #tpu.memory_space<vmem>>) dst(%dma_wait3A_386 : memref<10240x128xf32, #tpu.memory_space<vmem_shared>>)
      tpu.yield
    }) : () -> ()
    %dma_wait3A_373 = arith.constant 0 : i32
    %dma_wait3A_374 = arith.constant 0 : i32
    %dma_wait3A_375 = tpu.memref_slice %arg2[%dma_wait3A_373, %dma_wait3A_374] : memref<10000x128xf32, #tpu.memory_space<hbm>> -> memref<10000x128xf32, #tpu.memory_space<hbm>>
    tpu.wait_indirect_dma semaphore(%arg22 : memref<!tpu.dma_semaphore, #tpu.memory_space<semaphore_mem>>) src(%dma_wait3A_375 : memref<10000x128xf32, #tpu.memory_space<hbm>>) dst(%arg17 : memref<64x128xf32, #tpu.memory_space<vmem>>)
    "tpu.region"() ({
      %run_scoped3A = tpu.sem_alloc : memref<!tpu.dma_semaphore, #tpu.memory_space<semaphore_mem>>
      %dma_start3A_381 = arith.constant 0 : i32
      %dma_start3A_382 = arith.constant 0 : i32
      %dma_start3A_383 = tpu.memref_slice %arg18[%dma_start3A_381, %dma_start3A_382] : memref<10240x128xf32, #tpu.memory_space<vmem_shared>> -> memref<10240x128xf32, #tpu.memory_space<vmem_shared>>
      tpu.enqueue_indirect_dma source(%arg17 : memref<64x128xf32, #tpu.memory_space<vmem>>) target(%dma_start3A_383 : memref<10240x128xf32, #tpu.memory_space<vmem_shared>>) offsets(%arg13 : memref<64xi32, #tpu.memory_space<vmem>>) semaphore(%run_scoped3A : memref<!tpu.dma_semaphore, #tpu.memory_space<semaphore_mem>>) {add = true}
      %dma_wait3A_384 = arith.constant 0 : i32
      %dma_wait3A_385 = arith.constant 0 : i32
      %dma_wait3A_386 = tpu.memref_slice %arg18[%dma_wait3A_384, %dma_wait3A_385] : memref<10240x128xf32, #tpu.memory_space<vmem_shared>> -> memref<10240x128xf32, #tpu.memory_space<vmem_shared>>
      tpu.wait_indirect_dma semaphore(%run_scoped3A : memref<!tpu.dma_semaphore, #tpu.memory_space<semaphore_mem>>) src(%arg17 : memref<64x128xf32, #tpu.memory_space<vmem>>) dst(%dma_wait3A_386 : memref<10240x128xf32, #tpu.memory_space<vmem_shared>>)
      tpu.yield
    }) : () -> ()
    %barrier3A_376 = arith.constant 0 : index
    tpu.barrier barrier_id(%barrier3A_376)
    %mul3A_377 = arith.constant 640 : i32
    %mul3A_378 = arith.muli %arg1, %mul3A_377 : i32
    %mul3A_379 = arith.constant 640 : i32
    %mul3A_380 = arith.muli %arg1, %mul3A_379 : i32
    "tpu.region"() ({
      %run_scoped3A = tpu.sem_alloc : memref<!tpu.dma_semaphore, #tpu.memory_space<semaphore_mem>>
      %dma_start3A_381 = arith.constant 0 : i32
      %dma_start3A_382 = arith.constant 0 : i32
      %dma_start3A_383 = tpu.memref_slice %arg4[%arg0, %dma_start3A_381, %dma_start3A_382] : memref<2x10240x128xf32, #tpu.memory_space<hbm>> -> memref<1x10240x128xf32, #tpu.memory_space<hbm>>
      %dma_start3A_384 = tpu.memref_squeeze %dma_start3A_383 : memref<1x10240x128xf32, #tpu.memory_space<hbm>> -> memref<10240x128xf32, #tpu.memory_space<hbm>>
      %dma_start3A_385 = arith.constant 0 : i32
      %dma_start3A_386 = tpu.memref_slice %dma_start3A_384[%mul3A_380, %dma_start3A_385] : memref<10240x128xf32, #tpu.memory_space<hbm>> -> memref<640x128xf32, #tpu.memory_space<hbm>>
      %dma_start3A_387 = arith.constant 0 : i32
      %dma_start3A_388 = tpu.memref_slice %arg18[%mul3A_378, %dma_start3A_387] : memref<10240x128xf32, #tpu.memory_space<vmem_shared>> -> memref<640x128xf32, #tpu.memory_space<vmem_shared>>
      tpu.enqueue_dma source(%dma_start3A_388 : memref<640x128xf32, #tpu.memory_space<vmem_shared>>) target(%dma_start3A_386 : memref<640x128xf32, #tpu.memory_space<hbm>>) target_semaphore(%run_scoped3A : memref<!tpu.dma_semaphore, #tpu.memory_space<semaphore_mem>>)
      %dma_wait3A_389 = arith.constant 0 : i32
      %dma_wait3A_390 = arith.constant 0 : i32
      %dma_wait3A_391 = tpu.memref_slice %arg4[%arg0, %dma_wait3A_389, %dma_wait3A_390] : memref<2x10240x128xf32, #tpu.memory_space<hbm>> -> memref<1x10240x128xf32, #tpu.memory_space<hbm>>
      %dma_wait3A_392 = tpu.memref_squeeze %dma_wait3A_391 : memref<1x10240x128xf32, #tpu.memory_space<hbm>> -> memref<10240x128xf32, #tpu.memory_space<hbm>>
      %dma_wait3A_393 = arith.constant 0 : i32
      %dma_wait3A_394 = tpu.memref_slice %dma_wait3A_392[%mul3A_380, %dma_wait3A_393] : memref<10240x128xf32, #tpu.memory_space<hbm>> -> memref<640x128xf32, #tpu.memory_space<hbm>>
      %dma_wait3A_395 = arith.constant 0 : i32
      %dma_wait3A_396 = tpu.memref_slice %arg18[%mul3A_378, %dma_wait3A_395] : memref<10240x128xf32, #tpu.memory_space<vmem_shared>> -> memref<640x128xf32, #tpu.memory_space<vmem_shared>>
      tpu.wait_dma2 semaphore(%run_scoped3A : memref<!tpu.dma_semaphore, #tpu.memory_space<semaphore_mem>>) src(%dma_wait3A_396 : memref<640x128xf32, #tpu.memory_space<vmem_shared>>) dst(%dma_wait3A_394 : memref<640x128xf32, #tpu.memory_space<hbm>>)
      tpu.yield
    }) : () -> ()
    return
  }
}

module attributes {stable_mosaic.version = 14 : i64} {
  func.func @_h0_body(%arg0: i32, %arg1: memref<1000x128xf32, #tpu.memory_space<vmem>>, %arg2: memref<128x128xf32, #tpu.memory_space<vmem>>, %arg3: memref<1x128xf32, #tpu.memory_space<vmem>>, %arg4: memref<1000x128xf32, #tpu.memory_space<vmem>>) attributes {dimension_semantics = [#tpu.dimension_semantics<arbitrary>], iteration_bounds = array<i64: 10>, scalar_prefetch = 0 : i64, scratch_operands = 0 : i64, tpu.core_type = #tpu.core_type<tc>, window_params = [{transform_indices = @transform_0, window_bounds = array<i64: 1000, 128>}, {pipeline_mode = #tpu.pipeline_mode<synchronous>, transform_indices = @transform_1, window_bounds = array<i64: 128, 128>}, {pipeline_mode = #tpu.pipeline_mode<synchronous>, transform_indices = @transform_2, window_bounds = array<i64: 1, 128>}, {transform_indices = @transform_3, window_bounds = array<i64: 1000, 128>}]} {
    %get3A = arith.constant 0 : index
    %get3A_0 = arith.constant 0 : index
    %get3A_1 = vector.load %arg1[%get3A, %get3A_0] : memref<1000x128xf32, #tpu.memory_space<vmem>>, vector<1000x128xf32>
    %get3A_2 = arith.constant 0 : index
    %get3A_3 = arith.constant 0 : index
    %get3A_4 = vector.load %arg2[%get3A_2, %get3A_3] : memref<128x128xf32, #tpu.memory_space<vmem>>, vector<128x128xf32>
    %dot_general3A = arith.constant dense<0.000000e+00> : vector<1000x128xf32>
    %dot_general3A_5 = tpu.matmul %get3A_1, %get3A_4, %dot_general3A {dimension_numbers = #tpu.dot_dimension_numbers<[1], [0], [0], [1], [0, 0, 1, 1], [], []>, transpose_lhs_hint = false} : vector<1000x128xf32>, vector<128x128xf32>, vector<1000x128xf32> -> vector<1000x128xf32>
    %get3A_6 = arith.constant 0 : index
    %get3A_7 = arith.constant 0 : index
    %get3A_8 = vector.load %arg3[%get3A_6, %get3A_7] : memref<1x128xf32, #tpu.memory_space<vmem>>, vector<1x128xf32>
    %add3A = vector.broadcast %get3A_8 : vector<1x128xf32> to vector<1000x128xf32>
    %add3A_9 = arith.addf %dot_general3A_5, %add3A : vector<1000x128xf32>
    %swap3A = arith.constant 0 : index
    %swap3A_10 = arith.constant 0 : index
    %swap3A_11 = vector.load %arg4[%swap3A, %swap3A_10] : memref<1000x128xf32, #tpu.memory_space<vmem>>, vector<1000x128xf32>
    tpu.vector_store %arg4[%swap3A, %swap3A_10], %add3A_9 {strides = array<i32>} : memref<1000x128xf32, #tpu.memory_space<vmem>>, vector<1000x128xf32>,
    return
  }
  func.func @transform_0(%arg0: i32) -> (i32, i32) {
    %c0_i32 = arith.constant 0 : i32
    %c0_i32_0 = arith.constant 0 : i32
    return %arg0, %c0_i32 : i32, i32
  }
  func.func @transform_1(%arg0: i32) -> (i32, i32) {
    %c0_i32 = arith.constant 0 : i32
    %c0_i32_0 = arith.constant 0 : i32
    %c0_i32_1 = arith.constant 0 : i32
    return %c0_i32, %c0_i32_0 : i32, i32
  }
  func.func @transform_2(%arg0: i32) -> (i32, i32) {
    %c0_i32 = arith.constant 0 : i32
    %c0_i32_0 = arith.constant 0 : i32
    %c0_i32_1 = arith.constant 0 : i32
    return %c0_i32, %c0_i32_0 : i32, i32
  }
  func.func @transform_3(%arg0: i32) -> (i32, i32) {
    %c0_i32 = arith.constant 0 : i32
    %c0_i32_0 = arith.constant 0 : i32
    return %arg0, %c0_i32 : i32, i32
  }
}

module attributes {stable_mosaic.version = 14 : i64} {
  func.func @_layer_body(%arg0: i32, %arg1: memref<2x1000x128xf32, #tpu.memory_space<vmem>>, %arg2: memref<128x128xf32, #tpu.memory_space<vmem>>, %arg3: memref<1000x1xf32, #tpu.memory_space<vmem>>, %arg4: memref<1000x128xf32, #tpu.memory_space<vmem>>) attributes {dimension_semantics = [#tpu.dimension_semantics<arbitrary>], iteration_bounds = array<i64: 10>, scalar_prefetch = 0 : i64, scratch_operands = 0 : i64, tpu.core_type = #tpu.core_type<tc>, window_params = [{transform_indices = @transform_0, window_bounds = array<i64: 2, 1000, 128>}, {pipeline_mode = #tpu.pipeline_mode<synchronous>, transform_indices = @transform_1, window_bounds = array<i64: 128, 128>}, {transform_indices = @transform_2, window_bounds = array<i64: 1000, 1>}, {transform_indices = @transform_3, window_bounds = array<i64: 1000, 128>}]} {
    %get3A = arith.constant 0 : index
    %get3A_0 = arith.constant 0 : index
    %get3A_1 = arith.constant 0 : index
    %get3A_2 = vector.load %arg1[%get3A, %get3A_0, %get3A_1] : memref<2x1000x128xf32, #tpu.memory_space<vmem>>, vector<1x1000x128xf32>
    %get3A_3 = vector.shape_cast %get3A_2 : vector<1x1000x128xf32> to vector<1000x128xf32>
    %get3A_4 = arith.constant 1 : index
    %get3A_5 = arith.constant 0 : index
    %get3A_6 = arith.constant 0 : index
    %get3A_7 = vector.load %arg1[%get3A_4, %get3A_5, %get3A_6] : memref<2x1000x128xf32, #tpu.memory_space<vmem>>, vector<1x1000x128xf32>
    %get3A_8 = vector.shape_cast %get3A_7 : vector<1x1000x128xf32> to vector<1000x128xf32>
    %add3A = arith.addf %get3A_3, %get3A_8 : vector<1000x128xf32>
    %get3A_9 = arith.constant 0 : index
    %get3A_10 = arith.constant 0 : index
    %get3A_11 = vector.load %arg2[%get3A_9, %get3A_10] : memref<128x128xf32, #tpu.memory_space<vmem>>, vector<128x128xf32>
    %dot_general3A = arith.constant dense<0.000000e+00> : vector<1000x128xf32>
    %dot_general3A_12 = tpu.matmul %add3A, %get3A_11, %dot_general3A {dimension_numbers = #tpu.dot_dimension_numbers<[1], [1], [0], [0], [0, 0, 1, 0], [], []>, transpose_lhs_hint = false} : vector<1000x128xf32>, vector<128x128xf32>, vector<1000x128xf32> -> vector<1000x128xf32>
    %max3A = arith.constant 0.000000e+00 : f32
    %max3A_13 = vector.broadcast %max3A : f32 to vector<1000x128xf32>
    %max3A_14 = arith.maximumf %dot_general3A_12, %max3A_13 : vector<1000x128xf32>
    %get3A_15 = arith.constant 0 : index
    %get3A_16 = arith.constant 0 : index
    %get3A_17 = vector.load %arg3[%get3A_15, %get3A_16] : memref<1000x1xf32, #tpu.memory_space<vmem>>, vector<1000x1xf32>
    %div3A = vector.broadcast %get3A_17 : vector<1000x1xf32> to vector<1000x128xf32>
    %div3A_18 = arith.divf %max3A_14, %div3A : vector<1000x128xf32>
    %swap3A = arith.constant 0 : index
    %swap3A_19 = arith.constant 0 : index
    %swap3A_20 = vector.load %arg4[%swap3A, %swap3A_19] : memref<1000x128xf32, #tpu.memory_space<vmem>>, vector<1000x128xf32>
    tpu.vector_store %arg4[%swap3A, %swap3A_19], %div3A_18 {strides = array<i32>} : memref<1000x128xf32, #tpu.memory_space<vmem>>, vector<1000x128xf32>,
    return
  }
  func.func @transform_0(%arg0: i32) -> (i32, i32, i32) {
    %c0_i32 = arith.constant 0 : i32
    %c0_i32_0 = arith.constant 0 : i32
    %c0_i32_1 = arith.constant 0 : i32
    return %c0_i32, %arg0, %c0_i32_0 : i32, i32, i32
  }
  func.func @transform_1(%arg0: i32) -> (i32, i32) {
    %c0_i32 = arith.constant 0 : i32
    %c0_i32_0 = arith.constant 0 : i32
    %c0_i32_1 = arith.constant 0 : i32
    return %c0_i32, %c0_i32_0 : i32, i32
  }
  func.func @transform_2(%arg0: i32) -> (i32, i32) {
    %c0_i32 = arith.constant 0 : i32
    %c0_i32_0 = arith.constant 0 : i32
    return %arg0, %c0_i32 : i32, i32
  }
  func.func @transform_3(%arg0: i32) -> (i32, i32) {
    %c0_i32 = arith.constant 0 : i32
    %c0_i32_0 = arith.constant 0 : i32
    return %arg0, %c0_i32 : i32, i32
  }
}

module attributes {stable_mosaic.version = 14 : i64} {
  func.func @_layer_body(%arg0: i32, %arg1: memref<2x1000x128xf32, #tpu.memory_space<vmem>>, %arg2: memref<128x128xf32, #tpu.memory_space<vmem>>, %arg3: memref<1000x1xf32, #tpu.memory_space<vmem>>, %arg4: memref<1000x128xf32, #tpu.memory_space<vmem>>) attributes {dimension_semantics = [#tpu.dimension_semantics<arbitrary>], iteration_bounds = array<i64: 10>, scalar_prefetch = 0 : i64, scratch_operands = 0 : i64, tpu.core_type = #tpu.core_type<tc>, window_params = [{transform_indices = @transform_0, window_bounds = array<i64: 2, 1000, 128>}, {pipeline_mode = #tpu.pipeline_mode<synchronous>, transform_indices = @transform_1, window_bounds = array<i64: 128, 128>}, {transform_indices = @transform_2, window_bounds = array<i64: 1000, 1>}, {transform_indices = @transform_3, window_bounds = array<i64: 1000, 128>}]} {
    %get3A = arith.constant 0 : index
    %get3A_0 = arith.constant 0 : index
    %get3A_1 = arith.constant 0 : index
    %get3A_2 = vector.load %arg1[%get3A, %get3A_0, %get3A_1] : memref<2x1000x128xf32, #tpu.memory_space<vmem>>, vector<1x1000x128xf32>
    %get3A_3 = vector.shape_cast %get3A_2 : vector<1x1000x128xf32> to vector<1000x128xf32>
    %get3A_4 = arith.constant 1 : index
    %get3A_5 = arith.constant 0 : index
    %get3A_6 = arith.constant 0 : index
    %get3A_7 = vector.load %arg1[%get3A_4, %get3A_5, %get3A_6] : memref<2x1000x128xf32, #tpu.memory_space<vmem>>, vector<1x1000x128xf32>
    %get3A_8 = vector.shape_cast %get3A_7 : vector<1x1000x128xf32> to vector<1000x128xf32>
    %add3A = arith.addf %get3A_3, %get3A_8 : vector<1000x128xf32>
    %get3A_9 = arith.constant 0 : index
    %get3A_10 = arith.constant 0 : index
    %get3A_11 = vector.load %arg2[%get3A_9, %get3A_10] : memref<128x128xf32, #tpu.memory_space<vmem>>, vector<128x128xf32>
    %dot_general3A = arith.constant dense<0.000000e+00> : vector<1000x128xf32>
    %dot_general3A_12 = tpu.matmul %add3A, %get3A_11, %dot_general3A {dimension_numbers = #tpu.dot_dimension_numbers<[1], [1], [0], [0], [0, 0, 1, 0], [], []>, transpose_lhs_hint = false} : vector<1000x128xf32>, vector<128x128xf32>, vector<1000x128xf32> -> vector<1000x128xf32>
    %max3A = arith.constant 0.000000e+00 : f32
    %max3A_13 = vector.broadcast %max3A : f32 to vector<1000x128xf32>
    %max3A_14 = arith.maximumf %dot_general3A_12, %max3A_13 : vector<1000x128xf32>
    %get3A_15 = arith.constant 0 : index
    %get3A_16 = arith.constant 0 : index
    %get3A_17 = vector.load %arg3[%get3A_15, %get3A_16] : memref<1000x1xf32, #tpu.memory_space<vmem>>, vector<1000x1xf32>
    %div3A = vector.broadcast %get3A_17 : vector<1000x1xf32> to vector<1000x128xf32>
    %div3A_18 = arith.divf %max3A_14, %div3A : vector<1000x128xf32>
    %swap3A = arith.constant 0 : index
    %swap3A_19 = arith.constant 0 : index
    %swap3A_20 = vector.load %arg4[%swap3A, %swap3A_19] : memref<1000x128xf32, #tpu.memory_space<vmem>>, vector<1000x128xf32>
    tpu.vector_store %arg4[%swap3A, %swap3A_19], %div3A_18 {strides = array<i32>} : memref<1000x128xf32, #tpu.memory_space<vmem>>, vector<1000x128xf32>,
    return
  }
  func.func @transform_0(%arg0: i32) -> (i32, i32, i32) {
    %c0_i32 = arith.constant 0 : i32
    %c0_i32_0 = arith.constant 0 : i32
    %c0_i32_1 = arith.constant 0 : i32
    return %c0_i32, %arg0, %c0_i32_0 : i32, i32, i32
  }
  func.func @transform_1(%arg0: i32) -> (i32, i32) {
    %c0_i32 = arith.constant 0 : i32
    %c0_i32_0 = arith.constant 0 : i32
    %c0_i32_1 = arith.constant 0 : i32
    return %c0_i32, %c0_i32_0 : i32, i32
  }
  func.func @transform_2(%arg0: i32) -> (i32, i32) {
    %c0_i32 = arith.constant 0 : i32
    %c0_i32_0 = arith.constant 0 : i32
    return %arg0, %c0_i32 : i32, i32
  }
  func.func @transform_3(%arg0: i32) -> (i32, i32) {
    %c0_i32 = arith.constant 0 : i32
    %c0_i32_0 = arith.constant 0 : i32
    return %arg0, %c0_i32 : i32, i32
  }
}

</mosaic_0001>

<sc_bundles>
// kernel: kernel.11.cloned.1.call-start
scs
__scs_entry_jumppad:
0x0: {  	(pc) =	sbr.rel $0x88, $3  }
0x1: {  	(tag) =	ssettag $0x0;
	lr =	simm.s32 $0x1  }
0x2: {  	[smem:$0x3F9B] =	sst lr;
	_ =	strace $0xD0000000  }
0x3: {  	_ = 	snop  }
0x4: {  	_ = 	snop  }
0x5: {  	_ = 	snop  }
0x6: {  	_ = 	snop  }
0x7: {  	_ = 	snop  }
__scs_overlays_trampoline_lowered:
0x8: {  	[smem:$0x3FAA] =	sst s0  }
0x9: {  	[smem:$0x3FAB] =	sst s1  }
0xa: {  	[smem:$0x3FAC] =	sst s2  }
0xb: {  	[smem:$0x3FAD] =	sst s3  }
0xc: {  	[smem:$0x3FAE] =	sst s4  }
0xd: {  	[smem:$0x3FAF] =	sst s5  }
0xe: {  	[smem:$0x3FB0] =	sst s6  }
0xf: {  	[smem:$0x3FB1] =	sst s7  }
0x10: {  	[smem:$0x3FB2] =	sst s8  }
0x11: {  	[smem:$0x3FB3] =	sst s9;
	s0 =	simm.s32 @!p0 $0x0  }
0x12: {  	s1 =	sld [smem:$0x3F99];
	s0 =	simm.s32 @p0 $0x1  }
0x13: {  	[smem:$0x3FB4] =	sst s0;
	s0 =	simm.s32 @!p1 $0x0  }
0x14: {  	s2 =	sld [smem:$0x3F98];
	s0 =	simm.s32 @p1 $0x1  }
0x15: {  	[smem:$0x3FB5] =	sst s0;
	s0 =	simm.s32 @!p2 $0x0  }
0x16: {  	s3 =	sld [smem:$0x3FDB];
	s0 =	simm.s32 @p2 $0x1  }
0x17: {  	s4 =	simm.s32 $0x1BF5;
	[smem:$0x3FB7] =	sst s0  }
0x18: {  	s0 =	sld [smem:$0x3F9A];
	_ =	swait.ge [sflag:s4], $0x0  }
0x19: {  	s7 =	sld [smem:$0x3F9B]  }
0x1a: {  	s8 =	sadd.s32 $0xFFFFE003, lr  }
0x1b: {  	s9 =	sadd.s32 $0xFFFFFEF7, lr;
	s5 =	simm.s32 $0xFFFFFFFF;
	p2 =	slt.u32 s8, $0xFFFFF086  }
0x1c: {  	p1 =	slt.u32 s9, $0xF7A;
	s5 =	simm.s32 @!p2 $0x0  }
0x1d: {  	s5 =	simm.s32 @p1 $0x1;
	p0 =	seq.s32 s7, s2  }
0x1e: {  	s7 =	smul.u32 @!p0 $0xF7A, s2;
	p2 =	seq.s32 @!p0 s5, $0x0  }
0x1f: {  	s9 =	smul.u32 $0xF7A, s1;
	s8 =	simm.s32 @!p0 $0x1BF5;
	p2 =	por !p2, p0  }
0x20: {  	[sflag:s8] =	ssyncset.s32 @!p0 $0xFFFFF086;
	s6 =	sadd.s32 @!p0 s3, s7;
	s7 =	simm.s32 @!p0 $0x108  }
0x21: {  	s3 =	sadd.s32 s3, s9;
	s6 =	sadd.s32 @!p0 $0x88, s6;
	s7 =	simm.s32 @p2 $0x1082  }
0x22: {  	[simem:s7], [sflag:s8] =	dma.local @!p0 [hbm:s6], $0xF7A  }
0x23: {  	s9 =	sor.u32 $0xD0000000, s2;
	s6 =	simm.s32 $0x108;
	_ =	swait.ge @!p0 [sflag:s8], $0x0  }
0x24: {  	s3 =	sadd.s32 $0x88, s3;
	s6 =	simm.s32 @!p1 $0x1082;
	[sflag:s4] =	ssyncset.s32 $0xFFFFF086  }
0x25: {  	[simem:s6], [sflag:s4] =	dma.local [hbm:s3], $0xF7A  }
0x26: {  	[smem:$0x3F9B] =	sst s1;
	(tag) =	ssettag s2;
	_ =	strace s9  }
0x27: {  	s1 =	sld [smem:$0x3FAB]  }
0x28: {  	s2 =	sld [smem:$0x3FAC]  }
0x29: {  	s4 =	sld [smem:$0x3FAE]  }
0x2a: {  	p0 =	seq.s32 s5, $0x0;
	s5 =	sld [smem:$0x3FAF]  }
0x2b: {  	s6 =	sld [smem:$0x3FB0]  }
0x2c: {  	s7 =	sld [smem:$0x3FB1]  }
0x2d: {  	s3 =	simm.s32 $0x108;
	s8 =	sld [smem:$0x3FB2]  }
0x2e: {  	s3 =	simm.s32 @!p0 $0x1082;
	s9 =	sld [smem:$0x3FB3]  }
0x2f: {  	lr =	sadd.s32 s0, s3;
	s0 =	sld [smem:$0x3FAA]  }
0x30: {  	s3 =	sld [smem:$0x3FAD]  }
0x31: {  	[smem:$0x3FB6] =	sst s10  }
0x32: {  	s10 =	sld [smem:$0x3FB4];
	_ =	sdelay $0x3  }
0x33: {  	p0 =	seq.s32 s10, $0x1;
	s10 =	sld [smem:$0x3FB6];
	_ =	sdelay $0x3  }
0x34: {  	[smem:$0x3FB6] =	sst s10  }
0x35: {  	s10 =	sld [smem:$0x3FB5];
	_ =	sdelay $0x3  }
0x36: {  	p1 =	seq.s32 s10, $0x1;
	s10 =	sld [smem:$0x3FB6];
	_ =	sdelay $0x3  }
0x37: {  	[smem:$0x3FB6] =	sst s10  }
0x38: {  	s10 =	sld [smem:$0x3FB7]  }
0x39: {  	_ = 	snop;
	(pc) =	sbr.ind lr, $3  }
0x3a: {  	_ = 	snop  }
0x3b: {  	_ = 	snop  }
0x3c: {  	p2 =	seq.s32 s10, $0x1;
	s10 =	sld [smem:$0x3FB6]  }
0x3d: {  	_ =	shalt  }
0x3e: {  	_ =	shalt  }
0x3f: {  	_ =	shalt  }
0x40: {  	_ =	shalt  }
0x41: {  	_ =	shalt  }
0x42: {  	_ =	shalt  }
0x43: {  	_ =	shalt  }
0x44: {  	_ =	shalt  }
0x45: {  	_ =	shalt  }
0x46: {  	_ =	shalt  }
0x47: {  	_ =	shalt  }
0x48: {  	_ =	shalt  }
0x49: {  	_ =	shalt  }
0x4a: {  	_ =	shalt  }
0x4b: {  	_ =	shalt  }
0x4c: {  	_ =	shalt  }
0x4d: {  	_ =	shalt  }
0x4e: {  	_ =	shalt  }
0x4f: {  	_ =	shalt  }
0x50: {  	_ =	shalt  }
0x51: {  	_ =	shalt  }
0x52: {  	_ =	shalt  }
0x53: {  	_ =	shalt  }
0x54: {  	_ =	shalt  }
0x55: {  	_ =	shalt  }
0x56: {  	_ =	shalt  }
0x57: {  	_ =	shalt  }
0x58: {  	_ =	shalt  }
0x59: {  	_ =	shalt  }
0x5a: {  	_ =	shalt  }
0x5b: {  	_ =	shalt  }
0x5c: {  	_ =	shalt  }
0x5d: {  	_ =	shalt  }
0x5e: {  	_ =	shalt  }
0x5f: {  	_ =	shalt  }
0x60: {  	_ =	shalt  }
0x61: {  	_ =	shalt  }
0x62: {  	_ =	shalt  }
0x63: {  	_ =	shalt  }
0x64: {  	_ =	shalt  }
0x65: {  	_ =	shalt  }
0x66: {  	_ =	shalt  }
0x67: {  	_ =	shalt  }
0x68: {  	_ =	shalt  }
0x69: {  	_ =	shalt  }
0x6a: {  	_ =	shalt  }
0x6b: {  	_ =	shalt  }
0x6c: {  	_ =	shalt  }
0x6d: {  	_ =	shalt  }
0x6e: {  	_ =	shalt  }
0x6f: {  	_ =	shalt  }
0x70: {  	_ =	shalt  }
0x71: {  	_ =	shalt  }
0x72: {  	_ =	shalt  }
0x73: {  	_ =	shalt  }
0x74: {  	_ =	shalt  }
0x75: {  	_ =	shalt  }
0x76: {  	_ =	shalt  }
0x77: {  	_ =	shalt  }
0x78: {  	_ =	shalt  }
0x79: {  	_ =	shalt  }
0x7a: {  	_ =	shalt  }
0x7b: {  	_ =	shalt  }
0x7c: {  	_ =	shalt  }
0x7d: {  	_ =	shalt  }
0x7e: {  	_ =	shalt  }
0x7f: {  	_ =	shalt  }
0x80: {  	_ =	shalt  }
0x81: {  	_ =	shalt  }
0x82: {  	_ =	shalt  }
0x83: {  	_ =	shalt  }
0x84: {  	_ =	shalt  }
0x85: {  	_ =	shalt  }
0x86: {  	_ =	shalt  }
0x87: {  	_ =	shalt  }
.Lfunc_end0:
.L_simem_size_0:
called_computation.1_lowered:
.L_overlay_start_0:
0x88: {  	s2 =	sld [smem:$0x3FD9]  }
0x89: {  	s3 =	sld [smem:$0x3FFE];
	_ =	sdelay $0x1  }
0x8a: {  	s1 =	srdreg.scid  }
0x8b: {  	s0 =	sand.u32 $0x1, s1  }
0x8c: {  	s17 =	sshll.u32 s0, $0xA;
	s2 =	sadd.s32 s3, s2  }
0x8d: {  	s2 =	sadd.s32 s2, s17  }
0x8e: {  	[smem:$0x3FC2] =	sst s2  }
0x8f: {  	_ = 	snop  }
0x90: {  	s2 =	sld [smem:$0x3FD0];
	(tm) =	ssettm $0x1  }
0x91: {  	s18 =	sld [smem:$0x3FFB];
	_ =	sdelay $0x3  }
0x92: {  	_ =	strace s18  }
0x93: {  	s3 =	sld [smem:$0x3FFC];
	_ =	sdelay $0x3  }
0x94: {  	_ =	strace s3  }
0x95: {  	s3 =	sld [smem:$0x3FFD];
	_ =	sdelay $0x3  }
0x96: {  	_ =	strace s3  }
0x97: {  	_ =	strace $0x8FFFFFFF  }
0x98: {  	s19 =	sld [smem:$0x3FDB];
	_ =	sdelay $0x1  }
0x99: {  	s4 =	simm.s32 $_scs_section_size  }
0x9a: {  	s5 =	simm.s32 $_size__tile_overlayer_lowered;
	s6 =	simm.s32 $_tile_overlayer_lowered  }
0x9b: {  	s22 =	simm.s32 $0x1BFF;
	s21 =	sshll.u32 s6, $0x1;
	s3 =	sadd.s32 s4, s19  }
0x9c: {  	s7 =	simm.s32 $0x0;
	s20 =	sshll.u32 s5, $0x1;
	s5 =	sadd.s32 s21, s3  }
0x9d: {  	[timem:s7], [sflag:s22] =	dma.local [hbm:s5], s20  }
0x9e: {  	_ =	swait.ge [sflag:s22], s20  }
0x9f: {  	s4 =	ssub.s32 $0x0, s20;
	[sflag:s22] =	ssyncset.done $0x0  }
0xa0: {  	[sflag:s22] =	ssyncadd.s32 s4;
	_ =	sdelay $0x1  }
0xa1: {  	s23 =	simm.s32 $0x1B8B  }
0xa2: {  	_ =	swait.ge [sflag:s23], $0x1  }
0xa3: {  	[sflag:s23] =	ssyncset.done $0x0  }
0xa4: {  	s25 =	simm.s32 $0x1B8E;
	s24 =	sld [smem:$0x3FFE];
	[sflag:s23] =	ssyncadd.s32 $0xFFFFFFFF  }
0xa5: {  	s26 =	simm.s32 $execute0_lowered;
	[smem:$0x3FD2] =	sst s25  }
0xa6: {  	s5 =	sshll.u32 s26, $0x1;
	_ =	strace $0x80000049;
	[dreg:$0x1] =	wrdreg $0xFFFFFFFF  }
0xa7: {  	s28 =	simm.s32 $_size_execute0_lowered;
	s3 =	sadd.s32 s3, s5;
	[dreg:$0x0] =	wrdreg $0x0  }
0xa8: {  	s5 =	sshll.u32 s28, $0x1;
	[dreg:$0x2] =	wrdreg s3  }
0xa9: {  	[dreg:$0x3] =	wrdreg s5  }
0xaa: {  	[dreg:$0x4] =	wrdreg $0xC0  }
0xab: {  	_ =	task [dreg:s7], $0x5FFFF  }
0xac: {  	[dreg:$0x1] =	wrdreg $0xFFFFFFFF  }
0xad: {  	[dreg:$0x0] =	wrdreg $0x60  }
0xae: {  	[dreg:$0x2] =	wrdreg s2  }
0xaf: {  	[dreg:$0x3] =	wrdreg s24  }
0xb0: {  	[dreg:$0x4] =	wrdreg $0x98000  }
0xb1: {  	[dreg:$0x5] =	wrdreg $0x9  }
0xb2: {  	_ =	task.clear_ibuf [dreg:s7], $0x6FFFF;
	_ =	strace $0x90000049  }
0xb3: {  	s29 =	simm.s32 $0x9;
	_ =	strace $0x8000004B  }
0xb4: {  	_ =	swait.ge [sflag:s29], $0x1  }
0xb5: {  	[sflag:s29] =	ssyncadd.s32 $0xFFFFFFFF  }
0xb6: {  	_ =	strace $0x9000004B  }
0xb7: {  	_ =	sfence  }
0xb8: {  	s30 =	sld [smem:$0x0];
	_ =	sdelay $0x2  }
0xb9: {  	s31 =	sshll.u32 s1, $0xD;
	s1 =	sshrl.u32 s1, $0x2  }
0xba: {  	s3 =	sand.u32 $0x4000, s31;
	s1 =	sadd.s32 s1, s30  }
0xbb: {  	s0 =	sor.u32 s3, s0;
	s1 =	sshll.u32 s1, $0x11  }
0xbc: {  	s0 =	sor.u32 s1, s0  }
0xbd: {  	s0 =	sadd.s32 $0x8F2B, s0  }
0xbe: {  	[sflag:s0] =	ssyncadd.remote.s32 $0x1  }
0xbf: {  	_ =	sfence.sel $0xFFFF  }
0xc0: {  	[dreg:$0x0] =	wrdreg $0xFFFFFFFF;
	(pc) =	sbr.abs _section_cstart, $3  }
0xc1: {  	[dreg:$0x1] =	wrdreg $0xFFFFFFFF  }
0xc2: {  	_ =	task.clear_ibuf [dreg:s7], $0x2FFFF;
	_ =	strace $0x9FFFFFFF  }
0xc3: {  	(tm) =	ssettm $0x7FFFFFFF  }
tec
execute0_lowered:
.L_overlay_start_1:
0x0: {  	(tag) =	ssettag $0x1  }
0x1: {  	s1 =	rddreg [dreg:$0x0]  }
0x2: {  	s0 =	srdreg.scid;
	s2 =	rddreg [dreg:$0x1]  }
0x3: {  	s8 =	stileid.u32;
	s3 =	rddreg [dreg:$0x2];
	s5 =	simm.s32 $0x0  }
0x4: {  	s17 =	simm.s32 $0x1800;
	s18 =	simm.s32 $0x5;
	s28 =	simm.s32 $0x7800  }
0x5: {  	s29 =	simm.s32 $0x1;
	s30 =	simm.s32 $0x1600;
	s31 =	simm.s32 $0x2  }
0x6: {  	s0 =	sand.u32 $0x1, s0;
	[smem:$0x7FF] =	sst s5;
	s19 =	smul.u32 $0x50000, s8  }
0x7: {  	s26 =	smul.u32 $0x2800, s8;
	s4 =	sshll.u32 s0, $0x4;
	_ =	strace $0x8000004A  }
0x8: {  	s6 =	smul.u32 $0x28000, s0;
	s0 =	ssub.s32 $0x2, s0;
	s4 =	sor.u32 s8, s4  }
0x9: {  	s7 =	sshrl.u32 s0, $0x1;
	s5 =	sshrl.u32 s19, $0x2;
	s19 =	simm.s32 $0x40  }
0xa: {  	s8 =	simm.s32 $0x0;
	s4 =	smul.u32 $0x280, s4;
	s5 =	sadd.s32 s5, s3  }
0xb: {  	s0 =	ssub.s32 s0, s7;
	s7 =	simm.s32 $0x1780;
	s20 =	sadd.s32 $0x2000, s5  }
0xc: {  	s21 =	sadd.s32 $0x4000, s5;
	s22 =	sadd.s32 $0x6000, s5;
	[dreg:$0x4] =	wrdreg s20  }
0xd: {  	s23 =	sadd.s32 $0x8000, s5;
	s24 =	sadd.s32 $0xA000, s5;
	[dreg:$0x5] =	wrdreg s21  }
0xe: {  	s25 =	sadd.s32 $0xC000, s5;
	s12 =	sadd.s32 $0xE000, s5;
	[dreg:$0x6] =	wrdreg s22  }
0xf: {  	s13 =	sadd.s32 $0x10000, s5;
	s14 =	sadd.s32 $0x12000, s5;
	[dreg:$0x7] =	wrdreg s23  }
0x10: {  	s16 =	smax.u32 s0, $0x1;
	s0 =	simm.s32 $0x1700;
	[dreg:$0x8] =	wrdreg s24  }
0x11: {  	s4 =	sadd.s32 s4, s2;
	s2 =	sadd.s32 s6, s2;
	[dreg:$0x9] =	wrdreg s25  }
0x12: {  	s20 =	simm.s32 $0x1400;
	s21 =	simm.s32 $0x1480;
	s22 =	simm.s32 $0x3800  }
0x13: {  	s23 =	simm.s32 $0x1500;
	s25 =	simm.s32 $0x5800;
	s6 =	simm.s32 $0x4  }
0x14: {  	s15 =	sadd.s32 $0xC400, s4;
	s2 =	sadd.s32 $0x11400, s2;
	s4 =	simm.s32 $0x3  }
0x15: {  	v0 =	vimm.f32 $0.0e+00;
	s24 =	sadd.s32 s26, s2;
	s26 =	simm.s32 $0x1580;
	s2 =	simm.s32 $0x1680  }
.LBB2_1:
0x16: {  	s9 =	simm.s32 $0x0;
	s10 =	simm.s32 $0x200  }
.LBB2_2:
0x17: {  	p0 =	sne.s32 s10, $0x7E00;
	[tilespmem:s9+$0x1870] =	vst v0  }
0x18: {  	[tilespmem:s9+$0x1800] =	vst v0  }
0x19: {  	[tilespmem:s9+$0x1810] =	vst v0  }
.Ltmp0:
0x1a: {  	[tilespmem:s9+$0x1820] =	vst v0;
	(pc) =	sbr.rel @p0 .LBB2_2-.Ltmp0, $4  }
0x1b: {  	[tilespmem:s9+$0x1830] =	vst v0  }
0x1c: {  	[tilespmem:s9+$0x1840] =	vst v0  }
0x1d: {  	[tilespmem:s9+$0x1850] =	vst v0  }
0x1e: {  	[tilespmem:s9+$0x1860] =	vst v0;
	s9 =	sshra.s32 s10, $0x2;
	s10 =	sadd.s32 $0x200, s10  }
0x1f: {  	[tilespmem:s9+$0x1870] =	vst v0  }
0x20: {  	[tilespmem:s9+$0x1800] =	vst v0  }
0x21: {  	[tilespmem:s9+$0x1810] =	vst v0  }
0x22: {  	[tilespmem:s9+$0x1820] =	vst v0  }
0x23: {  	[tilespmem:s9+$0x1830] =	vst v0  }
0x24: {  	[tilespmem:s9+$0x1840] =	vst v0  }
0x25: {  	[tilespmem:s9+$0x1850] =	vst v0  }
0x26: {  	[tilespmem:s9+$0x1860] =	vst v0  }
0x27: {  	[spmem:s5] =	stream.linear.scatter [tilespmem:s17], [sflag:$0x5], $0x2000, $0x38;
	[tilespmem:$0x1D800] =	vst v63  }
0x28: {  	_ =	swait.ge [sflag:s18], $0x2000  }
0x29: {  	[sflag:s18] =	ssyncset.done $0x0  }
0x2a: {  	s11 =	rddreg [dreg:$0x4];
	[sflag:s18] =	ssyncadd.s32 $0xFFFFE000  }
0x2b: {  	[spmem:s11] =	stream.linear.scatter [tilespmem:s17], [sflag:$0x5], $0x2000, $0x38;
	[tilespmem:$0x1D800] =	vst v63  }
0x2c: {  	_ =	swait.ge [sflag:s18], $0x2000  }
0x2d: {  	[sflag:s18] =	ssyncset.done $0x0  }
0x2e: {  	s10 =	rddreg [dreg:$0x5];
	[sflag:s18] =	ssyncadd.s32 $0xFFFFE000  }
0x2f: {  	[spmem:s10] =	stream.linear.scatter [tilespmem:s17], [sflag:$0x5], $0x2000, $0x38;
	[tilespmem:$0x1D800] =	vst v63  }
0x30: {  	_ =	swait.ge [sflag:s18], $0x2000  }
0x31: {  	[sflag:s18] =	ssyncset.done $0x0  }
0x32: {  	s11 =	rddreg [dreg:$0x6];
	[sflag:s18] =	ssyncadd.s32 $0xFFFFE000  }
0x33: {  	[spmem:s11] =	stream.linear.scatter [tilespmem:s17], [sflag:$0x5], $0x2000, $0x38;
	[tilespmem:$0x1D800] =	vst v63  }
0x34: {  	_ =	swait.ge [sflag:s18], $0x2000  }
0x35: {  	[sflag:s18] =	ssyncset.done $0x0  }
0x36: {  	s10 =	rddreg [dreg:$0x7];
	[sflag:s18] =	ssyncadd.s32 $0xFFFFE000  }
0x37: {  	[spmem:s10] =	stream.linear.scatter [tilespmem:s17], [sflag:$0x5], $0x2000, $0x38;
	[tilespmem:$0x1D800] =	vst v63  }
0x38: {  	_ =	swait.ge [sflag:s18], $0x2000  }
0x39: {  	[sflag:s18] =	ssyncset.done $0x0  }
0x3a: {  	s11 =	rddreg [dreg:$0x8];
	[sflag:s18] =	ssyncadd.s32 $0xFFFFE000  }
0x3b: {  	[spmem:s11] =	stream.linear.scatter [tilespmem:s17], [sflag:$0x5], $0x2000, $0x38;
	[tilespmem:$0x1D800] =	vst v63  }
0x3c: {  	_ =	swait.ge [sflag:s18], $0x2000  }
0x3d: {  	[sflag:s18] =	ssyncset.done $0x0  }
0x3e: {  	s10 =	rddreg [dreg:$0x9];
	[sflag:s18] =	ssyncadd.s32 $0xFFFFE000  }
0x3f: {  	[spmem:s10] =	stream.linear.scatter [tilespmem:s17], [sflag:$0x5], $0x2000, $0x38;
	[tilespmem:$0x1D800] =	vst v63  }
0x40: {  	_ =	swait.ge [sflag:s18], $0x2000  }
0x41: {  	[sflag:s18] =	ssyncset.done $0x0  }
0x42: {  	[sflag:s18] =	ssyncadd.s32 $0xFFFFE000  }
0x43: {  	[spmem:s12] =	stream.linear.scatter [tilespmem:s17], [sflag:$0x5], $0x2000, $0x38;
	[tilespmem:$0x1D800] =	vst v63  }
0x44: {  	_ =	swait.ge [sflag:s18], $0x2000  }
0x45: {  	[sflag:s18] =	ssyncset.done $0x0  }
0x46: {  	[sflag:s18] =	ssyncadd.s32 $0xFFFFE000  }
0x47: {  	[spmem:s13] =	stream.linear.scatter [tilespmem:s17], [sflag:$0x5], $0x2000, $0x38;
	[tilespmem:$0x1D800] =	vst v63  }
0x48: {  	_ =	swait.ge [sflag:s18], $0x2000  }
0x49: {  	[sflag:s18] =	ssyncset.done $0x0  }
0x4a: {  	[sflag:s18] =	ssyncadd.s32 $0xFFFFE000  }
0x4b: {  	[spmem:s14] =	stream.linear.scatter [tilespmem:s17], [sflag:$0x5], $0x2000, $0x38;
	[tilespmem:$0x1D800] =	vst v63  }
0x4c: {  	_ =	swait.ge [sflag:s18], $0x2000  }
0x4d: {  	[sflag:s18] =	ssyncset.done $0x0  }
0x4e: {  	[sflag:s18] =	ssyncadd.s32 $0xFFFFE000  }
0x4f: {  	s11 =	simm.s32 $0x0;
	[bflag:$0x0] =	sbarrier.arrive $0xFFFF  }
0x50: {  	[tilespmem:s11], [sflag:$0x5] =	stream.linear.gather [hbm4b:s15+s11], $0x1400, $0x38;
	[tilespmem:$0x1D800] =	vst v63  }
0x51: {  	_ =	swait.ge [sflag:s18], $0x1400  }
0x52: {  	[sflag:s18] =	ssyncset.done $0x0  }
0x53: {  	[sflag:s18] =	ssyncadd.s32 $0xFFFFEC00  }
0x54: {  	v1 =	vld [tilespmem:$0x0];
	_ =	sdelay $0x1  }
0x55: {  	v2 =	vld [tilespmem:$0x10];
	_ =	sdelay $0x1  }
0x56: {  	v3 =	vld [tilespmem:$0x20]  }
0x57: {  	v4 =	vshrl.u32 v1, $0xE  }
0x58: {  	v57 =	vld [tilespmem:$0x30];
	v1 =	vand.u32 $0x3FFF, v1;
	[tilespmem:$0x1400] =	vst v4  }
0x59: {  	[tilespmem:$0x1600] =	vst v1;
	v1 =	vshrl.u32 v2, $0xE  }
0x5a: {  	[tilespmem:$0x1410] =	vst v1;
	v1 =	vand.u32 $0x3FFF, v2  }
0x5b: {  	[tilespmem:$0x1610] =	vst v1;
	v1 =	vshrl.u32 v3, $0xE  }
0x5c: {  	[tilespmem:$0x1420] =	vst v1;
	v1 =	vand.u32 $0x3FFF, v3  }
0x5d: {  	[tilespmem:$0x1620] =	vst v1;
	v1 =	vshrl.u32 v57, $0xE  }
0x5e: {  	[tilespmem:$0x1430] =	vst v1;
	v1 =	vand.u32 $0x3FFF, v57  }
0x5f: {  	[tilespmem:$0x1630] =	vst v1  }
0x60: {  	[tilespmem:s17], [sflag:$0x1] =	stream.indirect.gather [hbm4b:s1+s19], $0x80, s20, s19, $0xb8;
	[tilespmem:$0x1D800] =	vst v63  }
0x61: {  	v1 =	vld [tilespmem:$0x40];
	_ =	sdelay $0x1  }
0x62: {  	v2 =	vld [tilespmem:$0x50];
	_ =	sdelay $0x1  }
0x63: {  	v3 =	vld [tilespmem:$0x60]  }
0x64: {  	v58 =	vshrl.u32 v1, $0xE  }
0x65: {  	v59 =	vld [tilespmem:$0x70];
	v1 =	vand.u32 $0x3FFF, v1;
	[tilespmem:$0x1480] =	vst v58  }
0x66: {  	[tilespmem:$0x1680] =	vst v1;
	v1 =	vshrl.u32 v2, $0xE  }
0x67: {  	[tilespmem:$0x1490] =	vst v1;
	v1 =	vand.u32 $0x3FFF, v2  }
0x68: {  	[tilespmem:$0x1690] =	vst v1;
	v1 =	vshrl.u32 v3, $0xE  }
0x69: {  	[tilespmem:$0x14A0] =	vst v1;
	v1 =	vand.u32 $0x3FFF, v3  }
0x6a: {  	[tilespmem:$0x16A0] =	vst v1;
	v1 =	vshrl.u32 v59, $0xE  }
0x6b: {  	[tilespmem:$0x14B0] =	vst v1;
	v1 =	vand.u32 $0x3FFF, v59  }
0x6c: {  	[tilespmem:$0x16B0] =	vst v1  }
0x6d: {  	[tilespmem:s22], [sflag:$0x2] =	stream.indirect.gather [hbm4b:s1+s19], $0x80, s21, s19, $0xb8;
	[tilespmem:$0x1D800] =	vst v63  }
0x6e: {  	v1 =	vld [tilespmem:$0x80];
	_ =	sdelay $0x1  }
0x6f: {  	v2 =	vld [tilespmem:$0x90];
	_ =	sdelay $0x1  }
0x70: {  	v3 =	vld [tilespmem:$0xA0]  }
0x71: {  	v60 =	vshrl.u32 v1, $0xE  }
0x72: {  	v61 =	vld [tilespmem:$0xB0];
	v1 =	vand.u32 $0x3FFF, v1;
	[tilespmem:$0x1500] =	vst v60  }
0x73: {  	[tilespmem:$0x1700] =	vst v1;
	v1 =	vshrl.u32 v2, $0xE  }
0x74: {  	[tilespmem:$0x1510] =	vst v1;
	v1 =	vand.u32 $0x3FFF, v2  }
0x75: {  	[tilespmem:$0x1710] =	vst v1;
	v1 =	vshrl.u32 v3, $0xE  }
0x76: {  	[tilespmem:$0x1520] =	vst v1;
	v1 =	vand.u32 $0x3FFF, v3  }
0x77: {  	[tilespmem:$0x1720] =	vst v1;
	v1 =	vshrl.u32 v61, $0xE  }
0x78: {  	[tilespmem:$0x1530] =	vst v1;
	v1 =	vand.u32 $0x3FFF, v61  }
0x79: {  	[tilespmem:$0x1730] =	vst v1  }
0x7a: {  	[tilespmem:s25], [sflag:$0x3] =	stream.indirect.gather [hbm4b:s1+s19], $0x80, s23, s19, $0xb8;
	[tilespmem:$0x1D800] =	vst v63  }
0x7b: {  	v1 =	vld [tilespmem:$0xC0];
	_ =	sdelay $0x1  }
0x7c: {  	v2 =	vld [tilespmem:$0xD0];
	_ =	sdelay $0x1  }
0x7d: {  	v3 =	vld [tilespmem:$0xE0]  }
0x7e: {  	v62 =	vshrl.u32 v1, $0xE  }
0x7f: {  	v63 =	vld [tilespmem:$0xF0];
	v1 =	vand.u32 $0x3FFF, v1;
	[tilespmem:$0x1580] =	vst v62  }
0x80: {  	[tilespmem:$0x1780] =	vst v1;
	v1 =	vshrl.u32 v2, $0xE  }
0x81: {  	[tilespmem:$0x1590] =	vst v1;
	v1 =	vand.u32 $0x3FFF, v2  }
0x82: {  	[tilespmem:$0x1790] =	vst v1;
	v1 =	vshrl.u32 v3, $0xE  }
0x83: {  	[tilespmem:$0x15A0] =	vst v1;
	v1 =	vand.u32 $0x3FFF, v3  }
0x84: {  	[tilespmem:$0x17A0] =	vst v1;
	v1 =	vshrl.u32 v63, $0xE  }
0x85: {  	[tilespmem:$0x15B0] =	vst v1;
	v1 =	vand.u32 $0x3FFF, v63  }
0x86: {  	[tilespmem:$0x17B0] =	vst v1  }
0x87: {  	[tilespmem:s28], [sflag:$0x4] =	stream.indirect.gather [hbm4b:s1+s19], $0x80, s26, s19, $0xb8;
	[tilespmem:$0x1D800] =	vst v63  }
0x88: {  	_ =	swait.ge [sflag:s29], $0x2000  }
0x89: {  	[sflag:s29] =	ssyncset.done $0x0  }
0x8a: {  	[sflag:s29] =	ssyncadd.s32 $0xFFFFE000  }
0x8b: {  	[spmem:s3] =	stream.indirect.scatter.add.f32 [tilespmem:s17], [sflag:$0x5], $0x80, s30, s19, $0xb8;
	[tilespmem:$0x1D800] =	vst v63  }
0x8c: {  	_ =	swait.ge [sflag:s18], $0x2000  }
0x8d: {  	[sflag:s18] =	ssyncset.done $0x0  }
0x8e: {  	s9 =	simm.s32 $0x1F0;
	[sflag:s18] =	ssyncadd.s32 $0xFFFFE000  }
0x8f: {  	v1 =	vld [tilespmem:s9+$0xFFFFFF10];
	_ =	sdelay $0x4  }
0x90: {  	v2 =	vshrl.u32 v1, $0xE  }
0x91: {  	v1 =	vand.u32 $0x3FFF, v1;
	[tilespmem:$0x1400] =	vst v2  }
0x92: {  	[tilespmem:$0x1600] =	vst v1  }
0x93: {  	v1 =	vld [tilespmem:s9+$0xFFFFFF20];
	_ =	sdelay $0x4  }
0x94: {  	v2 =	vshrl.u32 v1, $0xE  }
0x95: {  	v1 =	vand.u32 $0x3FFF, v1;
	[tilespmem:$0x1410] =	vst v2  }
0x96: {  	[tilespmem:$0x1610] =	vst v1  }
0x97: {  	v1 =	vld [tilespmem:s9+$0xFFFFFF30];
	_ =	sdelay $0x4  }
0x98: {  	v2 =	vshrl.u32 v1, $0xE  }
0x99: {  	v1 =	vand.u32 $0x3FFF, v1;
	[tilespmem:$0x1420] =	vst v2  }
0x9a: {  	[tilespmem:$0x1620] =	vst v1  }
0x9b: {  	v1 =	vld [tilespmem:s9+$0xFFFFFF40];
	_ =	sdelay $0x4  }
0x9c: {  	v2 =	vshrl.u32 v1, $0xE  }
0x9d: {  	v1 =	vand.u32 $0x3FFF, v1;
	[tilespmem:$0x1430] =	vst v2  }
0x9e: {  	[tilespmem:$0x1630] =	vst v1  }
0x9f: {  	[tilespmem:s17], [sflag:$0x1] =	stream.indirect.gather [hbm4b:s1+s19], $0x80, s20, s19, $0xb8;
	[tilespmem:$0x1D800] =	vst v63  }
0xa0: {  	_ =	swait.ge [sflag:s31], $0x2000  }
0xa1: {  	[sflag:s31] =	ssyncset.done $0x0  }
0xa2: {  	[sflag:s31] =	ssyncadd.s32 $0xFFFFE000  }
0xa3: {  	[spmem:s3] =	stream.indirect.scatter.add.f32 [tilespmem:s22], [sflag:$0x5], $0x80, s2, s19, $0xb8;
	[tilespmem:$0x1D800] =	vst v63  }
0xa4: {  	_ =	swait.ge [sflag:s18], $0x2000  }
0xa5: {  	[sflag:s18] =	ssyncset.done $0x0  }
0xa6: {  	[sflag:s18] =	ssyncadd.s32 $0xFFFFE000  }
0xa7: {  	v1 =	vld [tilespmem:s9+$0xFFFFFF50];
	_ =	sdelay $0x4  }
0xa8: {  	v2 =	vshrl.u32 v1, $0xE  }
0xa9: {  	v1 =	vand.u32 $0x3FFF, v1;
	[tilespmem:$0x1480] =	vst v2  }
0xaa: {  	[tilespmem:$0x1680] =	vst v1  }
0xab: {  	v1 =	vld [tilespmem:s9+$0xFFFFFF60];
	_ =	sdelay $0x4  }
0xac: {  	v2 =	vshrl.u32 v1, $0xE  }
0xad: {  	v1 =	vand.u32 $0x3FFF, v1;
	[tilespmem:$0x1490] =	vst v2  }
0xae: {  	[tilespmem:$0x1690] =	vst v1  }
0xaf: {  	v1 =	vld [tilespmem:s9+$0xFFFFFF70];
	_ =	sdelay $0x4  }
0xb0: {  	v2 =	vshrl.u32 v1, $0xE  }
0xb1: {  	v1 =	vand.u32 $0x3FFF, v1;
	[tilespmem:$0x14A0] =	vst v2  }
0xb2: {  	[tilespmem:$0x16A0] =	vst v1  }
0xb3: {  	v1 =	vld [tilespmem:s9+$0xFFFFFF80];
	_ =	sdelay $0x4  }
0xb4: {  	v2 =	vshrl.u32 v1, $0xE  }
0xb5: {  	v1 =	vand.u32 $0x3FFF, v1;
	[tilespmem:$0x14B0] =	vst v2  }
0xb6: {  	[tilespmem:$0x16B0] =	vst v1  }
0xb7: {  	[tilespmem:s22], [sflag:$0x2] =	stream.indirect.gather [hbm4b:s1+s19], $0x80, s21, s19, $0xb8;
	[tilespmem:$0x1D800] =	vst v63  }
0xb8: {  	_ =	swait.ge [sflag:s4], $0x2000  }
0xb9: {  	[sflag:s4] =	ssyncset.done $0x0  }
0xba: {  	[sflag:s4] =	ssyncadd.s32 $0xFFFFE000  }
0xbb: {  	[spmem:s3] =	stream.indirect.scatter.add.f32 [tilespmem:s25], [sflag:$0x5], $0x80, s0, s19, $0xb8;
	[tilespmem:$0x1D800] =	vst v63  }
0xbc: {  	_ =	swait.ge [sflag:s18], $0x2000  }
0xbd: {  	[sflag:s18] =	ssyncset.done $0x0  }
0xbe: {  	[sflag:s18] =	ssyncadd.s32 $0xFFFFE000  }
0xbf: {  	v1 =	vld [tilespmem:s9+$0xFFFFFF90];
	_ =	sdelay $0x4  }
0xc0: {  	v2 =	vshrl.u32 v1, $0xE  }
0xc1: {  	v1 =	vand.u32 $0x3FFF, v1;
	[tilespmem:$0x1500] =	vst v2  }
0xc2: {  	[tilespmem:$0x1700] =	vst v1  }
0xc3: {  	v1 =	vld [tilespmem:s9+$0xFFFFFFA0];
	_ =	sdelay $0x4  }
0xc4: {  	v2 =	vshrl.u32 v1, $0xE  }
0xc5: {  	v1 =	vand.u32 $0x3FFF, v1;
	[tilespmem:$0x1510] =	vst v2  }
0xc6: {  	[tilespmem:$0x1710] =	vst v1  }
0xc7: {  	v1 =	vld [tilespmem:s9+$0xFFFFFFB0];
	_ =	sdelay $0x4  }
0xc8: {  	v2 =	vshrl.u32 v1, $0xE  }
0xc9: {  	v1 =	vand.u32 $0x3FFF, v1;
	[tilespmem:$0x1520] =	vst v2  }
0xca: {  	[tilespmem:$0x1720] =	vst v1  }
0xcb: {  	v1 =	vld [tilespmem:s9+$0xFFFFFFC0];
	_ =	sdelay $0x4  }
0xcc: {  	v2 =	vshrl.u32 v1, $0xE  }
0xcd: {  	v1 =	vand.u32 $0x3FFF, v1;
	[tilespmem:$0x1530] =	vst v2  }
0xce: {  	[tilespmem:$0x1730] =	vst v1  }
0xcf: {  	[tilespmem:s25], [sflag:$0x3] =	stream.indirect.gather [hbm4b:s1+s19], $0x80, s23, s19, $0xb8;
	[tilespmem:$0x1D800] =	vst v63  }
0xd0: {  	_ =	swait.ge [sflag:s6], $0x2000  }
0xd1: {  	[sflag:s6] =	ssyncset.done $0x0  }
0xd2: {  	[sflag:s6] =	ssyncadd.s32 $0xFFFFE000  }
0xd3: {  	[spmem:s3] =	stream.indirect.scatter.add.f32 [tilespmem:s28], [sflag:$0x5], $0x80, s7, s19, $0xb8;
	[tilespmem:$0x1D800] =	vst v63  }
0xd4: {  	_ =	swait.ge [sflag:s18], $0x2000  }
0xd5: {  	[sflag:s18] =	ssyncset.done $0x0  }
0xd6: {  	[sflag:s18] =	ssyncadd.s32 $0xFFFFE000  }
0xd7: {  	v1 =	vld [tilespmem:s9+$0xFFFFFFD0];
	_ =	sdelay $0x4  }
0xd8: {  	v2 =	vshrl.u32 v1, $0xE  }
0xd9: {  	v1 =	vand.u32 $0x3FFF, v1;
	[tilespmem:$0x1580] =	vst v2  }
0xda: {  	[tilespmem:$0x1780] =	vst v1  }
0xdb: {  	v1 =	vld [tilespmem:s9+$0xFFFFFFE0];
	_ =	sdelay $0x4  }
0xdc: {  	v2 =	vshrl.u32 v1, $0xE  }
0xdd: {  	v1 =	vand.u32 $0x3FFF, v1;
	[tilespmem:$0x1590] =	vst v2  }
0xde: {  	s10 =	simm.s32 $0xBC0;
	[tilespmem:$0x1790] =	vst v1  }
.LBB2_4:
0xdf: {  	p0 =	sne.s32 s10, $0x4FC0;
	v1 =	vld [tilespmem:s9+$0xFFFFFFF0];
	s11 =	smov.u32 s10;
	s10 =	sadd.s32 $0x400, s10  }
0xe0: {  	_ =	sdelay $0x3  }
0xe1: {  	v2 =	vshrl.u32 v1, $0xE;
	v1 =	vand.u32 $0x3FFF, v1  }
0xe2: {  	[tilespmem:$0x15A0] =	vst v2  }
0xe3: {  	[tilespmem:$0x17A0] =	vst v1  }
0xe4: {  	v1 =	vld [tilespmem:s9+$0x0];
	_ =	sdelay $0x4  }
0xe5: {  	v2 =	vshrl.u32 v1, $0xE;
	v1 =	vand.u32 $0x3FFF, v1  }
0xe6: {  	[tilespmem:$0x15B0] =	vst v2  }
0xe7: {  	[tilespmem:$0x17B0] =	vst v1  }
0xe8: {  	[tilespmem:s28], [sflag:$0x4] =	stream.indirect.gather [hbm4b:s1+s19], $0x80, s26, s19, $0xb8;
	[tilespmem:$0x1D800] =	vst v63  }
0xe9: {  	_ =	swait.ge [sflag:s29], $0x2000  }
0xea: {  	[sflag:s29] =	ssyncset.done $0x0  }
0xeb: {  	[sflag:s29] =	ssyncadd.s32 $0xFFFFE000  }
0xec: {  	[spmem:s3] =	stream.indirect.scatter.add.f32 [tilespmem:s17], [sflag:$0x5], $0x80, s30, s19, $0xb8;
	[tilespmem:$0x1D800] =	vst v63  }
0xed: {  	_ =	swait.ge [sflag:s18], $0x2000  }
0xee: {  	[sflag:s18] =	ssyncset.done $0x0  }
0xef: {  	s9 =	sshra.s32 s11, $0x2;
	[sflag:s18] =	ssyncadd.s32 $0xFFFFE000  }
0xf0: {  	v1 =	vld [tilespmem:s9+$0xFFFFFF10];
	_ =	sdelay $0x4  }
0xf1: {  	v2 =	vshrl.u32 v1, $0xE;
	v1 =	vand.u32 $0x3FFF, v1  }
0xf2: {  	[tilespmem:$0x1400] =	vst v2  }
0xf3: {  	[tilespmem:$0x1600] =	vst v1  }
0xf4: {  	v1 =	vld [tilespmem:s9+$0xFFFFFF20];
	_ =	sdelay $0x4  }
0xf5: {  	v2 =	vshrl.u32 v1, $0xE;
	v1 =	vand.u32 $0x3FFF, v1  }
0xf6: {  	[tilespmem:$0x1410] =	vst v2  }
0xf7: {  	[tilespmem:$0x1610] =	vst v1  }
0xf8: {  	v1 =	vld [tilespmem:s9+$0xFFFFFF30];
	_ =	sdelay $0x4  }
0xf9: {  	v2 =	vshrl.u32 v1, $0xE;
	v1 =	vand.u32 $0x3FFF, v1  }
0xfa: {  	[tilespmem:$0x1420] =	vst v2  }
0xfb: {  	[tilespmem:$0x1620] =	vst v1  }
0xfc: {  	v1 =	vld [tilespmem:s9+$0xFFFFFF40];
	_ =	sdelay $0x4  }
0xfd: {  	v2 =	vshrl.u32 v1, $0xE;
	v1 =	vand.u32 $0x3FFF, v1  }
0xfe: {  	[tilespmem:$0x1430] =	vst v2  }
0xff: {  	[tilespmem:$0x1630] =	vst v1  }
0x100: {  	[tilespmem:s17], [sflag:$0x1] =	stream.indirect.gather [hbm4b:s1+s19], $0x80, s20, s19, $0xb8;
	[tilespmem:$0x1D800] =	vst v63  }
0x101: {  	_ =	swait.ge [sflag:s31], $0x2000  }
0x102: {  	[sflag:s31] =	ssyncset.done $0x0  }
0x103: {  	[sflag:s31] =	ssyncadd.s32 $0xFFFFE000  }
0x104: {  	[spmem:s3] =	stream.indirect.scatter.add.f32 [tilespmem:s22], [sflag:$0x5], $0x80, s2, s19, $0xb8;
	[tilespmem:$0x1D800] =	vst v63  }
0x105: {  	_ =	swait.ge [sflag:s18], $0x2000  }
0x106: {  	[sflag:s18] =	ssyncset.done $0x0  }
0x107: {  	[sflag:s18] =	ssyncadd.s32 $0xFFFFE000  }
0x108: {  	v1 =	vld [tilespmem:s9+$0xFFFFFF50];
	_ =	sdelay $0x4  }
0x109: {  	v2 =	vshrl.u32 v1, $0xE;
	v1 =	vand.u32 $0x3FFF, v1  }
0x10a: {  	[tilespmem:$0x1480] =	vst v2  }
0x10b: {  	[tilespmem:$0x1680] =	vst v1  }
0x10c: {  	v1 =	vld [tilespmem:s9+$0xFFFFFF60];
	_ =	sdelay $0x4  }
0x10d: {  	v2 =	vshrl.u32 v1, $0xE;
	v1 =	vand.u32 $0x3FFF, v1  }
0x10e: {  	[tilespmem:$0x1490] =	vst v2  }
0x10f: {  	[tilespmem:$0x1690] =	vst v1  }
0x110: {  	v1 =	vld [tilespmem:s9+$0xFFFFFF70];
	_ =	sdelay $0x4  }
0x111: {  	v2 =	vshrl.u32 v1, $0xE;
	v1 =	vand.u32 $0x3FFF, v1  }
0x112: {  	[tilespmem:$0x14A0] =	vst v2  }
0x113: {  	[tilespmem:$0x16A0] =	vst v1  }
0x114: {  	v1 =	vld [tilespmem:s9+$0xFFFFFF80];
	_ =	sdelay $0x4  }
0x115: {  	v2 =	vshrl.u32 v1, $0xE;
	v1 =	vand.u32 $0x3FFF, v1  }
0x116: {  	[tilespmem:$0x14B0] =	vst v2  }
0x117: {  	[tilespmem:$0x16B0] =	vst v1  }
0x118: {  	[tilespmem:s22], [sflag:$0x2] =	stream.indirect.gather [hbm4b:s1+s19], $0x80, s21, s19, $0xb8;
	[tilespmem:$0x1D800] =	vst v63  }
0x119: {  	_ =	swait.ge [sflag:s4], $0x2000  }
0x11a: {  	[sflag:s4] =	ssyncset.done $0x0  }
0x11b: {  	[sflag:s4] =	ssyncadd.s32 $0xFFFFE000  }
0x11c: {  	[spmem:s3] =	stream.indirect.scatter.add.f32 [tilespmem:s25], [sflag:$0x5], $0x80, s0, s19, $0xb8;
	[tilespmem:$0x1D800] =	vst v63  }
0x11d: {  	_ =	swait.ge [sflag:s18], $0x2000  }
0x11e: {  	[sflag:s18] =	ssyncset.done $0x0  }
0x11f: {  	[sflag:s18] =	ssyncadd.s32 $0xFFFFE000  }
0x120: {  	v1 =	vld [tilespmem:s9+$0xFFFFFF90];
	_ =	sdelay $0x4  }
0x121: {  	v2 =	vshrl.u32 v1, $0xE;
	v1 =	vand.u32 $0x3FFF, v1  }
0x122: {  	[tilespmem:$0x1500] =	vst v2  }
0x123: {  	[tilespmem:$0x1700] =	vst v1  }
0x124: {  	v1 =	vld [tilespmem:s9+$0xFFFFFFA0];
	_ =	sdelay $0x4  }
0x125: {  	v2 =	vshrl.u32 v1, $0xE;
	v1 =	vand.u32 $0x3FFF, v1  }
0x126: {  	[tilespmem:$0x1510] =	vst v2  }
0x127: {  	[tilespmem:$0x1710] =	vst v1  }
0x128: {  	v1 =	vld [tilespmem:s9+$0xFFFFFFB0];
	_ =	sdelay $0x4  }
0x129: {  	v2 =	vshrl.u32 v1, $0xE;
	v1 =	vand.u32 $0x3FFF, v1  }
0x12a: {  	[tilespmem:$0x1520] =	vst v2  }
0x12b: {  	[tilespmem:$0x1720] =	vst v1  }
0x12c: {  	v1 =	vld [tilespmem:s9+$0xFFFFFFC0];
	_ =	sdelay $0x4  }
0x12d: {  	v2 =	vshrl.u32 v1, $0xE;
	v1 =	vand.u32 $0x3FFF, v1  }
0x12e: {  	[tilespmem:$0x1530] =	vst v2  }
0x12f: {  	[tilespmem:$0x1730] =	vst v1  }
0x130: {  	[tilespmem:s25], [sflag:$0x3] =	stream.indirect.gather [hbm4b:s1+s19], $0x80, s23, s19, $0xb8;
	[tilespmem:$0x1D800] =	vst v63  }
0x131: {  	_ =	swait.ge [sflag:s6], $0x2000  }
0x132: {  	[sflag:s6] =	ssyncset.done $0x0  }
0x133: {  	[sflag:s6] =	ssyncadd.s32 $0xFFFFE000  }
0x134: {  	[spmem:s3] =	stream.indirect.scatter.add.f32 [tilespmem:s28], [sflag:$0x5], $0x80, s7, s19, $0xb8;
	[tilespmem:$0x1D800] =	vst v63  }
0x135: {  	_ =	swait.ge [sflag:s18], $0x2000  }
0x136: {  	[sflag:s18] =	ssyncset.done $0x0  }
0x137: {  	[sflag:s18] =	ssyncadd.s32 $0xFFFFE000  }
0x138: {  	v1 =	vld [tilespmem:s9+$0xFFFFFFD0];
	_ =	sdelay $0x4  }
0x139: {  	v2 =	vshrl.u32 v1, $0xE;
	v1 =	vand.u32 $0x3FFF, v1  }
0x13a: {  	[tilespmem:$0x1580] =	vst v2  }
0x13b: {  	[tilespmem:$0x1780] =	vst v1  }
0x13c: {  	v1 =	vld [tilespmem:s9+$0xFFFFFFE0];
	_ =	sdelay $0x2  }
.Ltmp1:
0x13d: {  	(pc) =	sbr.rel @p0 .LBB2_4-.Ltmp1, $4  }
0x13e: {  	_ = 	snop  }
0x13f: {  	v2 =	vshrl.u32 v1, $0xE;
	v1 =	vand.u32 $0x3FFF, v1  }
0x140: {  	[tilespmem:$0x1590] =	vst v2  }
0x141: {  	[tilespmem:$0x1790] =	vst v1  }
0x142: {  	v1 =	vld [tilespmem:s9+$0xFFFFFFF0];
	_ =	sdelay $0x4  }
0x143: {  	v2 =	vshrl.u32 v1, $0xE  }
0x144: {  	v1 =	vand.u32 $0x3FFF, v1;
	[tilespmem:$0x15A0] =	vst v2  }
0x145: {  	[tilespmem:$0x17A0] =	vst v1  }
0x146: {  	v1 =	vld [tilespmem:s9+$0x0];
	_ =	sdelay $0x4  }
0x147: {  	v2 =	vshrl.u32 v1, $0xE  }
0x148: {  	v1 =	vand.u32 $0x3FFF, v1;
	[tilespmem:$0x15B0] =	vst v2  }
0x149: {  	[tilespmem:$0x17B0] =	vst v1  }
0x14a: {  	[tilespmem:s28], [sflag:$0x4] =	stream.indirect.gather [hbm4b:s1+s19], $0x80, s26, s19, $0xb8;
	[tilespmem:$0x1D800] =	vst v63  }
0x14b: {  	_ =	swait.ge [sflag:s29], $0x2000  }
0x14c: {  	[sflag:s29] =	ssyncset.done $0x0  }
0x14d: {  	[sflag:s29] =	ssyncadd.s32 $0xFFFFE000  }
0x14e: {  	[spmem:s3] =	stream.indirect.scatter.add.f32 [tilespmem:s17], [sflag:$0x5], $0x80, s30, s19, $0xb8;
	[tilespmem:$0x1D800] =	vst v63  }
0x14f: {  	_ =	swait.ge [sflag:s18], $0x2000  }
0x150: {  	[sflag:s18] =	ssyncset.done $0x0  }
0x151: {  	[sflag:s18] =	ssyncadd.s32 $0xFFFFE000  }
0x152: {  	_ =	swait.ge [sflag:s31], $0x2000  }
0x153: {  	[sflag:s31] =	ssyncset.done $0x0  }
0x154: {  	[sflag:s31] =	ssyncadd.s32 $0xFFFFE000  }
0x155: {  	[spmem:s3] =	stream.indirect.scatter.add.f32 [tilespmem:s22], [sflag:$0x5], $0x80, s2, s19, $0xb8;
	[tilespmem:$0x1D800] =	vst v63  }
0x156: {  	_ =	swait.ge [sflag:s18], $0x2000  }
0x157: {  	[sflag:s18] =	ssyncset.done $0x0  }
0x158: {  	[sflag:s18] =	ssyncadd.s32 $0xFFFFE000  }
0x159: {  	_ =	swait.ge [sflag:s4], $0x2000  }
0x15a: {  	[sflag:s4] =	ssyncset.done $0x0  }
0x15b: {  	[sflag:s4] =	ssyncadd.s32 $0xFFFFE000  }
0x15c: {  	[spmem:s3] =	stream.indirect.scatter.add.f32 [tilespmem:s25], [sflag:$0x5], $0x80, s0, s19, $0xb8;
	[tilespmem:$0x1D800] =	vst v63  }
0x15d: {  	_ =	swait.ge [sflag:s18], $0x2000  }
0x15e: {  	[sflag:s18] =	ssyncset.done $0x0  }
0x15f: {  	[sflag:s18] =	ssyncadd.s32 $0xFFFFE000  }
0x160: {  	_ =	swait.ge [sflag:s6], $0x2000  }
0x161: {  	[sflag:s6] =	ssyncset.done $0x0  }
0x162: {  	[sflag:s6] =	ssyncadd.s32 $0xFFFFE000  }
0x163: {  	[spmem:s3] =	stream.indirect.scatter.add.f32 [tilespmem:s28], [sflag:$0x5], $0x80, s7, s19, $0xb8;
	[tilespmem:$0x1D800] =	vst v63  }
0x164: {  	s11 =	stileid.u32;
	_ =	swait.ge [sflag:s18], $0x2000  }
0x165: {  	s10 =	sshrl.u32 s5, $0x3;
	s8 =	sadd.s32 $0x1, s8;
	[sflag:s18] =	ssyncset.done $0x0  }
0x166: {  	p0 =	sne.s32 s8, s16;
	s9 =	sshll.u32 s11, $0x6;
	[sflag:s18] =	ssyncadd.s32 $0xFFFFE000  }
.Ltmp2:
0x167: {  	s9 =	sor.u32 $0x1C05, s9;
	[bflag:$0x0] =	sbarrier.arrive $0xFFFF;
	(pc) =	sbr.rel @p0 .LBB2_1-.Ltmp2, $4  }
0x168: {  	[hbm:s24], [sflag:s9] =	dma.local [spmem:s10], $0x2800  }
0x169: {  	_ =	swait.ge [sflag:s18], $0x2800  }
0x16a: {  	[sflag:s18] =	ssyncset.done $0x0  }
0x16b: {  	[sflag:s18] =	ssyncadd.s32 $0xFFFFD800  }
0x16c: {  	_ =	sfence.sel $0x180000  }
0x16d: {  	[bflag:$0x0] =	sbarrier.arrive $0xFFFF  }
0x16e: {  	_ =	strace $0x9000004A  }
0x16f: {  	s0 =	stileid.u32;
	[bflag:$0x2] =	sbarrier.arrive $0xFFFF  }
0x170: {  	p0 =	sne.s32 s0, $0x0;
	s0 =	rddreg [dreg:$0x3]  }
0x171: {  	s0 =	sadd.s32 @!p0 $0x100000, s0  }
0x172: {  	[sflag:s0] =	ssyncadd.tile.s32 @!p0 $0x1;
	_ =	shalt  }
.Lfunc_end2:
_tile_overlayer_lowered:
.L_overlay_start_2:
0x173: {  	(tag) =	ssettag $0x2  }
0x174: {  	s0 =	rddreg [dreg:$0x0];
	s2 =	stileid.u32  }
0x175: {  	s1 =	rddreg [dreg:$0x1];
	p0 =	sne.s32 s2, $0x0  }
0x176: {  	s3 =	rddreg [dreg:$0x2];
	[bflag:$0x3] =	sbarrier.arrive $0xFFFF;
	s2 =	simm.s32 @!p0 $0x1C05  }
0x177: {  	[timem:s3], [sflag:s2] =	dma.local @!p0 [hbm:s0], s1  }
0x178: {  	s0 =	simm.s32 @!p0 $0x5  }
0x179: {  	_ =	swait.ge @!p0 [sflag:s0], s1  }
0x17a: {  	s1 =	ssub.s32 @!p0 $0x0, s1;
	[sflag:s0] =	ssyncset.done @!p0 $0x0  }
0x17b: {  	[sflag:s0] =	ssyncadd.s32 @!p0 s1  }
0x17c: {  	[bflag:$0x3] =	sbarrier.arrive $0xFFFF  }
0x17d: {  	_ =	shalt  }

// kernel: kernel.14.cloned.1.call-start
scs
__scs_entry_jumppad:
0x0: {  	(pc) =	sbr.rel $0x88, $3  }
0x1: {  	(tag) =	ssettag $0x0;
	lr =	simm.s32 $0x1  }
0x2: {  	[smem:$0x3F9B] =	sst lr;
	_ =	strace $0xD0000000  }
0x3: {  	_ = 	snop  }
0x4: {  	_ = 	snop  }
0x5: {  	_ = 	snop  }
0x6: {  	_ = 	snop  }
0x7: {  	_ = 	snop  }
__scs_overlays_trampoline_lowered:
0x8: {  	[smem:$0x3FAA] =	sst s0  }
0x9: {  	[smem:$0x3FAB] =	sst s1  }
0xa: {  	[smem:$0x3FAC] =	sst s2  }
0xb: {  	[smem:$0x3FAD] =	sst s3  }
0xc: {  	[smem:$0x3FAE] =	sst s4  }
0xd: {  	[smem:$0x3FAF] =	sst s5  }
0xe: {  	[smem:$0x3FB0] =	sst s6  }
0xf: {  	[smem:$0x3FB1] =	sst s7  }
0x10: {  	[smem:$0x3FB2] =	sst s8  }
0x11: {  	[smem:$0x3FB3] =	sst s9;
	s0 =	simm.s32 @!p0 $0x0  }
0x12: {  	s1 =	sld [smem:$0x3F99];
	s0 =	simm.s32 @p0 $0x1  }
0x13: {  	[smem:$0x3FB4] =	sst s0;
	s0 =	simm.s32 @!p1 $0x0  }
0x14: {  	s2 =	sld [smem:$0x3F98];
	s0 =	simm.s32 @p1 $0x1  }
0x15: {  	[smem:$0x3FB5] =	sst s0;
	s0 =	simm.s32 @!p2 $0x0  }
0x16: {  	s3 =	sld [smem:$0x3FDB];
	s0 =	simm.s32 @p2 $0x1  }
0x17: {  	s4 =	simm.s32 $0x1BF5;
	[smem:$0x3FB7] =	sst s0  }
0x18: {  	s0 =	sld [smem:$0x3F9A];
	_ =	swait.ge [sflag:s4], $0x0  }
0x19: {  	s7 =	sld [smem:$0x3F9B]  }
0x1a: {  	s8 =	sadd.s32 $0xFFFFE003, lr  }
0x1b: {  	s9 =	sadd.s32 $0xFFFFFEF7, lr;
	s5 =	simm.s32 $0xFFFFFFFF;
	p2 =	slt.u32 s8, $0xFFFFF086  }
0x1c: {  	p1 =	slt.u32 s9, $0xF7A;
	s5 =	simm.s32 @!p2 $0x0  }
0x1d: {  	s5 =	simm.s32 @p1 $0x1;
	p0 =	seq.s32 s7, s2  }
0x1e: {  	s7 =	smul.u32 @!p0 $0xF7A, s2;
	p2 =	seq.s32 @!p0 s5, $0x0  }
0x1f: {  	s9 =	smul.u32 $0xF7A, s1;
	s8 =	simm.s32 @!p0 $0x1BF5;
	p2 =	por !p2, p0  }
0x20: {  	[sflag:s8] =	ssyncset.s32 @!p0 $0xFFFFF086;
	s6 =	sadd.s32 @!p0 s3, s7;
	s7 =	simm.s32 @!p0 $0x108  }
0x21: {  	s3 =	sadd.s32 s3, s9;
	s6 =	sadd.s32 @!p0 $0x88, s6;
	s7 =	simm.s32 @p2 $0x1082  }
0x22: {  	[simem:s7], [sflag:s8] =	dma.local @!p0 [hbm:s6], $0xF7A  }
0x23: {  	s9 =	sor.u32 $0xD0000000, s2;
	s6 =	simm.s32 $0x108;
	_ =	swait.ge @!p0 [sflag:s8], $0x0  }
0x24: {  	s3 =	sadd.s32 $0x88, s3;
	s6 =	simm.s32 @!p1 $0x1082;
	[sflag:s4] =	ssyncset.s32 $0xFFFFF086  }
0x25: {  	[simem:s6], [sflag:s4] =	dma.local [hbm:s3], $0xF7A  }
0x26: {  	[smem:$0x3F9B] =	sst s1;
	(tag) =	ssettag s2;
	_ =	strace s9  }
0x27: {  	s1 =	sld [smem:$0x3FAB]  }
0x28: {  	s2 =	sld [smem:$0x3FAC]  }
0x29: {  	s4 =	sld [smem:$0x3FAE]  }
0x2a: {  	p0 =	seq.s32 s5, $0x0;
	s5 =	sld [smem:$0x3FAF]  }
0x2b: {  	s6 =	sld [smem:$0x3FB0]  }
0x2c: {  	s7 =	sld [smem:$0x3FB1]  }
0x2d: {  	s3 =	simm.s32 $0x108;
	s8 =	sld [smem:$0x3FB2]  }
0x2e: {  	s3 =	simm.s32 @!p0 $0x1082;
	s9 =	sld [smem:$0x3FB3]  }
0x2f: {  	lr =	sadd.s32 s0, s3;
	s0 =	sld [smem:$0x3FAA]  }
0x30: {  	s3 =	sld [smem:$0x3FAD]  }
0x31: {  	[smem:$0x3FB6] =	sst s10  }
0x32: {  	s10 =	sld [smem:$0x3FB4];
	_ =	sdelay $0x3  }
0x33: {  	p0 =	seq.s32 s10, $0x1;
	s10 =	sld [smem:$0x3FB6];
	_ =	sdelay $0x3  }
0x34: {  	[smem:$0x3FB6] =	sst s10  }
0x35: {  	s10 =	sld [smem:$0x3FB5];
	_ =	sdelay $0x3  }
0x36: {  	p1 =	seq.s32 s10, $0x1;
	s10 =	sld [smem:$0x3FB6];
	_ =	sdelay $0x3  }
0x37: {  	[smem:$0x3FB6] =	sst s10  }
0x38: {  	s10 =	sld [smem:$0x3FB7]  }
0x39: {  	_ = 	snop;
	(pc) =	sbr.ind lr, $3  }
0x3a: {  	_ = 	snop  }
0x3b: {  	_ = 	snop  }
0x3c: {  	p2 =	seq.s32 s10, $0x1;
	s10 =	sld [smem:$0x3FB6]  }
0x3d: {  	_ =	shalt  }
0x3e: {  	_ =	shalt  }
0x3f: {  	_ =	shalt  }
0x40: {  	_ =	shalt  }
0x41: {  	_ =	shalt  }
0x42: {  	_ =	shalt  }
0x43: {  	_ =	shalt  }
0x44: {  	_ =	shalt  }
0x45: {  	_ =	shalt  }
0x46: {  	_ =	shalt  }
0x47: {  	_ =	shalt  }
0x48: {  	_ =	shalt  }
0x49: {  	_ =	shalt  }
0x4a: {  	_ =	shalt  }
0x4b: {  	_ =	shalt  }
0x4c: {  	_ =	shalt  }
0x4d: {  	_ =	shalt  }
0x4e: {  	_ =	shalt  }
0x4f: {  	_ =	shalt  }
0x50: {  	_ =	shalt  }
0x51: {  	_ =	shalt  }
0x52: {  	_ =	shalt  }
0x53: {  	_ =	shalt  }
0x54: {  	_ =	shalt  }
0x55: {  	_ =	shalt  }
0x56: {  	_ =	shalt  }
0x57: {  	_ =	shalt  }
0x58: {  	_ =	shalt  }
0x59: {  	_ =	shalt  }
0x5a: {  	_ =	shalt  }
0x5b: {  	_ =	shalt  }
0x5c: {  	_ =	shalt  }
0x5d: {  	_ =	shalt  }
0x5e: {  	_ =	shalt  }
0x5f: {  	_ =	shalt  }
0x60: {  	_ =	shalt  }
0x61: {  	_ =	shalt  }
0x62: {  	_ =	shalt  }
0x63: {  	_ =	shalt  }
0x64: {  	_ =	shalt  }
0x65: {  	_ =	shalt  }
0x66: {  	_ =	shalt  }
0x67: {  	_ =	shalt  }
0x68: {  	_ =	shalt  }
0x69: {  	_ =	shalt  }
0x6a: {  	_ =	shalt  }
0x6b: {  	_ =	shalt  }
0x6c: {  	_ =	shalt  }
0x6d: {  	_ =	shalt  }
0x6e: {  	_ =	shalt  }
0x6f: {  	_ =	shalt  }
0x70: {  	_ =	shalt  }
0x71: {  	_ =	shalt  }
0x72: {  	_ =	shalt  }
0x73: {  	_ =	shalt  }
0x74: {  	_ =	shalt  }
0x75: {  	_ =	shalt  }
0x76: {  	_ =	shalt  }
0x77: {  	_ =	shalt  }
0x78: {  	_ =	shalt  }
0x79: {  	_ =	shalt  }
0x7a: {  	_ =	shalt  }
0x7b: {  	_ =	shalt  }
0x7c: {  	_ =	shalt  }
0x7d: {  	_ =	shalt  }
0x7e: {  	_ =	shalt  }
0x7f: {  	_ =	shalt  }
0x80: {  	_ =	shalt  }
0x81: {  	_ =	shalt  }
0x82: {  	_ =	shalt  }
0x83: {  	_ =	shalt  }
0x84: {  	_ =	shalt  }
0x85: {  	_ =	shalt  }
0x86: {  	_ =	shalt  }
0x87: {  	_ =	shalt  }
.Lfunc_end0:
.L_simem_size_0:
called_computation.2_lowered:
.L_overlay_start_0:
0x88: {  	s2 =	sld [smem:$0x3FD9]  }
0x89: {  	s3 =	sld [smem:$0x3FFE];
	_ =	sdelay $0x1  }
0x8a: {  	s1 =	srdreg.scid  }
0x8b: {  	s0 =	sand.u32 $0x1, s1  }
0x8c: {  	s17 =	sshll.u32 s0, $0xA;
	s2 =	sadd.s32 s3, s2  }
0x8d: {  	s2 =	sadd.s32 s2, s17  }
0x8e: {  	[smem:$0x3FC2] =	sst s2  }
0x8f: {  	_ = 	snop  }
0x90: {  	s2 =	sld [smem:$0x3FD0];
	(tm) =	ssettm $0x1  }
0x91: {  	s18 =	sld [smem:$0x3FFB];
	_ =	sdelay $0x3  }
0x92: {  	_ =	strace s18  }
0x93: {  	s3 =	sld [smem:$0x3FFC];
	_ =	sdelay $0x3  }
0x94: {  	_ =	strace s3  }
0x95: {  	s3 =	sld [smem:$0x3FFD];
	_ =	sdelay $0x3  }
0x96: {  	_ =	strace s3  }
0x97: {  	_ =	strace $0x8FFFFFFF  }
0x98: {  	s19 =	sld [smem:$0x3FDB];
	_ =	sdelay $0x1  }
0x99: {  	s4 =	simm.s32 $_scs_section_size  }
0x9a: {  	s5 =	simm.s32 $_size__tile_overlayer_lowered;
	s6 =	simm.s32 $_tile_overlayer_lowered  }
0x9b: {  	s22 =	simm.s32 $0x1BFF;
	s21 =	sshll.u32 s6, $0x1;
	s3 =	sadd.s32 s4, s19  }
0x9c: {  	s7 =	simm.s32 $0x0;
	s20 =	sshll.u32 s5, $0x1;
	s5 =	sadd.s32 s21, s3  }
0x9d: {  	[timem:s7], [sflag:s22] =	dma.local [hbm:s5], s20  }
0x9e: {  	_ =	swait.ge [sflag:s22], s20  }
0x9f: {  	s4 =	ssub.s32 $0x0, s20;
	[sflag:s22] =	ssyncset.done $0x0  }
0xa0: {  	[sflag:s22] =	ssyncadd.s32 s4;
	_ =	sdelay $0x1  }
0xa1: {  	s23 =	simm.s32 $0x1B8B  }
0xa2: {  	_ =	swait.ge [sflag:s23], $0x1  }
0xa3: {  	[sflag:s23] =	ssyncset.done $0x0  }
0xa4: {  	s25 =	simm.s32 $0x1B8E;
	s24 =	sld [smem:$0x3FFE];
	[sflag:s23] =	ssyncadd.s32 $0xFFFFFFFF  }
0xa5: {  	s26 =	simm.s32 $execute0_lowered;
	[smem:$0x3FD2] =	sst s25  }
0xa6: {  	s5 =	sshll.u32 s26, $0x1;
	_ =	strace $0x8000004C;
	[dreg:$0x1] =	wrdreg $0xFFFFFFFF  }
0xa7: {  	s28 =	simm.s32 $_size_execute0_lowered;
	s3 =	sadd.s32 s3, s5;
	[dreg:$0x0] =	wrdreg $0x0  }
0xa8: {  	s5 =	sshll.u32 s28, $0x1;
	[dreg:$0x2] =	wrdreg s3  }
0xa9: {  	[dreg:$0x3] =	wrdreg s5  }
0xaa: {  	[dreg:$0x4] =	wrdreg $0xC0  }
0xab: {  	_ =	task [dreg:s7], $0x5FFFF  }
0xac: {  	[dreg:$0x1] =	wrdreg $0xFFFFFFFF  }
0xad: {  	[dreg:$0x0] =	wrdreg $0x60  }
0xae: {  	[dreg:$0x2] =	wrdreg s2  }
0xaf: {  	[dreg:$0x3] =	wrdreg s24  }
0xb0: {  	[dreg:$0x4] =	wrdreg $0x98000  }
0xb1: {  	[dreg:$0x5] =	wrdreg $0x9  }
0xb2: {  	_ =	task.clear_ibuf [dreg:s7], $0x6FFFF;
	_ =	strace $0x9000004C  }
0xb3: {  	s29 =	simm.s32 $0x9;
	_ =	strace $0x8000004E  }
0xb4: {  	_ =	swait.ge [sflag:s29], $0x1  }
0xb5: {  	[sflag:s29] =	ssyncadd.s32 $0xFFFFFFFF  }
0xb6: {  	_ =	strace $0x9000004E  }
0xb7: {  	_ =	sfence  }
0xb8: {  	s30 =	sld [smem:$0x0];
	_ =	sdelay $0x2  }
0xb9: {  	s31 =	sshll.u32 s1, $0xD;
	s1 =	sshrl.u32 s1, $0x2  }
0xba: {  	s3 =	sand.u32 $0x4000, s31;
	s1 =	sadd.s32 s1, s30  }
0xbb: {  	s0 =	sor.u32 s3, s0;
	s1 =	sshll.u32 s1, $0x11  }
0xbc: {  	s0 =	sor.u32 s1, s0  }
0xbd: {  	s0 =	sadd.s32 $0x8F2B, s0  }
0xbe: {  	[sflag:s0] =	ssyncadd.remote.s32 $0x1  }
0xbf: {  	_ =	sfence.sel $0xFFFF  }
0xc0: {  	[dreg:$0x0] =	wrdreg $0xFFFFFFFF;
	(pc) =	sbr.abs _section_cstart, $3  }
0xc1: {  	[dreg:$0x1] =	wrdreg $0xFFFFFFFF  }
0xc2: {  	_ =	task.clear_ibuf [dreg:s7], $0x2FFFF;
	_ =	strace $0x9FFFFFFF  }
0xc3: {  	(tm) =	ssettm $0x7FFFFFFF  }
tec
execute0_lowered:
.L_overlay_start_1:
0x0: {  	(tag) =	ssettag $0x1  }
0x1: {  	s1 =	rddreg [dreg:$0x0]  }
0x2: {  	s0 =	srdreg.scid;
	s2 =	rddreg [dreg:$0x1]  }
0x3: {  	s8 =	stileid.u32;
	s3 =	rddreg [dreg:$0x2];
	s5 =	simm.s32 $0x0  }
0x4: {  	s17 =	simm.s32 $0x1800;
	s18 =	simm.s32 $0x5;
	s28 =	simm.s32 $0x7800  }
0x5: {  	s29 =	simm.s32 $0x1;
	s30 =	simm.s32 $0x1600;
	s31 =	simm.s32 $0x2  }
0x6: {  	s0 =	sand.u32 $0x1, s0;
	[smem:$0x7FF] =	sst s5;
	s19 =	smul.u32 $0x50000, s8  }
0x7: {  	s26 =	smul.u32 $0x2800, s8;
	s4 =	sshll.u32 s0, $0x4;
	_ =	strace $0x8000004D  }
0x8: {  	s6 =	smul.u32 $0x28000, s0;
	s0 =	ssub.s32 $0x2, s0;
	s4 =	sor.u32 s8, s4  }
0x9: {  	s7 =	sshrl.u32 s0, $0x1;
	s5 =	sshrl.u32 s19, $0x2;
	s19 =	simm.s32 $0x40  }
0xa: {  	s8 =	simm.s32 $0x0;
	s4 =	smul.u32 $0x280, s4;
	s5 =	sadd.s32 s5, s3  }
0xb: {  	s0 =	ssub.s32 s0, s7;
	s7 =	simm.s32 $0x1780;
	s20 =	sadd.s32 $0x2000, s5  }
0xc: {  	s21 =	sadd.s32 $0x4000, s5;
	s22 =	sadd.s32 $0x6000, s5;
	[dreg:$0x4] =	wrdreg s20  }
0xd: {  	s23 =	sadd.s32 $0x8000, s5;
	s24 =	sadd.s32 $0xA000, s5;
	[dreg:$0x5] =	wrdreg s21  }
0xe: {  	s25 =	sadd.s32 $0xC000, s5;
	s12 =	sadd.s32 $0xE000, s5;
	[dreg:$0x6] =	wrdreg s22  }
0xf: {  	s13 =	sadd.s32 $0x10000, s5;
	s14 =	sadd.s32 $0x12000, s5;
	[dreg:$0x7] =	wrdreg s23  }
0x10: {  	s16 =	smax.u32 s0, $0x1;
	s0 =	simm.s32 $0x1700;
	[dreg:$0x8] =	wrdreg s24  }
0x11: {  	s4 =	sadd.s32 s4, s2;
	s2 =	sadd.s32 s6, s2;
	[dreg:$0x9] =	wrdreg s25  }
0x12: {  	s20 =	simm.s32 $0x1400;
	s21 =	simm.s32 $0x1480;
	s22 =	simm.s32 $0x3800  }
0x13: {  	s23 =	simm.s32 $0x1500;
	s25 =	simm.s32 $0x5800;
	s6 =	simm.s32 $0x4  }
0x14: {  	s15 =	sadd.s32 $0xC400, s4;
	s2 =	sadd.s32 $0x11400, s2;
	s4 =	simm.s32 $0x3  }
0x15: {  	v0 =	vimm.f32 $0.0e+00;
	s24 =	sadd.s32 s26, s2;
	s26 =	simm.s32 $0x1580;
	s2 =	simm.s32 $0x1680  }
.LBB2_1:
0x16: {  	s9 =	simm.s32 $0x0;
	s10 =	simm.s32 $0x200  }
.LBB2_2:
0x17: {  	p0 =	sne.s32 s10, $0x7E00;
	[tilespmem:s9+$0x1870] =	vst v0  }
0x18: {  	[tilespmem:s9+$0x1800] =	vst v0  }
0x19: {  	[tilespmem:s9+$0x1810] =	vst v0  }
.Ltmp0:
0x1a: {  	[tilespmem:s9+$0x1820] =	vst v0;
	(pc) =	sbr.rel @p0 .LBB2_2-.Ltmp0, $4  }
0x1b: {  	[tilespmem:s9+$0x1830] =	vst v0  }
0x1c: {  	[tilespmem:s9+$0x1840] =	vst v0  }
0x1d: {  	[tilespmem:s9+$0x1850] =	vst v0  }
0x1e: {  	[tilespmem:s9+$0x1860] =	vst v0;
	s9 =	sshra.s32 s10, $0x2;
	s10 =	sadd.s32 $0x200, s10  }
0x1f: {  	[tilespmem:s9+$0x1870] =	vst v0  }
0x20: {  	[tilespmem:s9+$0x1800] =	vst v0  }
0x21: {  	[tilespmem:s9+$0x1810] =	vst v0  }
0x22: {  	[tilespmem:s9+$0x1820] =	vst v0  }
0x23: {  	[tilespmem:s9+$0x1830] =	vst v0  }
0x24: {  	[tilespmem:s9+$0x1840] =	vst v0  }
0x25: {  	[tilespmem:s9+$0x1850] =	vst v0  }
0x26: {  	[tilespmem:s9+$0x1860] =	vst v0  }
0x27: {  	[spmem:s5] =	stream.linear.scatter [tilespmem:s17], [sflag:$0x5], $0x2000, $0x38;
	[tilespmem:$0x1D800] =	vst v63  }
0x28: {  	_ =	swait.ge [sflag:s18], $0x2000  }
0x29: {  	[sflag:s18] =	ssyncset.done $0x0  }
0x2a: {  	s11 =	rddreg [dreg:$0x4];
	[sflag:s18] =	ssyncadd.s32 $0xFFFFE000  }
0x2b: {  	[spmem:s11] =	stream.linear.scatter [tilespmem:s17], [sflag:$0x5], $0x2000, $0x38;
	[tilespmem:$0x1D800] =	vst v63  }
0x2c: {  	_ =	swait.ge [sflag:s18], $0x2000  }
0x2d: {  	[sflag:s18] =	ssyncset.done $0x0  }
0x2e: {  	s10 =	rddreg [dreg:$0x5];
	[sflag:s18] =	ssyncadd.s32 $0xFFFFE000  }
0x2f: {  	[spmem:s10] =	stream.linear.scatter [tilespmem:s17], [sflag:$0x5], $0x2000, $0x38;
	[tilespmem:$0x1D800] =	vst v63  }
0x30: {  	_ =	swait.ge [sflag:s18], $0x2000  }
0x31: {  	[sflag:s18] =	ssyncset.done $0x0  }
0x32: {  	s11 =	rddreg [dreg:$0x6];
	[sflag:s18] =	ssyncadd.s32 $0xFFFFE000  }
0x33: {  	[spmem:s11] =	stream.linear.scatter [tilespmem:s17], [sflag:$0x5], $0x2000, $0x38;
	[tilespmem:$0x1D800] =	vst v63  }
0x34: {  	_ =	swait.ge [sflag:s18], $0x2000  }
0x35: {  	[sflag:s18] =	ssyncset.done $0x0  }
0x36: {  	s10 =	rddreg [dreg:$0x7];
	[sflag:s18] =	ssyncadd.s32 $0xFFFFE000  }
0x37: {  	[spmem:s10] =	stream.linear.scatter [tilespmem:s17], [sflag:$0x5], $0x2000, $0x38;
	[tilespmem:$0x1D800] =	vst v63  }
0x38: {  	_ =	swait.ge [sflag:s18], $0x2000  }
0x39: {  	[sflag:s18] =	ssyncset.done $0x0  }
0x3a: {  	s11 =	rddreg [dreg:$0x8];
	[sflag:s18] =	ssyncadd.s32 $0xFFFFE000  }
0x3b: {  	[spmem:s11] =	stream.linear.scatter [tilespmem:s17], [sflag:$0x5], $0x2000, $0x38;
	[tilespmem:$0x1D800] =	vst v63  }
0x3c: {  	_ =	swait.ge [sflag:s18], $0x2000  }
0x3d: {  	[sflag:s18] =	ssyncset.done $0x0  }
0x3e: {  	s10 =	rddreg [dreg:$0x9];
	[sflag:s18] =	ssyncadd.s32 $0xFFFFE000  }
0x3f: {  	[spmem:s10] =	stream.linear.scatter [tilespmem:s17], [sflag:$0x5], $0x2000, $0x38;
	[tilespmem:$0x1D800] =	vst v63  }
0x40: {  	_ =	swait.ge [sflag:s18], $0x2000  }
0x41: {  	[sflag:s18] =	ssyncset.done $0x0  }
0x42: {  	[sflag:s18] =	ssyncadd.s32 $0xFFFFE000  }
0x43: {  	[spmem:s12] =	stream.linear.scatter [tilespmem:s17], [sflag:$0x5], $0x2000, $0x38;
	[tilespmem:$0x1D800] =	vst v63  }
0x44: {  	_ =	swait.ge [sflag:s18], $0x2000  }
0x45: {  	[sflag:s18] =	ssyncset.done $0x0  }
0x46: {  	[sflag:s18] =	ssyncadd.s32 $0xFFFFE000  }
0x47: {  	[spmem:s13] =	stream.linear.scatter [tilespmem:s17], [sflag:$0x5], $0x2000, $0x38;
	[tilespmem:$0x1D800] =	vst v63  }
0x48: {  	_ =	swait.ge [sflag:s18], $0x2000  }
0x49: {  	[sflag:s18] =	ssyncset.done $0x0  }
0x4a: {  	[sflag:s18] =	ssyncadd.s32 $0xFFFFE000  }
0x4b: {  	[spmem:s14] =	stream.linear.scatter [tilespmem:s17], [sflag:$0x5], $0x2000, $0x38;
	[tilespmem:$0x1D800] =	vst v63  }
0x4c: {  	_ =	swait.ge [sflag:s18], $0x2000  }
0x4d: {  	[sflag:s18] =	ssyncset.done $0x0  }
0x4e: {  	[sflag:s18] =	ssyncadd.s32 $0xFFFFE000  }
0x4f: {  	s11 =	simm.s32 $0x0;
	[bflag:$0x0] =	sbarrier.arrive $0xFFFF  }
0x50: {  	[tilespmem:s11], [sflag:$0x5] =	stream.linear.gather [hbm4b:s15+s11], $0x1400, $0x38;
	[tilespmem:$0x1D800] =	vst v63  }
0x51: {  	_ =	swait.ge [sflag:s18], $0x1400  }
0x52: {  	[sflag:s18] =	ssyncset.done $0x0  }
0x53: {  	[sflag:s18] =	ssyncadd.s32 $0xFFFFEC00  }
0x54: {  	v1 =	vld [tilespmem:$0x0];
	_ =	sdelay $0x1  }
0x55: {  	v2 =	vld [tilespmem:$0x10];
	_ =	sdelay $0x1  }
0x56: {  	v3 =	vld [tilespmem:$0x20]  }
0x57: {  	v4 =	vshrl.u32 v1, $0xE  }
0x58: {  	v57 =	vld [tilespmem:$0x30];
	v1 =	vand.u32 $0x3FFF, v1;
	[tilespmem:$0x1400] =	vst v4  }
0x59: {  	[tilespmem:$0x1600] =	vst v1;
	v1 =	vshrl.u32 v2, $0xE  }
0x5a: {  	[tilespmem:$0x1410] =	vst v1;
	v1 =	vand.u32 $0x3FFF, v2  }
0x5b: {  	[tilespmem:$0x1610] =	vst v1;
	v1 =	vshrl.u32 v3, $0xE  }
0x5c: {  	[tilespmem:$0x1420] =	vst v1;
	v1 =	vand.u32 $0x3FFF, v3  }
0x5d: {  	[tilespmem:$0x1620] =	vst v1;
	v1 =	vshrl.u32 v57, $0xE  }
0x5e: {  	[tilespmem:$0x1430] =	vst v1;
	v1 =	vand.u32 $0x3FFF, v57  }
0x5f: {  	[tilespmem:$0x1630] =	vst v1  }
0x60: {  	[tilespmem:s17], [sflag:$0x1] =	stream.indirect.gather [hbm4b:s1+s19], $0x80, s20, s19, $0xb8;
	[tilespmem:$0x1D800] =	vst v63  }
0x61: {  	v1 =	vld [tilespmem:$0x40];
	_ =	sdelay $0x1  }
0x62: {  	v2 =	vld [tilespmem:$0x50];
	_ =	sdelay $0x1  }
0x63: {  	v3 =	vld [tilespmem:$0x60]  }
0x64: {  	v58 =	vshrl.u32 v1, $0xE  }
0x65: {  	v59 =	vld [tilespmem:$0x70];
	v1 =	vand.u32 $0x3FFF, v1;
	[tilespmem:$0x1480] =	vst v58  }
0x66: {  	[tilespmem:$0x1680] =	vst v1;
	v1 =	vshrl.u32 v2, $0xE  }
0x67: {  	[tilespmem:$0x1490] =	vst v1;
	v1 =	vand.u32 $0x3FFF, v2  }
0x68: {  	[tilespmem:$0x1690] =	vst v1;
	v1 =	vshrl.u32 v3, $0xE  }
0x69: {  	[tilespmem:$0x14A0] =	vst v1;
	v1 =	vand.u32 $0x3FFF, v3  }
0x6a: {  	[tilespmem:$0x16A0] =	vst v1;
	v1 =	vshrl.u32 v59, $0xE  }
0x6b: {  	[tilespmem:$0x14B0] =	vst v1;
	v1 =	vand.u32 $0x3FFF, v59  }
0x6c: {  	[tilespmem:$0x16B0] =	vst v1  }
0x6d: {  	[tilespmem:s22], [sflag:$0x2] =	stream.indirect.gather [hbm4b:s1+s19], $0x80, s21, s19, $0xb8;
	[tilespmem:$0x1D800] =	vst v63  }
0x6e: {  	v1 =	vld [tilespmem:$0x80];
	_ =	sdelay $0x1  }
0x6f: {  	v2 =	vld [tilespmem:$0x90];
	_ =	sdelay $0x1  }
0x70: {  	v3 =	vld [tilespmem:$0xA0]  }
0x71: {  	v60 =	vshrl.u32 v1, $0xE  }
0x72: {  	v61 =	vld [tilespmem:$0xB0];
	v1 =	vand.u32 $0x3FFF, v1;
	[tilespmem:$0x1500] =	vst v60  }
0x73: {  	[tilespmem:$0x1700] =	vst v1;
	v1 =	vshrl.u32 v2, $0xE  }
0x74: {  	[tilespmem:$0x1510] =	vst v1;
	v1 =	vand.u32 $0x3FFF, v2  }
0x75: {  	[tilespmem:$0x1710] =	vst v1;
	v1 =	vshrl.u32 v3, $0xE  }
0x76: {  	[tilespmem:$0x1520] =	vst v1;
	v1 =	vand.u32 $0x3FFF, v3  }
0x77: {  	[tilespmem:$0x1720] =	vst v1;
	v1 =	vshrl.u32 v61, $0xE  }
0x78: {  	[tilespmem:$0x1530] =	vst v1;
	v1 =	vand.u32 $0x3FFF, v61  }
0x79: {  	[tilespmem:$0x1730] =	vst v1  }
0x7a: {  	[tilespmem:s25], [sflag:$0x3] =	stream.indirect.gather [hbm4b:s1+s19], $0x80, s23, s19, $0xb8;
	[tilespmem:$0x1D800] =	vst v63  }
0x7b: {  	v1 =	vld [tilespmem:$0xC0];
	_ =	sdelay $0x1  }
0x7c: {  	v2 =	vld [tilespmem:$0xD0];
	_ =	sdelay $0x1  }
0x7d: {  	v3 =	vld [tilespmem:$0xE0]  }
0x7e: {  	v62 =	vshrl.u32 v1, $0xE  }
0x7f: {  	v63 =	vld [tilespmem:$0xF0];
	v1 =	vand.u32 $0x3FFF, v1;
	[tilespmem:$0x1580] =	vst v62  }
0x80: {  	[tilespmem:$0x1780] =	vst v1;
	v1 =	vshrl.u32 v2, $0xE  }
0x81: {  	[tilespmem:$0x1590] =	vst v1;
	v1 =	vand.u32 $0x3FFF, v2  }
0x82: {  	[tilespmem:$0x1790] =	vst v1;
	v1 =	vshrl.u32 v3, $0xE  }
0x83: {  	[tilespmem:$0x15A0] =	vst v1;
	v1 =	vand.u32 $0x3FFF, v3  }
0x84: {  	[tilespmem:$0x17A0] =	vst v1;
	v1 =	vshrl.u32 v63, $0xE  }
0x85: {  	[tilespmem:$0x15B0] =	vst v1;
	v1 =	vand.u32 $0x3FFF, v63  }
0x86: {  	[tilespmem:$0x17B0] =	vst v1  }
0x87: {  	[tilespmem:s28], [sflag:$0x4] =	stream.indirect.gather [hbm4b:s1+s19], $0x80, s26, s19, $0xb8;
	[tilespmem:$0x1D800] =	vst v63  }
0x88: {  	_ =	swait.ge [sflag:s29], $0x2000  }
0x89: {  	[sflag:s29] =	ssyncset.done $0x0  }
0x8a: {  	[sflag:s29] =	ssyncadd.s32 $0xFFFFE000  }
0x8b: {  	[spmem:s3] =	stream.indirect.scatter.add.f32 [tilespmem:s17], [sflag:$0x5], $0x80, s30, s19, $0xb8;
	[tilespmem:$0x1D800] =	vst v63  }
0x8c: {  	_ =	swait.ge [sflag:s18], $0x2000  }
0x8d: {  	[sflag:s18] =	ssyncset.done $0x0  }
0x8e: {  	s9 =	simm.s32 $0x1F0;
	[sflag:s18] =	ssyncadd.s32 $0xFFFFE000  }
0x8f: {  	v1 =	vld [tilespmem:s9+$0xFFFFFF10];
	_ =	sdelay $0x4  }
0x90: {  	v2 =	vshrl.u32 v1, $0xE  }
0x91: {  	v1 =	vand.u32 $0x3FFF, v1;
	[tilespmem:$0x1400] =	vst v2  }
0x92: {  	[tilespmem:$0x1600] =	vst v1  }
0x93: {  	v1 =	vld [tilespmem:s9+$0xFFFFFF20];
	_ =	sdelay $0x4  }
0x94: {  	v2 =	vshrl.u32 v1, $0xE  }
0x95: {  	v1 =	vand.u32 $0x3FFF, v1;
	[tilespmem:$0x1410] =	vst v2  }
0x96: {  	[tilespmem:$0x1610] =	vst v1  }
0x97: {  	v1 =	vld [tilespmem:s9+$0xFFFFFF30];
	_ =	sdelay $0x4  }
0x98: {  	v2 =	vshrl.u32 v1, $0xE  }
0x99: {  	v1 =	vand.u32 $0x3FFF, v1;
	[tilespmem:$0x1420] =	vst v2  }
0x9a: {  	[tilespmem:$0x1620] =	vst v1  }
0x9b: {  	v1 =	vld [tilespmem:s9+$0xFFFFFF40];
	_ =	sdelay $0x4  }
0x9c: {  	v2 =	vshrl.u32 v1, $0xE  }
0x9d: {  	v1 =	vand.u32 $0x3FFF, v1;
	[tilespmem:$0x1430] =	vst v2  }
0x9e: {  	[tilespmem:$0x1630] =	vst v1  }
0x9f: {  	[tilespmem:s17], [sflag:$0x1] =	stream.indirect.gather [hbm4b:s1+s19], $0x80, s20, s19, $0xb8;
	[tilespmem:$0x1D800] =	vst v63  }
0xa0: {  	_ =	swait.ge [sflag:s31], $0x2000  }
0xa1: {  	[sflag:s31] =	ssyncset.done $0x0  }
0xa2: {  	[sflag:s31] =	ssyncadd.s32 $0xFFFFE000  }
0xa3: {  	[spmem:s3] =	stream.indirect.scatter.add.f32 [tilespmem:s22], [sflag:$0x5], $0x80, s2, s19, $0xb8;
	[tilespmem:$0x1D800] =	vst v63  }
0xa4: {  	_ =	swait.ge [sflag:s18], $0x2000  }
0xa5: {  	[sflag:s18] =	ssyncset.done $0x0  }
0xa6: {  	[sflag:s18] =	ssyncadd.s32 $0xFFFFE000  }
0xa7: {  	v1 =	vld [tilespmem:s9+$0xFFFFFF50];
	_ =	sdelay $0x4  }
0xa8: {  	v2 =	vshrl.u32 v1, $0xE  }
0xa9: {  	v1 =	vand.u32 $0x3FFF, v1;
	[tilespmem:$0x1480] =	vst v2  }
0xaa: {  	[tilespmem:$0x1680] =	vst v1  }
0xab: {  	v1 =	vld [tilespmem:s9+$0xFFFFFF60];
	_ =	sdelay $0x4  }
0xac: {  	v2 =	vshrl.u32 v1, $0xE  }
0xad: {  	v1 =	vand.u32 $0x3FFF, v1;
	[tilespmem:$0x1490] =	vst v2  }
0xae: {  	[tilespmem:$0x1690] =	vst v1  }
0xaf: {  	v1 =	vld [tilespmem:s9+$0xFFFFFF70];
	_ =	sdelay $0x4  }
0xb0: {  	v2 =	vshrl.u32 v1, $0xE  }
0xb1: {  	v1 =	vand.u32 $0x3FFF, v1;
	[tilespmem:$0x14A0] =	vst v2  }
0xb2: {  	[tilespmem:$0x16A0] =	vst v1  }
0xb3: {  	v1 =	vld [tilespmem:s9+$0xFFFFFF80];
	_ =	sdelay $0x4  }
0xb4: {  	v2 =	vshrl.u32 v1, $0xE  }
0xb5: {  	v1 =	vand.u32 $0x3FFF, v1;
	[tilespmem:$0x14B0] =	vst v2  }
0xb6: {  	[tilespmem:$0x16B0] =	vst v1  }
0xb7: {  	[tilespmem:s22], [sflag:$0x2] =	stream.indirect.gather [hbm4b:s1+s19], $0x80, s21, s19, $0xb8;
	[tilespmem:$0x1D800] =	vst v63  }
0xb8: {  	_ =	swait.ge [sflag:s4], $0x2000  }
0xb9: {  	[sflag:s4] =	ssyncset.done $0x0  }
0xba: {  	[sflag:s4] =	ssyncadd.s32 $0xFFFFE000  }
0xbb: {  	[spmem:s3] =	stream.indirect.scatter.add.f32 [tilespmem:s25], [sflag:$0x5], $0x80, s0, s19, $0xb8;
	[tilespmem:$0x1D800] =	vst v63  }
0xbc: {  	_ =	swait.ge [sflag:s18], $0x2000  }
0xbd: {  	[sflag:s18] =	ssyncset.done $0x0  }
0xbe: {  	[sflag:s18] =	ssyncadd.s32 $0xFFFFE000  }
0xbf: {  	v1 =	vld [tilespmem:s9+$0xFFFFFF90];
	_ =	sdelay $0x4  }
0xc0: {  	v2 =	vshrl.u32 v1, $0xE  }
0xc1: {  	v1 =	vand.u32 $0x3FFF, v1;
	[tilespmem:$0x1500] =	vst v2  }
0xc2: {  	[tilespmem:$0x1700] =	vst v1  }
0xc3: {  	v1 =	vld [tilespmem:s9+$0xFFFFFFA0];
	_ =	sdelay $0x4  }
0xc4: {  	v2 =	vshrl.u32 v1, $0xE  }
0xc5: {  	v1 =	vand.u32 $0x3FFF, v1;
	[tilespmem:$0x1510] =	vst v2  }
0xc6: {  	[tilespmem:$0x1710] =	vst v1  }
0xc7: {  	v1 =	vld [tilespmem:s9+$0xFFFFFFB0];
	_ =	sdelay $0x4  }
0xc8: {  	v2 =	vshrl.u32 v1, $0xE  }
0xc9: {  	v1 =	vand.u32 $0x3FFF, v1;
	[tilespmem:$0x1520] =	vst v2  }
0xca: {  	[tilespmem:$0x1720] =	vst v1  }
0xcb: {  	v1 =	vld [tilespmem:s9+$0xFFFFFFC0];
	_ =	sdelay $0x4  }
0xcc: {  	v2 =	vshrl.u32 v1, $0xE  }
0xcd: {  	v1 =	vand.u32 $0x3FFF, v1;
	[tilespmem:$0x1530] =	vst v2  }
0xce: {  	[tilespmem:$0x1730] =	vst v1  }
0xcf: {  	[tilespmem:s25], [sflag:$0x3] =	stream.indirect.gather [hbm4b:s1+s19], $0x80, s23, s19, $0xb8;
	[tilespmem:$0x1D800] =	vst v63  }
0xd0: {  	_ =	swait.ge [sflag:s6], $0x2000  }
0xd1: {  	[sflag:s6] =	ssyncset.done $0x0  }
0xd2: {  	[sflag:s6] =	ssyncadd.s32 $0xFFFFE000  }
0xd3: {  	[spmem:s3] =	stream.indirect.scatter.add.f32 [tilespmem:s28], [sflag:$0x5], $0x80, s7, s19, $0xb8;
	[tilespmem:$0x1D800] =	vst v63  }
0xd4: {  	_ =	swait.ge [sflag:s18], $0x2000  }
0xd5: {  	[sflag:s18] =	ssyncset.done $0x0  }
0xd6: {  	[sflag:s18] =	ssyncadd.s32 $0xFFFFE000  }
0xd7: {  	v1 =	vld [tilespmem:s9+$0xFFFFFFD0];
	_ =	sdelay $0x4  }
0xd8: {  	v2 =	vshrl.u32 v1, $0xE  }
0xd9: {  	v1 =	vand.u32 $0x3FFF, v1;
	[tilespmem:$0x1580] =	vst v2  }
0xda: {  	[tilespmem:$0x1780] =	vst v1  }
0xdb: {  	v1 =	vld [tilespmem:s9+$0xFFFFFFE0];
	_ =	sdelay $0x4  }
0xdc: {  	v2 =	vshrl.u32 v1, $0xE  }
0xdd: {  	v1 =	vand.u32 $0x3FFF, v1;
	[tilespmem:$0x1590] =	vst v2  }
0xde: {  	s10 =	simm.s32 $0xBC0;
	[tilespmem:$0x1790] =	vst v1  }
.LBB2_4:
0xdf: {  	p0 =	sne.s32 s10, $0x4FC0;
	v1 =	vld [tilespmem:s9+$0xFFFFFFF0];
	s11 =	smov.u32 s10;
	s10 =	sadd.s32 $0x400, s10  }
0xe0: {  	_ =	sdelay $0x3  }
0xe1: {  	v2 =	vshrl.u32 v1, $0xE;
	v1 =	vand.u32 $0x3FFF, v1  }
0xe2: {  	[tilespmem:$0x15A0] =	vst v2  }
0xe3: {  	[tilespmem:$0x17A0] =	vst v1  }
0xe4: {  	v1 =	vld [tilespmem:s9+$0x0];
	_ =	sdelay $0x4  }
0xe5: {  	v2 =	vshrl.u32 v1, $0xE;
	v1 =	vand.u32 $0x3FFF, v1  }
0xe6: {  	[tilespmem:$0x15B0] =	vst v2  }
0xe7: {  	[tilespmem:$0x17B0] =	vst v1  }
0xe8: {  	[tilespmem:s28], [sflag:$0x4] =	stream.indirect.gather [hbm4b:s1+s19], $0x80, s26, s19, $0xb8;
	[tilespmem:$0x1D800] =	vst v63  }
0xe9: {  	_ =	swait.ge [sflag:s29], $0x2000  }
0xea: {  	[sflag:s29] =	ssyncset.done $0x0  }
0xeb: {  	[sflag:s29] =	ssyncadd.s32 $0xFFFFE000  }
0xec: {  	[spmem:s3] =	stream.indirect.scatter.add.f32 [tilespmem:s17], [sflag:$0x5], $0x80, s30, s19, $0xb8;
	[tilespmem:$0x1D800] =	vst v63  }
0xed: {  	_ =	swait.ge [sflag:s18], $0x2000  }
0xee: {  	[sflag:s18] =	ssyncset.done $0x0  }
0xef: {  	s9 =	sshra.s32 s11, $0x2;
	[sflag:s18] =	ssyncadd.s32 $0xFFFFE000  }
0xf0: {  	v1 =	vld [tilespmem:s9+$0xFFFFFF10];
	_ =	sdelay $0x4  }
0xf1: {  	v2 =	vshrl.u32 v1, $0xE;
	v1 =	vand.u32 $0x3FFF, v1  }
0xf2: {  	[tilespmem:$0x1400] =	vst v2  }
0xf3: {  	[tilespmem:$0x1600] =	vst v1  }
0xf4: {  	v1 =	vld [tilespmem:s9+$0xFFFFFF20];
	_ =	sdelay $0x4  }
0xf5: {  	v2 =	vshrl.u32 v1, $0xE;
	v1 =	vand.u32 $0x3FFF, v1  }
0xf6: {  	[tilespmem:$0x1410] =	vst v2  }
0xf7: {  	[tilespmem:$0x1610] =	vst v1  }
0xf8: {  	v1 =	vld [tilespmem:s9+$0xFFFFFF30];
	_ =	sdelay $0x4  }
0xf9: {  	v2 =	vshrl.u32 v1, $0xE;
	v1 =	vand.u32 $0x3FFF, v1  }
0xfa: {  	[tilespmem:$0x1420] =	vst v2  }
0xfb: {  	[tilespmem:$0x1620] =	vst v1  }
0xfc: {  	v1 =	vld [tilespmem:s9+$0xFFFFFF40];
	_ =	sdelay $0x4  }
0xfd: {  	v2 =	vshrl.u32 v1, $0xE;
	v1 =	vand.u32 $0x3FFF, v1  }
0xfe: {  	[tilespmem:$0x1430] =	vst v2  }
0xff: {  	[tilespmem:$0x1630] =	vst v1  }
0x100: {  	[tilespmem:s17], [sflag:$0x1] =	stream.indirect.gather [hbm4b:s1+s19], $0x80, s20, s19, $0xb8;
	[tilespmem:$0x1D800] =	vst v63  }
0x101: {  	_ =	swait.ge [sflag:s31], $0x2000  }
0x102: {  	[sflag:s31] =	ssyncset.done $0x0  }
0x103: {  	[sflag:s31] =	ssyncadd.s32 $0xFFFFE000  }
0x104: {  	[spmem:s3] =	stream.indirect.scatter.add.f32 [tilespmem:s22], [sflag:$0x5], $0x80, s2, s19, $0xb8;
	[tilespmem:$0x1D800] =	vst v63  }
0x105: {  	_ =	swait.ge [sflag:s18], $0x2000  }
0x106: {  	[sflag:s18] =	ssyncset.done $0x0  }
0x107: {  	[sflag:s18] =	ssyncadd.s32 $0xFFFFE000  }
0x108: {  	v1 =	vld [tilespmem:s9+$0xFFFFFF50];
	_ =	sdelay $0x4  }
0x109: {  	v2 =	vshrl.u32 v1, $0xE;
	v1 =	vand.u32 $0x3FFF, v1  }
0x10a: {  	[tilespmem:$0x1480] =	vst v2  }
0x10b: {  	[tilespmem:$0x1680] =	vst v1  }
0x10c: {  	v1 =	vld [tilespmem:s9+$0xFFFFFF60];
	_ =	sdelay $0x4  }
0x10d: {  	v2 =	vshrl.u32 v1, $0xE;
	v1 =	vand.u32 $0x3FFF, v1  }
0x10e: {  	[tilespmem:$0x1490] =	vst v2  }
0x10f: {  	[tilespmem:$0x1690] =	vst v1  }
0x110: {  	v1 =	vld [tilespmem:s9+$0xFFFFFF70];
	_ =	sdelay $0x4  }
0x111: {  	v2 =	vshrl.u32 v1, $0xE;
	v1 =	vand.u32 $0x3FFF, v1  }
0x112: {  	[tilespmem:$0x14A0] =	vst v2  }
0x113: {  	[tilespmem:$0x16A0] =	vst v1  }
0x114: {  	v1 =	vld [tilespmem:s9+$0xFFFFFF80];
	_ =	sdelay $0x4  }
0x115: {  	v2 =	vshrl.u32 v1, $0xE;
	v1 =	vand.u32 $0x3FFF, v1  }
0x116: {  	[tilespmem:$0x14B0] =	vst v2  }
0x117: {  	[tilespmem:$0x16B0] =	vst v1  }
0x118: {  	[tilespmem:s22], [sflag:$0x2] =	stream.indirect.gather [hbm4b:s1+s19], $0x80, s21, s19, $0xb8;
	[tilespmem:$0x1D800] =	vst v63  }
0x119: {  	_ =	swait.ge [sflag:s4], $0x2000  }
0x11a: {  	[sflag:s4] =	ssyncset.done $0x0  }
0x11b: {  	[sflag:s4] =	ssyncadd.s32 $0xFFFFE000  }
0x11c: {  	[spmem:s3] =	stream.indirect.scatter.add.f32 [tilespmem:s25], [sflag:$0x5], $0x80, s0, s19, $0xb8;
	[tilespmem:$0x1D800] =	vst v63  }
0x11d: {  	_ =	swait.ge [sflag:s18], $0x2000  }
0x11e: {  	[sflag:s18] =	ssyncset.done $0x0  }
0x11f: {  	[sflag:s18] =	ssyncadd.s32 $0xFFFFE000  }
0x120: {  	v1 =	vld [tilespmem:s9+$0xFFFFFF90];
	_ =	sdelay $0x4  }
0x121: {  	v2 =	vshrl.u32 v1, $0xE;
	v1 =	vand.u32 $0x3FFF, v1  }
0x122: {  	[tilespmem:$0x1500] =	vst v2  }
0x123: {  	[tilespmem:$0x1700] =	vst v1  }
0x124: {  	v1 =	vld [tilespmem:s9+$0xFFFFFFA0];
	_ =	sdelay $0x4  }
0x125: {  	v2 =	vshrl.u32 v1, $0xE;
	v1 =	vand.u32 $0x3FFF, v1  }
0x126: {  	[tilespmem:$0x1510] =	vst v2  }
0x127: {  	[tilespmem:$0x1710] =	vst v1  }
0x128: {  	v1 =	vld [tilespmem:s9+$0xFFFFFFB0];
	_ =	sdelay $0x4  }
0x129: {  	v2 =	vshrl.u32 v1, $0xE;
	v1 =	vand.u32 $0x3FFF, v1  }
0x12a: {  	[tilespmem:$0x1520] =	vst v2  }
0x12b: {  	[tilespmem:$0x1720] =	vst v1  }
0x12c: {  	v1 =	vld [tilespmem:s9+$0xFFFFFFC0];
	_ =	sdelay $0x4  }
0x12d: {  	v2 =	vshrl.u32 v1, $0xE;
	v1 =	vand.u32 $0x3FFF, v1  }
0x12e: {  	[tilespmem:$0x1530] =	vst v2  }
0x12f: {  	[tilespmem:$0x1730] =	vst v1  }
0x130: {  	[tilespmem:s25], [sflag:$0x3] =	stream.indirect.gather [hbm4b:s1+s19], $0x80, s23, s19, $0xb8;
	[tilespmem:$0x1D800] =	vst v63  }
0x131: {  	_ =	swait.ge [sflag:s6], $0x2000  }
0x132: {  	[sflag:s6] =	ssyncset.done $0x0  }
0x133: {  	[sflag:s6] =	ssyncadd.s32 $0xFFFFE000  }
0x134: {  	[spmem:s3] =	stream.indirect.scatter.add.f32 [tilespmem:s28], [sflag:$0x5], $0x80, s7, s19, $0xb8;
	[tilespmem:$0x1D800] =	vst v63  }
0x135: {  	_ =	swait.ge [sflag:s18], $0x2000  }
0x136: {  	[sflag:s18] =	ssyncset.done $0x0  }
0x137: {  	[sflag:s18] =	ssyncadd.s32 $0xFFFFE000  }
0x138: {  	v1 =	vld [tilespmem:s9+$0xFFFFFFD0];
	_ =	sdelay $0x4  }
0x139: {  	v2 =	vshrl.u32 v1, $0xE;
	v1 =	vand.u32 $0x3FFF, v1  }
0x13a: {  	[tilespmem:$0x1580] =	vst v2  }
0x13b: {  	[tilespmem:$0x1780] =	vst v1  }
0x13c: {  	v1 =	vld [tilespmem:s9+$0xFFFFFFE0];
	_ =	sdelay $0x2  }
.Ltmp1:
0x13d: {  	(pc) =	sbr.rel @p0 .LBB2_4-.Ltmp1, $4  }
0x13e: {  	_ = 	snop  }
0x13f: {  	v2 =	vshrl.u32 v1, $0xE;
	v1 =	vand.u32 $0x3FFF, v1  }
0x140: {  	[tilespmem:$0x1590] =	vst v2  }
0x141: {  	[tilespmem:$0x1790] =	vst v1  }
0x142: {  	v1 =	vld [tilespmem:s9+$0xFFFFFFF0];
	_ =	sdelay $0x4  }
0x143: {  	v2 =	vshrl.u32 v1, $0xE  }
0x144: {  	v1 =	vand.u32 $0x3FFF, v1;
	[tilespmem:$0x15A0] =	vst v2  }
0x145: {  	[tilespmem:$0x17A0] =	vst v1  }
0x146: {  	v1 =	vld [tilespmem:s9+$0x0];
	_ =	sdelay $0x4  }
0x147: {  	v2 =	vshrl.u32 v1, $0xE  }
0x148: {  	v1 =	vand.u32 $0x3FFF, v1;
	[tilespmem:$0x15B0] =	vst v2  }
0x149: {  	[tilespmem:$0x17B0] =	vst v1  }
0x14a: {  	[tilespmem:s28], [sflag:$0x4] =	stream.indirect.gather [hbm4b:s1+s19], $0x80, s26, s19, $0xb8;
	[tilespmem:$0x1D800] =	vst v63  }
0x14b: {  	_ =	swait.ge [sflag:s29], $0x2000  }
0x14c: {  	[sflag:s29] =	ssyncset.done $0x0  }
0x14d: {  	[sflag:s29] =	ssyncadd.s32 $0xFFFFE000  }
0x14e: {  	[spmem:s3] =	stream.indirect.scatter.add.f32 [tilespmem:s17], [sflag:$0x5], $0x80, s30, s19, $0xb8;
	[tilespmem:$0x1D800] =	vst v63  }
0x14f: {  	_ =	swait.ge [sflag:s18], $0x2000  }
0x150: {  	[sflag:s18] =	ssyncset.done $0x0  }
0x151: {  	[sflag:s18] =	ssyncadd.s32 $0xFFFFE000  }
0x152: {  	_ =	swait.ge [sflag:s31], $0x2000  }
0x153: {  	[sflag:s31] =	ssyncset.done $0x0  }
0x154: {  	[sflag:s31] =	ssyncadd.s32 $0xFFFFE000  }
0x155: {  	[spmem:s3] =	stream.indirect.scatter.add.f32 [tilespmem:s22], [sflag:$0x5], $0x80, s2, s19, $0xb8;
	[tilespmem:$0x1D800] =	vst v63  }
0x156: {  	_ =	swait.ge [sflag:s18], $0x2000  }
0x157: {  	[sflag:s18] =	ssyncset.done $0x0  }
0x158: {  	[sflag:s18] =	ssyncadd.s32 $0xFFFFE000  }
0x159: {  	_ =	swait.ge [sflag:s4], $0x2000  }
0x15a: {  	[sflag:s4] =	ssyncset.done $0x0  }
0x15b: {  	[sflag:s4] =	ssyncadd.s32 $0xFFFFE000  }
0x15c: {  	[spmem:s3] =	stream.indirect.scatter.add.f32 [tilespmem:s25], [sflag:$0x5], $0x80, s0, s19, $0xb8;
	[tilespmem:$0x1D800] =	vst v63  }
0x15d: {  	_ =	swait.ge [sflag:s18], $0x2000  }
0x15e: {  	[sflag:s18] =	ssyncset.done $0x0  }
0x15f: {  	[sflag:s18] =	ssyncadd.s32 $0xFFFFE000  }
0x160: {  	_ =	swait.ge [sflag:s6], $0x2000  }
0x161: {  	[sflag:s6] =	ssyncset.done $0x0  }
0x162: {  	[sflag:s6] =	ssyncadd.s32 $0xFFFFE000  }
0x163: {  	[spmem:s3] =	stream.indirect.scatter.add.f32 [tilespmem:s28], [sflag:$0x5], $0x80, s7, s19, $0xb8;
	[tilespmem:$0x1D800] =	vst v63  }
0x164: {  	s11 =	stileid.u32;
	_ =	swait.ge [sflag:s18], $0x2000  }
0x165: {  	s10 =	sshrl.u32 s5, $0x3;
	s8 =	sadd.s32 $0x1, s8;
	[sflag:s18] =	ssyncset.done $0x0  }
0x166: {  	p0 =	sne.s32 s8, s16;
	s9 =	sshll.u32 s11, $0x6;
	[sflag:s18] =	ssyncadd.s32 $0xFFFFE000  }
.Ltmp2:
0x167: {  	s9 =	sor.u32 $0x1C05, s9;
	[bflag:$0x0] =	sbarrier.arrive $0xFFFF;
	(pc) =	sbr.rel @p0 .LBB2_1-.Ltmp2, $4  }
0x168: {  	[hbm:s24], [sflag:s9] =	dma.local [spmem:s10], $0x2800  }
0x169: {  	_ =	swait.ge [sflag:s18], $0x2800  }
0x16a: {  	[sflag:s18] =	ssyncset.done $0x0  }
0x16b: {  	[sflag:s18] =	ssyncadd.s32 $0xFFFFD800  }
0x16c: {  	_ =	sfence.sel $0x180000  }
0x16d: {  	[bflag:$0x0] =	sbarrier.arrive $0xFFFF  }
0x16e: {  	_ =	strace $0x9000004D  }
0x16f: {  	s0 =	stileid.u32;
	[bflag:$0x2] =	sbarrier.arrive $0xFFFF  }
0x170: {  	p0 =	sne.s32 s0, $0x0;
	s0 =	rddreg [dreg:$0x3]  }
0x171: {  	s0 =	sadd.s32 @!p0 $0x100000, s0  }
0x172: {  	[sflag:s0] =	ssyncadd.tile.s32 @!p0 $0x1;
	_ =	shalt  }
.Lfunc_end2:
_tile_overlayer_lowered:
.L_overlay_start_2:
0x173: {  	(tag) =	ssettag $0x2  }
0x174: {  	s0 =	rddreg [dreg:$0x0];
	s2 =	stileid.u32  }
0x175: {  	s1 =	rddreg [dreg:$0x1];
	p0 =	sne.s32 s2, $0x0  }
0x176: {  	s3 =	rddreg [dreg:$0x2];
	[bflag:$0x3] =	sbarrier.arrive $0xFFFF;
	s2 =	simm.s32 @!p0 $0x1C05  }
0x177: {  	[timem:s3], [sflag:s2] =	dma.local @!p0 [hbm:s0], s1  }
0x178: {  	s0 =	simm.s32 @!p0 $0x5  }
0x179: {  	_ =	swait.ge @!p0 [sflag:s0], s1  }
0x17a: {  	s1 =	ssub.s32 @!p0 $0x0, s1;
	[sflag:s0] =	ssyncset.done @!p0 $0x0  }
0x17b: {  	[sflag:s0] =	ssyncadd.s32 @!p0 s1  }
0x17c: {  	[bflag:$0x3] =	sbarrier.arrive $0xFFFF  }
0x17d: {  	_ =	shalt  }

// kernel: kernel.8.cloned.1.call-start
scs
__scs_entry_jumppad:
0x0: {  	(pc) =	sbr.rel $0x88, $3  }
0x1: {  	(tag) =	ssettag $0x0;
	lr =	simm.s32 $0x1  }
0x2: {  	[smem:$0x3F9B] =	sst lr;
	_ =	strace $0xD0000000  }
0x3: {  	_ = 	snop  }
0x4: {  	_ = 	snop  }
0x5: {  	_ = 	snop  }
0x6: {  	_ = 	snop  }
0x7: {  	_ = 	snop  }
__scs_overlays_trampoline_lowered:
0x8: {  	[smem:$0x3FAA] =	sst s0  }
0x9: {  	[smem:$0x3FAB] =	sst s1  }
0xa: {  	[smem:$0x3FAC] =	sst s2  }
0xb: {  	[smem:$0x3FAD] =	sst s3  }
0xc: {  	[smem:$0x3FAE] =	sst s4  }
0xd: {  	[smem:$0x3FAF] =	sst s5  }
0xe: {  	[smem:$0x3FB0] =	sst s6  }
0xf: {  	[smem:$0x3FB1] =	sst s7  }
0x10: {  	[smem:$0x3FB2] =	sst s8  }
0x11: {  	[smem:$0x3FB3] =	sst s9;
	s0 =	simm.s32 @!p0 $0x0  }
0x12: {  	s1 =	sld [smem:$0x3F99];
	s0 =	simm.s32 @p0 $0x1  }
0x13: {  	[smem:$0x3FB4] =	sst s0;
	s0 =	simm.s32 @!p1 $0x0  }
0x14: {  	s2 =	sld [smem:$0x3F98];
	s0 =	simm.s32 @p1 $0x1  }
0x15: {  	[smem:$0x3FB5] =	sst s0;
	s0 =	simm.s32 @!p2 $0x0  }
0x16: {  	s3 =	sld [smem:$0x3FDB];
	s0 =	simm.s32 @p2 $0x1  }
0x17: {  	s4 =	simm.s32 $0x1BF5;
	[smem:$0x3FB7] =	sst s0  }
0x18: {  	s0 =	sld [smem:$0x3F9A];
	_ =	swait.ge [sflag:s4], $0x0  }
0x19: {  	s7 =	sld [smem:$0x3F9B]  }
0x1a: {  	s8 =	sadd.s32 $0xFFFFE003, lr  }
0x1b: {  	s9 =	sadd.s32 $0xFFFFFEF7, lr;
	s5 =	simm.s32 $0xFFFFFFFF;
	p2 =	slt.u32 s8, $0xFFFFF086  }
0x1c: {  	p1 =	slt.u32 s9, $0xF7A;
	s5 =	simm.s32 @!p2 $0x0  }
0x1d: {  	s5 =	simm.s32 @p1 $0x1;
	p0 =	seq.s32 s7, s2  }
0x1e: {  	s7 =	smul.u32 @!p0 $0xF7A, s2;
	p2 =	seq.s32 @!p0 s5, $0x0  }
0x1f: {  	s9 =	smul.u32 $0xF7A, s1;
	s8 =	simm.s32 @!p0 $0x1BF5;
	p2 =	por !p2, p0  }
0x20: {  	[sflag:s8] =	ssyncset.s32 @!p0 $0xFFFFF086;
	s6 =	sadd.s32 @!p0 s3, s7;
	s7 =	simm.s32 @!p0 $0x108  }
0x21: {  	s3 =	sadd.s32 s3, s9;
	s6 =	sadd.s32 @!p0 $0x88, s6;
	s7 =	simm.s32 @p2 $0x1082  }
0x22: {  	[simem:s7], [sflag:s8] =	dma.local @!p0 [hbm:s6], $0xF7A  }
0x23: {  	s9 =	sor.u32 $0xD0000000, s2;
	s6 =	simm.s32 $0x108;
	_ =	swait.ge @!p0 [sflag:s8], $0x0  }
0x24: {  	s3 =	sadd.s32 $0x88, s3;
	s6 =	simm.s32 @!p1 $0x1082;
	[sflag:s4] =	ssyncset.s32 $0xFFFFF086  }
0x25: {  	[simem:s6], [sflag:s4] =	dma.local [hbm:s3], $0xF7A  }
0x26: {  	[smem:$0x3F9B] =	sst s1;
	(tag) =	ssettag s2;
	_ =	strace s9  }
0x27: {  	s1 =	sld [smem:$0x3FAB]  }
0x28: {  	s2 =	sld [smem:$0x3FAC]  }
0x29: {  	s4 =	sld [smem:$0x3FAE]  }
0x2a: {  	p0 =	seq.s32 s5, $0x0;
	s5 =	sld [smem:$0x3FAF]  }
0x2b: {  	s6 =	sld [smem:$0x3FB0]  }
0x2c: {  	s7 =	sld [smem:$0x3FB1]  }
0x2d: {  	s3 =	simm.s32 $0x108;
	s8 =	sld [smem:$0x3FB2]  }
0x2e: {  	s3 =	simm.s32 @!p0 $0x1082;
	s9 =	sld [smem:$0x3FB3]  }
0x2f: {  	lr =	sadd.s32 s0, s3;
	s0 =	sld [smem:$0x3FAA]  }
0x30: {  	s3 =	sld [smem:$0x3FAD]  }
0x31: {  	[smem:$0x3FB6] =	sst s10  }
0x32: {  	s10 =	sld [smem:$0x3FB4];
	_ =	sdelay $0x3  }
0x33: {  	p0 =	seq.s32 s10, $0x1;
	s10 =	sld [smem:$0x3FB6];
	_ =	sdelay $0x3  }
0x34: {  	[smem:$0x3FB6] =	sst s10  }
0x35: {  	s10 =	sld [smem:$0x3FB5];
	_ =	sdelay $0x3  }
0x36: {  	p1 =	seq.s32 s10, $0x1;
	s10 =	sld [smem:$0x3FB6];
	_ =	sdelay $0x3  }
0x37: {  	[smem:$0x3FB6] =	sst s10  }
0x38: {  	s10 =	sld [smem:$0x3FB7]  }
0x39: {  	_ = 	snop;
	(pc) =	sbr.ind lr, $3  }
0x3a: {  	_ = 	snop  }
0x3b: {  	_ = 	snop  }
0x3c: {  	p2 =	seq.s32 s10, $0x1;
	s10 =	sld [smem:$0x3FB6]  }
0x3d: {  	_ =	shalt  }
0x3e: {  	_ =	shalt  }
0x3f: {  	_ =	shalt  }
0x40: {  	_ =	shalt  }
0x41: {  	_ =	shalt  }
0x42: {  	_ =	shalt  }
0x43: {  	_ =	shalt  }
0x44: {  	_ =	shalt  }
0x45: {  	_ =	shalt  }
0x46: {  	_ =	shalt  }
0x47: {  	_ =	shalt  }
0x48: {  	_ =	shalt  }
0x49: {  	_ =	shalt  }
0x4a: {  	_ =	shalt  }
0x4b: {  	_ =	shalt  }
0x4c: {  	_ =	shalt  }
0x4d: {  	_ =	shalt  }
0x4e: {  	_ =	shalt  }
0x4f: {  	_ =	shalt  }
0x50: {  	_ =	shalt  }
0x51: {  	_ =	shalt  }
0x52: {  	_ =	shalt  }
0x53: {  	_ =	shalt  }
0x54: {  	_ =	shalt  }
0x55: {  	_ =	shalt  }
0x56: {  	_ =	shalt  }
0x57: {  	_ =	shalt  }
0x58: {  	_ =	shalt  }
0x59: {  	_ =	shalt  }
0x5a: {  	_ =	shalt  }
0x5b: {  	_ =	shalt  }
0x5c: {  	_ =	shalt  }
0x5d: {  	_ =	shalt  }
0x5e: {  	_ =	shalt  }
0x5f: {  	_ =	shalt  }
0x60: {  	_ =	shalt  }
0x61: {  	_ =	shalt  }
0x62: {  	_ =	shalt  }
0x63: {  	_ =	shalt  }
0x64: {  	_ =	shalt  }
0x65: {  	_ =	shalt  }
0x66: {  	_ =	shalt  }
0x67: {  	_ =	shalt  }
0x68: {  	_ =	shalt  }
0x69: {  	_ =	shalt  }
0x6a: {  	_ =	shalt  }
0x6b: {  	_ =	shalt  }
0x6c: {  	_ =	shalt  }
0x6d: {  	_ =	shalt  }
0x6e: {  	_ =	shalt  }
0x6f: {  	_ =	shalt  }
0x70: {  	_ =	shalt  }
0x71: {  	_ =	shalt  }
0x72: {  	_ =	shalt  }
0x73: {  	_ =	shalt  }
0x74: {  	_ =	shalt  }
0x75: {  	_ =	shalt  }
0x76: {  	_ =	shalt  }
0x77: {  	_ =	shalt  }
0x78: {  	_ =	shalt  }
0x79: {  	_ =	shalt  }
0x7a: {  	_ =	shalt  }
0x7b: {  	_ =	shalt  }
0x7c: {  	_ =	shalt  }
0x7d: {  	_ =	shalt  }
0x7e: {  	_ =	shalt  }
0x7f: {  	_ =	shalt  }
0x80: {  	_ =	shalt  }
0x81: {  	_ =	shalt  }
0x82: {  	_ =	shalt  }
0x83: {  	_ =	shalt  }
0x84: {  	_ =	shalt  }
0x85: {  	_ =	shalt  }
0x86: {  	_ =	shalt  }
0x87: {  	_ =	shalt  }
.Lfunc_end0:
.L_simem_size_0:
called_computation_lowered:
.L_overlay_start_0:
0x88: {  	s2 =	sld [smem:$0x3FD9]  }
0x89: {  	s3 =	sld [smem:$0x3FFE];
	_ =	sdelay $0x1  }
0x8a: {  	s1 =	srdreg.scid  }
0x8b: {  	s0 =	sand.u32 $0x1, s1  }
0x8c: {  	s17 =	sshll.u32 s0, $0xA;
	s2 =	sadd.s32 s3, s2  }
0x8d: {  	s3 =	sadd.s32 s2, s17  }
0x8e: {  	[smem:$0x3FC2] =	sst s3  }
0x8f: {  	_ = 	snop  }
0x90: {  	(tm) =	ssettm $0x1  }
0x91: {  	s18 =	sld [smem:$0x3FFB];
	_ =	sdelay $0x3  }
0x92: {  	_ =	strace s18  }
0x93: {  	s3 =	sld [smem:$0x3FFC];
	_ =	sdelay $0x3  }
0x94: {  	_ =	strace s3  }
0x95: {  	s3 =	sld [smem:$0x3FFD];
	_ =	sdelay $0x3  }
0x96: {  	_ =	strace s3  }
0x97: {  	_ =	strace $0x8FFFFFFF  }
0x98: {  	s19 =	sld [smem:$0x3FDB];
	_ =	sdelay $0x1  }
0x99: {  	s4 =	simm.s32 $_scs_section_size  }
0x9a: {  	s5 =	simm.s32 $_size__tile_overlayer_lowered;
	s6 =	simm.s32 $_tile_overlayer_lowered  }
0x9b: {  	s22 =	simm.s32 $0x1BFF;
	s21 =	sshll.u32 s6, $0x1;
	s3 =	sadd.s32 s4, s19  }
0x9c: {  	s7 =	simm.s32 $0x0;
	s20 =	sshll.u32 s5, $0x1;
	s5 =	sadd.s32 s21, s3  }
0x9d: {  	[timem:s7], [sflag:s22] =	dma.local [hbm:s5], s20  }
0x9e: {  	_ =	swait.ge [sflag:s22], s20  }
0x9f: {  	s4 =	ssub.s32 $0x0, s20;
	[sflag:s22] =	ssyncset.done $0x0  }
0xa0: {  	[sflag:s22] =	ssyncadd.s32 s4;
	_ =	sdelay $0x1  }
0xa1: {  	s23 =	simm.s32 $0x1B8B  }
0xa2: {  	_ =	swait.ge [sflag:s23], $0x1  }
0xa3: {  	[sflag:s23] =	ssyncset.done $0x0  }
0xa4: {  	s25 =	simm.s32 $0x1B8E;
	s24 =	sld [smem:$0x3FFE];
	[sflag:s23] =	ssyncadd.s32 $0xFFFFFFFF  }
0xa5: {  	s26 =	simm.s32 $execute0_lowered;
	[smem:$0x3FD2] =	sst s25  }
0xa6: {  	s5 =	sshll.u32 s26, $0x1;
	_ =	strace $0x80000046;
	[dreg:$0x1] =	wrdreg $0xFFFFFFFF  }
0xa7: {  	s28 =	simm.s32 $_size_execute0_lowered;
	s3 =	sadd.s32 s3, s5;
	[dreg:$0x0] =	wrdreg $0x0  }
0xa8: {  	s5 =	sshll.u32 s28, $0x1;
	[dreg:$0x2] =	wrdreg s3  }
0xa9: {  	[dreg:$0x3] =	wrdreg s5  }
0xaa: {  	[dreg:$0x4] =	wrdreg $0xC0  }
0xab: {  	_ =	task [dreg:s7], $0x5FFFF  }
0xac: {  	[dreg:$0x1] =	wrdreg $0xFFFFFFFF  }
0xad: {  	[dreg:$0x0] =	wrdreg $0x60  }
0xae: {  	[dreg:$0x2] =	wrdreg s24  }
0xaf: {  	s2 =	sadd.s32 $0x800, s2;
	[dreg:$0x3] =	wrdreg $0x11B000  }
0xb0: {  	[dreg:$0x4] =	wrdreg s2  }
0xb1: {  	[dreg:$0x5] =	wrdreg $0x9  }
0xb2: {  	_ =	task.clear_ibuf [dreg:s7], $0x6FFFF;
	_ =	strace $0x90000046  }
0xb3: {  	s29 =	simm.s32 $0x9;
	_ =	strace $0x80000048  }
0xb4: {  	_ =	swait.ge [sflag:s29], $0x1  }
0xb5: {  	[sflag:s29] =	ssyncadd.s32 $0xFFFFFFFF  }
0xb6: {  	_ =	strace $0x90000048  }
0xb7: {  	_ =	sfence  }
0xb8: {  	s30 =	sld [smem:$0x0];
	_ =	sdelay $0x2  }
0xb9: {  	s31 =	sshll.u32 s1, $0xD;
	s1 =	sshrl.u32 s1, $0x2  }
0xba: {  	s3 =	sand.u32 $0x4000, s31;
	s1 =	sadd.s32 s1, s30  }
0xbb: {  	s0 =	sor.u32 s3, s0;
	s1 =	sshll.u32 s1, $0x11  }
0xbc: {  	s0 =	sor.u32 s1, s0  }
0xbd: {  	s0 =	sadd.s32 $0x8F2B, s0  }
0xbe: {  	[sflag:s0] =	ssyncadd.remote.s32 $0x1  }
0xbf: {  	_ =	sfence.sel $0xFFFF  }
0xc0: {  	[dreg:$0x0] =	wrdreg $0xFFFFFFFF;
	(pc) =	sbr.abs _section_cstart, $3  }
0xc1: {  	[dreg:$0x1] =	wrdreg $0xFFFFFFFF  }
0xc2: {  	_ =	task.clear_ibuf [dreg:s7], $0x2FFFF;
	_ =	strace $0x9FFFFFFF  }
0xc3: {  	(tm) =	ssettm $0x7FFFFFFF  }
tec
execute0_lowered:
.L_overlay_start_1:
0x0: {  	(tag) =	ssettag $0x1  }
0x1: {  	s0 =	rddreg [dreg:$0x0]  }
0x2: {  	s2 =	rddreg [dreg:$0x1]  }
0x3: {  	s3 =	rddreg [dreg:$0x2];
	s1 =	stileid.u32;
	s4 =	simm.s32 $0x0  }
0x4: {  	s6 =	srdreg.scid;
	s13 =	simm.s32 $0x2;
	s15 =	simm.s32 $0x80  }
0x5: {  	s16 =	simm.s32 $0x1;
	s17 =	simm.s32 $0x11800;
	s5 =	smul.u32 $0x500, s1  }
0x6: {  	s20 =	simm.s32 $0x0;
	[smem:$0x7FF] =	sst s4;
	s10 =	smul.u32 $0x280, s1  }
0x7: {  	s12 =	sand.u32 $0x1, s6;
	s7 =	smul.u32 $0xA00, s1;
	_ =	strace $0x80000047  }
0x8: {  	s6 =	ssub.s32 $0x2, s12;
	p0 =	sne.s32 s12, $0x0;
	s8 =	sadd.s32 s5, s0  }
.Ltmp0:
0x9: {  	s29 =	sshrl.u32 s10, $0x3;
	s9 =	sshrl.u32 s6, $0x1;
	(pc) =	sbr.rel .LBB2_1-.Ltmp0, $4  }
0xa: {  	s30 =	sshrl.u32 s7, $0x2;
	s31 =	sadd.s32 s10, s2;
	s0 =	sadd.s32 s29, s0  }
0xb: {  	s11 =	ssub.s32 s6, s9;
	s5 =	sadd.s32 s30, s2;
	s6 =	sadd.s32 $0x6E00, s8  }
0xc: {  	v0 =	vlaneseq.u32;
	s7 =	sadd.s32 $0x1E00, s8;
	s8 =	sadd.s32 $0xC400, s8;
	s19 =	sshrl.u32 s31, $0x3  }
0xd: {  	v1 =	vimm.f32 $0.0e+00;
	v2 =	vimm.f32 $1.000000000e+00;
	v3 =	vor.u32 $0x5F37000, v0;
	s9 =	sadd.s32 $0xBE00, s0;
	s10 =	smax.u32 s11, $0x1;
	s11 =	smul.u32 $0x2800, s1  }
.LBB2_17:
0xe: {  	[bflag:$0x0] =	sbarrier.arrive $0xFFFF  }
0xf: {  	[bflag:$0x0] =	sbarrier.arrive $0xFFFF  }
0x10: {  	[bflag:$0x0] =	sbarrier.arrive $0xFFFF  }
.LBB2_15:
0x11: {  	s20 =	sadd.s32 $0x1, s20  }
0x12: {  	p1 =	sne.s32 s20, s10  }
.Ltmp1:
0x13: {  	_ = 	snop;
	(pc) =	sbr.rel @!p1 .LBB2_16-.Ltmp1, $1  }
0x14: {  	_ =	sdelay $0x3  }
.LBB2_1:
.Ltmp2:
0x15: {  	(pc) =	sbr.rel @p0 .LBB2_17-.Ltmp2, $1  }
0x16: {  	_ =	sdelay $0x3  }
0x17: {  	[tilespmem:$0x11880] =	vst v1  }
0x18: {  	[tilespmem:$0x11890] =	vst v1  }
0x19: {  	[tilespmem:$0x118A0] =	vst v1  }
0x1a: {  	[tilespmem:$0x118B0] =	vst v1  }
0x1b: {  	[tilespmem:$0x118C0] =	vst v1  }
0x1c: {  	[tilespmem:$0x118D0] =	vst v1  }
0x1d: {  	[tilespmem:$0x118E0] =	vst v1  }
0x1e: {  	[tilespmem:$0x118F0] =	vst v1  }
0x1f: {  	[tilespmem:$0x11900] =	vst v1  }
0x20: {  	[tilespmem:$0x11910] =	vst v1  }
0x21: {  	[tilespmem:$0x11920] =	vst v1  }
0x22: {  	[tilespmem:$0x11930] =	vst v1  }
0x23: {  	[tilespmem:$0x11940] =	vst v1  }
0x24: {  	[tilespmem:$0x11950] =	vst v1  }
0x25: {  	[tilespmem:$0x11960] =	vst v1  }
0x26: {  	[tilespmem:$0x11970] =	vst v1  }
0x27: {  	[tilespmem:$0x11980] =	vst v1  }
0x28: {  	[tilespmem:$0x11990] =	vst v1  }
0x29: {  	[tilespmem:$0x119A0] =	vst v1  }
0x2a: {  	[tilespmem:$0x119B0] =	vst v1  }
0x2b: {  	[tilespmem:$0x119C0] =	vst v1  }
0x2c: {  	[tilespmem:$0x119D0] =	vst v1  }
0x2d: {  	[tilespmem:$0x119E0] =	vst v1  }
0x2e: {  	[tilespmem:$0x119F0] =	vst v1  }
0x2f: {  	[tilespmem:$0x11A00] =	vst v1  }
0x30: {  	[tilespmem:$0x11A10] =	vst v1  }
0x31: {  	[tilespmem:$0x11A20] =	vst v1  }
0x32: {  	[tilespmem:$0x11A30] =	vst v1  }
0x33: {  	[tilespmem:$0x11A40] =	vst v1  }
0x34: {  	[tilespmem:$0x11A50] =	vst v1  }
0x35: {  	[tilespmem:$0x11A60] =	vst v1  }
0x36: {  	[tilespmem:$0x11A70] =	vst v1  }
0x37: {  	[tilespmem:$0x11A80] =	vst v1  }
0x38: {  	[tilespmem:$0x11A90] =	vst v1  }
0x39: {  	[tilespmem:$0x11AA0] =	vst v1  }
0x3a: {  	[tilespmem:$0x11AB0] =	vst v1  }
0x3b: {  	[tilespmem:$0x11AC0] =	vst v1  }
0x3c: {  	[tilespmem:$0x11AD0] =	vst v1  }
0x3d: {  	[tilespmem:$0x11AE0] =	vst v1  }
0x3e: {  	[tilespmem:$0x11AF0] =	vst v1  }
0x3f: {  	[tilespmem:$0x11800] =	vst v2  }
0x40: {  	[tilespmem:$0x11810] =	vst v2  }
0x41: {  	[tilespmem:$0x11820] =	vst v2  }
0x42: {  	[tilespmem:$0x11830] =	vst v2  }
0x43: {  	[tilespmem:$0x11840] =	vst v2  }
0x44: {  	[tilespmem:$0x11850] =	vst v2  }
0x45: {  	[tilespmem:$0x11860] =	vst v2  }
0x46: {  	[tilespmem:$0x11870] =	vst v2;
	s0 =	simm.s32 $0x11880  }
0x47: {  	[spmem:s5] =	stream.linear.scatter [tilespmem:s0], [sflag:$0x2], $0x280, $0x38;
	[tilespmem:$0x11D80] =	vst v63  }
0x48: {  	_ =	swait.ge [sflag:s13], $0x280  }
0x49: {  	[sflag:s13] =	ssyncset.done $0x0  }
0x4a: {  	[sflag:s13] =	ssyncadd.s32 $0xFFFFFD80  }
0x4b: {  	s12 =	simm.s32 $0x0;
	[bflag:$0x0] =	sbarrier.arrive $0xFFFF  }
0x4c: {  	[tilespmem:s12], [sflag:$0x2] =	stream.linear.gather [hbm4b:s6+s12], $0x2800, $0x38;
	[tilespmem:$0x11D80] =	vst v63  }
0x4d: {  	_ =	swait.ge [sflag:s13], $0x2800  }
0x4e: {  	[sflag:s13] =	ssyncset.done $0x0  }
0x4f: {  	s4 =	simm.s32 $0x2800;
	[sflag:s13] =	ssyncadd.s32 $0xFFFFD800  }
0x50: {  	[tilespmem:s4], [sflag:$0x2] =	stream.linear.gather [hbm4b:s7+s12], $0x2800, $0x38;
	[tilespmem:$0x11D80] =	vst v63  }
0x51: {  	_ =	swait.ge [sflag:s13], $0x2800  }
0x52: {  	[sflag:s13] =	ssyncset.done $0x0  }
0x53: {  	s14 =	simm.s32 $0x40;
	[sflag:s13] =	ssyncadd.s32 $0xFFFFD800  }
0x54: {  	v4 =	vld [tilespmem:s14+$0xFFFFFFC0]  }
0x55: {  	s23 =	simm.s32 $0x2840  }
0x56: {  	v5 =	vld [tilespmem:s23+$0xFFFFFFC0];
	_ =	sdelay $0x2  }
0x57: {  	s24 =	sadd.s32 $0x0, s11;
	v4 =	vmul.u32 $0x2710, v4  }
0x58: {  	v6 =	vmov s24  }
0x59: {  	vm0 =	vlt.u32 v6, $0x27100;
	v4 =	vadd.s32 v5, v4;
	v5 =	vadd.s32 s24, v3  }
0x5a: {  	s21 =	simm.s32 $0x5000;
	v4 =	vsel vm0, v4, v5  }
0x5b: {  	s22 =	simm.s32 $0xA000;
	v5 =	vor.u32 s24, v0;
	[tilespmem:s21+$0x0] =	vst v4  }
0x5c: {  	[tilespmem:s22+$0x0] =	vst v5  }
0x5d: {  	v4 =	vld [tilespmem:s14+$0xFFFFFFD0];
	_ =	sdelay $0x1  }
0x5e: {  	v5 =	vld [tilespmem:s23+$0xFFFFFFD0];
	_ =	sdelay $0x2  }
0x5f: {  	s12 =	sadd.s32 $0x10, s24;
	v4 =	vmul.u32 $0x2710, v4  }
0x60: {  	v57 =	vmov s12  }
0x61: {  	vm9 =	vlt.u32 v57, $0x27100;
	v4 =	vadd.s32 v5, v4;
	v5 =	vadd.s32 s12, v3  }
0x62: {  	v4 =	vsel vm9, v4, v5  }
0x63: {  	v5 =	vor.u32 s12, v0;
	[tilespmem:s21+$0x10] =	vst v4  }
0x64: {  	[tilespmem:s22+$0x10] =	vst v5  }
0x65: {  	v4 =	vld [tilespmem:s14+$0xFFFFFFE0];
	_ =	sdelay $0x1  }
0x66: {  	v5 =	vld [tilespmem:s23+$0xFFFFFFE0];
	_ =	sdelay $0x2  }
0x67: {  	s18 =	sadd.s32 $0x20, s24;
	v4 =	vmul.u32 $0x2710, v4  }
0x68: {  	v58 =	vmov s18  }
0x69: {  	vm10 =	vlt.u32 v58, $0x27100;
	v4 =	vadd.s32 v5, v4;
	v5 =	vadd.s32 s18, v3  }
0x6a: {  	v4 =	vsel vm10, v4, v5  }
0x6b: {  	v5 =	vor.u32 s18, v0;
	[tilespmem:s21+$0x20] =	vst v4  }
0x6c: {  	[tilespmem:s22+$0x20] =	vst v5  }
0x6d: {  	v4 =	vld [tilespmem:s14+$0xFFFFFFF0];
	_ =	sdelay $0x1  }
0x6e: {  	v5 =	vld [tilespmem:s23+$0xFFFFFFF0];
	_ =	sdelay $0x2  }
0x6f: {  	s25 =	sadd.s32 $0x30, s24;
	v4 =	vmul.u32 $0x2710, v4  }
0x70: {  	v59 =	vmov s25  }
0x71: {  	vm11 =	vlt.u32 v59, $0x27100;
	v4 =	vadd.s32 v5, v4;
	v5 =	vadd.s32 s25, v3  }
0x72: {  	v4 =	vsel vm11, v4, v5  }
0x73: {  	v5 =	vor.u32 s25, v0;
	[tilespmem:s21+$0x30] =	vst v4  }
0x74: {  	[tilespmem:s22+$0x30] =	vst v5  }
0x75: {  	v4 =	vld [tilespmem:s14+$0x0];
	_ =	sdelay $0x1  }
0x76: {  	v5 =	vld [tilespmem:s23+$0x0];
	_ =	sdelay $0x2  }
0x77: {  	s26 =	sadd.s32 $0x40, s24;
	v4 =	vmul.u32 $0x2710, v4  }
0x78: {  	v60 =	vmov s26  }
0x79: {  	vm12 =	vlt.u32 v60, $0x27100;
	v4 =	vadd.s32 v5, v4;
	v5 =	vadd.s32 s26, v3  }
0x7a: {  	v4 =	vsel vm12, v4, v5  }
0x7b: {  	v5 =	vor.u32 s26, v0;
	[tilespmem:s21+$0x40] =	vst v4  }
0x7c: {  	[tilespmem:s22+$0x40] =	vst v5  }
0x7d: {  	v4 =	vld [tilespmem:s14+$0x10];
	_ =	sdelay $0x1  }
0x7e: {  	v5 =	vld [tilespmem:s23+$0x10];
	_ =	sdelay $0x2  }
0x7f: {  	s29 =	sadd.s32 $0x50, s24;
	v4 =	vmul.u32 $0x2710, v4  }
0x80: {  	v61 =	vmov s29  }
0x81: {  	vm13 =	vlt.u32 v61, $0x27100;
	v4 =	vadd.s32 v5, v4;
	v5 =	vadd.s32 s29, v3  }
0x82: {  	v4 =	vsel vm13, v4, v5  }
0x83: {  	v5 =	vor.u32 s29, v0;
	[tilespmem:s21+$0x50] =	vst v4  }
0x84: {  	[tilespmem:s22+$0x50] =	vst v5  }
0x85: {  	v4 =	vld [tilespmem:s14+$0x20];
	_ =	sdelay $0x1  }
0x86: {  	v5 =	vld [tilespmem:s23+$0x20];
	_ =	sdelay $0x2  }
0x87: {  	s30 =	sadd.s32 $0x60, s24;
	v4 =	vmul.u32 $0x2710, v4  }
0x88: {  	v62 =	vmov s30  }
0x89: {  	vm14 =	vlt.u32 v62, $0x27100;
	v4 =	vadd.s32 v5, v4;
	v5 =	vadd.s32 s30, v3  }
0x8a: {  	v4 =	vsel vm14, v4, v5  }
0x8b: {  	v5 =	vor.u32 s30, v0;
	[tilespmem:s21+$0x60] =	vst v4  }
0x8c: {  	[tilespmem:s22+$0x60] =	vst v5  }
0x8d: {  	v4 =	vld [tilespmem:s14+$0x30];
	_ =	sdelay $0x1  }
0x8e: {  	v5 =	vld [tilespmem:s23+$0x30];
	_ =	sdelay $0x2  }
0x8f: {  	s31 =	sadd.s32 $0x70, s24;
	v4 =	vmul.u32 $0x2710, v4  }
0x90: {  	v63 =	vmov s31  }
0x91: {  	vm15 =	vlt.u32 v63, $0x27100;
	v4 =	vadd.s32 v5, v4;
	v5 =	vadd.s32 s31, v3  }
0x92: {  	v4 =	vsel vm15, v4, v5  }
0x93: {  	s28 =	simm.s32 $0xC0;
	s24 =	simm.s32 $0x28C0;
	v5 =	vor.u32 s31, v0;
	[tilespmem:s21+$0x70] =	vst v4  }
0x94: {  	s25 =	simm.s32 $0xA080;
	s26 =	simm.s32 $0x5080;
	s23 =	simm.s32 $0x80;
	[tilespmem:s22+$0x70] =	vst v5  }
.LBB2_3:
0x95: {  	[hbm4b:s3+s15] =	stream.indirect.scatter [tilespmem:s22], [sflag:$0x1], $0x1, s21, s15, $0xb8;
	[tilespmem:$0x11D80] =	vst v63  }
0x96: {  	p1 =	sne.s32 s23, $0x2780;
	s0 =	smov.u32 s23;
	s23 =	sadd.s32 $0x80, s23;
	v4 =	vld [tilespmem:s28+$0xFFFFFFC0]  }
0x97: {  	s22 =	smov.u32 s25;
	s21 =	smov.u32 s26  }
0x98: {  	v5 =	vld [tilespmem:s24+$0xFFFFFFC0];
	_ =	sdelay $0x2  }
0x99: {  	s14 =	sadd.s32 s0, s11;
	v4 =	vmul.u32 $0x2710, v4  }
0x9a: {  	v6 =	vmov s14;
	s18 =	sadd.s32 $0x10, s14;
	s4 =	sadd.s32 $0x20, s14;
	s12 =	sadd.s32 $0x30, s14  }
0x9b: {  	s0 =	sadd.s32 $0x40, s14;
	s31 =	sadd.s32 $0x50, s14;
	s30 =	sadd.s32 $0x60, s14;
	vm0 =	vlt.u32 v6, $0x27100;
	v4 =	vadd.s32 v5, v4;
	v5 =	vadd.s32 s14, v3  }
0x9c: {  	s29 =	sadd.s32 $0x70, s14;
	v6 =	vmov s4;
	v4 =	vsel vm0, v4, v5;
	v5 =	vmov s18  }
0x9d: {  	v7 =	vor.u32 s14, v0;
	v8 =	vmov s12;
	v9 =	vmov s0;
	[tilespmem:s26+$0x0] =	vst v4  }
0x9e: {  	v10 =	vmov s30;
	v4 =	vmov s29;
	[tilespmem:s25+$0x0] =	vst v7;
	v7 =	vmov s31  }
0x9f: {  	v11 =	vld [tilespmem:s28+$0xFFFFFFD0];
	_ =	sdelay $0x1  }
0xa0: {  	v12 =	vld [tilespmem:s24+$0xFFFFFFD0];
	_ =	sdelay $0x2  }
0xa1: {  	v11 =	vmul.u32 $0x2710, v11;
	_ =	sdelay $0x1  }
0xa2: {  	vm0 =	vlt.u32 v5, $0x27100;
	v5 =	vadd.s32 v12, v11;
	v11 =	vadd.s32 s18, v3  }
0xa3: {  	v5 =	vsel vm0, v5, v11  }
0xa4: {  	v11 =	vor.u32 s18, v0;
	[tilespmem:s26+$0x10] =	vst v5  }
0xa5: {  	[tilespmem:s25+$0x10] =	vst v11  }
0xa6: {  	v5 =	vld [tilespmem:s28+$0xFFFFFFE0];
	_ =	sdelay $0x1  }
0xa7: {  	v11 =	vld [tilespmem:s24+$0xFFFFFFE0];
	_ =	sdelay $0x2  }
0xa8: {  	v5 =	vmul.u32 $0x2710, v5;
	_ =	sdelay $0x1  }
0xa9: {  	vm0 =	vlt.u32 v6, $0x27100;
	v6 =	vadd.s32 s4, v3;
	v5 =	vadd.s32 v11, v5  }
0xaa: {  	v5 =	vsel vm0, v5, v6  }
0xab: {  	v6 =	vor.u32 s4, v0;
	[tilespmem:s26+$0x20] =	vst v5  }
0xac: {  	[tilespmem:s25+$0x20] =	vst v6  }
0xad: {  	v5 =	vld [tilespmem:s28+$0xFFFFFFF0];
	_ =	sdelay $0x1  }
0xae: {  	v6 =	vld [tilespmem:s24+$0xFFFFFFF0];
	_ =	sdelay $0x2  }
0xaf: {  	v5 =	vmul.u32 $0x2710, v5;
	_ =	sdelay $0x1  }
0xb0: {  	vm0 =	vlt.u32 v8, $0x27100;
	v5 =	vadd.s32 v6, v5;
	v6 =	vadd.s32 s12, v3  }
0xb1: {  	v5 =	vsel vm0, v5, v6  }
0xb2: {  	v6 =	vor.u32 s12, v0;
	[tilespmem:s26+$0x30] =	vst v5  }
0xb3: {  	[tilespmem:s25+$0x30] =	vst v6  }
0xb4: {  	v5 =	vld [tilespmem:s28+$0x0];
	_ =	sdelay $0x1  }
0xb5: {  	v6 =	vld [tilespmem:s24+$0x0];
	_ =	sdelay $0x2  }
0xb6: {  	v5 =	vmul.u32 $0x2710, v5;
	_ =	sdelay $0x1  }
0xb7: {  	vm0 =	vlt.u32 v9, $0x27100;
	v5 =	vadd.s32 v6, v5;
	v6 =	vadd.s32 s0, v3  }
0xb8: {  	v5 =	vsel vm0, v5, v6  }
0xb9: {  	v6 =	vor.u32 s0, v0;
	[tilespmem:s26+$0x40] =	vst v5  }
0xba: {  	[tilespmem:s25+$0x40] =	vst v6  }
0xbb: {  	v5 =	vld [tilespmem:s28+$0x10]  }
0xbc: {  	v6 =	vld [tilespmem:s24+$0x10];
	_ =	sdelay $0x3  }
0xbd: {  	v5 =	vmul.u32 $0x2710, v5;
	_ =	sdelay $0x1  }
0xbe: {  	vm0 =	vlt.u32 v7, $0x27100;
	v5 =	vadd.s32 v6, v5;
	v6 =	vadd.s32 s31, v3  }
0xbf: {  	v5 =	vsel vm0, v5, v6  }
0xc0: {  	v6 =	vor.u32 s31, v0;
	[tilespmem:s26+$0x50] =	vst v5  }
0xc1: {  	[tilespmem:s25+$0x50] =	vst v6  }
0xc2: {  	v5 =	vld [tilespmem:s28+$0x20]  }
0xc3: {  	v6 =	vld [tilespmem:s24+$0x20];
	_ =	sdelay $0x3  }
0xc4: {  	v5 =	vmul.u32 $0x2710, v5;
	_ =	sdelay $0x1  }
0xc5: {  	vm0 =	vlt.u32 v10, $0x27100;
	v5 =	vadd.s32 v6, v5;
	v6 =	vadd.s32 s30, v3  }
0xc6: {  	v5 =	vsel vm0, v5, v6  }
0xc7: {  	v6 =	vor.u32 s30, v0;
	[tilespmem:s26+$0x60] =	vst v5  }
0xc8: {  	[tilespmem:s25+$0x60] =	vst v6  }
0xc9: {  	v5 =	vld [tilespmem:s28+$0x30]  }
0xca: {  	v6 =	vld [tilespmem:s24+$0x30];
	_ =	sdelay $0x3  }
0xcb: {  	v5 =	vmul.u32 $0x2710, v5  }
.Ltmp3:
0xcc: {  	(pc) =	sbr.rel @p1 .LBB2_3-.Ltmp3, $4  }
0xcd: {  	vm0 =	vlt.u32 v4, $0x27100;
	v4 =	vadd.s32 v6, v5;
	v5 =	vadd.s32 s29, v3  }
0xce: {  	v4 =	vsel vm0, v4, v5  }
0xcf: {  	s24 =	sadd.s32 $0x80, s24;
	v5 =	vor.u32 s29, v0;
	[tilespmem:s26+$0x70] =	vst v4  }
0xd0: {  	s25 =	sadd.s32 $0x80, s25;
	s28 =	sadd.s32 $0x80, s28;
	s26 =	sadd.s32 $0x80, s26;
	[tilespmem:s22+$0x70] =	vst v5  }
0xd1: {  	[hbm4b:s3+s15] =	stream.indirect.scatter [tilespmem:s22], [sflag:$0x1], $0x1, s21, s15, $0xb8;
	[tilespmem:$0x11D80] =	vst v63  }
0xd2: {  	_ =	swait.ge [sflag:s16], $0x80  }
0xd3: {  	s0 =	simm.s32 $0x4F;
	[sflag:s16] =	ssyncset.done $0x0  }
.LBB2_5:
0xd4: {  	p1 =	seq.s32 s0, $0x1;
	s0 =	sadd.s32 $0xFFFFFFFF, s0;
	[sflag:s16] =	ssyncadd.s32 $0xFFFFFF80  }
.Ltmp4:
0xd5: {  	(pc) =	sbr.rel @!p1 .LBB2_5-.Ltmp4, $3  }
0xd6: {  	_ =	sdelay $0x1  }
0xd7: {  	_ =	swait.ge [sflag:s16], $0x80  }
0xd8: {  	[sflag:s16] =	ssyncset.done $0x0  }
0xd9: {  	[sflag:s16] =	ssyncadd.s32 $0xFFFFFF80  }
0xda: {  	s0 =	simm.s32 $0x0;
	[bflag:$0x0] =	sbarrier.arrive $0xFFFF  }
.LBB2_7:
0xdb: {  	p1 =	sne.s32 s0, $0x9E00  }
.Ltmp5:
0xdc: {  	_ = 	snop;
	(pc) =	sbr.rel @p1 .LBB2_7-.Ltmp5, $4  }
0xdd: {  	_ = 	snop  }
0xde: {  	s4 =	sshra.s32 s0, $0x2  }
0xdf: {  	s0 =	sadd.s32 $0x200, s0;
	s12 =	sadd.s32 $0xC800, s4;
	s4 =	sadd.s32 $0x5000, s4  }
0xe0: {  	[tilespmem:s12], [sflag:$0x1] =	stream.indirect.gather [hbm4b:s3+s15], $0x1, s4, s15, $0xb8;
	[tilespmem:$0x11D80] =	vst v63  }
0xe1: {  	s0 =	simm.s32 $0x50  }
.LBB2_9:
0xe2: {  	p1 =	sne.s32 s0, $0x1  }
.Ltmp6:
0xe3: {  	_ = 	snop;
	(pc) =	sbr.rel @p1 .LBB2_9-.Ltmp6, $4  }
0xe4: {  	_ = 	snop  }
0xe5: {  	_ =	swait.ge [sflag:s16], $0x80  }
0xe6: {  	[sflag:s16] =	ssyncset.done $0x0  }
0xe7: {  	s0 =	sadd.s32 $0xFFFFFFFF, s0;
	[sflag:s16] =	ssyncadd.s32 $0xFFFFFF80  }
0xe8: {  	s23 =	simm.s32 $0xC840  }
0xe9: {  	s22 =	simm.s32 $0x2840;
	v4 =	vld [tilespmem:s23+$0xFFFFFFC0]  }
0xea: {  	s24 =	simm.s32 $0x40;
	v5 =	vld [tilespmem:s22+$0xFFFFFFC0]  }
0xeb: {  	v6 =	vld [tilespmem:s24+$0xFFFFFFC0]  }
0xec: {  	s26 =	sadd.s32 $0x0, s11  }
0xed: {  	v7 =	vmov s26;
	v8 =	vor.u32 s26, v0  }
0xee: {  	vm1 =	vlt.u32 v7, $0x27100;
	vm0 =	veq.s32 v4, v8  }
0xef: {  	vm0 =	vmand vm1, vm0  }
0xf0: {  	s21 =	simm.s32 $0xF000;
	v4 =	vnsel vm0, $0x2710, v5;
	v5 =	vshll.u32 v6, $0xE  }
0xf1: {  	s25 =	simm.s32 $0x7840;
	[tilespmem:s21+$0x0] =	vst v4;
	v4 =	vadd.s32 v5, v4  }
0xf2: {  	[tilespmem:s25+$0xFFFFFFC0] =	vst v4  }
0xf3: {  	v4 =	vld [tilespmem:s23+$0xFFFFFFD0]  }
0xf4: {  	v5 =	vld [tilespmem:s22+$0xFFFFFFD0]  }
0xf5: {  	v43 =	vld [tilespmem:s24+$0xFFFFFFD0]  }
0xf6: {  	s0 =	sadd.s32 $0x10, s26  }
0xf7: {  	v44 =	vmov s0;
	v45 =	vor.u32 s0, v0  }
0xf8: {  	vm15 =	vlt.u32 v44, $0x27100;
	vm14 =	veq.s32 v4, v45  }
0xf9: {  	vm0 =	vmand vm15, vm14  }
0xfa: {  	v4 =	vnsel vm0, $0x2710, v5;
	v5 =	vshll.u32 v43, $0xE  }
0xfb: {  	[tilespmem:s21+$0x10] =	vst v4;
	v4 =	vadd.s32 v5, v4  }
0xfc: {  	[tilespmem:s25+$0xFFFFFFD0] =	vst v4  }
0xfd: {  	v4 =	vld [tilespmem:s23+$0xFFFFFFE0]  }
0xfe: {  	v5 =	vld [tilespmem:s22+$0xFFFFFFE0]  }
0xff: {  	v46 =	vld [tilespmem:s24+$0xFFFFFFE0]  }
0x100: {  	s12 =	sadd.s32 $0x20, s26  }
0x101: {  	v47 =	vmov s12;
	v48 =	vor.u32 s12, v0  }
0x102: {  	vm5 =	vlt.u32 v47, $0x27100;
	vm4 =	veq.s32 v4, v48  }
0x103: {  	vm0 =	vmand vm5, vm4  }
0x104: {  	v4 =	vnsel vm0, $0x2710, v5;
	v5 =	vshll.u32 v46, $0xE  }
0x105: {  	[tilespmem:s21+$0x20] =	vst v4;
	v4 =	vadd.s32 v5, v4  }
0x106: {  	[tilespmem:s25+$0xFFFFFFE0] =	vst v4  }
0x107: {  	v4 =	vld [tilespmem:s23+$0xFFFFFFF0]  }
0x108: {  	v5 =	vld [tilespmem:s22+$0xFFFFFFF0]  }
0x109: {  	v49 =	vld [tilespmem:s24+$0xFFFFFFF0]  }
0x10a: {  	s14 =	sadd.s32 $0x30, s26  }
0x10b: {  	v50 =	vmov s14;
	v51 =	vor.u32 s14, v0  }
0x10c: {  	vm7 =	vlt.u32 v50, $0x27100;
	vm6 =	veq.s32 v4, v51  }
0x10d: {  	vm0 =	vmand vm7, vm6  }
0x10e: {  	v4 =	vnsel vm0, $0x2710, v5;
	v5 =	vshll.u32 v49, $0xE  }
0x10f: {  	[tilespmem:s21+$0x30] =	vst v4;
	v4 =	vadd.s32 v5, v4  }
0x110: {  	[tilespmem:s25+$0xFFFFFFF0] =	vst v4  }
0x111: {  	v4 =	vld [tilespmem:s23+$0x0]  }
0x112: {  	v5 =	vld [tilespmem:s22+$0x0]  }
0x113: {  	v52 =	vld [tilespmem:s24+$0x0]  }
0x114: {  	s18 =	sadd.s32 $0x40, s26  }
0x115: {  	v53 =	vmov s18;
	v54 =	vor.u32 s18, v0  }
0x116: {  	vm9 =	vlt.u32 v53, $0x27100;
	vm8 =	veq.s32 v4, v54  }
0x117: {  	vm0 =	vmand vm9, vm8  }
0x118: {  	v4 =	vnsel vm0, $0x2710, v5;
	v5 =	vshll.u32 v52, $0xE  }
0x119: {  	[tilespmem:s21+$0x40] =	vst v4;
	v4 =	vadd.s32 v5, v4  }
0x11a: {  	[tilespmem:s25+$0x0] =	vst v4  }
0x11b: {  	v4 =	vld [tilespmem:s23+$0x10]  }
0x11c: {  	v5 =	vld [tilespmem:s24+$0x10]  }
0x11d: {  	v55 =	vld [tilespmem:s22+$0x10]  }
0x11e: {  	s29 =	sadd.s32 $0x50, s26  }
0x11f: {  	v56 =	vmov s29;
	v57 =	vor.u32 s29, v0  }
0x120: {  	vm11 =	vlt.u32 v56, $0x27100;
	vm10 =	veq.s32 v4, v57  }
0x121: {  	vm0 =	vmand vm11, vm10  }
0x122: {  	v5 =	vshll.u32 v5, $0xE;
	v4 =	vnsel vm0, $0x2710, v55  }
0x123: {  	[tilespmem:s21+$0x50] =	vst v4;
	v4 =	vadd.s32 v5, v4  }
0x124: {  	[tilespmem:s25+$0x10] =	vst v4  }
0x125: {  	v4 =	vld [tilespmem:s23+$0x20]  }
0x126: {  	v5 =	vld [tilespmem:s24+$0x20]  }
0x127: {  	v58 =	vld [tilespmem:s22+$0x20]  }
0x128: {  	s30 =	sadd.s32 $0x60, s26  }
0x129: {  	v59 =	vmov s30;
	v60 =	vor.u32 s30, v0  }
0x12a: {  	vm13 =	vlt.u32 v59, $0x27100;
	vm12 =	veq.s32 v4, v60  }
0x12b: {  	vm0 =	vmand vm13, vm12  }
0x12c: {  	v5 =	vshll.u32 v5, $0xE;
	v4 =	vnsel vm0, $0x2710, v58  }
0x12d: {  	[tilespmem:s21+$0x60] =	vst v4;
	v4 =	vadd.s32 v5, v4  }
0x12e: {  	[tilespmem:s25+$0x20] =	vst v4  }
0x12f: {  	v4 =	vld [tilespmem:s23+$0x30]  }
0x130: {  	v5 =	vld [tilespmem:s24+$0x30]  }
0x131: {  	v61 =	vld [tilespmem:s22+$0x30]  }
0x132: {  	s31 =	sadd.s32 $0x70, s26  }
0x133: {  	v62 =	vmov s31;
	v63 =	vor.u32 s31, v0  }
0x134: {  	vm15 =	vlt.u32 v62, $0x27100;
	vm14 =	veq.s32 v4, v63  }
0x135: {  	vm0 =	vmand vm15, vm14  }
0x136: {  	v5 =	vshll.u32 v5, $0xE;
	v4 =	vnsel vm0, $0x2710, v61  }
0x137: {  	s28 =	simm.s32 $0xC8C0;
	s26 =	simm.s32 $0x78C0;
	s22 =	simm.s32 $0x80;
	[tilespmem:s21+$0x70] =	vst v4;
	v4 =	vadd.s32 v5, v4  }
0x138: {  	s23 =	simm.s32 $0x28C0;
	s24 =	simm.s32 $0xC0;
	[tilespmem:s25+$0x30] =	vst v4;
	s25 =	simm.s32 $0xF080  }
.LBB2_11:
0x139: {  	[spmem:s2] =	stream.indirect.scatter.add.f32 [tilespmem:s17], [sflag:$0x1], $0x1, s21, s15, $0xb8;
	[tilespmem:$0x11D80] =	vst v63  }
0x13a: {  	p1 =	sne.s32 s22, $0x2780;
	s0 =	smov.u32 s22;
	s22 =	sadd.s32 $0x80, s22;
	v4 =	vld [tilespmem:s28+$0xFFFFFFC0]  }
0x13b: {  	s21 =	smov.u32 s25;
	v5 =	vld [tilespmem:s23+$0xFFFFFFC0]  }
0x13c: {  	v6 =	vld [tilespmem:s24+$0xFFFFFFC0]  }
0x13d: {  	s4 =	sadd.s32 s0, s11  }
0x13e: {  	v7 =	vmov s4;
	v8 =	vor.u32 s4, v0;
	s14 =	sadd.s32 $0x10, s4;
	s18 =	sadd.s32 $0x20, s4;
	s12 =	sadd.s32 $0x30, s4  }
0x13f: {  	s0 =	sadd.s32 $0x40, s4;
	s31 =	sadd.s32 $0x50, s4;
	s30 =	sadd.s32 $0x60, s4;
	vm1 =	vlt.u32 v7, $0x27100;
	v7 =	vmov s14;
	vm0 =	veq.s32 v4, v8  }
0x140: {  	s29 =	sadd.s32 $0x70, s4;
	v9 =	vmov s12;
	v8 =	vmov s18;
	vm0 =	vmand vm1, vm0  }
0x141: {  	v4 =	vnsel vm0, $0x2710, v5;
	v5 =	vshll.u32 v6, $0xE;
	v6 =	vmov s0  }
0x142: {  	v10 =	vmov s30;
	[tilespmem:s25+$0x0] =	vst v4;
	v4 =	vadd.s32 v5, v4;
	v5 =	vmov s31  }
0x143: {  	[tilespmem:s26+$0xFFFFFFC0] =	vst v4;
	v4 =	vmov s29  }
0x144: {  	v11 =	vld [tilespmem:s28+$0xFFFFFFD0]  }
0x145: {  	v12 =	vld [tilespmem:s23+$0xFFFFFFD0]  }
0x146: {  	v13 =	vld [tilespmem:s24+$0xFFFFFFD0];
	_ =	sdelay $0x1  }
0x147: {  	v14 =	vor.u32 s14, v0  }
0x148: {  	vm1 =	vlt.u32 v7, $0x27100;
	vm0 =	veq.s32 v11, v14  }
0x149: {  	vm0 =	vmand vm1, vm0  }
0x14a: {  	v7 =	vnsel vm0, $0x2710, v12;
	v11 =	vshll.u32 v13, $0xE  }
0x14b: {  	[tilespmem:s25+$0x10] =	vst v7;
	v7 =	vadd.s32 v11, v7  }
0x14c: {  	[tilespmem:s26+$0xFFFFFFD0] =	vst v7  }
0x14d: {  	v7 =	vld [tilespmem:s28+$0xFFFFFFE0]  }
0x14e: {  	v11 =	vld [tilespmem:s23+$0xFFFFFFE0]  }
0x14f: {  	v12 =	vld [tilespmem:s24+$0xFFFFFFE0];
	_ =	sdelay $0x1  }
0x150: {  	v13 =	vor.u32 s18, v0  }
0x151: {  	vm1 =	vlt.u32 v8, $0x27100;
	vm0 =	veq.s32 v7, v13  }
0x152: {  	vm0 =	vmand vm1, vm0  }
0x153: {  	v7 =	vnsel vm0, $0x2710, v11;
	v8 =	vshll.u32 v12, $0xE  }
0x154: {  	[tilespmem:s25+$0x20] =	vst v7;
	v7 =	vadd.s32 v8, v7  }
0x155: {  	[tilespmem:s26+$0xFFFFFFE0] =	vst v7  }
0x156: {  	v7 =	vld [tilespmem:s28+$0xFFFFFFF0]  }
0x157: {  	v8 =	vld [tilespmem:s23+$0xFFFFFFF0]  }
0x158: {  	v11 =	vld [tilespmem:s24+$0xFFFFFFF0];
	_ =	sdelay $0x1  }
0x159: {  	v12 =	vor.u32 s12, v0  }
0x15a: {  	vm1 =	vlt.u32 v9, $0x27100;
	vm0 =	veq.s32 v7, v12  }
0x15b: {  	vm0 =	vmand vm1, vm0  }
0x15c: {  	v7 =	vnsel vm0, $0x2710, v8;
	v8 =	vshll.u32 v11, $0xE  }
0x15d: {  	[tilespmem:s25+$0x30] =	vst v7;
	v7 =	vadd.s32 v8, v7  }
0x15e: {  	[tilespmem:s26+$0xFFFFFFF0] =	vst v7  }
0x15f: {  	v7 =	vld [tilespmem:s28+$0x0]  }
0x160: {  	v8 =	vld [tilespmem:s23+$0x0]  }
0x161: {  	v9 =	vld [tilespmem:s24+$0x0];
	_ =	sdelay $0x1  }
0x162: {  	v11 =	vor.u32 s0, v0  }
0x163: {  	vm1 =	vlt.u32 v6, $0x27100;
	vm0 =	veq.s32 v7, v11  }
0x164: {  	vm0 =	vmand vm1, vm0  }
0x165: {  	v6 =	vnsel vm0, $0x2710, v8;
	v7 =	vshll.u32 v9, $0xE  }
0x166: {  	[tilespmem:s25+$0x40] =	vst v6;
	v6 =	vadd.s32 v7, v6  }
0x167: {  	[tilespmem:s26+$0x0] =	vst v6  }
0x168: {  	v6 =	vld [tilespmem:s28+$0x10]  }
0x169: {  	v7 =	vld [tilespmem:s24+$0x10]  }
0x16a: {  	v8 =	vld [tilespmem:s23+$0x10];
	_ =	sdelay $0x1  }
0x16b: {  	v9 =	vor.u32 s31, v0  }
0x16c: {  	vm1 =	vlt.u32 v5, $0x27100;
	vm0 =	veq.s32 v6, v9  }
0x16d: {  	vm0 =	vmand vm1, vm0  }
0x16e: {  	v6 =	vshll.u32 v7, $0xE;
	v5 =	vnsel vm0, $0x2710, v8  }
0x16f: {  	[tilespmem:s25+$0x50] =	vst v5;
	v5 =	vadd.s32 v6, v5  }
0x170: {  	[tilespmem:s26+$0x10] =	vst v5  }
0x171: {  	v5 =	vld [tilespmem:s28+$0x20]  }
0x172: {  	v6 =	vld [tilespmem:s24+$0x20]  }
0x173: {  	v7 =	vld [tilespmem:s23+$0x20];
	_ =	sdelay $0x1  }
0x174: {  	v8 =	vor.u32 s30, v0  }
0x175: {  	vm1 =	vlt.u32 v10, $0x27100;
	vm0 =	veq.s32 v5, v8  }
0x176: {  	vm0 =	vmand vm1, vm0  }
0x177: {  	v6 =	vshll.u32 v6, $0xE;
	v5 =	vnsel vm0, $0x2710, v7  }
0x178: {  	[tilespmem:s25+$0x60] =	vst v5;
	v5 =	vadd.s32 v6, v5  }
0x179: {  	[tilespmem:s26+$0x20] =	vst v5  }
0x17a: {  	v5 =	vld [tilespmem:s28+$0x30]  }
0x17b: {  	v6 =	vld [tilespmem:s24+$0x30]  }
0x17c: {  	v7 =	vld [tilespmem:s23+$0x30];
	_ =	sdelay $0x1  }
0x17d: {  	v8 =	vor.u32 s29, v0  }
.Ltmp7:
0x17e: {  	vm1 =	vlt.u32 v4, $0x27100;
	vm0 =	veq.s32 v5, v8;
	(pc) =	sbr.rel @p1 .LBB2_11-.Ltmp7, $4  }
0x17f: {  	vm0 =	vmand vm1, vm0  }
0x180: {  	v5 =	vshll.u32 v6, $0xE;
	v4 =	vnsel vm0, $0x2710, v7  }
0x181: {  	s24 =	sadd.s32 $0x80, s24;
	s23 =	sadd.s32 $0x80, s23;
	[tilespmem:s25+$0x70] =	vst v4;
	v4 =	vadd.s32 v5, v4  }
0x182: {  	s28 =	sadd.s32 $0x80, s28;
	s25 =	sadd.s32 $0x80, s25;
	[tilespmem:s26+$0x30] =	vst v4;
	s26 =	sadd.s32 $0x80, s26  }
0x183: {  	[spmem:s2] =	stream.indirect.scatter.add.f32 [tilespmem:s17], [sflag:$0x1], $0x1, s21, s15, $0xb8;
	[tilespmem:$0x11D80] =	vst v63  }
0x184: {  	_ =	swait.ge [sflag:s16], $0x80  }
0x185: {  	s0 =	simm.s32 $0x4F;
	[sflag:s16] =	ssyncset.done $0x0  }
.LBB2_13:
0x186: {  	p1 =	sne.s32 s0, $0x1;
	s0 =	sadd.s32 $0xFFFFFFFF, s0;
	[sflag:s16] =	ssyncadd.s32 $0xFFFFFF80  }
.Ltmp8:
0x187: {  	(pc) =	sbr.rel @p1 .LBB2_13-.Ltmp8, $3  }
0x188: {  	_ =	sdelay $0x1  }
0x189: {  	_ =	swait.ge [sflag:s16], $0x80  }
0x18a: {  	[sflag:s16] =	ssyncset.done $0x0  }
0x18b: {  	[sflag:s16] =	ssyncadd.s32 $0xFFFFFF80;
	s0 =	simm.s32 $0x0;
	s4 =	simm.s32 $0x7800  }
0x18c: {  	[hbm4b:s8+s0] =	stream.linear.scatter [tilespmem:s4], [sflag:$0x2], $0x2800, $0x38;
	[tilespmem:$0x11D80] =	vst v63  }
0x18d: {  	_ =	swait.ge [sflag:s13], $0x2800  }
0x18e: {  	[sflag:s13] =	ssyncset.done $0x0  }
0x18f: {  	s31 =	sshll.u32 s1, $0x6;
	[sflag:s13] =	ssyncadd.s32 $0xFFFFD800  }
.Ltmp9:
0x190: {  	s0 =	sor.u32 $0x1C02, s31;
	[bflag:$0x0] =	sbarrier.arrive $0xFFFF;
	(pc) =	sbr.rel .LBB2_15-.Ltmp9, $4  }
0x191: {  	[hbm:s9], [sflag:s0] =	dma.local [spmem:s19], $0x50  }
0x192: {  	_ =	swait.ge [sflag:s13], $0x50  }
0x193: {  	[sflag:s13] =	ssyncset.done $0x0  }
0x194: {  	[sflag:s13] =	ssyncadd.s32 $0xFFFFFFB0  }
.LBB2_16:
0x195: {  	_ =	sfence.sel $0x180000  }
0x196: {  	[bflag:$0x0] =	sbarrier.arrive $0xFFFF  }
0x197: {  	_ =	strace $0x90000047  }
0x198: {  	[bflag:$0x2] =	sbarrier.arrive $0xFFFF  }
0x199: {  	p0 =	sne.s32 s1, $0x0;
	s0 =	rddreg [dreg:$0x3]  }
0x19a: {  	s0 =	sadd.s32 @!p0 $0x100000, s0  }
0x19b: {  	[sflag:s0] =	ssyncadd.tile.s32 @!p0 $0x1;
	_ =	shalt  }
.Lfunc_end2:
_tile_overlayer_lowered:
.L_overlay_start_2:
0x19c: {  	(tag) =	ssettag $0x2  }
0x19d: {  	s0 =	rddreg [dreg:$0x0];
	s2 =	stileid.u32  }
0x19e: {  	s1 =	rddreg [dreg:$0x1];
	p0 =	sne.s32 s2, $0x0  }
0x19f: {  	s3 =	rddreg [dreg:$0x2];
	[bflag:$0x3] =	sbarrier.arrive $0xFFFF;
	s2 =	simm.s32 @!p0 $0x1C02  }
0x1a0: {  	[timem:s3], [sflag:s2] =	dma.local @!p0 [hbm:s0], s1  }
0x1a1: {  	s0 =	simm.s32 @!p0 $0x2  }
0x1a2: {  	_ =	swait.ge @!p0 [sflag:s0], s1  }
0x1a3: {  	s1 =	ssub.s32 @!p0 $0x0, s1;
	[sflag:s0] =	ssyncset.done @!p0 $0x0  }
0x1a4: {  	[sflag:s0] =	ssyncadd.s32 @!p0 s1  }
0x1a5: {  	[bflag:$0x3] =	sbarrier.arrive $0xFFFF  }
0x1a6: {  	_ =	shalt  }

</sc_bundles>
